<compile_context>
chip_gen: v7x
topology: tpu7x:2x2x1
jax: 0.10.2.dev20260603
libtpu: 0.0.44.dev20260713+nightly
codegen_flags: <defaults>
</compile_context>

<pallas_src>
import functools

import jax
import jax.numpy as jnp
from jax import lax
from jax.experimental import pallas as pl
from jax.experimental.pallas import tpu as pltpu
from jax.experimental.pallas import tpu_sc as plsc

SEQ = 200
EMB = 64
SCALE = 8.0

_info = plsc.get_sparse_core_info()
_NC, _NS, _NL = _info.num_cores, _info.num_subcores, _info.num_lanes
_NW = _NC * _NS
_ND = EMB // _NL


def _build(batch: int, cseq: int):
  spw = batch // _NW
  n_chunks = spw // cseq
  assert batch % _NW == 0 and spw % cseq == 0
  assert n_chunks >= 4 and n_chunks % 2 == 0

  mesh = plsc.VectorSubcoreMesh(core_axis_name="c", subcore_axis_name="s")

  @functools.partial(
      pl.kernel,
      mesh=mesh,
      compiler_params=pltpu.CompilerParams(use_tc_tiling_on_sc=False),
      out_type=jax.ShapeDtypeStruct((batch, SEQ, 2 * EMB), jnp.float32),
      scratch_types=[
          pltpu.VMEM((2, cseq, SEQ), jnp.int32),
          pltpu.VMEM((cseq, SEQ, EMB), jnp.float32),
          pltpu.VMEM((cseq, SEQ, EMB), jnp.float32),
          pltpu.VMEM((SEQ, EMB), jnp.float32),
          pltpu.SemaphoreType.DMA,
          pltpu.SemaphoreType.DMA,
          pltpu.SemaphoreType.DMA,
      ],
  )
  def emb(idx_hbm, table_hbm, pos_hbm, out_hbm,
          idx_v, rows0_v, rows1_v, pos_v, sg, si, so):
    wid = lax.axis_index("s") * _NC + lax.axis_index("c")
    b0 = wid * spw
    pltpu.sync_copy(pos_hbm, pos_v)
    rows = (rows0_v, rows1_v)

    def idx_copy(g, slot):
      return pltpu.make_async_copy(
          idx_hbm.at[pl.ds(b0 + g * cseq, cseq)], idx_v.at[slot], si)

    def gathers(slot):
      return [
          pltpu.make_async_copy(
              table_hbm.at[idx_v.at[slot, s]], rows[slot].at[s], sg)
          for s in range(cseq)
      ]

    def out_copy(g, slot):
      return pltpu.make_async_copy(
          rows[slot],
          out_hbm.at[pl.ds(b0 + g * cseq, cseq), :, pl.ds(0, EMB)], so)

    def start_gathers(slot):
      for c in gathers(slot):
        c.start()

    def wait_gathers(slot):
      for c in gathers(slot):
        c.wait()

    def compute(buf):
      def body(l, c):
        pv = [pos_v[l, pl.ds(d * _NL, _NL)] for d in range(_ND)]
        for s in range(cseq):
          for d in range(_ND):
            sl = pl.ds(d * _NL, _NL)
            buf[s, l, sl] = buf[s, l, sl] * SCALE + pv[d]
        return c

      lax.fori_loop(0, SEQ, body, 0, unroll=2)

    def step(g, slot):
      wait_gathers(slot)
      idx_copy(g + 1, 1 - slot).wait()
      out_copy(g - 1, 1 - slot).wait()
      start_gathers(1 - slot)

      @pl.when(g + 2 < n_chunks)
      def _():
        idx_copy(g + 2, slot).start()

      compute(rows[slot])
      out_copy(g, slot).start()

    pltpu.sync_copy(idx_hbm.at[pl.ds(b0, cseq)], idx_v.at[0])
    start_gathers(0)
    idx_copy(1, 1).start()
    wait_gathers(0)
    idx_copy(1, 1).wait()
    start_gathers(1)
    idx_copy(2, 0).start()
    compute(rows[0])
    out_copy(0, 0).start()

    def pair(p, c):
      g = 1 + 2 * p
      step(g, 1)
      step(g + 1, 0)
      return c

    lax.fori_loop(0, (n_chunks - 2) // 2, pair, 0)

    wait_gathers(1)
    out_copy(n_chunks - 2, 0).wait()
    compute(rows[1])
    out_copy(n_chunks - 1, 1).start()
    out_copy(n_chunks - 1, 1).wait()

  return emb


def kernel(inputs, token_table, position_table):
  batch = inputs.shape[0]
  emb = _build(batch, cseq=4)
  return emb(inputs, token_table, position_table)[:, :, :EMB]

# --- scband reference (transcript-rebuilt; emitter-appended) ---
"""Pipeline reference for scband-positional-embedding-48198122996009 (READ-ONLY COPY).

The authoritative reference and input builder live on the scoring server;
editing this copy changes nothing except your own understanding.
"""

import jax, jax.numpy as jnp
import numpy as np

SEQUENCE_LENGTH = 200
VOCAB_SIZE = 1000000
EMBED_DIM = 64
BATCH = 4096


def setup_inputs(seed: int = 0) -> dict:
    key = jax.random.key(seed)
    k_idx, k_tok, k_pos = jax.random.split(key, 3)
    inputs = jax.random.randint(k_idx, (BATCH, SEQUENCE_LENGTH), 0, VOCAB_SIZE, dtype=jnp.int64 if jax.config.jax_enable_x64 else jnp.int32)
    # Learned parameters (Keras Embedding default: uniform init)
    token_table = jax.random.uniform(k_tok, (VOCAB_SIZE, EMBED_DIM), dtype=jnp.float32, minval=-0.05, maxval=0.05)
    position_table = jax.random.uniform(k_pos, (SEQUENCE_LENGTH, EMBED_DIM), dtype=jnp.float32, minval=-0.05, maxval=0.05)
    return {"inputs": inputs, "token_table": token_table, "position_table": position_table}


def reference(inputs, token_table, position_table):
    length = inputs.shape[-1]
    positions = jnp.arange(0, length)
    embed_scale = jnp.sqrt(jnp.asarray(EMBED_DIM, dtype=jnp.float32))
    embedded_tokens = jnp.take(token_table, inputs, axis=0)  # [B, L, D] gather
    embedded_tokens = embedded_tokens * embed_scale
    embedded_positions = jnp.take(position_table, positions, axis=0)  # [L, D]
    return embedded_tokens + embedded_positions[None, :, :]

if __name__ == "__main__":
    import jax
    _d = setup_inputs()
    print(jax.jit(kernel)(*tuple(_d.values())))

</pallas_src>

<mosaic_0001>
#map = affine_map<(d0, d1) -> (0, 0)>
#map1 = affine_map<(d0, d1) -> (0, 0, 0)>
module attributes {stable_mosaic.version = 14 : i64} {
  func.func @emb(%arg0: i32, %arg1: i32, %arg2: memref<4096x200xi32, #tpu.memory_space<hbm>>, %arg3: memref<1000000x64xf32, #tpu.memory_space<hbm>>, %arg4: memref<200x64xf32, #tpu.memory_space<hbm>>, %arg5: memref<4096x200x128xf32, #tpu.memory_space<hbm>>, %arg6: memref<2x4x200xi32, #tpu.memory_space<vmem>>, %arg7: memref<4x200x64xf32, #tpu.memory_space<vmem>>, %arg8: memref<4x200x64xf32, #tpu.memory_space<vmem>>, %arg9: memref<200x64xf32, #tpu.memory_space<vmem>>, %arg10: memref<!tpu.dma_semaphore, #tpu.memory_space<semaphore_mem>>, %arg11: memref<!tpu.dma_semaphore, #tpu.memory_space<semaphore_mem>>, %arg12: memref<!tpu.dma_semaphore, #tpu.memory_space<semaphore_mem>>) attributes {dimension_semantics = [#tpu.dimension_semantics<core_parallel>, #tpu.dimension_semantics<subcore_parallel>], iteration_bounds = array<i64: 2, 16>, scalar_prefetch = 0 : i64, scratch_operands = 7 : i64, tpu.core_type = #tpu.core_type<sc_vector_subcore>, window_params = [{transform_indices = #map}, {transform_indices = #map}, {transform_indices = #map}, {transform_indices = #map1}]} {
    %mul3A = arith.constant 2 : i32
    %mul3A_0 = arith.muli %arg1, %mul3A : i32
    %add3A = arith.addi %mul3A_0, %arg0 : i32
    %mul3A_1 = arith.constant 128 : i32
    %mul3A_2 = arith.muli %add3A, %mul3A_1 : i32
    "tpu.region"() ({
      %run_scoped3A_303 = tpu.sem_alloc : memref<!tpu.dma_semaphore, #tpu.memory_space<semaphore_mem>>
      tpu.enqueue_dma source(%arg4 : memref<200x64xf32, #tpu.memory_space<hbm>>) target(%arg9 : memref<200x64xf32, #tpu.memory_space<vmem>>) target_semaphore(%run_scoped3A_303 : memref<!tpu.dma_semaphore, #tpu.memory_space<semaphore_mem>>)
      tpu.wait_dma2 semaphore(%run_scoped3A_303 : memref<!tpu.dma_semaphore, #tpu.memory_space<semaphore_mem>>) src(%arg4 : memref<200x64xf32, #tpu.memory_space<hbm>>) dst(%arg9 : memref<200x64xf32, #tpu.memory_space<vmem>>)
      tpu.yield
    }) : () -> ()
    %run_scoped3A = arith.constant 0 : i32
    "tpu.region"() ({
      %run_scoped3A_303 = tpu.sem_alloc : memref<!tpu.dma_semaphore, #tpu.memory_space<semaphore_mem>>
      %dma_start3A_304 = arith.constant 0 : i32
      %dma_start3A_305 = arith.constant 0 : i32
      %dma_start3A_306 = tpu.memref_slice %arg6[%run_scoped3A, %dma_start3A_304, %dma_start3A_305] : memref<2x4x200xi32, #tpu.memory_space<vmem>> -> memref<1x4x200xi32, #tpu.memory_space<vmem>>
      %dma_start3A_307 = tpu.memref_squeeze %dma_start3A_306 : memref<1x4x200xi32, #tpu.memory_space<vmem>> -> memref<4x200xi32, #tpu.memory_space<vmem>>
      %dma_start3A_308 = arith.constant 0 : i32
      %dma_start3A_309 = tpu.memref_slice %arg2[%mul3A_2, %dma_start3A_308] : memref<4096x200xi32, #tpu.memory_space<hbm>> -> memref<4x200xi32, #tpu.memory_space<hbm>>
      %dma_start3A_310 = arith.constant 0 : i32
      %dma_start3A_311 = arith.constant 0 : i32
      %dma_start3A_312 = tpu.memref_slice %arg6[%run_scoped3A, %dma_start3A_310, %dma_start3A_311] : memref<2x4x200xi32, #tpu.memory_space<vmem>> -> memref<1x4x200xi32, #tpu.memory_space<vmem>>
      %dma_start3A_313 = tpu.memref_squeeze %dma_start3A_312 : memref<1x4x200xi32, #tpu.memory_space<vmem>> -> memref<4x200xi32, #tpu.memory_space<vmem>>
      %dma_start3A_314 = arith.constant 0 : i32
      %dma_start3A_315 = tpu.memref_slice %arg2[%mul3A_2, %dma_start3A_314] : memref<4096x200xi32, #tpu.memory_space<hbm>> -> memref<4x200xi32, #tpu.memory_space<hbm>>
      tpu.enqueue_dma source(%dma_start3A_315 : memref<4x200xi32, #tpu.memory_space<hbm>>) target(%dma_start3A_313 : memref<4x200xi32, #tpu.memory_space<vmem>>) target_semaphore(%run_scoped3A_303 : memref<!tpu.dma_semaphore, #tpu.memory_space<semaphore_mem>>)
      %dma_wait3A_316 = arith.constant 0 : i32
      %dma_wait3A_317 = arith.constant 0 : i32
      %dma_wait3A_318 = tpu.memref_slice %arg6[%run_scoped3A, %dma_wait3A_316, %dma_wait3A_317] : memref<2x4x200xi32, #tpu.memory_space<vmem>> -> memref<1x4x200xi32, #tpu.memory_space<vmem>>
      %dma_wait3A_319 = tpu.memref_squeeze %dma_wait3A_318 : memref<1x4x200xi32, #tpu.memory_space<vmem>> -> memref<4x200xi32, #tpu.memory_space<vmem>>
      %dma_wait3A_320 = arith.constant 0 : i32
      %dma_wait3A_321 = tpu.memref_slice %arg2[%mul3A_2, %dma_wait3A_320] : memref<4096x200xi32, #tpu.memory_space<hbm>> -> memref<4x200xi32, #tpu.memory_space<hbm>>
      %dma_wait3A_322 = arith.constant 0 : i32
      %dma_wait3A_323 = arith.constant 0 : i32
      %dma_wait3A_324 = tpu.memref_slice %arg6[%run_scoped3A, %dma_wait3A_322, %dma_wait3A_323] : memref<2x4x200xi32, #tpu.memory_space<vmem>> -> memref<1x4x200xi32, #tpu.memory_space<vmem>>
      %dma_wait3A_325 = tpu.memref_squeeze %dma_wait3A_324 : memref<1x4x200xi32, #tpu.memory_space<vmem>> -> memref<4x200xi32, #tpu.memory_space<vmem>>
      %dma_wait3A_326 = arith.constant 0 : i32
      %dma_wait3A_327 = tpu.memref_slice %arg2[%mul3A_2, %dma_wait3A_326] : memref<4096x200xi32, #tpu.memory_space<hbm>> -> memref<4x200xi32, #tpu.memory_space<hbm>>
      tpu.wait_dma2 semaphore(%run_scoped3A_303 : memref<!tpu.dma_semaphore, #tpu.memory_space<semaphore_mem>>) src(%dma_wait3A_327 : memref<4x200xi32, #tpu.memory_space<hbm>>) dst(%dma_wait3A_325 : memref<4x200xi32, #tpu.memory_space<vmem>>)
      tpu.yield
    }) : () -> ()
    %dma_start3A = arith.constant 0 : i32
    %dma_start3A_3 = arith.constant 0 : i32
    %dma_start3A_4 = arith.constant 0 : i32
    %dma_start3A_5 = arith.constant 0 : i32
    %dma_start3A_6 = arith.constant 0 : i32
    %dma_start3A_7 = tpu.memref_slice %arg7[%dma_start3A_4, %dma_start3A_5, %dma_start3A_6] : memref<4x200x64xf32, #tpu.memory_space<vmem>> -> memref<1x200x64xf32, #tpu.memory_space<vmem>>
    %dma_start3A_8 = tpu.memref_squeeze %dma_start3A_7 : memref<1x200x64xf32, #tpu.memory_space<vmem>> -> memref<200x64xf32, #tpu.memory_space<vmem>>
    %dma_start3A_9 = arith.constant 0 : i32
    %dma_start3A_10 = tpu.memref_slice %arg6[%dma_start3A, %dma_start3A_3, %dma_start3A_9] : memref<2x4x200xi32, #tpu.memory_space<vmem>> -> memref<1x1x200xi32, #tpu.memory_space<vmem>>
    %dma_start3A_11 = tpu.memref_squeeze %dma_start3A_10 : memref<1x1x200xi32, #tpu.memory_space<vmem>> -> memref<200xi32, #tpu.memory_space<vmem>>
    %dma_start3A_12 = arith.constant 0 : i32
    %dma_start3A_13 = arith.constant 0 : i32
    %dma_start3A_14 = tpu.memref_slice %arg3[%dma_start3A_12, %dma_start3A_13] : memref<1000000x64xf32, #tpu.memory_space<hbm>> -> memref<1000000x64xf32, #tpu.memory_space<hbm>>
    tpu.enqueue_indirect_dma source(%dma_start3A_14 : memref<1000000x64xf32, #tpu.memory_space<hbm>>) target(%dma_start3A_8 : memref<200x64xf32, #tpu.memory_space<vmem>>) offsets(%dma_start3A_11 : memref<200xi32, #tpu.memory_space<vmem>>) semaphore(%arg10 : memref<!tpu.dma_semaphore, #tpu.memory_space<semaphore_mem>>)
    %dma_start3A_15 = arith.constant 0 : i32
    %dma_start3A_16 = arith.constant 1 : i32
    %dma_start3A_17 = arith.constant 1 : i32
    %dma_start3A_18 = arith.constant 0 : i32
    %dma_start3A_19 = arith.constant 0 : i32
    %dma_start3A_20 = tpu.memref_slice %arg7[%dma_start3A_17, %dma_start3A_18, %dma_start3A_19] : memref<4x200x64xf32, #tpu.memory_space<vmem>> -> memref<1x200x64xf32, #tpu.memory_space<vmem>>
    %dma_start3A_21 = tpu.memref_squeeze %dma_start3A_20 : memref<1x200x64xf32, #tpu.memory_space<vmem>> -> memref<200x64xf32, #tpu.memory_space<vmem>>
    %dma_start3A_22 = arith.constant 0 : i32
    %dma_start3A_23 = tpu.memref_slice %arg6[%dma_start3A_15, %dma_start3A_16, %dma_start3A_22] : memref<2x4x200xi32, #tpu.memory_space<vmem>> -> memref<1x1x200xi32, #tpu.memory_space<vmem>>
    %dma_start3A_24 = tpu.memref_squeeze %dma_start3A_23 : memref<1x1x200xi32, #tpu.memory_space<vmem>> -> memref<200xi32, #tpu.memory_space<vmem>>
    %dma_start3A_25 = arith.constant 0 : i32
    %dma_start3A_26 = arith.constant 0 : i32
    %dma_start3A_27 = tpu.memref_slice %arg3[%dma_start3A_25, %dma_start3A_26] : memref<1000000x64xf32, #tpu.memory_space<hbm>> -> memref<1000000x64xf32, #tpu.memory_space<hbm>>
    tpu.enqueue_indirect_dma source(%dma_start3A_27 : memref<1000000x64xf32, #tpu.memory_space<hbm>>) target(%dma_start3A_21 : memref<200x64xf32, #tpu.memory_space<vmem>>) offsets(%dma_start3A_24 : memref<200xi32, #tpu.memory_space<vmem>>) semaphore(%arg10 : memref<!tpu.dma_semaphore, #tpu.memory_space<semaphore_mem>>)
    %dma_start3A_28 = arith.constant 0 : i32
    %dma_start3A_29 = arith.constant 2 : i32
    %dma_start3A_30 = arith.constant 2 : i32
    %dma_start3A_31 = arith.constant 0 : i32
    %dma_start3A_32 = arith.constant 0 : i32
    %dma_start3A_33 = tpu.memref_slice %arg7[%dma_start3A_30, %dma_start3A_31, %dma_start3A_32] : memref<4x200x64xf32, #tpu.memory_space<vmem>> -> memref<1x200x64xf32, #tpu.memory_space<vmem>>
    %dma_start3A_34 = tpu.memref_squeeze %dma_start3A_33 : memref<1x200x64xf32, #tpu.memory_space<vmem>> -> memref<200x64xf32, #tpu.memory_space<vmem>>
    %dma_start3A_35 = arith.constant 0 : i32
    %dma_start3A_36 = tpu.memref_slice %arg6[%dma_start3A_28, %dma_start3A_29, %dma_start3A_35] : memref<2x4x200xi32, #tpu.memory_space<vmem>> -> memref<1x1x200xi32, #tpu.memory_space<vmem>>
    %dma_start3A_37 = tpu.memref_squeeze %dma_start3A_36 : memref<1x1x200xi32, #tpu.memory_space<vmem>> -> memref<200xi32, #tpu.memory_space<vmem>>
    %dma_start3A_38 = arith.constant 0 : i32
    %dma_start3A_39 = arith.constant 0 : i32
    %dma_start3A_40 = tpu.memref_slice %arg3[%dma_start3A_38, %dma_start3A_39] : memref<1000000x64xf32, #tpu.memory_space<hbm>> -> memref<1000000x64xf32, #tpu.memory_space<hbm>>
    tpu.enqueue_indirect_dma source(%dma_start3A_40 : memref<1000000x64xf32, #tpu.memory_space<hbm>>) target(%dma_start3A_34 : memref<200x64xf32, #tpu.memory_space<vmem>>) offsets(%dma_start3A_37 : memref<200xi32, #tpu.memory_space<vmem>>) semaphore(%arg10 : memref<!tpu.dma_semaphore, #tpu.memory_space<semaphore_mem>>)
    %dma_start3A_41 = arith.constant 0 : i32
    %dma_start3A_42 = arith.constant 3 : i32
    %dma_start3A_43 = arith.constant 3 : i32
    %dma_start3A_44 = arith.constant 0 : i32
    %dma_start3A_45 = arith.constant 0 : i32
    %dma_start3A_46 = tpu.memref_slice %arg7[%dma_start3A_43, %dma_start3A_44, %dma_start3A_45] : memref<4x200x64xf32, #tpu.memory_space<vmem>> -> memref<1x200x64xf32, #tpu.memory_space<vmem>>
    %dma_start3A_47 = tpu.memref_squeeze %dma_start3A_46 : memref<1x200x64xf32, #tpu.memory_space<vmem>> -> memref<200x64xf32, #tpu.memory_space<vmem>>
    %dma_start3A_48 = arith.constant 0 : i32
    %dma_start3A_49 = tpu.memref_slice %arg6[%dma_start3A_41, %dma_start3A_42, %dma_start3A_48] : memref<2x4x200xi32, #tpu.memory_space<vmem>> -> memref<1x1x200xi32, #tpu.memory_space<vmem>>
    %dma_start3A_50 = tpu.memref_squeeze %dma_start3A_49 : memref<1x1x200xi32, #tpu.memory_space<vmem>> -> memref<200xi32, #tpu.memory_space<vmem>>
    %dma_start3A_51 = arith.constant 0 : i32
    %dma_start3A_52 = arith.constant 0 : i32
    %dma_start3A_53 = tpu.memref_slice %arg3[%dma_start3A_51, %dma_start3A_52] : memref<1000000x64xf32, #tpu.memory_space<hbm>> -> memref<1000000x64xf32, #tpu.memory_space<hbm>>
    tpu.enqueue_indirect_dma source(%dma_start3A_53 : memref<1000000x64xf32, #tpu.memory_space<hbm>>) target(%dma_start3A_47 : memref<200x64xf32, #tpu.memory_space<vmem>>) offsets(%dma_start3A_50 : memref<200xi32, #tpu.memory_space<vmem>>) semaphore(%arg10 : memref<!tpu.dma_semaphore, #tpu.memory_space<semaphore_mem>>)
    %add3A_54 = arith.constant 4 : i32
    %add3A_55 = arith.addi %mul3A_2, %add3A_54 : i32
    %dma_start3A_56 = arith.constant 1 : i32
    %dma_start3A_57 = arith.constant 0 : i32
    %dma_start3A_58 = arith.constant 0 : i32
    %dma_start3A_59 = tpu.memref_slice %arg6[%dma_start3A_56, %dma_start3A_57, %dma_start3A_58] : memref<2x4x200xi32, #tpu.memory_space<vmem>> -> memref<1x4x200xi32, #tpu.memory_space<vmem>>
    %dma_start3A_60 = tpu.memref_squeeze %dma_start3A_59 : memref<1x4x200xi32, #tpu.memory_space<vmem>> -> memref<4x200xi32, #tpu.memory_space<vmem>>
    %dma_start3A_61 = arith.constant 0 : i32
    %dma_start3A_62 = tpu.memref_slice %arg2[%add3A_55, %dma_start3A_61] : memref<4096x200xi32, #tpu.memory_space<hbm>> -> memref<4x200xi32, #tpu.memory_space<hbm>>
    %dma_start3A_63 = arith.constant 0 : i32
    %dma_start3A_64 = arith.constant 0 : i32
    %dma_start3A_65 = tpu.memref_slice %arg6[%dma_start3A_56, %dma_start3A_63, %dma_start3A_64] : memref<2x4x200xi32, #tpu.memory_space<vmem>> -> memref<1x4x200xi32, #tpu.memory_space<vmem>>
    %dma_start3A_66 = tpu.memref_squeeze %dma_start3A_65 : memref<1x4x200xi32, #tpu.memory_space<vmem>> -> memref<4x200xi32, #tpu.memory_space<vmem>>
    %dma_start3A_67 = arith.constant 0 : i32
    %dma_start3A_68 = tpu.memref_slice %arg2[%add3A_55, %dma_start3A_67] : memref<4096x200xi32, #tpu.memory_space<hbm>> -> memref<4x200xi32, #tpu.memory_space<hbm>>
    tpu.enqueue_dma source(%dma_start3A_68 : memref<4x200xi32, #tpu.memory_space<hbm>>) target(%dma_start3A_66 : memref<4x200xi32, #tpu.memory_space<vmem>>) target_semaphore(%arg11 : memref<!tpu.dma_semaphore, #tpu.memory_space<semaphore_mem>>)
    %dma_wait3A = arith.constant 0 : i32
    %dma_wait3A_69 = arith.constant 0 : i32
    %dma_wait3A_70 = arith.constant 0 : i32
    %dma_wait3A_71 = arith.constant 0 : i32
    %dma_wait3A_72 = arith.constant 0 : i32
    %dma_wait3A_73 = tpu.memref_slice %arg7[%dma_wait3A_70, %dma_wait3A_71, %dma_wait3A_72] : memref<4x200x64xf32, #tpu.memory_space<vmem>> -> memref<1x200x64xf32, #tpu.memory_space<vmem>>
    %dma_wait3A_74 = tpu.memref_squeeze %dma_wait3A_73 : memref<1x200x64xf32, #tpu.memory_space<vmem>> -> memref<200x64xf32, #tpu.memory_space<vmem>>
    %dma_wait3A_75 = arith.constant 0 : i32
    %dma_wait3A_76 = tpu.memref_slice %arg6[%dma_wait3A, %dma_wait3A_69, %dma_wait3A_75] : memref<2x4x200xi32, #tpu.memory_space<vmem>> -> memref<1x1x200xi32, #tpu.memory_space<vmem>>
    %dma_wait3A_77 = tpu.memref_squeeze %dma_wait3A_76 : memref<1x1x200xi32, #tpu.memory_space<vmem>> -> memref<200xi32, #tpu.memory_space<vmem>>
    %dma_wait3A_78 = arith.constant 0 : i32
    %dma_wait3A_79 = arith.constant 0 : i32
    %dma_wait3A_80 = tpu.memref_slice %arg3[%dma_wait3A_78, %dma_wait3A_79] : memref<1000000x64xf32, #tpu.memory_space<hbm>> -> memref<1000000x64xf32, #tpu.memory_space<hbm>>
    tpu.wait_indirect_dma semaphore(%arg10 : memref<!tpu.dma_semaphore, #tpu.memory_space<semaphore_mem>>) src(%dma_wait3A_80 : memref<1000000x64xf32, #tpu.memory_space<hbm>>) dst(%dma_wait3A_74 : memref<200x64xf32, #tpu.memory_space<vmem>>)
    %dma_wait3A_81 = arith.constant 0 : i32
    %dma_wait3A_82 = arith.constant 1 : i32
    %dma_wait3A_83 = arith.constant 1 : i32
    %dma_wait3A_84 = arith.constant 0 : i32
    %dma_wait3A_85 = arith.constant 0 : i32
    %dma_wait3A_86 = tpu.memref_slice %arg7[%dma_wait3A_83, %dma_wait3A_84, %dma_wait3A_85] : memref<4x200x64xf32, #tpu.memory_space<vmem>> -> memref<1x200x64xf32, #tpu.memory_space<vmem>>
    %dma_wait3A_87 = tpu.memref_squeeze %dma_wait3A_86 : memref<1x200x64xf32, #tpu.memory_space<vmem>> -> memref<200x64xf32, #tpu.memory_space<vmem>>
    %dma_wait3A_88 = arith.constant 0 : i32
    %dma_wait3A_89 = tpu.memref_slice %arg6[%dma_wait3A_81, %dma_wait3A_82, %dma_wait3A_88] : memref<2x4x200xi32, #tpu.memory_space<vmem>> -> memref<1x1x200xi32, #tpu.memory_space<vmem>>
    %dma_wait3A_90 = tpu.memref_squeeze %dma_wait3A_89 : memref<1x1x200xi32, #tpu.memory_space<vmem>> -> memref<200xi32, #tpu.memory_space<vmem>>
    %dma_wait3A_91 = arith.constant 0 : i32
    %dma_wait3A_92 = arith.constant 0 : i32
    %dma_wait3A_93 = tpu.memref_slice %arg3[%dma_wait3A_91, %dma_wait3A_92] : memref<1000000x64xf32, #tpu.memory_space<hbm>> -> memref<1000000x64xf32, #tpu.memory_space<hbm>>
    tpu.wait_indirect_dma semaphore(%arg10 : memref<!tpu.dma_semaphore, #tpu.memory_space<semaphore_mem>>) src(%dma_wait3A_93 : memref<1000000x64xf32, #tpu.memory_space<hbm>>) dst(%dma_wait3A_87 : memref<200x64xf32, #tpu.memory_space<vmem>>)
    %dma_wait3A_94 = arith.constant 0 : i32
    %dma_wait3A_95 = arith.constant 2 : i32
    %dma_wait3A_96 = arith.constant 2 : i32
    %dma_wait3A_97 = arith.constant 0 : i32
    %dma_wait3A_98 = arith.constant 0 : i32
    %dma_wait3A_99 = tpu.memref_slice %arg7[%dma_wait3A_96, %dma_wait3A_97, %dma_wait3A_98] : memref<4x200x64xf32, #tpu.memory_space<vmem>> -> memref<1x200x64xf32, #tpu.memory_space<vmem>>
    %dma_wait3A_100 = tpu.memref_squeeze %dma_wait3A_99 : memref<1x200x64xf32, #tpu.memory_space<vmem>> -> memref<200x64xf32, #tpu.memory_space<vmem>>
    %dma_wait3A_101 = arith.constant 0 : i32
    %dma_wait3A_102 = tpu.memref_slice %arg6[%dma_wait3A_94, %dma_wait3A_95, %dma_wait3A_101] : memref<2x4x200xi32, #tpu.memory_space<vmem>> -> memref<1x1x200xi32, #tpu.memory_space<vmem>>
    %dma_wait3A_103 = tpu.memref_squeeze %dma_wait3A_102 : memref<1x1x200xi32, #tpu.memory_space<vmem>> -> memref<200xi32, #tpu.memory_space<vmem>>
    %dma_wait3A_104 = arith.constant 0 : i32
    %dma_wait3A_105 = arith.constant 0 : i32
    %dma_wait3A_106 = tpu.memref_slice %arg3[%dma_wait3A_104, %dma_wait3A_105] : memref<1000000x64xf32, #tpu.memory_space<hbm>> -> memref<1000000x64xf32, #tpu.memory_space<hbm>>
    tpu.wait_indirect_dma semaphore(%arg10 : memref<!tpu.dma_semaphore, #tpu.memory_space<semaphore_mem>>) src(%dma_wait3A_106 : memref<1000000x64xf32, #tpu.memory_space<hbm>>) dst(%dma_wait3A_100 : memref<200x64xf32, #tpu.memory_space<vmem>>)
    %dma_wait3A_107 = arith.constant 0 : i32
    %dma_wait3A_108 = arith.constant 3 : i32
    %dma_wait3A_109 = arith.constant 3 : i32
    %dma_wait3A_110 = arith.constant 0 : i32
    %dma_wait3A_111 = arith.constant 0 : i32
    %dma_wait3A_112 = tpu.memref_slice %arg7[%dma_wait3A_109, %dma_wait3A_110, %dma_wait3A_111] : memref<4x200x64xf32, #tpu.memory_space<vmem>> -> memref<1x200x64xf32, #tpu.memory_space<vmem>>
    %dma_wait3A_113 = tpu.memref_squeeze %dma_wait3A_112 : memref<1x200x64xf32, #tpu.memory_space<vmem>> -> memref<200x64xf32, #tpu.memory_space<vmem>>
    %dma_wait3A_114 = arith.constant 0 : i32
    %dma_wait3A_115 = tpu.memref_slice %arg6[%dma_wait3A_107, %dma_wait3A_108, %dma_wait3A_114] : memref<2x4x200xi32, #tpu.memory_space<vmem>> -> memref<1x1x200xi32, #tpu.memory_space<vmem>>
    %dma_wait3A_116 = tpu.memref_squeeze %dma_wait3A_115 : memref<1x1x200xi32, #tpu.memory_space<vmem>> -> memref<200xi32, #tpu.memory_space<vmem>>
    %dma_wait3A_117 = arith.constant 0 : i32
    %dma_wait3A_118 = arith.constant 0 : i32
    %dma_wait3A_119 = tpu.memref_slice %arg3[%dma_wait3A_117, %dma_wait3A_118] : memref<1000000x64xf32, #tpu.memory_space<hbm>> -> memref<1000000x64xf32, #tpu.memory_space<hbm>>
    tpu.wait_indirect_dma semaphore(%arg10 : memref<!tpu.dma_semaphore, #tpu.memory_space<semaphore_mem>>) src(%dma_wait3A_119 : memref<1000000x64xf32, #tpu.memory_space<hbm>>) dst(%dma_wait3A_113 : memref<200x64xf32, #tpu.memory_space<vmem>>)
    %add3A_120 = arith.constant 4 : i32
    %add3A_121 = arith.addi %mul3A_2, %add3A_120 : i32
    %dma_wait3A_122 = arith.constant 1 : i32
    %dma_wait3A_123 = arith.constant 0 : i32
    %dma_wait3A_124 = arith.constant 0 : i32
    %dma_wait3A_125 = tpu.memref_slice %arg6[%dma_wait3A_122, %dma_wait3A_123, %dma_wait3A_124] : memref<2x4x200xi32, #tpu.memory_space<vmem>> -> memref<1x4x200xi32, #tpu.memory_space<vmem>>
    %dma_wait3A_126 = tpu.memref_squeeze %dma_wait3A_125 : memref<1x4x200xi32, #tpu.memory_space<vmem>> -> memref<4x200xi32, #tpu.memory_space<vmem>>
    %dma_wait3A_127 = arith.constant 0 : i32
    %dma_wait3A_128 = tpu.memref_slice %arg2[%add3A_121, %dma_wait3A_127] : memref<4096x200xi32, #tpu.memory_space<hbm>> -> memref<4x200xi32, #tpu.memory_space<hbm>>
    %dma_wait3A_129 = arith.constant 0 : i32
    %dma_wait3A_130 = arith.constant 0 : i32
    %dma_wait3A_131 = tpu.memref_slice %arg6[%dma_wait3A_122, %dma_wait3A_129, %dma_wait3A_130] : memref<2x4x200xi32, #tpu.memory_space<vmem>> -> memref<1x4x200xi32, #tpu.memory_space<vmem>>
    %dma_wait3A_132 = tpu.memref_squeeze %dma_wait3A_131 : memref<1x4x200xi32, #tpu.memory_space<vmem>> -> memref<4x200xi32, #tpu.memory_space<vmem>>
    %dma_wait3A_133 = arith.constant 0 : i32
    %dma_wait3A_134 = tpu.memref_slice %arg2[%add3A_121, %dma_wait3A_133] : memref<4096x200xi32, #tpu.memory_space<hbm>> -> memref<4x200xi32, #tpu.memory_space<hbm>>
    tpu.wait_dma2 semaphore(%arg11 : memref<!tpu.dma_semaphore, #tpu.memory_space<semaphore_mem>>) src(%dma_wait3A_134 : memref<4x200xi32, #tpu.memory_space<hbm>>) dst(%dma_wait3A_132 : memref<4x200xi32, #tpu.memory_space<vmem>>)
    %dma_start3A_135 = arith.constant 1 : i32
    %dma_start3A_136 = arith.constant 0 : i32
    %dma_start3A_137 = arith.constant 0 : i32
    %dma_start3A_138 = arith.constant 0 : i32
    %dma_start3A_139 = arith.constant 0 : i32
    %dma_start3A_140 = tpu.memref_slice %arg8[%dma_start3A_137, %dma_start3A_138, %dma_start3A_139] : memref<4x200x64xf32, #tpu.memory_space<vmem>> -> memref<1x200x64xf32, #tpu.memory_space<vmem>>
    %dma_start3A_141 = tpu.memref_squeeze %dma_start3A_140 : memref<1x200x64xf32, #tpu.memory_space<vmem>> -> memref<200x64xf32, #tpu.memory_space<vmem>>
    %dma_start3A_142 = arith.constant 0 : i32
    %dma_start3A_143 = tpu.memref_slice %arg6[%dma_start3A_135, %dma_start3A_136, %dma_start3A_142] : memref<2x4x200xi32, #tpu.memory_space<vmem>> -> memref<1x1x200xi32, #tpu.memory_space<vmem>>
    %dma_start3A_144 = tpu.memref_squeeze %dma_start3A_143 : memref<1x1x200xi32, #tpu.memory_space<vmem>> -> memref<200xi32, #tpu.memory_space<vmem>>
    %dma_start3A_145 = arith.constant 0 : i32
    %dma_start3A_146 = arith.constant 0 : i32
    %dma_start3A_147 = tpu.memref_slice %arg3[%dma_start3A_145, %dma_start3A_146] : memref<1000000x64xf32, #tpu.memory_space<hbm>> -> memref<1000000x64xf32, #tpu.memory_space<hbm>>
    tpu.enqueue_indirect_dma source(%dma_start3A_147 : memref<1000000x64xf32, #tpu.memory_space<hbm>>) target(%dma_start3A_141 : memref<200x64xf32, #tpu.memory_space<vmem>>) offsets(%dma_start3A_144 : memref<200xi32, #tpu.memory_space<vmem>>) semaphore(%arg10 : memref<!tpu.dma_semaphore, #tpu.memory_space<semaphore_mem>>)
    %dma_start3A_148 = arith.constant 1 : i32
    %dma_start3A_149 = arith.constant 1 : i32
    %dma_start3A_150 = arith.constant 1 : i32
    %dma_start3A_151 = arith.constant 0 : i32
    %dma_start3A_152 = arith.constant 0 : i32
    %dma_start3A_153 = tpu.memref_slice %arg8[%dma_start3A_150, %dma_start3A_151, %dma_start3A_152] : memref<4x200x64xf32, #tpu.memory_space<vmem>> -> memref<1x200x64xf32, #tpu.memory_space<vmem>>
    %dma_start3A_154 = tpu.memref_squeeze %dma_start3A_153 : memref<1x200x64xf32, #tpu.memory_space<vmem>> -> memref<200x64xf32, #tpu.memory_space<vmem>>
    %dma_start3A_155 = arith.constant 0 : i32
    %dma_start3A_156 = tpu.memref_slice %arg6[%dma_start3A_148, %dma_start3A_149, %dma_start3A_155] : memref<2x4x200xi32, #tpu.memory_space<vmem>> -> memref<1x1x200xi32, #tpu.memory_space<vmem>>
    %dma_start3A_157 = tpu.memref_squeeze %dma_start3A_156 : memref<1x1x200xi32, #tpu.memory_space<vmem>> -> memref<200xi32, #tpu.memory_space<vmem>>
    %dma_start3A_158 = arith.constant 0 : i32
    %dma_start3A_159 = arith.constant 0 : i32
    %dma_start3A_160 = tpu.memref_slice %arg3[%dma_start3A_158, %dma_start3A_159] : memref<1000000x64xf32, #tpu.memory_space<hbm>> -> memref<1000000x64xf32, #tpu.memory_space<hbm>>
    tpu.enqueue_indirect_dma source(%dma_start3A_160 : memref<1000000x64xf32, #tpu.memory_space<hbm>>) target(%dma_start3A_154 : memref<200x64xf32, #tpu.memory_space<vmem>>) offsets(%dma_start3A_157 : memref<200xi32, #tpu.memory_space<vmem>>) semaphore(%arg10 : memref<!tpu.dma_semaphore, #tpu.memory_space<semaphore_mem>>)
    %dma_start3A_161 = arith.constant 1 : i32
    %dma_start3A_162 = arith.constant 2 : i32
    %dma_start3A_163 = arith.constant 2 : i32
    %dma_start3A_164 = arith.constant 0 : i32
    %dma_start3A_165 = arith.constant 0 : i32
    %dma_start3A_166 = tpu.memref_slice %arg8[%dma_start3A_163, %dma_start3A_164, %dma_start3A_165] : memref<4x200x64xf32, #tpu.memory_space<vmem>> -> memref<1x200x64xf32, #tpu.memory_space<vmem>>
    %dma_start3A_167 = tpu.memref_squeeze %dma_start3A_166 : memref<1x200x64xf32, #tpu.memory_space<vmem>> -> memref<200x64xf32, #tpu.memory_space<vmem>>
    %dma_start3A_168 = arith.constant 0 : i32
    %dma_start3A_169 = tpu.memref_slice %arg6[%dma_start3A_161, %dma_start3A_162, %dma_start3A_168] : memref<2x4x200xi32, #tpu.memory_space<vmem>> -> memref<1x1x200xi32, #tpu.memory_space<vmem>>
    %dma_start3A_170 = tpu.memref_squeeze %dma_start3A_169 : memref<1x1x200xi32, #tpu.memory_space<vmem>> -> memref<200xi32, #tpu.memory_space<vmem>>
    %dma_start3A_171 = arith.constant 0 : i32
    %dma_start3A_172 = arith.constant 0 : i32
    %dma_start3A_173 = tpu.memref_slice %arg3[%dma_start3A_171, %dma_start3A_172] : memref<1000000x64xf32, #tpu.memory_space<hbm>> -> memref<1000000x64xf32, #tpu.memory_space<hbm>>
    tpu.enqueue_indirect_dma source(%dma_start3A_173 : memref<1000000x64xf32, #tpu.memory_space<hbm>>) target(%dma_start3A_167 : memref<200x64xf32, #tpu.memory_space<vmem>>) offsets(%dma_start3A_170 : memref<200xi32, #tpu.memory_space<vmem>>) semaphore(%arg10 : memref<!tpu.dma_semaphore, #tpu.memory_space<semaphore_mem>>)
    %dma_start3A_174 = arith.constant 1 : i32
    %dma_start3A_175 = arith.constant 3 : i32
    %dma_start3A_176 = arith.constant 3 : i32
    %dma_start3A_177 = arith.constant 0 : i32
    %dma_start3A_178 = arith.constant 0 : i32
    %dma_start3A_179 = tpu.memref_slice %arg8[%dma_start3A_176, %dma_start3A_177, %dma_start3A_178] : memref<4x200x64xf32, #tpu.memory_space<vmem>> -> memref<1x200x64xf32, #tpu.memory_space<vmem>>
    %dma_start3A_180 = tpu.memref_squeeze %dma_start3A_179 : memref<1x200x64xf32, #tpu.memory_space<vmem>> -> memref<200x64xf32, #tpu.memory_space<vmem>>
    %dma_start3A_181 = arith.constant 0 : i32
    %dma_start3A_182 = tpu.memref_slice %arg6[%dma_start3A_174, %dma_start3A_175, %dma_start3A_181] : memref<2x4x200xi32, #tpu.memory_space<vmem>> -> memref<1x1x200xi32, #tpu.memory_space<vmem>>
    %dma_start3A_183 = tpu.memref_squeeze %dma_start3A_182 : memref<1x1x200xi32, #tpu.memory_space<vmem>> -> memref<200xi32, #tpu.memory_space<vmem>>
    %dma_start3A_184 = arith.constant 0 : i32
    %dma_start3A_185 = arith.constant 0 : i32
    %dma_start3A_186 = tpu.memref_slice %arg3[%dma_start3A_184, %dma_start3A_185] : memref<1000000x64xf32, #tpu.memory_space<hbm>> -> memref<1000000x64xf32, #tpu.memory_space<hbm>>
    tpu.enqueue_indirect_dma source(%dma_start3A_186 : memref<1000000x64xf32, #tpu.memory_space<hbm>>) target(%dma_start3A_180 : memref<200x64xf32, #tpu.memory_space<vmem>>) offsets(%dma_start3A_183 : memref<200xi32, #tpu.memory_space<vmem>>) semaphore(%arg10 : memref<!tpu.dma_semaphore, #tpu.memory_space<semaphore_mem>>)
    %add3A_187 = arith.constant 8 : i32
    %add3A_188 = arith.addi %mul3A_2, %add3A_187 : i32
    %dma_start3A_189 = arith.constant 0 : i32
    %dma_start3A_190 = arith.constant 0 : i32
    %dma_start3A_191 = arith.constant 0 : i32
    %dma_start3A_192 = tpu.memref_slice %arg6[%dma_start3A_189, %dma_start3A_190, %dma_start3A_191] : memref<2x4x200xi32, #tpu.memory_space<vmem>> -> memref<1x4x200xi32, #tpu.memory_space<vmem>>
    %dma_start3A_193 = tpu.memref_squeeze %dma_start3A_192 : memref<1x4x200xi32, #tpu.memory_space<vmem>> -> memref<4x200xi32, #tpu.memory_space<vmem>>
    %dma_start3A_194 = arith.constant 0 : i32
    %dma_start3A_195 = tpu.memref_slice %arg2[%add3A_188, %dma_start3A_194] : memref<4096x200xi32, #tpu.memory_space<hbm>> -> memref<4x200xi32, #tpu.memory_space<hbm>>
    %dma_start3A_196 = arith.constant 0 : i32
    %dma_start3A_197 = arith.constant 0 : i32
    %dma_start3A_198 = tpu.memref_slice %arg6[%dma_start3A_189, %dma_start3A_196, %dma_start3A_197] : memref<2x4x200xi32, #tpu.memory_space<vmem>> -> memref<1x4x200xi32, #tpu.memory_space<vmem>>
    %dma_start3A_199 = tpu.memref_squeeze %dma_start3A_198 : memref<1x4x200xi32, #tpu.memory_space<vmem>> -> memref<4x200xi32, #tpu.memory_space<vmem>>
    %dma_start3A_200 = arith.constant 0 : i32
    %dma_start3A_201 = tpu.memref_slice %arg2[%add3A_188, %dma_start3A_200] : memref<4096x200xi32, #tpu.memory_space<hbm>> -> memref<4x200xi32, #tpu.memory_space<hbm>>
    tpu.enqueue_dma source(%dma_start3A_201 : memref<4x200xi32, #tpu.memory_space<hbm>>) target(%dma_start3A_199 : memref<4x200xi32, #tpu.memory_space<vmem>>) target_semaphore(%arg11 : memref<!tpu.dma_semaphore, #tpu.memory_space<semaphore_mem>>)
    %scan3A = arith.constant 0 : i32
    %scan3A_202 = arith.constant 0 : i32
    %scan3A_203 = arith.constant 200 : i32
    %scan3A_204 = arith.addi %scan3A_202, %scan3A_203 : i32
    %scan3A_205 = arith.constant 2 : i32
    scf.for %scan3A_303 = %scan3A_202 to %scan3A_204 step %scan3A_205  : i32 {
      %get3A = arith.index_cast %scan3A_303 : i32 to index
      %get3A_304 = arith.constant 0 : index
      %get3A_305 = tpu.vector_load %arg9[%get3A, %get3A_304] {strides = array<i32>} : memref<200x64xf32, #tpu.memory_space<vmem>>, vector<1x16xf32>,
      %get3A_306 = vector.shape_cast %get3A_305 : vector<1x16xf32> to vector<16xf32>
      %get3A_307 = arith.index_cast %scan3A_303 : i32 to index
      %get3A_308 = arith.constant 16 : index
      %get3A_309 = tpu.vector_load %arg9[%get3A_307, %get3A_308] {strides = array<i32>} : memref<200x64xf32, #tpu.memory_space<vmem>>, vector<1x16xf32>,
      %get3A_310 = vector.shape_cast %get3A_309 : vector<1x16xf32> to vector<16xf32>
      %get3A_311 = arith.index_cast %scan3A_303 : i32 to index
      %get3A_312 = arith.constant 32 : index
      %get3A_313 = tpu.vector_load %arg9[%get3A_311, %get3A_312] {strides = array<i32>} : memref<200x64xf32, #tpu.memory_space<vmem>>, vector<1x16xf32>,
      %get3A_314 = vector.shape_cast %get3A_313 : vector<1x16xf32> to vector<16xf32>
      %get3A_315 = arith.index_cast %scan3A_303 : i32 to index
      %get3A_316 = arith.constant 48 : index
      %get3A_317 = tpu.vector_load %arg9[%get3A_315, %get3A_316] {strides = array<i32>} : memref<200x64xf32, #tpu.memory_space<vmem>>, vector<1x16xf32>,
      %get3A_318 = vector.shape_cast %get3A_317 : vector<1x16xf32> to vector<16xf32>
      %get3A_319 = arith.constant 0 : i32
      %get3A_320 = arith.index_cast %get3A_319 : i32 to index
      %get3A_321 = arith.index_cast %scan3A_303 : i32 to index
      %get3A_322 = arith.constant 0 : index
      %get3A_323 = tpu.vector_load %arg7[%get3A_320, %get3A_321, %get3A_322] {strides = array<i32>} : memref<4x200x64xf32, #tpu.memory_space<vmem>>, vector<1x1x16xf32>,
      %get3A_324 = vector.shape_cast %get3A_323 : vector<1x1x16xf32> to vector<16xf32>
      %mul3A_325 = arith.constant 8.000000e+00 : f32
      %mul3A_326 = vector.broadcast %mul3A_325 : f32 to vector<16xf32>
      %mul3A_327 = arith.mulf %get3A_324, %mul3A_326 : vector<16xf32>
      %add3A_328 = arith.addf %mul3A_327, %get3A_306 : vector<16xf32>
      %swap3A = arith.constant 0 : i32
      %swap3A_329 = arith.index_cast %swap3A : i32 to index
      %swap3A_330 = arith.index_cast %scan3A_303 : i32 to index
      %swap3A_331 = arith.constant 0 : index
      %swap3A_332 = tpu.vector_load %arg7[%swap3A_329, %swap3A_330, %swap3A_331] {strides = array<i32>} : memref<4x200x64xf32, #tpu.memory_space<vmem>>, vector<1x1x16xf32>,
      %swap3A_333 = vector.shape_cast %swap3A_332 : vector<1x1x16xf32> to vector<16xf32>
      %swap3A_334 = vector.shape_cast %add3A_328 : vector<16xf32> to vector<1x1x16xf32>
      tpu.vector_store %arg7[%swap3A_329, %swap3A_330, %swap3A_331], %swap3A_334 {strides = array<i32>} : memref<4x200x64xf32, #tpu.memory_space<vmem>>, vector<1x1x16xf32>,
      %get3A_335 = arith.constant 0 : i32
      %get3A_336 = arith.index_cast %get3A_335 : i32 to index
      %get3A_337 = arith.index_cast %scan3A_303 : i32 to index
      %get3A_338 = arith.constant 16 : index
      %get3A_339 = tpu.vector_load %arg7[%get3A_336, %get3A_337, %get3A_338] {strides = array<i32>} : memref<4x200x64xf32, #tpu.memory_space<vmem>>, vector<1x1x16xf32>,
      %get3A_340 = vector.shape_cast %get3A_339 : vector<1x1x16xf32> to vector<16xf32>
      %mul3A_341 = arith.constant 8.000000e+00 : f32
      %mul3A_342 = vector.broadcast %mul3A_341 : f32 to vector<16xf32>
      %mul3A_343 = arith.mulf %get3A_340, %mul3A_342 : vector<16xf32>
      %add3A_344 = arith.addf %mul3A_343, %get3A_310 : vector<16xf32>
      %swap3A_345 = arith.constant 0 : i32
      %swap3A_346 = arith.index_cast %swap3A_345 : i32 to index
      %swap3A_347 = arith.index_cast %scan3A_303 : i32 to index
      %swap3A_348 = arith.constant 16 : index
      %swap3A_349 = tpu.vector_load %arg7[%swap3A_346, %swap3A_347, %swap3A_348] {strides = array<i32>} : memref<4x200x64xf32, #tpu.memory_space<vmem>>, vector<1x1x16xf32>,
      %swap3A_350 = vector.shape_cast %swap3A_349 : vector<1x1x16xf32> to vector<16xf32>
      %swap3A_351 = vector.shape_cast %add3A_344 : vector<16xf32> to vector<1x1x16xf32>
      tpu.vector_store %arg7[%swap3A_346, %swap3A_347, %swap3A_348], %swap3A_351 {strides = array<i32>} : memref<4x200x64xf32, #tpu.memory_space<vmem>>, vector<1x1x16xf32>,
      %get3A_352 = arith.constant 0 : i32
      %get3A_353 = arith.index_cast %get3A_352 : i32 to index
      %get3A_354 = arith.index_cast %scan3A_303 : i32 to index
      %get3A_355 = arith.constant 32 : index
      %get3A_356 = tpu.vector_load %arg7[%get3A_353, %get3A_354, %get3A_355] {strides = array<i32>} : memref<4x200x64xf32, #tpu.memory_space<vmem>>, vector<1x1x16xf32>,
      %get3A_357 = vector.shape_cast %get3A_356 : vector<1x1x16xf32> to vector<16xf32>
      %mul3A_358 = arith.constant 8.000000e+00 : f32
      %mul3A_359 = vector.broadcast %mul3A_358 : f32 to vector<16xf32>
      %mul3A_360 = arith.mulf %get3A_357, %mul3A_359 : vector<16xf32>
      %add3A_361 = arith.addf %mul3A_360, %get3A_314 : vector<16xf32>
      %swap3A_362 = arith.constant 0 : i32
      %swap3A_363 = arith.index_cast %swap3A_362 : i32 to index
      %swap3A_364 = arith.index_cast %scan3A_303 : i32 to index
      %swap3A_365 = arith.constant 32 : index
      %swap3A_366 = tpu.vector_load %arg7[%swap3A_363, %swap3A_364, %swap3A_365] {strides = array<i32>} : memref<4x200x64xf32, #tpu.memory_space<vmem>>, vector<1x1x16xf32>,
      %swap3A_367 = vector.shape_cast %swap3A_366 : vector<1x1x16xf32> to vector<16xf32>
      %swap3A_368 = vector.shape_cast %add3A_361 : vector<16xf32> to vector<1x1x16xf32>
      tpu.vector_store %arg7[%swap3A_363, %swap3A_364, %swap3A_365], %swap3A_368 {strides = array<i32>} : memref<4x200x64xf32, #tpu.memory_space<vmem>>, vector<1x1x16xf32>,
      %get3A_369 = arith.constant 0 : i32
      %get3A_370 = arith.index_cast %get3A_369 : i32 to index
      %get3A_371 = arith.index_cast %scan3A_303 : i32 to index
      %get3A_372 = arith.constant 48 : index
      %get3A_373 = tpu.vector_load %arg7[%get3A_370, %get3A_371, %get3A_372] {strides = array<i32>} : memref<4x200x64xf32, #tpu.memory_space<vmem>>, vector<1x1x16xf32>,
      %get3A_374 = vector.shape_cast %get3A_373 : vector<1x1x16xf32> to vector<16xf32>
      %mul3A_375 = arith.constant 8.000000e+00 : f32
      %mul3A_376 = vector.broadcast %mul3A_375 : f32 to vector<16xf32>
      %mul3A_377 = arith.mulf %get3A_374, %mul3A_376 : vector<16xf32>
      %add3A_378 = arith.addf %mul3A_377, %get3A_318 : vector<16xf32>
      %swap3A_379 = arith.constant 0 : i32
      %swap3A_380 = arith.index_cast %swap3A_379 : i32 to index
      %swap3A_381 = arith.index_cast %scan3A_303 : i32 to index
      %swap3A_382 = arith.constant 48 : index
      %swap3A_383 = tpu.vector_load %arg7[%swap3A_380, %swap3A_381, %swap3A_382] {strides = array<i32>} : memref<4x200x64xf32, #tpu.memory_space<vmem>>, vector<1x1x16xf32>,
      %swap3A_384 = vector.shape_cast %swap3A_383 : vector<1x1x16xf32> to vector<16xf32>
      %swap3A_385 = vector.shape_cast %add3A_378 : vector<16xf32> to vector<1x1x16xf32>
      tpu.vector_store %arg7[%swap3A_380, %swap3A_381, %swap3A_382], %swap3A_385 {strides = array<i32>} : memref<4x200x64xf32, #tpu.memory_space<vmem>>, vector<1x1x16xf32>,
      %get3A_386 = arith.constant 1 : i32
      %get3A_387 = arith.index_cast %get3A_386 : i32 to index
      %get3A_388 = arith.index_cast %scan3A_303 : i32 to index
      %get3A_389 = arith.constant 0 : index
      %get3A_390 = tpu.vector_load %arg7[%get3A_387, %get3A_388, %get3A_389] {strides = array<i32>} : memref<4x200x64xf32, #tpu.memory_space<vmem>>, vector<1x1x16xf32>,
      %get3A_391 = vector.shape_cast %get3A_390 : vector<1x1x16xf32> to vector<16xf32>
      %mul3A_392 = arith.constant 8.000000e+00 : f32
      %mul3A_393 = vector.broadcast %mul3A_392 : f32 to vector<16xf32>
      %mul3A_394 = arith.mulf %get3A_391, %mul3A_393 : vector<16xf32>
      %add3A_395 = arith.addf %mul3A_394, %get3A_306 : vector<16xf32>
      %swap3A_396 = arith.constant 1 : i32
      %swap3A_397 = arith.index_cast %swap3A_396 : i32 to index
      %swap3A_398 = arith.index_cast %scan3A_303 : i32 to index
      %swap3A_399 = arith.constant 0 : index
      %swap3A_400 = tpu.vector_load %arg7[%swap3A_397, %swap3A_398, %swap3A_399] {strides = array<i32>} : memref<4x200x64xf32, #tpu.memory_space<vmem>>, vector<1x1x16xf32>,
      %swap3A_401 = vector.shape_cast %swap3A_400 : vector<1x1x16xf32> to vector<16xf32>
      %swap3A_402 = vector.shape_cast %add3A_395 : vector<16xf32> to vector<1x1x16xf32>
      tpu.vector_store %arg7[%swap3A_397, %swap3A_398, %swap3A_399], %swap3A_402 {strides = array<i32>} : memref<4x200x64xf32, #tpu.memory_space<vmem>>, vector<1x1x16xf32>,
      %get3A_403 = arith.constant 1 : i32
      %get3A_404 = arith.index_cast %get3A_403 : i32 to index
      %get3A_405 = arith.index_cast %scan3A_303 : i32 to index
      %get3A_406 = arith.constant 16 : index
      %get3A_407 = tpu.vector_load %arg7[%get3A_404, %get3A_405, %get3A_406] {strides = array<i32>} : memref<4x200x64xf32, #tpu.memory_space<vmem>>, vector<1x1x16xf32>,
      %get3A_408 = vector.shape_cast %get3A_407 : vector<1x1x16xf32> to vector<16xf32>
      %mul3A_409 = arith.constant 8.000000e+00 : f32
      %mul3A_410 = vector.broadcast %mul3A_409 : f32 to vector<16xf32>
      %mul3A_411 = arith.mulf %get3A_408, %mul3A_410 : vector<16xf32>
      %add3A_412 = arith.addf %mul3A_411, %get3A_310 : vector<16xf32>
      %swap3A_413 = arith.constant 1 : i32
      %swap3A_414 = arith.index_cast %swap3A_413 : i32 to index
      %swap3A_415 = arith.index_cast %scan3A_303 : i32 to index
      %swap3A_416 = arith.constant 16 : index
      %swap3A_417 = tpu.vector_load %arg7[%swap3A_414, %swap3A_415, %swap3A_416] {strides = array<i32>} : memref<4x200x64xf32, #tpu.memory_space<vmem>>, vector<1x1x16xf32>,
      %swap3A_418 = vector.shape_cast %swap3A_417 : vector<1x1x16xf32> to vector<16xf32>
      %swap3A_419 = vector.shape_cast %add3A_412 : vector<16xf32> to vector<1x1x16xf32>
      tpu.vector_store %arg7[%swap3A_414, %swap3A_415, %swap3A_416], %swap3A_419 {strides = array<i32>} : memref<4x200x64xf32, #tpu.memory_space<vmem>>, vector<1x1x16xf32>,
      %get3A_420 = arith.constant 1 : i32
      %get3A_421 = arith.index_cast %get3A_420 : i32 to index
      %get3A_422 = arith.index_cast %scan3A_303 : i32 to index
      %get3A_423 = arith.constant 32 : index
      %get3A_424 = tpu.vector_load %arg7[%get3A_421, %get3A_422, %get3A_423] {strides = array<i32>} : memref<4x200x64xf32, #tpu.memory_space<vmem>>, vector<1x1x16xf32>,
      %get3A_425 = vector.shape_cast %get3A_424 : vector<1x1x16xf32> to vector<16xf32>
      %mul3A_426 = arith.constant 8.000000e+00 : f32
      %mul3A_427 = vector.broadcast %mul3A_426 : f32 to vector<16xf32>
      %mul3A_428 = arith.mulf %get3A_425, %mul3A_427 : vector<16xf32>
      %add3A_429 = arith.addf %mul3A_428, %get3A_314 : vector<16xf32>
      %swap3A_430 = arith.constant 1 : i32
      %swap3A_431 = arith.index_cast %swap3A_430 : i32 to index
      %swap3A_432 = arith.index_cast %scan3A_303 : i32 to index
      %swap3A_433 = arith.constant 32 : index
      %swap3A_434 = tpu.vector_load %arg7[%swap3A_431, %swap3A_432, %swap3A_433] {strides = array<i32>} : memref<4x200x64xf32, #tpu.memory_space<vmem>>, vector<1x1x16xf32>,
      %swap3A_435 = vector.shape_cast %swap3A_434 : vector<1x1x16xf32> to vector<16xf32>
      %swap3A_436 = vector.shape_cast %add3A_429 : vector<16xf32> to vector<1x1x16xf32>
      tpu.vector_store %arg7[%swap3A_431, %swap3A_432, %swap3A_433], %swap3A_436 {strides = array<i32>} : memref<4x200x64xf32, #tpu.memory_space<vmem>>, vector<1x1x16xf32>,
      %get3A_437 = arith.constant 1 : i32
      %get3A_438 = arith.index_cast %get3A_437 : i32 to index
      %get3A_439 = arith.index_cast %scan3A_303 : i32 to index
      %get3A_440 = arith.constant 48 : index
      %get3A_441 = tpu.vector_load %arg7[%get3A_438, %get3A_439, %get3A_440] {strides = array<i32>} : memref<4x200x64xf32, #tpu.memory_space<vmem>>, vector<1x1x16xf32>,
      %get3A_442 = vector.shape_cast %get3A_441 : vector<1x1x16xf32> to vector<16xf32>
      %mul3A_443 = arith.constant 8.000000e+00 : f32
      %mul3A_444 = vector.broadcast %mul3A_443 : f32 to vector<16xf32>
      %mul3A_445 = arith.mulf %get3A_442, %mul3A_444 : vector<16xf32>
      %add3A_446 = arith.addf %mul3A_445, %get3A_318 : vector<16xf32>
      %swap3A_447 = arith.constant 1 : i32
      %swap3A_448 = arith.index_cast %swap3A_447 : i32 to index
      %swap3A_449 = arith.index_cast %scan3A_303 : i32 to index
      %swap3A_450 = arith.constant 48 : index
      %swap3A_451 = tpu.vector_load %arg7[%swap3A_448, %swap3A_449, %swap3A_450] {strides = array<i32>} : memref<4x200x64xf32, #tpu.memory_space<vmem>>, vector<1x1x16xf32>,
      %swap3A_452 = vector.shape_cast %swap3A_451 : vector<1x1x16xf32> to vector<16xf32>
      %swap3A_453 = vector.shape_cast %add3A_446 : vector<16xf32> to vector<1x1x16xf32>
      tpu.vector_store %arg7[%swap3A_448, %swap3A_449, %swap3A_450], %swap3A_453 {strides = array<i32>} : memref<4x200x64xf32, #tpu.memory_space<vmem>>, vector<1x1x16xf32>,
      %get3A_454 = arith.constant 2 : i32
      %get3A_455 = arith.index_cast %get3A_454 : i32 to index
      %get3A_456 = arith.index_cast %scan3A_303 : i32 to index
      %get3A_457 = arith.constant 0 : index
      %get3A_458 = tpu.vector_load %arg7[%get3A_455, %get3A_456, %get3A_457] {strides = array<i32>} : memref<4x200x64xf32, #tpu.memory_space<vmem>>, vector<1x1x16xf32>,
      %get3A_459 = vector.shape_cast %get3A_458 : vector<1x1x16xf32> to vector<16xf32>
      %mul3A_460 = arith.constant 8.000000e+00 : f32
      %mul3A_461 = vector.broadcast %mul3A_460 : f32 to vector<16xf32>
      %mul3A_462 = arith.mulf %get3A_459, %mul3A_461 : vector<16xf32>
      %add3A_463 = arith.addf %mul3A_462, %get3A_306 : vector<16xf32>
      %swap3A_464 = arith.constant 2 : i32
      %swap3A_465 = arith.index_cast %swap3A_464 : i32 to index
      %swap3A_466 = arith.index_cast %scan3A_303 : i32 to index
      %swap3A_467 = arith.constant 0 : index
      %swap3A_468 = tpu.vector_load %arg7[%swap3A_465, %swap3A_466, %swap3A_467] {strides = array<i32>} : memref<4x200x64xf32, #tpu.memory_space<vmem>>, vector<1x1x16xf32>,
      %swap3A_469 = vector.shape_cast %swap3A_468 : vector<1x1x16xf32> to vector<16xf32>
      %swap3A_470 = vector.shape_cast %add3A_463 : vector<16xf32> to vector<1x1x16xf32>
      tpu.vector_store %arg7[%swap3A_465, %swap3A_466, %swap3A_467], %swap3A_470 {strides = array<i32>} : memref<4x200x64xf32, #tpu.memory_space<vmem>>, vector<1x1x16xf32>,
      %get3A_471 = arith.constant 2 : i32
      %get3A_472 = arith.index_cast %get3A_471 : i32 to index
      %get3A_473 = arith.index_cast %scan3A_303 : i32 to index
      %get3A_474 = arith.constant 16 : index
      %get3A_475 = tpu.vector_load %arg7[%get3A_472, %get3A_473, %get3A_474] {strides = array<i32>} : memref<4x200x64xf32, #tpu.memory_space<vmem>>, vector<1x1x16xf32>,
      %get3A_476 = vector.shape_cast %get3A_475 : vector<1x1x16xf32> to vector<16xf32>
      %mul3A_477 = arith.constant 8.000000e+00 : f32
      %mul3A_478 = vector.broadcast %mul3A_477 : f32 to vector<16xf32>
      %mul3A_479 = arith.mulf %get3A_476, %mul3A_478 : vector<16xf32>
      %add3A_480 = arith.addf %mul3A_479, %get3A_310 : vector<16xf32>
      %swap3A_481 = arith.constant 2 : i32
      %swap3A_482 = arith.index_cast %swap3A_481 : i32 to index
      %swap3A_483 = arith.index_cast %scan3A_303 : i32 to index
      %swap3A_484 = arith.constant 16 : index
      %swap3A_485 = tpu.vector_load %arg7[%swap3A_482, %swap3A_483, %swap3A_484] {strides = array<i32>} : memref<4x200x64xf32, #tpu.memory_space<vmem>>, vector<1x1x16xf32>,
      %swap3A_486 = vector.shape_cast %swap3A_485 : vector<1x1x16xf32> to vector<16xf32>
      %swap3A_487 = vector.shape_cast %add3A_480 : vector<16xf32> to vector<1x1x16xf32>
      tpu.vector_store %arg7[%swap3A_482, %swap3A_483, %swap3A_484], %swap3A_487 {strides = array<i32>} : memref<4x200x64xf32, #tpu.memory_space<vmem>>, vector<1x1x16xf32>,
      %get3A_488 = arith.constant 2 : i32
      %get3A_489 = arith.index_cast %get3A_488 : i32 to index
      %get3A_490 = arith.index_cast %scan3A_303 : i32 to index
      %get3A_491 = arith.constant 32 : index
      %get3A_492 = tpu.vector_load %arg7[%get3A_489, %get3A_490, %get3A_491] {strides = array<i32>} : memref<4x200x64xf32, #tpu.memory_space<vmem>>, vector<1x1x16xf32>,
      %get3A_493 = vector.shape_cast %get3A_492 : vector<1x1x16xf32> to vector<16xf32>
      %mul3A_494 = arith.constant 8.000000e+00 : f32
      %mul3A_495 = vector.broadcast %mul3A_494 : f32 to vector<16xf32>
      %mul3A_496 = arith.mulf %get3A_493, %mul3A_495 : vector<16xf32>
      %add3A_497 = arith.addf %mul3A_496, %get3A_314 : vector<16xf32>
      %swap3A_498 = arith.constant 2 : i32
      %swap3A_499 = arith.index_cast %swap3A_498 : i32 to index
      %swap3A_500 = arith.index_cast %scan3A_303 : i32 to index
      %swap3A_501 = arith.constant 32 : index
      %swap3A_502 = tpu.vector_load %arg7[%swap3A_499, %swap3A_500, %swap3A_501] {strides = array<i32>} : memref<4x200x64xf32, #tpu.memory_space<vmem>>, vector<1x1x16xf32>,
      %swap3A_503 = vector.shape_cast %swap3A_502 : vector<1x1x16xf32> to vector<16xf32>
      %swap3A_504 = vector.shape_cast %add3A_497 : vector<16xf32> to vector<1x1x16xf32>
      tpu.vector_store %arg7[%swap3A_499, %swap3A_500, %swap3A_501], %swap3A_504 {strides = array<i32>} : memref<4x200x64xf32, #tpu.memory_space<vmem>>, vector<1x1x16xf32>,
      %get3A_505 = arith.constant 2 : i32
      %get3A_506 = arith.index_cast %get3A_505 : i32 to index
      %get3A_507 = arith.index_cast %scan3A_303 : i32 to index
      %get3A_508 = arith.constant 48 : index
      %get3A_509 = tpu.vector_load %arg7[%get3A_506, %get3A_507, %get3A_508] {strides = array<i32>} : memref<4x200x64xf32, #tpu.memory_space<vmem>>, vector<1x1x16xf32>,
      %get3A_510 = vector.shape_cast %get3A_509 : vector<1x1x16xf32> to vector<16xf32>
      %mul3A_511 = arith.constant 8.000000e+00 : f32
      %mul3A_512 = vector.broadcast %mul3A_511 : f32 to vector<16xf32>
      %mul3A_513 = arith.mulf %get3A_510, %mul3A_512 : vector<16xf32>
      %add3A_514 = arith.addf %mul3A_513, %get3A_318 : vector<16xf32>
      %swap3A_515 = arith.constant 2 : i32
      %swap3A_516 = arith.index_cast %swap3A_515 : i32 to index
      %swap3A_517 = arith.index_cast %scan3A_303 : i32 to index
      %swap3A_518 = arith.constant 48 : index
      %swap3A_519 = tpu.vector_load %arg7[%swap3A_516, %swap3A_517, %swap3A_518] {strides = array<i32>} : memref<4x200x64xf32, #tpu.memory_space<vmem>>, vector<1x1x16xf32>,
      %swap3A_520 = vector.shape_cast %swap3A_519 : vector<1x1x16xf32> to vector<16xf32>
      %swap3A_521 = vector.shape_cast %add3A_514 : vector<16xf32> to vector<1x1x16xf32>
      tpu.vector_store %arg7[%swap3A_516, %swap3A_517, %swap3A_518], %swap3A_521 {strides = array<i32>} : memref<4x200x64xf32, #tpu.memory_space<vmem>>, vector<1x1x16xf32>,
      %get3A_522 = arith.constant 3 : i32
      %get3A_523 = arith.index_cast %get3A_522 : i32 to index
      %get3A_524 = arith.index_cast %scan3A_303 : i32 to index
      %get3A_525 = arith.constant 0 : index
      %get3A_526 = tpu.vector_load %arg7[%get3A_523, %get3A_524, %get3A_525] {strides = array<i32>} : memref<4x200x64xf32, #tpu.memory_space<vmem>>, vector<1x1x16xf32>,
      %get3A_527 = vector.shape_cast %get3A_526 : vector<1x1x16xf32> to vector<16xf32>
      %mul3A_528 = arith.constant 8.000000e+00 : f32
      %mul3A_529 = vector.broadcast %mul3A_528 : f32 to vector<16xf32>
      %mul3A_530 = arith.mulf %get3A_527, %mul3A_529 : vector<16xf32>
      %add3A_531 = arith.addf %mul3A_530, %get3A_306 : vector<16xf32>
      %swap3A_532 = arith.constant 3 : i32
      %swap3A_533 = arith.index_cast %swap3A_532 : i32 to index
      %swap3A_534 = arith.index_cast %scan3A_303 : i32 to index
      %swap3A_535 = arith.constant 0 : index
      %swap3A_536 = tpu.vector_load %arg7[%swap3A_533, %swap3A_534, %swap3A_535] {strides = array<i32>} : memref<4x200x64xf32, #tpu.memory_space<vmem>>, vector<1x1x16xf32>,
      %swap3A_537 = vector.shape_cast %swap3A_536 : vector<1x1x16xf32> to vector<16xf32>
      %swap3A_538 = vector.shape_cast %add3A_531 : vector<16xf32> to vector<1x1x16xf32>
      tpu.vector_store %arg7[%swap3A_533, %swap3A_534, %swap3A_535], %swap3A_538 {strides = array<i32>} : memref<4x200x64xf32, #tpu.memory_space<vmem>>, vector<1x1x16xf32>,
      %get3A_539 = arith.constant 3 : i32
      %get3A_540 = arith.index_cast %get3A_539 : i32 to index
      %get3A_541 = arith.index_cast %scan3A_303 : i32 to index
      %get3A_542 = arith.constant 16 : index
      %get3A_543 = tpu.vector_load %arg7[%get3A_540, %get3A_541, %get3A_542] {strides = array<i32>} : memref<4x200x64xf32, #tpu.memory_space<vmem>>, vector<1x1x16xf32>,
      %get3A_544 = vector.shape_cast %get3A_543 : vector<1x1x16xf32> to vector<16xf32>
      %mul3A_545 = arith.constant 8.000000e+00 : f32
      %mul3A_546 = vector.broadcast %mul3A_545 : f32 to vector<16xf32>
      %mul3A_547 = arith.mulf %get3A_544, %mul3A_546 : vector<16xf32>
      %add3A_548 = arith.addf %mul3A_547, %get3A_310 : vector<16xf32>
      %swap3A_549 = arith.constant 3 : i32
      %swap3A_550 = arith.index_cast %swap3A_549 : i32 to index
      %swap3A_551 = arith.index_cast %scan3A_303 : i32 to index
      %swap3A_552 = arith.constant 16 : index
      %swap3A_553 = tpu.vector_load %arg7[%swap3A_550, %swap3A_551, %swap3A_552] {strides = array<i32>} : memref<4x200x64xf32, #tpu.memory_space<vmem>>, vector<1x1x16xf32>,
      %swap3A_554 = vector.shape_cast %swap3A_553 : vector<1x1x16xf32> to vector<16xf32>
      %swap3A_555 = vector.shape_cast %add3A_548 : vector<16xf32> to vector<1x1x16xf32>
      tpu.vector_store %arg7[%swap3A_550, %swap3A_551, %swap3A_552], %swap3A_555 {strides = array<i32>} : memref<4x200x64xf32, #tpu.memory_space<vmem>>, vector<1x1x16xf32>,
      %get3A_556 = arith.constant 3 : i32
      %get3A_557 = arith.index_cast %get3A_556 : i32 to index
      %get3A_558 = arith.index_cast %scan3A_303 : i32 to index
      %get3A_559 = arith.constant 32 : index
      %get3A_560 = tpu.vector_load %arg7[%get3A_557, %get3A_558, %get3A_559] {strides = array<i32>} : memref<4x200x64xf32, #tpu.memory_space<vmem>>, vector<1x1x16xf32>,
      %get3A_561 = vector.shape_cast %get3A_560 : vector<1x1x16xf32> to vector<16xf32>
      %mul3A_562 = arith.constant 8.000000e+00 : f32
      %mul3A_563 = vector.broadcast %mul3A_562 : f32 to vector<16xf32>
      %mul3A_564 = arith.mulf %get3A_561, %mul3A_563 : vector<16xf32>
      %add3A_565 = arith.addf %mul3A_564, %get3A_314 : vector<16xf32>
      %swap3A_566 = arith.constant 3 : i32
      %swap3A_567 = arith.index_cast %swap3A_566 : i32 to index
      %swap3A_568 = arith.index_cast %scan3A_303 : i32 to index
      %swap3A_569 = arith.constant 32 : index
      %swap3A_570 = tpu.vector_load %arg7[%swap3A_567, %swap3A_568, %swap3A_569] {strides = array<i32>} : memref<4x200x64xf32, #tpu.memory_space<vmem>>, vector<1x1x16xf32>,
      %swap3A_571 = vector.shape_cast %swap3A_570 : vector<1x1x16xf32> to vector<16xf32>
      %swap3A_572 = vector.shape_cast %add3A_565 : vector<16xf32> to vector<1x1x16xf32>
      tpu.vector_store %arg7[%swap3A_567, %swap3A_568, %swap3A_569], %swap3A_572 {strides = array<i32>} : memref<4x200x64xf32, #tpu.memory_space<vmem>>, vector<1x1x16xf32>,
      %get3A_573 = arith.constant 3 : i32
      %get3A_574 = arith.index_cast %get3A_573 : i32 to index
      %get3A_575 = arith.index_cast %scan3A_303 : i32 to index
      %get3A_576 = arith.constant 48 : index
      %get3A_577 = tpu.vector_load %arg7[%get3A_574, %get3A_575, %get3A_576] {strides = array<i32>} : memref<4x200x64xf32, #tpu.memory_space<vmem>>, vector<1x1x16xf32>,
      %get3A_578 = vector.shape_cast %get3A_577 : vector<1x1x16xf32> to vector<16xf32>
      %mul3A_579 = arith.constant 8.000000e+00 : f32
      %mul3A_580 = vector.broadcast %mul3A_579 : f32 to vector<16xf32>
      %mul3A_581 = arith.mulf %get3A_578, %mul3A_580 : vector<16xf32>
      %add3A_582 = arith.addf %mul3A_581, %get3A_318 : vector<16xf32>
      %swap3A_583 = arith.constant 3 : i32
      %swap3A_584 = arith.index_cast %swap3A_583 : i32 to index
      %swap3A_585 = arith.index_cast %scan3A_303 : i32 to index
      %swap3A_586 = arith.constant 48 : index
      %swap3A_587 = tpu.vector_load %arg7[%swap3A_584, %swap3A_585, %swap3A_586] {strides = array<i32>} : memref<4x200x64xf32, #tpu.memory_space<vmem>>, vector<1x1x16xf32>,
      %swap3A_588 = vector.shape_cast %swap3A_587 : vector<1x1x16xf32> to vector<16xf32>
      %swap3A_589 = vector.shape_cast %add3A_582 : vector<16xf32> to vector<1x1x16xf32>
      tpu.vector_store %arg7[%swap3A_584, %swap3A_585, %swap3A_586], %swap3A_589 {strides = array<i32>} : memref<4x200x64xf32, #tpu.memory_space<vmem>>, vector<1x1x16xf32>,
      %scan3A_590 = arith.constant 1 : i32
      %scan3A_591 = arith.addi %scan3A_303, %scan3A_590 : i32
      %get3A_592 = arith.index_cast %scan3A_591 : i32 to index
      %get3A_593 = arith.constant 0 : index
      %get3A_594 = tpu.vector_load %arg9[%get3A_592, %get3A_593] {strides = array<i32>} : memref<200x64xf32, #tpu.memory_space<vmem>>, vector<1x16xf32>,
      %get3A_595 = vector.shape_cast %get3A_594 : vector<1x16xf32> to vector<16xf32>
      %get3A_596 = arith.index_cast %scan3A_591 : i32 to index
      %get3A_597 = arith.constant 16 : index
      %get3A_598 = tpu.vector_load %arg9[%get3A_596, %get3A_597] {strides = array<i32>} : memref<200x64xf32, #tpu.memory_space<vmem>>, vector<1x16xf32>,
      %get3A_599 = vector.shape_cast %get3A_598 : vector<1x16xf32> to vector<16xf32>
      %get3A_600 = arith.index_cast %scan3A_591 : i32 to index
      %get3A_601 = arith.constant 32 : index
      %get3A_602 = tpu.vector_load %arg9[%get3A_600, %get3A_601] {strides = array<i32>} : memref<200x64xf32, #tpu.memory_space<vmem>>, vector<1x16xf32>,
      %get3A_603 = vector.shape_cast %get3A_602 : vector<1x16xf32> to vector<16xf32>
      %get3A_604 = arith.index_cast %scan3A_591 : i32 to index
      %get3A_605 = arith.constant 48 : index
      %get3A_606 = tpu.vector_load %arg9[%get3A_604, %get3A_605] {strides = array<i32>} : memref<200x64xf32, #tpu.memory_space<vmem>>, vector<1x16xf32>,
      %get3A_607 = vector.shape_cast %get3A_606 : vector<1x16xf32> to vector<16xf32>
      %get3A_608 = arith.constant 0 : i32
      %get3A_609 = arith.index_cast %get3A_608 : i32 to index
      %get3A_610 = arith.index_cast %scan3A_591 : i32 to index
      %get3A_611 = arith.constant 0 : index
      %get3A_612 = tpu.vector_load %arg7[%get3A_609, %get3A_610, %get3A_611] {strides = array<i32>} : memref<4x200x64xf32, #tpu.memory_space<vmem>>, vector<1x1x16xf32>,
      %get3A_613 = vector.shape_cast %get3A_612 : vector<1x1x16xf32> to vector<16xf32>
      %mul3A_614 = arith.constant 8.000000e+00 : f32
      %mul3A_615 = vector.broadcast %mul3A_614 : f32 to vector<16xf32>
      %mul3A_616 = arith.mulf %get3A_613, %mul3A_615 : vector<16xf32>
      %add3A_617 = arith.addf %mul3A_616, %get3A_595 : vector<16xf32>
      %swap3A_618 = arith.constant 0 : i32
      %swap3A_619 = arith.index_cast %swap3A_618 : i32 to index
      %swap3A_620 = arith.index_cast %scan3A_591 : i32 to index
      %swap3A_621 = arith.constant 0 : index
      %swap3A_622 = tpu.vector_load %arg7[%swap3A_619, %swap3A_620, %swap3A_621] {strides = array<i32>} : memref<4x200x64xf32, #tpu.memory_space<vmem>>, vector<1x1x16xf32>,
      %swap3A_623 = vector.shape_cast %swap3A_622 : vector<1x1x16xf32> to vector<16xf32>
      %swap3A_624 = vector.shape_cast %add3A_617 : vector<16xf32> to vector<1x1x16xf32>
      tpu.vector_store %arg7[%swap3A_619, %swap3A_620, %swap3A_621], %swap3A_624 {strides = array<i32>} : memref<4x200x64xf32, #tpu.memory_space<vmem>>, vector<1x1x16xf32>,
      %get3A_625 = arith.constant 0 : i32
      %get3A_626 = arith.index_cast %get3A_625 : i32 to index
      %get3A_627 = arith.index_cast %scan3A_591 : i32 to index
      %get3A_628 = arith.constant 16 : index
      %get3A_629 = tpu.vector_load %arg7[%get3A_626, %get3A_627, %get3A_628] {strides = array<i32>} : memref<4x200x64xf32, #tpu.memory_space<vmem>>, vector<1x1x16xf32>,
      %get3A_630 = vector.shape_cast %get3A_629 : vector<1x1x16xf32> to vector<16xf32>
      %mul3A_631 = arith.constant 8.000000e+00 : f32
      %mul3A_632 = vector.broadcast %mul3A_631 : f32 to vector<16xf32>
      %mul3A_633 = arith.mulf %get3A_630, %mul3A_632 : vector<16xf32>
      %add3A_634 = arith.addf %mul3A_633, %get3A_599 : vector<16xf32>
      %swap3A_635 = arith.constant 0 : i32
      %swap3A_636 = arith.index_cast %swap3A_635 : i32 to index
      %swap3A_637 = arith.index_cast %scan3A_591 : i32 to index
      %swap3A_638 = arith.constant 16 : index
      %swap3A_639 = tpu.vector_load %arg7[%swap3A_636, %swap3A_637, %swap3A_638] {strides = array<i32>} : memref<4x200x64xf32, #tpu.memory_space<vmem>>, vector<1x1x16xf32>,
      %swap3A_640 = vector.shape_cast %swap3A_639 : vector<1x1x16xf32> to vector<16xf32>
      %swap3A_641 = vector.shape_cast %add3A_634 : vector<16xf32> to vector<1x1x16xf32>
      tpu.vector_store %arg7[%swap3A_636, %swap3A_637, %swap3A_638], %swap3A_641 {strides = array<i32>} : memref<4x200x64xf32, #tpu.memory_space<vmem>>, vector<1x1x16xf32>,
      %get3A_642 = arith.constant 0 : i32
      %get3A_643 = arith.index_cast %get3A_642 : i32 to index
      %get3A_644 = arith.index_cast %scan3A_591 : i32 to index
      %get3A_645 = arith.constant 32 : index
      %get3A_646 = tpu.vector_load %arg7[%get3A_643, %get3A_644, %get3A_645] {strides = array<i32>} : memref<4x200x64xf32, #tpu.memory_space<vmem>>, vector<1x1x16xf32>,
      %get3A_647 = vector.shape_cast %get3A_646 : vector<1x1x16xf32> to vector<16xf32>
      %mul3A_648 = arith.constant 8.000000e+00 : f32
      %mul3A_649 = vector.broadcast %mul3A_648 : f32 to vector<16xf32>
      %mul3A_650 = arith.mulf %get3A_647, %mul3A_649 : vector<16xf32>
      %add3A_651 = arith.addf %mul3A_650, %get3A_603 : vector<16xf32>
      %swap3A_652 = arith.constant 0 : i32
      %swap3A_653 = arith.index_cast %swap3A_652 : i32 to index
      %swap3A_654 = arith.index_cast %scan3A_591 : i32 to index
      %swap3A_655 = arith.constant 32 : index
      %swap3A_656 = tpu.vector_load %arg7[%swap3A_653, %swap3A_654, %swap3A_655] {strides = array<i32>} : memref<4x200x64xf32, #tpu.memory_space<vmem>>, vector<1x1x16xf32>,
      %swap3A_657 = vector.shape_cast %swap3A_656 : vector<1x1x16xf32> to vector<16xf32>
      %swap3A_658 = vector.shape_cast %add3A_651 : vector<16xf32> to vector<1x1x16xf32>
      tpu.vector_store %arg7[%swap3A_653, %swap3A_654, %swap3A_655], %swap3A_658 {strides = array<i32>} : memref<4x200x64xf32, #tpu.memory_space<vmem>>, vector<1x1x16xf32>,
      %get3A_659 = arith.constant 0 : i32
      %get3A_660 = arith.index_cast %get3A_659 : i32 to index
      %get3A_661 = arith.index_cast %scan3A_591 : i32 to index
      %get3A_662 = arith.constant 48 : index
      %get3A_663 = tpu.vector_load %arg7[%get3A_660, %get3A_661, %get3A_662] {strides = array<i32>} : memref<4x200x64xf32, #tpu.memory_space<vmem>>, vector<1x1x16xf32>,
      %get3A_664 = vector.shape_cast %get3A_663 : vector<1x1x16xf32> to vector<16xf32>
      %mul3A_665 = arith.constant 8.000000e+00 : f32
      %mul3A_666 = vector.broadcast %mul3A_665 : f32 to vector<16xf32>
      %mul3A_667 = arith.mulf %get3A_664, %mul3A_666 : vector<16xf32>
      %add3A_668 = arith.addf %mul3A_667, %get3A_607 : vector<16xf32>
      %swap3A_669 = arith.constant 0 : i32
      %swap3A_670 = arith.index_cast %swap3A_669 : i32 to index
      %swap3A_671 = arith.index_cast %scan3A_591 : i32 to index
      %swap3A_672 = arith.constant 48 : index
      %swap3A_673 = tpu.vector_load %arg7[%swap3A_670, %swap3A_671, %swap3A_672] {strides = array<i32>} : memref<4x200x64xf32, #tpu.memory_space<vmem>>, vector<1x1x16xf32>,
      %swap3A_674 = vector.shape_cast %swap3A_673 : vector<1x1x16xf32> to vector<16xf32>
      %swap3A_675 = vector.shape_cast %add3A_668 : vector<16xf32> to vector<1x1x16xf32>
      tpu.vector_store %arg7[%swap3A_670, %swap3A_671, %swap3A_672], %swap3A_675 {strides = array<i32>} : memref<4x200x64xf32, #tpu.memory_space<vmem>>, vector<1x1x16xf32>,
      %get3A_676 = arith.constant 1 : i32
      %get3A_677 = arith.index_cast %get3A_676 : i32 to index
      %get3A_678 = arith.index_cast %scan3A_591 : i32 to index
      %get3A_679 = arith.constant 0 : index
      %get3A_680 = tpu.vector_load %arg7[%get3A_677, %get3A_678, %get3A_679] {strides = array<i32>} : memref<4x200x64xf32, #tpu.memory_space<vmem>>, vector<1x1x16xf32>,
      %get3A_681 = vector.shape_cast %get3A_680 : vector<1x1x16xf32> to vector<16xf32>
      %mul3A_682 = arith.constant 8.000000e+00 : f32
      %mul3A_683 = vector.broadcast %mul3A_682 : f32 to vector<16xf32>
      %mul3A_684 = arith.mulf %get3A_681, %mul3A_683 : vector<16xf32>
      %add3A_685 = arith.addf %mul3A_684, %get3A_595 : vector<16xf32>
      %swap3A_686 = arith.constant 1 : i32
      %swap3A_687 = arith.index_cast %swap3A_686 : i32 to index
      %swap3A_688 = arith.index_cast %scan3A_591 : i32 to index
      %swap3A_689 = arith.constant 0 : index
      %swap3A_690 = tpu.vector_load %arg7[%swap3A_687, %swap3A_688, %swap3A_689] {strides = array<i32>} : memref<4x200x64xf32, #tpu.memory_space<vmem>>, vector<1x1x16xf32>,
      %swap3A_691 = vector.shape_cast %swap3A_690 : vector<1x1x16xf32> to vector<16xf32>
      %swap3A_692 = vector.shape_cast %add3A_685 : vector<16xf32> to vector<1x1x16xf32>
      tpu.vector_store %arg7[%swap3A_687, %swap3A_688, %swap3A_689], %swap3A_692 {strides = array<i32>} : memref<4x200x64xf32, #tpu.memory_space<vmem>>, vector<1x1x16xf32>,
      %get3A_693 = arith.constant 1 : i32
      %get3A_694 = arith.index_cast %get3A_693 : i32 to index
      %get3A_695 = arith.index_cast %scan3A_591 : i32 to index
      %get3A_696 = arith.constant 16 : index
      %get3A_697 = tpu.vector_load %arg7[%get3A_694, %get3A_695, %get3A_696] {strides = array<i32>} : memref<4x200x64xf32, #tpu.memory_space<vmem>>, vector<1x1x16xf32>,
      %get3A_698 = vector.shape_cast %get3A_697 : vector<1x1x16xf32> to vector<16xf32>
      %mul3A_699 = arith.constant 8.000000e+00 : f32
      %mul3A_700 = vector.broadcast %mul3A_699 : f32 to vector<16xf32>
      %mul3A_701 = arith.mulf %get3A_698, %mul3A_700 : vector<16xf32>
      %add3A_702 = arith.addf %mul3A_701, %get3A_599 : vector<16xf32>
      %swap3A_703 = arith.constant 1 : i32
      %swap3A_704 = arith.index_cast %swap3A_703 : i32 to index
      %swap3A_705 = arith.index_cast %scan3A_591 : i32 to index
      %swap3A_706 = arith.constant 16 : index
      %swap3A_707 = tpu.vector_load %arg7[%swap3A_704, %swap3A_705, %swap3A_706] {strides = array<i32>} : memref<4x200x64xf32, #tpu.memory_space<vmem>>, vector<1x1x16xf32>,
      %swap3A_708 = vector.shape_cast %swap3A_707 : vector<1x1x16xf32> to vector<16xf32>
      %swap3A_709 = vector.shape_cast %add3A_702 : vector<16xf32> to vector<1x1x16xf32>
      tpu.vector_store %arg7[%swap3A_704, %swap3A_705, %swap3A_706], %swap3A_709 {strides = array<i32>} : memref<4x200x64xf32, #tpu.memory_space<vmem>>, vector<1x1x16xf32>,
      %get3A_710 = arith.constant 1 : i32
      %get3A_711 = arith.index_cast %get3A_710 : i32 to index
      %get3A_712 = arith.index_cast %scan3A_591 : i32 to index
      %get3A_713 = arith.constant 32 : index
      %get3A_714 = tpu.vector_load %arg7[%get3A_711, %get3A_712, %get3A_713] {strides = array<i32>} : memref<4x200x64xf32, #tpu.memory_space<vmem>>, vector<1x1x16xf32>,
      %get3A_715 = vector.shape_cast %get3A_714 : vector<1x1x16xf32> to vector<16xf32>
      %mul3A_716 = arith.constant 8.000000e+00 : f32
      %mul3A_717 = vector.broadcast %mul3A_716 : f32 to vector<16xf32>
      %mul3A_718 = arith.mulf %get3A_715, %mul3A_717 : vector<16xf32>
      %add3A_719 = arith.addf %mul3A_718, %get3A_603 : vector<16xf32>
      %swap3A_720 = arith.constant 1 : i32
      %swap3A_721 = arith.index_cast %swap3A_720 : i32 to index
      %swap3A_722 = arith.index_cast %scan3A_591 : i32 to index
      %swap3A_723 = arith.constant 32 : index
      %swap3A_724 = tpu.vector_load %arg7[%swap3A_721, %swap3A_722, %swap3A_723] {strides = array<i32>} : memref<4x200x64xf32, #tpu.memory_space<vmem>>, vector<1x1x16xf32>,
      %swap3A_725 = vector.shape_cast %swap3A_724 : vector<1x1x16xf32> to vector<16xf32>
      %swap3A_726 = vector.shape_cast %add3A_719 : vector<16xf32> to vector<1x1x16xf32>
      tpu.vector_store %arg7[%swap3A_721, %swap3A_722, %swap3A_723], %swap3A_726 {strides = array<i32>} : memref<4x200x64xf32, #tpu.memory_space<vmem>>, vector<1x1x16xf32>,
      %get3A_727 = arith.constant 1 : i32
      %get3A_728 = arith.index_cast %get3A_727 : i32 to index
      %get3A_729 = arith.index_cast %scan3A_591 : i32 to index
      %get3A_730 = arith.constant 48 : index
      %get3A_731 = tpu.vector_load %arg7[%get3A_728, %get3A_729, %get3A_730] {strides = array<i32>} : memref<4x200x64xf32, #tpu.memory_space<vmem>>, vector<1x1x16xf32>,
      %get3A_732 = vector.shape_cast %get3A_731 : vector<1x1x16xf32> to vector<16xf32>
      %mul3A_733 = arith.constant 8.000000e+00 : f32
      %mul3A_734 = vector.broadcast %mul3A_733 : f32 to vector<16xf32>
      %mul3A_735 = arith.mulf %get3A_732, %mul3A_734 : vector<16xf32>
      %add3A_736 = arith.addf %mul3A_735, %get3A_607 : vector<16xf32>
      %swap3A_737 = arith.constant 1 : i32
      %swap3A_738 = arith.index_cast %swap3A_737 : i32 to index
      %swap3A_739 = arith.index_cast %scan3A_591 : i32 to index
      %swap3A_740 = arith.constant 48 : index
      %swap3A_741 = tpu.vector_load %arg7[%swap3A_738, %swap3A_739, %swap3A_740] {strides = array<i32>} : memref<4x200x64xf32, #tpu.memory_space<vmem>>, vector<1x1x16xf32>,
      %swap3A_742 = vector.shape_cast %swap3A_741 : vector<1x1x16xf32> to vector<16xf32>
      %swap3A_743 = vector.shape_cast %add3A_736 : vector<16xf32> to vector<1x1x16xf32>
      tpu.vector_store %arg7[%swap3A_738, %swap3A_739, %swap3A_740], %swap3A_743 {strides = array<i32>} : memref<4x200x64xf32, #tpu.memory_space<vmem>>, vector<1x1x16xf32>,
      %get3A_744 = arith.constant 2 : i32
      %get3A_745 = arith.index_cast %get3A_744 : i32 to index
      %get3A_746 = arith.index_cast %scan3A_591 : i32 to index
      %get3A_747 = arith.constant 0 : index
      %get3A_748 = tpu.vector_load %arg7[%get3A_745, %get3A_746, %get3A_747] {strides = array<i32>} : memref<4x200x64xf32, #tpu.memory_space<vmem>>, vector<1x1x16xf32>,
      %get3A_749 = vector.shape_cast %get3A_748 : vector<1x1x16xf32> to vector<16xf32>
      %mul3A_750 = arith.constant 8.000000e+00 : f32
      %mul3A_751 = vector.broadcast %mul3A_750 : f32 to vector<16xf32>
      %mul3A_752 = arith.mulf %get3A_749, %mul3A_751 : vector<16xf32>
      %add3A_753 = arith.addf %mul3A_752, %get3A_595 : vector<16xf32>
      %swap3A_754 = arith.constant 2 : i32
      %swap3A_755 = arith.index_cast %swap3A_754 : i32 to index
      %swap3A_756 = arith.index_cast %scan3A_591 : i32 to index
      %swap3A_757 = arith.constant 0 : index
      %swap3A_758 = tpu.vector_load %arg7[%swap3A_755, %swap3A_756, %swap3A_757] {strides = array<i32>} : memref<4x200x64xf32, #tpu.memory_space<vmem>>, vector<1x1x16xf32>,
      %swap3A_759 = vector.shape_cast %swap3A_758 : vector<1x1x16xf32> to vector<16xf32>
      %swap3A_760 = vector.shape_cast %add3A_753 : vector<16xf32> to vector<1x1x16xf32>
      tpu.vector_store %arg7[%swap3A_755, %swap3A_756, %swap3A_757], %swap3A_760 {strides = array<i32>} : memref<4x200x64xf32, #tpu.memory_space<vmem>>, vector<1x1x16xf32>,
      %get3A_761 = arith.constant 2 : i32
      %get3A_762 = arith.index_cast %get3A_761 : i32 to index
      %get3A_763 = arith.index_cast %scan3A_591 : i32 to index
      %get3A_764 = arith.constant 16 : index
      %get3A_765 = tpu.vector_load %arg7[%get3A_762, %get3A_763, %get3A_764] {strides = array<i32>} : memref<4x200x64xf32, #tpu.memory_space<vmem>>, vector<1x1x16xf32>,
      %get3A_766 = vector.shape_cast %get3A_765 : vector<1x1x16xf32> to vector<16xf32>
      %mul3A_767 = arith.constant 8.000000e+00 : f32
      %mul3A_768 = vector.broadcast %mul3A_767 : f32 to vector<16xf32>
      %mul3A_769 = arith.mulf %get3A_766, %mul3A_768 : vector<16xf32>
      %add3A_770 = arith.addf %mul3A_769, %get3A_599 : vector<16xf32>
      %swap3A_771 = arith.constant 2 : i32
      %swap3A_772 = arith.index_cast %swap3A_771 : i32 to index
      %swap3A_773 = arith.index_cast %scan3A_591 : i32 to index
      %swap3A_774 = arith.constant 16 : index
      %swap3A_775 = tpu.vector_load %arg7[%swap3A_772, %swap3A_773, %swap3A_774] {strides = array<i32>} : memref<4x200x64xf32, #tpu.memory_space<vmem>>, vector<1x1x16xf32>,
      %swap3A_776 = vector.shape_cast %swap3A_775 : vector<1x1x16xf32> to vector<16xf32>
      %swap3A_777 = vector.shape_cast %add3A_770 : vector<16xf32> to vector<1x1x16xf32>
      tpu.vector_store %arg7[%swap3A_772, %swap3A_773, %swap3A_774], %swap3A_777 {strides = array<i32>} : memref<4x200x64xf32, #tpu.memory_space<vmem>>, vector<1x1x16xf32>,
      %get3A_778 = arith.constant 2 : i32
      %get3A_779 = arith.index_cast %get3A_778 : i32 to index
      %get3A_780 = arith.index_cast %scan3A_591 : i32 to index
      %get3A_781 = arith.constant 32 : index
      %get3A_782 = tpu.vector_load %arg7[%get3A_779, %get3A_780, %get3A_781] {strides = array<i32>} : memref<4x200x64xf32, #tpu.memory_space<vmem>>, vector<1x1x16xf32>,
      %get3A_783 = vector.shape_cast %get3A_782 : vector<1x1x16xf32> to vector<16xf32>
      %mul3A_784 = arith.constant 8.000000e+00 : f32
      %mul3A_785 = vector.broadcast %mul3A_784 : f32 to vector<16xf32>
      %mul3A_786 = arith.mulf %get3A_783, %mul3A_785 : vector<16xf32>
      %add3A_787 = arith.addf %mul3A_786, %get3A_603 : vector<16xf32>
      %swap3A_788 = arith.constant 2 : i32
      %swap3A_789 = arith.index_cast %swap3A_788 : i32 to index
      %swap3A_790 = arith.index_cast %scan3A_591 : i32 to index
      %swap3A_791 = arith.constant 32 : index
      %swap3A_792 = tpu.vector_load %arg7[%swap3A_789, %swap3A_790, %swap3A_791] {strides = array<i32>} : memref<4x200x64xf32, #tpu.memory_space<vmem>>, vector<1x1x16xf32>,
      %swap3A_793 = vector.shape_cast %swap3A_792 : vector<1x1x16xf32> to vector<16xf32>
      %swap3A_794 = vector.shape_cast %add3A_787 : vector<16xf32> to vector<1x1x16xf32>
      tpu.vector_store %arg7[%swap3A_789, %swap3A_790, %swap3A_791], %swap3A_794 {strides = array<i32>} : memref<4x200x64xf32, #tpu.memory_space<vmem>>, vector<1x1x16xf32>,
      %get3A_795 = arith.constant 2 : i32
      %get3A_796 = arith.index_cast %get3A_795 : i32 to index
      %get3A_797 = arith.index_cast %scan3A_591 : i32 to index
      %get3A_798 = arith.constant 48 : index
      %get3A_799 = tpu.vector_load %arg7[%get3A_796, %get3A_797, %get3A_798] {strides = array<i32>} : memref<4x200x64xf32, #tpu.memory_space<vmem>>, vector<1x1x16xf32>,
      %get3A_800 = vector.shape_cast %get3A_799 : vector<1x1x16xf32> to vector<16xf32>
      %mul3A_801 = arith.constant 8.000000e+00 : f32
      %mul3A_802 = vector.broadcast %mul3A_801 : f32 to vector<16xf32>
      %mul3A_803 = arith.mulf %get3A_800, %mul3A_802 : vector<16xf32>
      %add3A_804 = arith.addf %mul3A_803, %get3A_607 : vector<16xf32>
      %swap3A_805 = arith.constant 2 : i32
      %swap3A_806 = arith.index_cast %swap3A_805 : i32 to index
      %swap3A_807 = arith.index_cast %scan3A_591 : i32 to index
      %swap3A_808 = arith.constant 48 : index
      %swap3A_809 = tpu.vector_load %arg7[%swap3A_806, %swap3A_807, %swap3A_808] {strides = array<i32>} : memref<4x200x64xf32, #tpu.memory_space<vmem>>, vector<1x1x16xf32>,
      %swap3A_810 = vector.shape_cast %swap3A_809 : vector<1x1x16xf32> to vector<16xf32>
      %swap3A_811 = vector.shape_cast %add3A_804 : vector<16xf32> to vector<1x1x16xf32>
      tpu.vector_store %arg7[%swap3A_806, %swap3A_807, %swap3A_808], %swap3A_811 {strides = array<i32>} : memref<4x200x64xf32, #tpu.memory_space<vmem>>, vector<1x1x16xf32>,
      %get3A_812 = arith.constant 3 : i32
      %get3A_813 = arith.index_cast %get3A_812 : i32 to index
      %get3A_814 = arith.index_cast %scan3A_591 : i32 to index
      %get3A_815 = arith.constant 0 : index
      %get3A_816 = tpu.vector_load %arg7[%get3A_813, %get3A_814, %get3A_815] {strides = array<i32>} : memref<4x200x64xf32, #tpu.memory_space<vmem>>, vector<1x1x16xf32>,
      %get3A_817 = vector.shape_cast %get3A_816 : vector<1x1x16xf32> to vector<16xf32>
      %mul3A_818 = arith.constant 8.000000e+00 : f32
      %mul3A_819 = vector.broadcast %mul3A_818 : f32 to vector<16xf32>
      %mul3A_820 = arith.mulf %get3A_817, %mul3A_819 : vector<16xf32>
      %add3A_821 = arith.addf %mul3A_820, %get3A_595 : vector<16xf32>
      %swap3A_822 = arith.constant 3 : i32
      %swap3A_823 = arith.index_cast %swap3A_822 : i32 to index
      %swap3A_824 = arith.index_cast %scan3A_591 : i32 to index
      %swap3A_825 = arith.constant 0 : index
      %swap3A_826 = tpu.vector_load %arg7[%swap3A_823, %swap3A_824, %swap3A_825] {strides = array<i32>} : memref<4x200x64xf32, #tpu.memory_space<vmem>>, vector<1x1x16xf32>,
      %swap3A_827 = vector.shape_cast %swap3A_826 : vector<1x1x16xf32> to vector<16xf32>
      %swap3A_828 = vector.shape_cast %add3A_821 : vector<16xf32> to vector<1x1x16xf32>
      tpu.vector_store %arg7[%swap3A_823, %swap3A_824, %swap3A_825], %swap3A_828 {strides = array<i32>} : memref<4x200x64xf32, #tpu.memory_space<vmem>>, vector<1x1x16xf32>,
      %get3A_829 = arith.constant 3 : i32
      %get3A_830 = arith.index_cast %get3A_829 : i32 to index
      %get3A_831 = arith.index_cast %scan3A_591 : i32 to index
      %get3A_832 = arith.constant 16 : index
      %get3A_833 = tpu.vector_load %arg7[%get3A_830, %get3A_831, %get3A_832] {strides = array<i32>} : memref<4x200x64xf32, #tpu.memory_space<vmem>>, vector<1x1x16xf32>,
      %get3A_834 = vector.shape_cast %get3A_833 : vector<1x1x16xf32> to vector<16xf32>
      %mul3A_835 = arith.constant 8.000000e+00 : f32
      %mul3A_836 = vector.broadcast %mul3A_835 : f32 to vector<16xf32>
      %mul3A_837 = arith.mulf %get3A_834, %mul3A_836 : vector<16xf32>
      %add3A_838 = arith.addf %mul3A_837, %get3A_599 : vector<16xf32>
      %swap3A_839 = arith.constant 3 : i32
      %swap3A_840 = arith.index_cast %swap3A_839 : i32 to index
      %swap3A_841 = arith.index_cast %scan3A_591 : i32 to index
      %swap3A_842 = arith.constant 16 : index
      %swap3A_843 = tpu.vector_load %arg7[%swap3A_840, %swap3A_841, %swap3A_842] {strides = array<i32>} : memref<4x200x64xf32, #tpu.memory_space<vmem>>, vector<1x1x16xf32>,
      %swap3A_844 = vector.shape_cast %swap3A_843 : vector<1x1x16xf32> to vector<16xf32>
      %swap3A_845 = vector.shape_cast %add3A_838 : vector<16xf32> to vector<1x1x16xf32>
      tpu.vector_store %arg7[%swap3A_840, %swap3A_841, %swap3A_842], %swap3A_845 {strides = array<i32>} : memref<4x200x64xf32, #tpu.memory_space<vmem>>, vector<1x1x16xf32>,
      %get3A_846 = arith.constant 3 : i32
      %get3A_847 = arith.index_cast %get3A_846 : i32 to index
      %get3A_848 = arith.index_cast %scan3A_591 : i32 to index
      %get3A_849 = arith.constant 32 : index
      %get3A_850 = tpu.vector_load %arg7[%get3A_847, %get3A_848, %get3A_849] {strides = array<i32>} : memref<4x200x64xf32, #tpu.memory_space<vmem>>, vector<1x1x16xf32>,
      %get3A_851 = vector.shape_cast %get3A_850 : vector<1x1x16xf32> to vector<16xf32>
      %mul3A_852 = arith.constant 8.000000e+00 : f32
      %mul3A_853 = vector.broadcast %mul3A_852 : f32 to vector<16xf32>
      %mul3A_854 = arith.mulf %get3A_851, %mul3A_853 : vector<16xf32>
      %add3A_855 = arith.addf %mul3A_854, %get3A_603 : vector<16xf32>
      %swap3A_856 = arith.constant 3 : i32
      %swap3A_857 = arith.index_cast %swap3A_856 : i32 to index
      %swap3A_858 = arith.index_cast %scan3A_591 : i32 to index
      %swap3A_859 = arith.constant 32 : index
      %swap3A_860 = tpu.vector_load %arg7[%swap3A_857, %swap3A_858, %swap3A_859] {strides = array<i32>} : memref<4x200x64xf32, #tpu.memory_space<vmem>>, vector<1x1x16xf32>,
      %swap3A_861 = vector.shape_cast %swap3A_860 : vector<1x1x16xf32> to vector<16xf32>
      %swap3A_862 = vector.shape_cast %add3A_855 : vector<16xf32> to vector<1x1x16xf32>
      tpu.vector_store %arg7[%swap3A_857, %swap3A_858, %swap3A_859], %swap3A_862 {strides = array<i32>} : memref<4x200x64xf32, #tpu.memory_space<vmem>>, vector<1x1x16xf32>,
      %get3A_863 = arith.constant 3 : i32
      %get3A_864 = arith.index_cast %get3A_863 : i32 to index
      %get3A_865 = arith.index_cast %scan3A_591 : i32 to index
      %get3A_866 = arith.constant 48 : index
      %get3A_867 = tpu.vector_load %arg7[%get3A_864, %get3A_865, %get3A_866] {strides = array<i32>} : memref<4x200x64xf32, #tpu.memory_space<vmem>>, vector<1x1x16xf32>,
      %get3A_868 = vector.shape_cast %get3A_867 : vector<1x1x16xf32> to vector<16xf32>
      %mul3A_869 = arith.constant 8.000000e+00 : f32
      %mul3A_870 = vector.broadcast %mul3A_869 : f32 to vector<16xf32>
      %mul3A_871 = arith.mulf %get3A_868, %mul3A_870 : vector<16xf32>
      %add3A_872 = arith.addf %mul3A_871, %get3A_607 : vector<16xf32>
      %swap3A_873 = arith.constant 3 : i32
      %swap3A_874 = arith.index_cast %swap3A_873 : i32 to index
      %swap3A_875 = arith.index_cast %scan3A_591 : i32 to index
      %swap3A_876 = arith.constant 48 : index
      %swap3A_877 = tpu.vector_load %arg7[%swap3A_874, %swap3A_875, %swap3A_876] {strides = array<i32>} : memref<4x200x64xf32, #tpu.memory_space<vmem>>, vector<1x1x16xf32>,
      %swap3A_878 = vector.shape_cast %swap3A_877 : vector<1x1x16xf32> to vector<16xf32>
      %swap3A_879 = vector.shape_cast %add3A_872 : vector<16xf32> to vector<1x1x16xf32>
      tpu.vector_store %arg7[%swap3A_874, %swap3A_875, %swap3A_876], %swap3A_879 {strides = array<i32>} : memref<4x200x64xf32, #tpu.memory_space<vmem>>, vector<1x1x16xf32>,
    }
    %scan3A_206 = arith.constant 200 : i32
    %add3A_207 = arith.constant 0 : i32
    %add3A_208 = arith.addi %mul3A_2, %add3A_207 : i32
    %dma_start3A_209 = arith.constant 0 : i32
    %dma_start3A_210 = arith.constant 0 : i32
    %dma_start3A_211 = tpu.memref_slice %arg5[%add3A_208, %dma_start3A_209, %dma_start3A_210] : memref<4096x200x128xf32, #tpu.memory_space<hbm>> -> memref<4x200x64xf32, #tpu.memory_space<hbm>>
    %dma_start3A_212 = arith.constant 0 : i32
    %dma_start3A_213 = arith.constant 0 : i32
    %dma_start3A_214 = tpu.memref_slice %arg5[%add3A_208, %dma_start3A_212, %dma_start3A_213] : memref<4096x200x128xf32, #tpu.memory_space<hbm>> -> memref<4x200x64xf32, #tpu.memory_space<hbm>>
    tpu.enqueue_dma source(%arg7 : memref<4x200x64xf32, #tpu.memory_space<vmem>>) target(%dma_start3A_214 : memref<4x200x64xf32, #tpu.memory_space<hbm>>) target_semaphore(%arg12 : memref<!tpu.dma_semaphore, #tpu.memory_space<semaphore_mem>>)
    %scan3A_215 = arith.constant 0 : i32
    %scan3A_216 = arith.constant 0 : i32
    %scan3A_217 = arith.constant 15 : i32
    %scan3A_218 = arith.addi %scan3A_216, %scan3A_217 : i32
    %scan3A_219 = arith.constant 1 : i32
    scf.for %scan3A_303 = %scan3A_216 to %scan3A_218 step %scan3A_219  : i32 {
      %mul3A_304 = arith.constant 2 : i32
      %mul3A_305 = arith.muli %mul3A_304, %scan3A_303 : i32
      %add3A_306 = arith.constant 1 : i32
      %add3A_307 = arith.addi %add3A_306, %mul3A_305 : i32
      %dma_wait3A_308 = arith.constant 1 : i32
      %dma_wait3A_309 = arith.constant 0 : i32
      %dma_wait3A_310 = arith.constant 0 : i32
      %dma_wait3A_311 = arith.constant 0 : i32
      %dma_wait3A_312 = arith.constant 0 : i32
      %dma_wait3A_313 = tpu.memref_slice %arg8[%dma_wait3A_310, %dma_wait3A_311, %dma_wait3A_312] : memref<4x200x64xf32, #tpu.memory_space<vmem>> -> memref<1x200x64xf32, #tpu.memory_space<vmem>>
      %dma_wait3A_314 = tpu.memref_squeeze %dma_wait3A_313 : memref<1x200x64xf32, #tpu.memory_space<vmem>> -> memref<200x64xf32, #tpu.memory_space<vmem>>
      %dma_wait3A_315 = arith.constant 0 : i32
      %dma_wait3A_316 = tpu.memref_slice %arg6[%dma_wait3A_308, %dma_wait3A_309, %dma_wait3A_315] : memref<2x4x200xi32, #tpu.memory_space<vmem>> -> memref<1x1x200xi32, #tpu.memory_space<vmem>>
      %dma_wait3A_317 = tpu.memref_squeeze %dma_wait3A_316 : memref<1x1x200xi32, #tpu.memory_space<vmem>> -> memref<200xi32, #tpu.memory_space<vmem>>
      %dma_wait3A_318 = arith.constant 0 : i32
      %dma_wait3A_319 = arith.constant 0 : i32
      %dma_wait3A_320 = tpu.memref_slice %arg3[%dma_wait3A_318, %dma_wait3A_319] : memref<1000000x64xf32, #tpu.memory_space<hbm>> -> memref<1000000x64xf32, #tpu.memory_space<hbm>>
      tpu.wait_indirect_dma semaphore(%arg10 : memref<!tpu.dma_semaphore, #tpu.memory_space<semaphore_mem>>) src(%dma_wait3A_320 : memref<1000000x64xf32, #tpu.memory_space<hbm>>) dst(%dma_wait3A_314 : memref<200x64xf32, #tpu.memory_space<vmem>>)
      %dma_wait3A_321 = arith.constant 1 : i32
      %dma_wait3A_322 = arith.constant 1 : i32
      %dma_wait3A_323 = arith.constant 1 : i32
      %dma_wait3A_324 = arith.constant 0 : i32
      %dma_wait3A_325 = arith.constant 0 : i32
      %dma_wait3A_326 = tpu.memref_slice %arg8[%dma_wait3A_323, %dma_wait3A_324, %dma_wait3A_325] : memref<4x200x64xf32, #tpu.memory_space<vmem>> -> memref<1x200x64xf32, #tpu.memory_space<vmem>>
      %dma_wait3A_327 = tpu.memref_squeeze %dma_wait3A_326 : memref<1x200x64xf32, #tpu.memory_space<vmem>> -> memref<200x64xf32, #tpu.memory_space<vmem>>
      %dma_wait3A_328 = arith.constant 0 : i32
      %dma_wait3A_329 = tpu.memref_slice %arg6[%dma_wait3A_321, %dma_wait3A_322, %dma_wait3A_328] : memref<2x4x200xi32, #tpu.memory_space<vmem>> -> memref<1x1x200xi32, #tpu.memory_space<vmem>>
      %dma_wait3A_330 = tpu.memref_squeeze %dma_wait3A_329 : memref<1x1x200xi32, #tpu.memory_space<vmem>> -> memref<200xi32, #tpu.memory_space<vmem>>
      %dma_wait3A_331 = arith.constant 0 : i32
      %dma_wait3A_332 = arith.constant 0 : i32
      %dma_wait3A_333 = tpu.memref_slice %arg3[%dma_wait3A_331, %dma_wait3A_332] : memref<1000000x64xf32, #tpu.memory_space<hbm>> -> memref<1000000x64xf32, #tpu.memory_space<hbm>>
      tpu.wait_indirect_dma semaphore(%arg10 : memref<!tpu.dma_semaphore, #tpu.memory_space<semaphore_mem>>) src(%dma_wait3A_333 : memref<1000000x64xf32, #tpu.memory_space<hbm>>) dst(%dma_wait3A_327 : memref<200x64xf32, #tpu.memory_space<vmem>>)
      %dma_wait3A_334 = arith.constant 1 : i32
      %dma_wait3A_335 = arith.constant 2 : i32
      %dma_wait3A_336 = arith.constant 2 : i32
      %dma_wait3A_337 = arith.constant 0 : i32
      %dma_wait3A_338 = arith.constant 0 : i32
      %dma_wait3A_339 = tpu.memref_slice %arg8[%dma_wait3A_336, %dma_wait3A_337, %dma_wait3A_338] : memref<4x200x64xf32, #tpu.memory_space<vmem>> -> memref<1x200x64xf32, #tpu.memory_space<vmem>>
      %dma_wait3A_340 = tpu.memref_squeeze %dma_wait3A_339 : memref<1x200x64xf32, #tpu.memory_space<vmem>> -> memref<200x64xf32, #tpu.memory_space<vmem>>
      %dma_wait3A_341 = arith.constant 0 : i32
      %dma_wait3A_342 = tpu.memref_slice %arg6[%dma_wait3A_334, %dma_wait3A_335, %dma_wait3A_341] : memref<2x4x200xi32, #tpu.memory_space<vmem>> -> memref<1x1x200xi32, #tpu.memory_space<vmem>>
      %dma_wait3A_343 = tpu.memref_squeeze %dma_wait3A_342 : memref<1x1x200xi32, #tpu.memory_space<vmem>> -> memref<200xi32, #tpu.memory_space<vmem>>
      %dma_wait3A_344 = arith.constant 0 : i32
      %dma_wait3A_345 = arith.constant 0 : i32
      %dma_wait3A_346 = tpu.memref_slice %arg3[%dma_wait3A_344, %dma_wait3A_345] : memref<1000000x64xf32, #tpu.memory_space<hbm>> -> memref<1000000x64xf32, #tpu.memory_space<hbm>>
      tpu.wait_indirect_dma semaphore(%arg10 : memref<!tpu.dma_semaphore, #tpu.memory_space<semaphore_mem>>) src(%dma_wait3A_346 : memref<1000000x64xf32, #tpu.memory_space<hbm>>) dst(%dma_wait3A_340 : memref<200x64xf32, #tpu.memory_space<vmem>>)
      %dma_wait3A_347 = arith.constant 1 : i32
      %dma_wait3A_348 = arith.constant 3 : i32
      %dma_wait3A_349 = arith.constant 3 : i32
      %dma_wait3A_350 = arith.constant 0 : i32
      %dma_wait3A_351 = arith.constant 0 : i32
      %dma_wait3A_352 = tpu.memref_slice %arg8[%dma_wait3A_349, %dma_wait3A_350, %dma_wait3A_351] : memref<4x200x64xf32, #tpu.memory_space<vmem>> -> memref<1x200x64xf32, #tpu.memory_space<vmem>>
      %dma_wait3A_353 = tpu.memref_squeeze %dma_wait3A_352 : memref<1x200x64xf32, #tpu.memory_space<vmem>> -> memref<200x64xf32, #tpu.memory_space<vmem>>
      %dma_wait3A_354 = arith.constant 0 : i32
      %dma_wait3A_355 = tpu.memref_slice %arg6[%dma_wait3A_347, %dma_wait3A_348, %dma_wait3A_354] : memref<2x4x200xi32, #tpu.memory_space<vmem>> -> memref<1x1x200xi32, #tpu.memory_space<vmem>>
      %dma_wait3A_356 = tpu.memref_squeeze %dma_wait3A_355 : memref<1x1x200xi32, #tpu.memory_space<vmem>> -> memref<200xi32, #tpu.memory_space<vmem>>
      %dma_wait3A_357 = arith.constant 0 : i32
      %dma_wait3A_358 = arith.constant 0 : i32
      %dma_wait3A_359 = tpu.memref_slice %arg3[%dma_wait3A_357, %dma_wait3A_358] : memref<1000000x64xf32, #tpu.memory_space<hbm>> -> memref<1000000x64xf32, #tpu.memory_space<hbm>>
      tpu.wait_indirect_dma semaphore(%arg10 : memref<!tpu.dma_semaphore, #tpu.memory_space<semaphore_mem>>) src(%dma_wait3A_359 : memref<1000000x64xf32, #tpu.memory_space<hbm>>) dst(%dma_wait3A_353 : memref<200x64xf32, #tpu.memory_space<vmem>>)
      %add3A_360 = arith.constant 1 : i32
      %add3A_361 = arith.addi %add3A_307, %add3A_360 : i32
      %mul3A_362 = arith.constant 4 : i32
      %mul3A_363 = arith.muli %add3A_361, %mul3A_362 : i32
      %add3A_364 = arith.addi %mul3A_2, %mul3A_363 : i32
      %dma_wait3A_365 = arith.constant 0 : i32
      %dma_wait3A_366 = arith.constant 0 : i32
      %dma_wait3A_367 = arith.constant 0 : i32
      %dma_wait3A_368 = tpu.memref_slice %arg6[%dma_wait3A_365, %dma_wait3A_366, %dma_wait3A_367] : memref<2x4x200xi32, #tpu.memory_space<vmem>> -> memref<1x4x200xi32, #tpu.memory_space<vmem>>
      %dma_wait3A_369 = tpu.memref_squeeze %dma_wait3A_368 : memref<1x4x200xi32, #tpu.memory_space<vmem>> -> memref<4x200xi32, #tpu.memory_space<vmem>>
      %dma_wait3A_370 = arith.constant 0 : i32
      %dma_wait3A_371 = tpu.memref_slice %arg2[%add3A_364, %dma_wait3A_370] : memref<4096x200xi32, #tpu.memory_space<hbm>> -> memref<4x200xi32, #tpu.memory_space<hbm>>
      %dma_wait3A_372 = arith.constant 0 : i32
      %dma_wait3A_373 = arith.constant 0 : i32
      %dma_wait3A_374 = tpu.memref_slice %arg6[%dma_wait3A_365, %dma_wait3A_372, %dma_wait3A_373] : memref<2x4x200xi32, #tpu.memory_space<vmem>> -> memref<1x4x200xi32, #tpu.memory_space<vmem>>
      %dma_wait3A_375 = tpu.memref_squeeze %dma_wait3A_374 : memref<1x4x200xi32, #tpu.memory_space<vmem>> -> memref<4x200xi32, #tpu.memory_space<vmem>>
      %dma_wait3A_376 = arith.constant 0 : i32
      %dma_wait3A_377 = tpu.memref_slice %arg2[%add3A_364, %dma_wait3A_376] : memref<4096x200xi32, #tpu.memory_space<hbm>> -> memref<4x200xi32, #tpu.memory_space<hbm>>
      tpu.wait_dma2 semaphore(%arg11 : memref<!tpu.dma_semaphore, #tpu.memory_space<semaphore_mem>>) src(%dma_wait3A_377 : memref<4x200xi32, #tpu.memory_space<hbm>>) dst(%dma_wait3A_375 : memref<4x200xi32, #tpu.memory_space<vmem>>)
      %sub3A = arith.constant 1 : i32
      %sub3A_378 = arith.subi %add3A_307, %sub3A : i32
      %mul3A_379 = arith.constant 4 : i32
      %mul3A_380 = arith.muli %sub3A_378, %mul3A_379 : i32
      %add3A_381 = arith.addi %mul3A_2, %mul3A_380 : i32
      %dma_wait3A_382 = arith.constant 0 : i32
      %dma_wait3A_383 = arith.constant 0 : i32
      %dma_wait3A_384 = tpu.memref_slice %arg5[%add3A_381, %dma_wait3A_382, %dma_wait3A_383] : memref<4096x200x128xf32, #tpu.memory_space<hbm>> -> memref<4x200x64xf32, #tpu.memory_space<hbm>>
      %dma_wait3A_385 = arith.constant 0 : i32
      %dma_wait3A_386 = arith.constant 0 : i32
      %dma_wait3A_387 = tpu.memref_slice %arg5[%add3A_381, %dma_wait3A_385, %dma_wait3A_386] : memref<4096x200x128xf32, #tpu.memory_space<hbm>> -> memref<4x200x64xf32, #tpu.memory_space<hbm>>
      tpu.wait_dma2 semaphore(%arg12 : memref<!tpu.dma_semaphore, #tpu.memory_space<semaphore_mem>>) src(%arg7 : memref<4x200x64xf32, #tpu.memory_space<vmem>>) dst(%dma_wait3A_387 : memref<4x200x64xf32, #tpu.memory_space<hbm>>)
      %dma_start3A_388 = arith.constant 0 : i32
      %dma_start3A_389 = arith.constant 0 : i32
      %dma_start3A_390 = arith.constant 0 : i32
      %dma_start3A_391 = arith.constant 0 : i32
      %dma_start3A_392 = arith.constant 0 : i32
      %dma_start3A_393 = tpu.memref_slice %arg7[%dma_start3A_390, %dma_start3A_391, %dma_start3A_392] : memref<4x200x64xf32, #tpu.memory_space<vmem>> -> memref<1x200x64xf32, #tpu.memory_space<vmem>>
      %dma_start3A_394 = tpu.memref_squeeze %dma_start3A_393 : memref<1x200x64xf32, #tpu.memory_space<vmem>> -> memref<200x64xf32, #tpu.memory_space<vmem>>
      %dma_start3A_395 = arith.constant 0 : i32
      %dma_start3A_396 = tpu.memref_slice %arg6[%dma_start3A_388, %dma_start3A_389, %dma_start3A_395] : memref<2x4x200xi32, #tpu.memory_space<vmem>> -> memref<1x1x200xi32, #tpu.memory_space<vmem>>
      %dma_start3A_397 = tpu.memref_squeeze %dma_start3A_396 : memref<1x1x200xi32, #tpu.memory_space<vmem>> -> memref<200xi32, #tpu.memory_space<vmem>>
      %dma_start3A_398 = arith.constant 0 : i32
      %dma_start3A_399 = arith.constant 0 : i32
      %dma_start3A_400 = tpu.memref_slice %arg3[%dma_start3A_398, %dma_start3A_399] : memref<1000000x64xf32, #tpu.memory_space<hbm>> -> memref<1000000x64xf32, #tpu.memory_space<hbm>>
      tpu.enqueue_indirect_dma source(%dma_start3A_400 : memref<1000000x64xf32, #tpu.memory_space<hbm>>) target(%dma_start3A_394 : memref<200x64xf32, #tpu.memory_space<vmem>>) offsets(%dma_start3A_397 : memref<200xi32, #tpu.memory_space<vmem>>) semaphore(%arg10 : memref<!tpu.dma_semaphore, #tpu.memory_space<semaphore_mem>>)
      %dma_start3A_401 = arith.constant 0 : i32
      %dma_start3A_402 = arith.constant 1 : i32
      %dma_start3A_403 = arith.constant 1 : i32
      %dma_start3A_404 = arith.constant 0 : i32
      %dma_start3A_405 = arith.constant 0 : i32
      %dma_start3A_406 = tpu.memref_slice %arg7[%dma_start3A_403, %dma_start3A_404, %dma_start3A_405] : memref<4x200x64xf32, #tpu.memory_space<vmem>> -> memref<1x200x64xf32, #tpu.memory_space<vmem>>
      %dma_start3A_407 = tpu.memref_squeeze %dma_start3A_406 : memref<1x200x64xf32, #tpu.memory_space<vmem>> -> memref<200x64xf32, #tpu.memory_space<vmem>>
      %dma_start3A_408 = arith.constant 0 : i32
      %dma_start3A_409 = tpu.memref_slice %arg6[%dma_start3A_401, %dma_start3A_402, %dma_start3A_408] : memref<2x4x200xi32, #tpu.memory_space<vmem>> -> memref<1x1x200xi32, #tpu.memory_space<vmem>>
      %dma_start3A_410 = tpu.memref_squeeze %dma_start3A_409 : memref<1x1x200xi32, #tpu.memory_space<vmem>> -> memref<200xi32, #tpu.memory_space<vmem>>
      %dma_start3A_411 = arith.constant 0 : i32
      %dma_start3A_412 = arith.constant 0 : i32
      %dma_start3A_413 = tpu.memref_slice %arg3[%dma_start3A_411, %dma_start3A_412] : memref<1000000x64xf32, #tpu.memory_space<hbm>> -> memref<1000000x64xf32, #tpu.memory_space<hbm>>
      tpu.enqueue_indirect_dma source(%dma_start3A_413 : memref<1000000x64xf32, #tpu.memory_space<hbm>>) target(%dma_start3A_407 : memref<200x64xf32, #tpu.memory_space<vmem>>) offsets(%dma_start3A_410 : memref<200xi32, #tpu.memory_space<vmem>>) semaphore(%arg10 : memref<!tpu.dma_semaphore, #tpu.memory_space<semaphore_mem>>)
      %dma_start3A_414 = arith.constant 0 : i32
      %dma_start3A_415 = arith.constant 2 : i32
      %dma_start3A_416 = arith.constant 2 : i32
      %dma_start3A_417 = arith.constant 0 : i32
      %dma_start3A_418 = arith.constant 0 : i32
      %dma_start3A_419 = tpu.memref_slice %arg7[%dma_start3A_416, %dma_start3A_417, %dma_start3A_418] : memref<4x200x64xf32, #tpu.memory_space<vmem>> -> memref<1x200x64xf32, #tpu.memory_space<vmem>>
      %dma_start3A_420 = tpu.memref_squeeze %dma_start3A_419 : memref<1x200x64xf32, #tpu.memory_space<vmem>> -> memref<200x64xf32, #tpu.memory_space<vmem>>
      %dma_start3A_421 = arith.constant 0 : i32
      %dma_start3A_422 = tpu.memref_slice %arg6[%dma_start3A_414, %dma_start3A_415, %dma_start3A_421] : memref<2x4x200xi32, #tpu.memory_space<vmem>> -> memref<1x1x200xi32, #tpu.memory_space<vmem>>
      %dma_start3A_423 = tpu.memref_squeeze %dma_start3A_422 : memref<1x1x200xi32, #tpu.memory_space<vmem>> -> memref<200xi32, #tpu.memory_space<vmem>>
      %dma_start3A_424 = arith.constant 0 : i32
      %dma_start3A_425 = arith.constant 0 : i32
      %dma_start3A_426 = tpu.memref_slice %arg3[%dma_start3A_424, %dma_start3A_425] : memref<1000000x64xf32, #tpu.memory_space<hbm>> -> memref<1000000x64xf32, #tpu.memory_space<hbm>>
      tpu.enqueue_indirect_dma source(%dma_start3A_426 : memref<1000000x64xf32, #tpu.memory_space<hbm>>) target(%dma_start3A_420 : memref<200x64xf32, #tpu.memory_space<vmem>>) offsets(%dma_start3A_423 : memref<200xi32, #tpu.memory_space<vmem>>) semaphore(%arg10 : memref<!tpu.dma_semaphore, #tpu.memory_space<semaphore_mem>>)
      %dma_start3A_427 = arith.constant 0 : i32
      %dma_start3A_428 = arith.constant 3 : i32
      %dma_start3A_429 = arith.constant 3 : i32
      %dma_start3A_430 = arith.constant 0 : i32
      %dma_start3A_431 = arith.constant 0 : i32
      %dma_start3A_432 = tpu.memref_slice %arg7[%dma_start3A_429, %dma_start3A_430, %dma_start3A_431] : memref<4x200x64xf32, #tpu.memory_space<vmem>> -> memref<1x200x64xf32, #tpu.memory_space<vmem>>
      %dma_start3A_433 = tpu.memref_squeeze %dma_start3A_432 : memref<1x200x64xf32, #tpu.memory_space<vmem>> -> memref<200x64xf32, #tpu.memory_space<vmem>>
      %dma_start3A_434 = arith.constant 0 : i32
      %dma_start3A_435 = tpu.memref_slice %arg6[%dma_start3A_427, %dma_start3A_428, %dma_start3A_434] : memref<2x4x200xi32, #tpu.memory_space<vmem>> -> memref<1x1x200xi32, #tpu.memory_space<vmem>>
      %dma_start3A_436 = tpu.memref_squeeze %dma_start3A_435 : memref<1x1x200xi32, #tpu.memory_space<vmem>> -> memref<200xi32, #tpu.memory_space<vmem>>
      %dma_start3A_437 = arith.constant 0 : i32
      %dma_start3A_438 = arith.constant 0 : i32
      %dma_start3A_439 = tpu.memref_slice %arg3[%dma_start3A_437, %dma_start3A_438] : memref<1000000x64xf32, #tpu.memory_space<hbm>> -> memref<1000000x64xf32, #tpu.memory_space<hbm>>
      tpu.enqueue_indirect_dma source(%dma_start3A_439 : memref<1000000x64xf32, #tpu.memory_space<hbm>>) target(%dma_start3A_433 : memref<200x64xf32, #tpu.memory_space<vmem>>) offsets(%dma_start3A_436 : memref<200xi32, #tpu.memory_space<vmem>>) semaphore(%arg10 : memref<!tpu.dma_semaphore, #tpu.memory_space<semaphore_mem>>)
      %add3A_440 = arith.constant 2 : i32
      %add3A_441 = arith.addi %add3A_307, %add3A_440 : i32
      %lt3A = arith.constant 32 : i32
      %lt3A_442 = arith.cmpi slt, %add3A_441, %lt3A : i32
      %convert_element_type3A = arith.extui %lt3A_442 : i1 to i32
      %cond3A = arith.constant 0 : i32
      %cond3A_443 = arith.cmpi ne, %convert_element_type3A, %cond3A : i32
      scf.if %cond3A_443 {
        %add3A_616 = arith.constant 2 : i32
        %add3A_617 = arith.addi %add3A_307, %add3A_616 : i32
        %mul3A_618 = arith.constant 4 : i32
        %mul3A_619 = arith.muli %add3A_617, %mul3A_618 : i32
        %add3A_620 = arith.addi %mul3A_2, %mul3A_619 : i32
        %dma_start3A_621 = arith.constant 1 : i32
        %dma_start3A_622 = arith.constant 0 : i32
        %dma_start3A_623 = arith.constant 0 : i32
        %dma_start3A_624 = tpu.memref_slice %arg6[%dma_start3A_621, %dma_start3A_622, %dma_start3A_623] : memref<2x4x200xi32, #tpu.memory_space<vmem>> -> memref<1x4x200xi32, #tpu.memory_space<vmem>>
        %dma_start3A_625 = tpu.memref_squeeze %dma_start3A_624 : memref<1x4x200xi32, #tpu.memory_space<vmem>> -> memref<4x200xi32, #tpu.memory_space<vmem>>
        %dma_start3A_626 = arith.constant 0 : i32
        %dma_start3A_627 = tpu.memref_slice %arg2[%add3A_620, %dma_start3A_626] : memref<4096x200xi32, #tpu.memory_space<hbm>> -> memref<4x200xi32, #tpu.memory_space<hbm>>
        %dma_start3A_628 = arith.constant 0 : i32
        %dma_start3A_629 = arith.constant 0 : i32
        %dma_start3A_630 = tpu.memref_slice %arg6[%dma_start3A_621, %dma_start3A_628, %dma_start3A_629] : memref<2x4x200xi32, #tpu.memory_space<vmem>> -> memref<1x4x200xi32, #tpu.memory_space<vmem>>
        %dma_start3A_631 = tpu.memref_squeeze %dma_start3A_630 : memref<1x4x200xi32, #tpu.memory_space<vmem>> -> memref<4x200xi32, #tpu.memory_space<vmem>>
        %dma_start3A_632 = arith.constant 0 : i32
        %dma_start3A_633 = tpu.memref_slice %arg2[%add3A_620, %dma_start3A_632] : memref<4096x200xi32, #tpu.memory_space<hbm>> -> memref<4x200xi32, #tpu.memory_space<hbm>>
        tpu.enqueue_dma source(%dma_start3A_633 : memref<4x200xi32, #tpu.memory_space<hbm>>) target(%dma_start3A_631 : memref<4x200xi32, #tpu.memory_space<vmem>>) target_semaphore(%arg11 : memref<!tpu.dma_semaphore, #tpu.memory_space<semaphore_mem>>)
      } else {
      }
      %scan3A_444 = arith.constant 0 : i32
      %scan3A_445 = arith.constant 0 : i32
      %scan3A_446 = arith.constant 200 : i32
      %scan3A_447 = arith.addi %scan3A_445, %scan3A_446 : i32
      %scan3A_448 = arith.constant 2 : i32
      scf.for %scan3A_616 = %scan3A_445 to %scan3A_447 step %scan3A_448  : i32 {
        %get3A = arith.index_cast %scan3A_616 : i32 to index
        %get3A_617 = arith.constant 0 : index
        %get3A_618 = tpu.vector_load %arg9[%get3A, %get3A_617] {strides = array<i32>} : memref<200x64xf32, #tpu.memory_space<vmem>>, vector<1x16xf32>,
        %get3A_619 = vector.shape_cast %get3A_618 : vector<1x16xf32> to vector<16xf32>
        %get3A_620 = arith.index_cast %scan3A_616 : i32 to index
        %get3A_621 = arith.constant 16 : index
        %get3A_622 = tpu.vector_load %arg9[%get3A_620, %get3A_621] {strides = array<i32>} : memref<200x64xf32, #tpu.memory_space<vmem>>, vector<1x16xf32>,
        %get3A_623 = vector.shape_cast %get3A_622 : vector<1x16xf32> to vector<16xf32>
        %get3A_624 = arith.index_cast %scan3A_616 : i32 to index
        %get3A_625 = arith.constant 32 : index
        %get3A_626 = tpu.vector_load %arg9[%get3A_624, %get3A_625] {strides = array<i32>} : memref<200x64xf32, #tpu.memory_space<vmem>>, vector<1x16xf32>,
        %get3A_627 = vector.shape_cast %get3A_626 : vector<1x16xf32> to vector<16xf32>
        %get3A_628 = arith.index_cast %scan3A_616 : i32 to index
        %get3A_629 = arith.constant 48 : index
        %get3A_630 = tpu.vector_load %arg9[%get3A_628, %get3A_629] {strides = array<i32>} : memref<200x64xf32, #tpu.memory_space<vmem>>, vector<1x16xf32>,
        %get3A_631 = vector.shape_cast %get3A_630 : vector<1x16xf32> to vector<16xf32>
        %get3A_632 = arith.constant 0 : i32
        %get3A_633 = arith.index_cast %get3A_632 : i32 to index
        %get3A_634 = arith.index_cast %scan3A_616 : i32 to index
        %get3A_635 = arith.constant 0 : index
        %get3A_636 = tpu.vector_load %arg8[%get3A_633, %get3A_634, %get3A_635] {strides = array<i32>} : memref<4x200x64xf32, #tpu.memory_space<vmem>>, vector<1x1x16xf32>,
        %get3A_637 = vector.shape_cast %get3A_636 : vector<1x1x16xf32> to vector<16xf32>
        %mul3A_638 = arith.constant 8.000000e+00 : f32
        %mul3A_639 = vector.broadcast %mul3A_638 : f32 to vector<16xf32>
        %mul3A_640 = arith.mulf %get3A_637, %mul3A_639 : vector<16xf32>
        %add3A_641 = arith.addf %mul3A_640, %get3A_619 : vector<16xf32>
        %swap3A = arith.constant 0 : i32
        %swap3A_642 = arith.index_cast %swap3A : i32 to index
        %swap3A_643 = arith.index_cast %scan3A_616 : i32 to index
        %swap3A_644 = arith.constant 0 : index
        %swap3A_645 = tpu.vector_load %arg8[%swap3A_642, %swap3A_643, %swap3A_644] {strides = array<i32>} : memref<4x200x64xf32, #tpu.memory_space<vmem>>, vector<1x1x16xf32>,
        %swap3A_646 = vector.shape_cast %swap3A_645 : vector<1x1x16xf32> to vector<16xf32>
        %swap3A_647 = vector.shape_cast %add3A_641 : vector<16xf32> to vector<1x1x16xf32>
        tpu.vector_store %arg8[%swap3A_642, %swap3A_643, %swap3A_644], %swap3A_647 {strides = array<i32>} : memref<4x200x64xf32, #tpu.memory_space<vmem>>, vector<1x1x16xf32>,
        %get3A_648 = arith.constant 0 : i32
        %get3A_649 = arith.index_cast %get3A_648 : i32 to index
        %get3A_650 = arith.index_cast %scan3A_616 : i32 to index
        %get3A_651 = arith.constant 16 : index
        %get3A_652 = tpu.vector_load %arg8[%get3A_649, %get3A_650, %get3A_651] {strides = array<i32>} : memref<4x200x64xf32, #tpu.memory_space<vmem>>, vector<1x1x16xf32>,
        %get3A_653 = vector.shape_cast %get3A_652 : vector<1x1x16xf32> to vector<16xf32>
        %mul3A_654 = arith.constant 8.000000e+00 : f32
        %mul3A_655 = vector.broadcast %mul3A_654 : f32 to vector<16xf32>
        %mul3A_656 = arith.mulf %get3A_653, %mul3A_655 : vector<16xf32>
        %add3A_657 = arith.addf %mul3A_656, %get3A_623 : vector<16xf32>
        %swap3A_658 = arith.constant 0 : i32
        %swap3A_659 = arith.index_cast %swap3A_658 : i32 to index
        %swap3A_660 = arith.index_cast %scan3A_616 : i32 to index
        %swap3A_661 = arith.constant 16 : index
        %swap3A_662 = tpu.vector_load %arg8[%swap3A_659, %swap3A_660, %swap3A_661] {strides = array<i32>} : memref<4x200x64xf32, #tpu.memory_space<vmem>>, vector<1x1x16xf32>,
        %swap3A_663 = vector.shape_cast %swap3A_662 : vector<1x1x16xf32> to vector<16xf32>
        %swap3A_664 = vector.shape_cast %add3A_657 : vector<16xf32> to vector<1x1x16xf32>
        tpu.vector_store %arg8[%swap3A_659, %swap3A_660, %swap3A_661], %swap3A_664 {strides = array<i32>} : memref<4x200x64xf32, #tpu.memory_space<vmem>>, vector<1x1x16xf32>,
        %get3A_665 = arith.constant 0 : i32
        %get3A_666 = arith.index_cast %get3A_665 : i32 to index
        %get3A_667 = arith.index_cast %scan3A_616 : i32 to index
        %get3A_668 = arith.constant 32 : index
        %get3A_669 = tpu.vector_load %arg8[%get3A_666, %get3A_667, %get3A_668] {strides = array<i32>} : memref<4x200x64xf32, #tpu.memory_space<vmem>>, vector<1x1x16xf32>,
        %get3A_670 = vector.shape_cast %get3A_669 : vector<1x1x16xf32> to vector<16xf32>
        %mul3A_671 = arith.constant 8.000000e+00 : f32
        %mul3A_672 = vector.broadcast %mul3A_671 : f32 to vector<16xf32>
        %mul3A_673 = arith.mulf %get3A_670, %mul3A_672 : vector<16xf32>
        %add3A_674 = arith.addf %mul3A_673, %get3A_627 : vector<16xf32>
        %swap3A_675 = arith.constant 0 : i32
        %swap3A_676 = arith.index_cast %swap3A_675 : i32 to index
        %swap3A_677 = arith.index_cast %scan3A_616 : i32 to index
        %swap3A_678 = arith.constant 32 : index
        %swap3A_679 = tpu.vector_load %arg8[%swap3A_676, %swap3A_677, %swap3A_678] {strides = array<i32>} : memref<4x200x64xf32, #tpu.memory_space<vmem>>, vector<1x1x16xf32>,
        %swap3A_680 = vector.shape_cast %swap3A_679 : vector<1x1x16xf32> to vector<16xf32>
        %swap3A_681 = vector.shape_cast %add3A_674 : vector<16xf32> to vector<1x1x16xf32>
        tpu.vector_store %arg8[%swap3A_676, %swap3A_677, %swap3A_678], %swap3A_681 {strides = array<i32>} : memref<4x200x64xf32, #tpu.memory_space<vmem>>, vector<1x1x16xf32>,
        %get3A_682 = arith.constant 0 : i32
        %get3A_683 = arith.index_cast %get3A_682 : i32 to index
        %get3A_684 = arith.index_cast %scan3A_616 : i32 to index
        %get3A_685 = arith.constant 48 : index
        %get3A_686 = tpu.vector_load %arg8[%get3A_683, %get3A_684, %get3A_685] {strides = array<i32>} : memref<4x200x64xf32, #tpu.memory_space<vmem>>, vector<1x1x16xf32>,
        %get3A_687 = vector.shape_cast %get3A_686 : vector<1x1x16xf32> to vector<16xf32>
        %mul3A_688 = arith.constant 8.000000e+00 : f32
        %mul3A_689 = vector.broadcast %mul3A_688 : f32 to vector<16xf32>
        %mul3A_690 = arith.mulf %get3A_687, %mul3A_689 : vector<16xf32>
        %add3A_691 = arith.addf %mul3A_690, %get3A_631 : vector<16xf32>
        %swap3A_692 = arith.constant 0 : i32
        %swap3A_693 = arith.index_cast %swap3A_692 : i32 to index
        %swap3A_694 = arith.index_cast %scan3A_616 : i32 to index
        %swap3A_695 = arith.constant 48 : index
        %swap3A_696 = tpu.vector_load %arg8[%swap3A_693, %swap3A_694, %swap3A_695] {strides = array<i32>} : memref<4x200x64xf32, #tpu.memory_space<vmem>>, vector<1x1x16xf32>,
        %swap3A_697 = vector.shape_cast %swap3A_696 : vector<1x1x16xf32> to vector<16xf32>
        %swap3A_698 = vector.shape_cast %add3A_691 : vector<16xf32> to vector<1x1x16xf32>
        tpu.vector_store %arg8[%swap3A_693, %swap3A_694, %swap3A_695], %swap3A_698 {strides = array<i32>} : memref<4x200x64xf32, #tpu.memory_space<vmem>>, vector<1x1x16xf32>,
        %get3A_699 = arith.constant 1 : i32
        %get3A_700 = arith.index_cast %get3A_699 : i32 to index
        %get3A_701 = arith.index_cast %scan3A_616 : i32 to index
        %get3A_702 = arith.constant 0 : index
        %get3A_703 = tpu.vector_load %arg8[%get3A_700, %get3A_701, %get3A_702] {strides = array<i32>} : memref<4x200x64xf32, #tpu.memory_space<vmem>>, vector<1x1x16xf32>,
        %get3A_704 = vector.shape_cast %get3A_703 : vector<1x1x16xf32> to vector<16xf32>
        %mul3A_705 = arith.constant 8.000000e+00 : f32
        %mul3A_706 = vector.broadcast %mul3A_705 : f32 to vector<16xf32>
        %mul3A_707 = arith.mulf %get3A_704, %mul3A_706 : vector<16xf32>
        %add3A_708 = arith.addf %mul3A_707, %get3A_619 : vector<16xf32>
        %swap3A_709 = arith.constant 1 : i32
        %swap3A_710 = arith.index_cast %swap3A_709 : i32 to index
        %swap3A_711 = arith.index_cast %scan3A_616 : i32 to index
        %swap3A_712 = arith.constant 0 : index
        %swap3A_713 = tpu.vector_load %arg8[%swap3A_710, %swap3A_711, %swap3A_712] {strides = array<i32>} : memref<4x200x64xf32, #tpu.memory_space<vmem>>, vector<1x1x16xf32>,
        %swap3A_714 = vector.shape_cast %swap3A_713 : vector<1x1x16xf32> to vector<16xf32>
        %swap3A_715 = vector.shape_cast %add3A_708 : vector<16xf32> to vector<1x1x16xf32>
        tpu.vector_store %arg8[%swap3A_710, %swap3A_711, %swap3A_712], %swap3A_715 {strides = array<i32>} : memref<4x200x64xf32, #tpu.memory_space<vmem>>, vector<1x1x16xf32>,
        %get3A_716 = arith.constant 1 : i32
        %get3A_717 = arith.index_cast %get3A_716 : i32 to index
        %get3A_718 = arith.index_cast %scan3A_616 : i32 to index
        %get3A_719 = arith.constant 16 : index
        %get3A_720 = tpu.vector_load %arg8[%get3A_717, %get3A_718, %get3A_719] {strides = array<i32>} : memref<4x200x64xf32, #tpu.memory_space<vmem>>, vector<1x1x16xf32>,
        %get3A_721 = vector.shape_cast %get3A_720 : vector<1x1x16xf32> to vector<16xf32>
        %mul3A_722 = arith.constant 8.000000e+00 : f32
        %mul3A_723 = vector.broadcast %mul3A_722 : f32 to vector<16xf32>
        %mul3A_724 = arith.mulf %get3A_721, %mul3A_723 : vector<16xf32>
        %add3A_725 = arith.addf %mul3A_724, %get3A_623 : vector<16xf32>
        %swap3A_726 = arith.constant 1 : i32
        %swap3A_727 = arith.index_cast %swap3A_726 : i32 to index
        %swap3A_728 = arith.index_cast %scan3A_616 : i32 to index
        %swap3A_729 = arith.constant 16 : index
        %swap3A_730 = tpu.vector_load %arg8[%swap3A_727, %swap3A_728, %swap3A_729] {strides = array<i32>} : memref<4x200x64xf32, #tpu.memory_space<vmem>>, vector<1x1x16xf32>,
        %swap3A_731 = vector.shape_cast %swap3A_730 : vector<1x1x16xf32> to vector<16xf32>
        %swap3A_732 = vector.shape_cast %add3A_725 : vector<16xf32> to vector<1x1x16xf32>
        tpu.vector_store %arg8[%swap3A_727, %swap3A_728, %swap3A_729], %swap3A_732 {strides = array<i32>} : memref<4x200x64xf32, #tpu.memory_space<vmem>>, vector<1x1x16xf32>,
        %get3A_733 = arith.constant 1 : i32
        %get3A_734 = arith.index_cast %get3A_733 : i32 to index
        %get3A_735 = arith.index_cast %scan3A_616 : i32 to index
        %get3A_736 = arith.constant 32 : index
        %get3A_737 = tpu.vector_load %arg8[%get3A_734, %get3A_735, %get3A_736] {strides = array<i32>} : memref<4x200x64xf32, #tpu.memory_space<vmem>>, vector<1x1x16xf32>,
        %get3A_738 = vector.shape_cast %get3A_737 : vector<1x1x16xf32> to vector<16xf32>
        %mul3A_739 = arith.constant 8.000000e+00 : f32
        %mul3A_740 = vector.broadcast %mul3A_739 : f32 to vector<16xf32>
        %mul3A_741 = arith.mulf %get3A_738, %mul3A_740 : vector<16xf32>
        %add3A_742 = arith.addf %mul3A_741, %get3A_627 : vector<16xf32>
        %swap3A_743 = arith.constant 1 : i32
        %swap3A_744 = arith.index_cast %swap3A_743 : i32 to index
        %swap3A_745 = arith.index_cast %scan3A_616 : i32 to index
        %swap3A_746 = arith.constant 32 : index
        %swap3A_747 = tpu.vector_load %arg8[%swap3A_744, %swap3A_745, %swap3A_746] {strides = array<i32>} : memref<4x200x64xf32, #tpu.memory_space<vmem>>, vector<1x1x16xf32>,
        %swap3A_748 = vector.shape_cast %swap3A_747 : vector<1x1x16xf32> to vector<16xf32>
        %swap3A_749 = vector.shape_cast %add3A_742 : vector<16xf32> to vector<1x1x16xf32>
        tpu.vector_store %arg8[%swap3A_744, %swap3A_745, %swap3A_746], %swap3A_749 {strides = array<i32>} : memref<4x200x64xf32, #tpu.memory_space<vmem>>, vector<1x1x16xf32>,
        %get3A_750 = arith.constant 1 : i32
        %get3A_751 = arith.index_cast %get3A_750 : i32 to index
        %get3A_752 = arith.index_cast %scan3A_616 : i32 to index
        %get3A_753 = arith.constant 48 : index
        %get3A_754 = tpu.vector_load %arg8[%get3A_751, %get3A_752, %get3A_753] {strides = array<i32>} : memref<4x200x64xf32, #tpu.memory_space<vmem>>, vector<1x1x16xf32>,
        %get3A_755 = vector.shape_cast %get3A_754 : vector<1x1x16xf32> to vector<16xf32>
        %mul3A_756 = arith.constant 8.000000e+00 : f32
        %mul3A_757 = vector.broadcast %mul3A_756 : f32 to vector<16xf32>
        %mul3A_758 = arith.mulf %get3A_755, %mul3A_757 : vector<16xf32>
        %add3A_759 = arith.addf %mul3A_758, %get3A_631 : vector<16xf32>
        %swap3A_760 = arith.constant 1 : i32
        %swap3A_761 = arith.index_cast %swap3A_760 : i32 to index
        %swap3A_762 = arith.index_cast %scan3A_616 : i32 to index
        %swap3A_763 = arith.constant 48 : index
        %swap3A_764 = tpu.vector_load %arg8[%swap3A_761, %swap3A_762, %swap3A_763] {strides = array<i32>} : memref<4x200x64xf32, #tpu.memory_space<vmem>>, vector<1x1x16xf32>,
        %swap3A_765 = vector.shape_cast %swap3A_764 : vector<1x1x16xf32> to vector<16xf32>
        %swap3A_766 = vector.shape_cast %add3A_759 : vector<16xf32> to vector<1x1x16xf32>
        tpu.vector_store %arg8[%swap3A_761, %swap3A_762, %swap3A_763], %swap3A_766 {strides = array<i32>} : memref<4x200x64xf32, #tpu.memory_space<vmem>>, vector<1x1x16xf32>,
        %get3A_767 = arith.constant 2 : i32
        %get3A_768 = arith.index_cast %get3A_767 : i32 to index
        %get3A_769 = arith.index_cast %scan3A_616 : i32 to index
        %get3A_770 = arith.constant 0 : index
        %get3A_771 = tpu.vector_load %arg8[%get3A_768, %get3A_769, %get3A_770] {strides = array<i32>} : memref<4x200x64xf32, #tpu.memory_space<vmem>>, vector<1x1x16xf32>,
        %get3A_772 = vector.shape_cast %get3A_771 : vector<1x1x16xf32> to vector<16xf32>
        %mul3A_773 = arith.constant 8.000000e+00 : f32
        %mul3A_774 = vector.broadcast %mul3A_773 : f32 to vector<16xf32>
        %mul3A_775 = arith.mulf %get3A_772, %mul3A_774 : vector<16xf32>
        %add3A_776 = arith.addf %mul3A_775, %get3A_619 : vector<16xf32>
        %swap3A_777 = arith.constant 2 : i32
        %swap3A_778 = arith.index_cast %swap3A_777 : i32 to index
        %swap3A_779 = arith.index_cast %scan3A_616 : i32 to index
        %swap3A_780 = arith.constant 0 : index
        %swap3A_781 = tpu.vector_load %arg8[%swap3A_778, %swap3A_779, %swap3A_780] {strides = array<i32>} : memref<4x200x64xf32, #tpu.memory_space<vmem>>, vector<1x1x16xf32>,
        %swap3A_782 = vector.shape_cast %swap3A_781 : vector<1x1x16xf32> to vector<16xf32>
        %swap3A_783 = vector.shape_cast %add3A_776 : vector<16xf32> to vector<1x1x16xf32>
        tpu.vector_store %arg8[%swap3A_778, %swap3A_779, %swap3A_780], %swap3A_783 {strides = array<i32>} : memref<4x200x64xf32, #tpu.memory_space<vmem>>, vector<1x1x16xf32>,
        %get3A_784 = arith.constant 2 : i32
        %get3A_785 = arith.index_cast %get3A_784 : i32 to index
        %get3A_786 = arith.index_cast %scan3A_616 : i32 to index
        %get3A_787 = arith.constant 16 : index
        %get3A_788 = tpu.vector_load %arg8[%get3A_785, %get3A_786, %get3A_787] {strides = array<i32>} : memref<4x200x64xf32, #tpu.memory_space<vmem>>, vector<1x1x16xf32>,
        %get3A_789 = vector.shape_cast %get3A_788 : vector<1x1x16xf32> to vector<16xf32>
        %mul3A_790 = arith.constant 8.000000e+00 : f32
        %mul3A_791 = vector.broadcast %mul3A_790 : f32 to vector<16xf32>
        %mul3A_792 = arith.mulf %get3A_789, %mul3A_791 : vector<16xf32>
        %add3A_793 = arith.addf %mul3A_792, %get3A_623 : vector<16xf32>
        %swap3A_794 = arith.constant 2 : i32
        %swap3A_795 = arith.index_cast %swap3A_794 : i32 to index
        %swap3A_796 = arith.index_cast %scan3A_616 : i32 to index
        %swap3A_797 = arith.constant 16 : index
        %swap3A_798 = tpu.vector_load %arg8[%swap3A_795, %swap3A_796, %swap3A_797] {strides = array<i32>} : memref<4x200x64xf32, #tpu.memory_space<vmem>>, vector<1x1x16xf32>,
        %swap3A_799 = vector.shape_cast %swap3A_798 : vector<1x1x16xf32> to vector<16xf32>
        %swap3A_800 = vector.shape_cast %add3A_793 : vector<16xf32> to vector<1x1x16xf32>
        tpu.vector_store %arg8[%swap3A_795, %swap3A_796, %swap3A_797], %swap3A_800 {strides = array<i32>} : memref<4x200x64xf32, #tpu.memory_space<vmem>>, vector<1x1x16xf32>,
        %get3A_801 = arith.constant 2 : i32
        %get3A_802 = arith.index_cast %get3A_801 : i32 to index
        %get3A_803 = arith.index_cast %scan3A_616 : i32 to index
        %get3A_804 = arith.constant 32 : index
        %get3A_805 = tpu.vector_load %arg8[%get3A_802, %get3A_803, %get3A_804] {strides = array<i32>} : memref<4x200x64xf32, #tpu.memory_space<vmem>>, vector<1x1x16xf32>,
        %get3A_806 = vector.shape_cast %get3A_805 : vector<1x1x16xf32> to vector<16xf32>
        %mul3A_807 = arith.constant 8.000000e+00 : f32
        %mul3A_808 = vector.broadcast %mul3A_807 : f32 to vector<16xf32>
        %mul3A_809 = arith.mulf %get3A_806, %mul3A_808 : vector<16xf32>
        %add3A_810 = arith.addf %mul3A_809, %get3A_627 : vector<16xf32>
        %swap3A_811 = arith.constant 2 : i32
        %swap3A_812 = arith.index_cast %swap3A_811 : i32 to index
        %swap3A_813 = arith.index_cast %scan3A_616 : i32 to index
        %swap3A_814 = arith.constant 32 : index
        %swap3A_815 = tpu.vector_load %arg8[%swap3A_812, %swap3A_813, %swap3A_814] {strides = array<i32>} : memref<4x200x64xf32, #tpu.memory_space<vmem>>, vector<1x1x16xf32>,
        %swap3A_816 = vector.shape_cast %swap3A_815 : vector<1x1x16xf32> to vector<16xf32>
        %swap3A_817 = vector.shape_cast %add3A_810 : vector<16xf32> to vector<1x1x16xf32>
        tpu.vector_store %arg8[%swap3A_812, %swap3A_813, %swap3A_814], %swap3A_817 {strides = array<i32>} : memref<4x200x64xf32, #tpu.memory_space<vmem>>, vector<1x1x16xf32>,
        %get3A_818 = arith.constant 2 : i32
        %get3A_819 = arith.index_cast %get3A_818 : i32 to index
        %get3A_820 = arith.index_cast %scan3A_616 : i32 to index
        %get3A_821 = arith.constant 48 : index
        %get3A_822 = tpu.vector_load %arg8[%get3A_819, %get3A_820, %get3A_821] {strides = array<i32>} : memref<4x200x64xf32, #tpu.memory_space<vmem>>, vector<1x1x16xf32>,
        %get3A_823 = vector.shape_cast %get3A_822 : vector<1x1x16xf32> to vector<16xf32>
        %mul3A_824 = arith.constant 8.000000e+00 : f32
        %mul3A_825 = vector.broadcast %mul3A_824 : f32 to vector<16xf32>
        %mul3A_826 = arith.mulf %get3A_823, %mul3A_825 : vector<16xf32>
        %add3A_827 = arith.addf %mul3A_826, %get3A_631 : vector<16xf32>
        %swap3A_828 = arith.constant 2 : i32
        %swap3A_829 = arith.index_cast %swap3A_828 : i32 to index
        %swap3A_830 = arith.index_cast %scan3A_616 : i32 to index
        %swap3A_831 = arith.constant 48 : index
        %swap3A_832 = tpu.vector_load %arg8[%swap3A_829, %swap3A_830, %swap3A_831] {strides = array<i32>} : memref<4x200x64xf32, #tpu.memory_space<vmem>>, vector<1x1x16xf32>,
        %swap3A_833 = vector.shape_cast %swap3A_832 : vector<1x1x16xf32> to vector<16xf32>
        %swap3A_834 = vector.shape_cast %add3A_827 : vector<16xf32> to vector<1x1x16xf32>
        tpu.vector_store %arg8[%swap3A_829, %swap3A_830, %swap3A_831], %swap3A_834 {strides = array<i32>} : memref<4x200x64xf32, #tpu.memory_space<vmem>>, vector<1x1x16xf32>,
        %get3A_835 = arith.constant 3 : i32
        %get3A_836 = arith.index_cast %get3A_835 : i32 to index
        %get3A_837 = arith.index_cast %scan3A_616 : i32 to index
        %get3A_838 = arith.constant 0 : index
        %get3A_839 = tpu.vector_load %arg8[%get3A_836, %get3A_837, %get3A_838] {strides = array<i32>} : memref<4x200x64xf32, #tpu.memory_space<vmem>>, vector<1x1x16xf32>,
        %get3A_840 = vector.shape_cast %get3A_839 : vector<1x1x16xf32> to vector<16xf32>
        %mul3A_841 = arith.constant 8.000000e+00 : f32
        %mul3A_842 = vector.broadcast %mul3A_841 : f32 to vector<16xf32>
        %mul3A_843 = arith.mulf %get3A_840, %mul3A_842 : vector<16xf32>
        %add3A_844 = arith.addf %mul3A_843, %get3A_619 : vector<16xf32>
        %swap3A_845 = arith.constant 3 : i32
        %swap3A_846 = arith.index_cast %swap3A_845 : i32 to index
        %swap3A_847 = arith.index_cast %scan3A_616 : i32 to index
        %swap3A_848 = arith.constant 0 : index
        %swap3A_849 = tpu.vector_load %arg8[%swap3A_846, %swap3A_847, %swap3A_848] {strides = array<i32>} : memref<4x200x64xf32, #tpu.memory_space<vmem>>, vector<1x1x16xf32>,
        %swap3A_850 = vector.shape_cast %swap3A_849 : vector<1x1x16xf32> to vector<16xf32>
        %swap3A_851 = vector.shape_cast %add3A_844 : vector<16xf32> to vector<1x1x16xf32>
        tpu.vector_store %arg8[%swap3A_846, %swap3A_847, %swap3A_848], %swap3A_851 {strides = array<i32>} : memref<4x200x64xf32, #tpu.memory_space<vmem>>, vector<1x1x16xf32>,
        %get3A_852 = arith.constant 3 : i32
        %get3A_853 = arith.index_cast %get3A_852 : i32 to index
        %get3A_854 = arith.index_cast %scan3A_616 : i32 to index
        %get3A_855 = arith.constant 16 : index
        %get3A_856 = tpu.vector_load %arg8[%get3A_853, %get3A_854, %get3A_855] {strides = array<i32>} : memref<4x200x64xf32, #tpu.memory_space<vmem>>, vector<1x1x16xf32>,
        %get3A_857 = vector.shape_cast %get3A_856 : vector<1x1x16xf32> to vector<16xf32>
        %mul3A_858 = arith.constant 8.000000e+00 : f32
        %mul3A_859 = vector.broadcast %mul3A_858 : f32 to vector<16xf32>
        %mul3A_860 = arith.mulf %get3A_857, %mul3A_859 : vector<16xf32>
        %add3A_861 = arith.addf %mul3A_860, %get3A_623 : vector<16xf32>
        %swap3A_862 = arith.constant 3 : i32
        %swap3A_863 = arith.index_cast %swap3A_862 : i32 to index
        %swap3A_864 = arith.index_cast %scan3A_616 : i32 to index
        %swap3A_865 = arith.constant 16 : index
        %swap3A_866 = tpu.vector_load %arg8[%swap3A_863, %swap3A_864, %swap3A_865] {strides = array<i32>} : memref<4x200x64xf32, #tpu.memory_space<vmem>>, vector<1x1x16xf32>,
        %swap3A_867 = vector.shape_cast %swap3A_866 : vector<1x1x16xf32> to vector<16xf32>
        %swap3A_868 = vector.shape_cast %add3A_861 : vector<16xf32> to vector<1x1x16xf32>
        tpu.vector_store %arg8[%swap3A_863, %swap3A_864, %swap3A_865], %swap3A_868 {strides = array<i32>} : memref<4x200x64xf32, #tpu.memory_space<vmem>>, vector<1x1x16xf32>,
        %get3A_869 = arith.constant 3 : i32
        %get3A_870 = arith.index_cast %get3A_869 : i32 to index
        %get3A_871 = arith.index_cast %scan3A_616 : i32 to index
        %get3A_872 = arith.constant 32 : index
        %get3A_873 = tpu.vector_load %arg8[%get3A_870, %get3A_871, %get3A_872] {strides = array<i32>} : memref<4x200x64xf32, #tpu.memory_space<vmem>>, vector<1x1x16xf32>,
        %get3A_874 = vector.shape_cast %get3A_873 : vector<1x1x16xf32> to vector<16xf32>
        %mul3A_875 = arith.constant 8.000000e+00 : f32
        %mul3A_876 = vector.broadcast %mul3A_875 : f32 to vector<16xf32>
        %mul3A_877 = arith.mulf %get3A_874, %mul3A_876 : vector<16xf32>
        %add3A_878 = arith.addf %mul3A_877, %get3A_627 : vector<16xf32>
        %swap3A_879 = arith.constant 3 : i32
        %swap3A_880 = arith.index_cast %swap3A_879 : i32 to index
        %swap3A_881 = arith.index_cast %scan3A_616 : i32 to index
        %swap3A_882 = arith.constant 32 : index
        %swap3A_883 = tpu.vector_load %arg8[%swap3A_880, %swap3A_881, %swap3A_882] {strides = array<i32>} : memref<4x200x64xf32, #tpu.memory_space<vmem>>, vector<1x1x16xf32>,
        %swap3A_884 = vector.shape_cast %swap3A_883 : vector<1x1x16xf32> to vector<16xf32>
        %swap3A_885 = vector.shape_cast %add3A_878 : vector<16xf32> to vector<1x1x16xf32>
        tpu.vector_store %arg8[%swap3A_880, %swap3A_881, %swap3A_882], %swap3A_885 {strides = array<i32>} : memref<4x200x64xf32, #tpu.memory_space<vmem>>, vector<1x1x16xf32>,
        %get3A_886 = arith.constant 3 : i32
        %get3A_887 = arith.index_cast %get3A_886 : i32 to index
        %get3A_888 = arith.index_cast %scan3A_616 : i32 to index
        %get3A_889 = arith.constant 48 : index
        %get3A_890 = tpu.vector_load %arg8[%get3A_887, %get3A_888, %get3A_889] {strides = array<i32>} : memref<4x200x64xf32, #tpu.memory_space<vmem>>, vector<1x1x16xf32>,
        %get3A_891 = vector.shape_cast %get3A_890 : vector<1x1x16xf32> to vector<16xf32>
        %mul3A_892 = arith.constant 8.000000e+00 : f32
        %mul3A_893 = vector.broadcast %mul3A_892 : f32 to vector<16xf32>
        %mul3A_894 = arith.mulf %get3A_891, %mul3A_893 : vector<16xf32>
        %add3A_895 = arith.addf %mul3A_894, %get3A_631 : vector<16xf32>
        %swap3A_896 = arith.constant 3 : i32
        %swap3A_897 = arith.index_cast %swap3A_896 : i32 to index
        %swap3A_898 = arith.index_cast %scan3A_616 : i32 to index
        %swap3A_899 = arith.constant 48 : index
        %swap3A_900 = tpu.vector_load %arg8[%swap3A_897, %swap3A_898, %swap3A_899] {strides = array<i32>} : memref<4x200x64xf32, #tpu.memory_space<vmem>>, vector<1x1x16xf32>,
        %swap3A_901 = vector.shape_cast %swap3A_900 : vector<1x1x16xf32> to vector<16xf32>
        %swap3A_902 = vector.shape_cast %add3A_895 : vector<16xf32> to vector<1x1x16xf32>
        tpu.vector_store %arg8[%swap3A_897, %swap3A_898, %swap3A_899], %swap3A_902 {strides = array<i32>} : memref<4x200x64xf32, #tpu.memory_space<vmem>>, vector<1x1x16xf32>,
        %scan3A_903 = arith.constant 1 : i32
        %scan3A_904 = arith.addi %scan3A_616, %scan3A_903 : i32
        %get3A_905 = arith.index_cast %scan3A_904 : i32 to index
        %get3A_906 = arith.constant 0 : index
        %get3A_907 = tpu.vector_load %arg9[%get3A_905, %get3A_906] {strides = array<i32>} : memref<200x64xf32, #tpu.memory_space<vmem>>, vector<1x16xf32>,
        %get3A_908 = vector.shape_cast %get3A_907 : vector<1x16xf32> to vector<16xf32>
        %get3A_909 = arith.index_cast %scan3A_904 : i32 to index
        %get3A_910 = arith.constant 16 : index
        %get3A_911 = tpu.vector_load %arg9[%get3A_909, %get3A_910] {strides = array<i32>} : memref<200x64xf32, #tpu.memory_space<vmem>>, vector<1x16xf32>,
        %get3A_912 = vector.shape_cast %get3A_911 : vector<1x16xf32> to vector<16xf32>
        %get3A_913 = arith.index_cast %scan3A_904 : i32 to index
        %get3A_914 = arith.constant 32 : index
        %get3A_915 = tpu.vector_load %arg9[%get3A_913, %get3A_914] {strides = array<i32>} : memref<200x64xf32, #tpu.memory_space<vmem>>, vector<1x16xf32>,
        %get3A_916 = vector.shape_cast %get3A_915 : vector<1x16xf32> to vector<16xf32>
        %get3A_917 = arith.index_cast %scan3A_904 : i32 to index
        %get3A_918 = arith.constant 48 : index
        %get3A_919 = tpu.vector_load %arg9[%get3A_917, %get3A_918] {strides = array<i32>} : memref<200x64xf32, #tpu.memory_space<vmem>>, vector<1x16xf32>,
        %get3A_920 = vector.shape_cast %get3A_919 : vector<1x16xf32> to vector<16xf32>
        %get3A_921 = arith.constant 0 : i32
        %get3A_922 = arith.index_cast %get3A_921 : i32 to index
        %get3A_923 = arith.index_cast %scan3A_904 : i32 to index
        %get3A_924 = arith.constant 0 : index
        %get3A_925 = tpu.vector_load %arg8[%get3A_922, %get3A_923, %get3A_924] {strides = array<i32>} : memref<4x200x64xf32, #tpu.memory_space<vmem>>, vector<1x1x16xf32>,
        %get3A_926 = vector.shape_cast %get3A_925 : vector<1x1x16xf32> to vector<16xf32>
        %mul3A_927 = arith.constant 8.000000e+00 : f32
        %mul3A_928 = vector.broadcast %mul3A_927 : f32 to vector<16xf32>
        %mul3A_929 = arith.mulf %get3A_926, %mul3A_928 : vector<16xf32>
        %add3A_930 = arith.addf %mul3A_929, %get3A_908 : vector<16xf32>
        %swap3A_931 = arith.constant 0 : i32
        %swap3A_932 = arith.index_cast %swap3A_931 : i32 to index
        %swap3A_933 = arith.index_cast %scan3A_904 : i32 to index
        %swap3A_934 = arith.constant 0 : index
        %swap3A_935 = tpu.vector_load %arg8[%swap3A_932, %swap3A_933, %swap3A_934] {strides = array<i32>} : memref<4x200x64xf32, #tpu.memory_space<vmem>>, vector<1x1x16xf32>,
        %swap3A_936 = vector.shape_cast %swap3A_935 : vector<1x1x16xf32> to vector<16xf32>
        %swap3A_937 = vector.shape_cast %add3A_930 : vector<16xf32> to vector<1x1x16xf32>
        tpu.vector_store %arg8[%swap3A_932, %swap3A_933, %swap3A_934], %swap3A_937 {strides = array<i32>} : memref<4x200x64xf32, #tpu.memory_space<vmem>>, vector<1x1x16xf32>,
        %get3A_938 = arith.constant 0 : i32
        %get3A_939 = arith.index_cast %get3A_938 : i32 to index
        %get3A_940 = arith.index_cast %scan3A_904 : i32 to index
        %get3A_941 = arith.constant 16 : index
        %get3A_942 = tpu.vector_load %arg8[%get3A_939, %get3A_940, %get3A_941] {strides = array<i32>} : memref<4x200x64xf32, #tpu.memory_space<vmem>>, vector<1x1x16xf32>,
        %get3A_943 = vector.shape_cast %get3A_942 : vector<1x1x16xf32> to vector<16xf32>
        %mul3A_944 = arith.constant 8.000000e+00 : f32
        %mul3A_945 = vector.broadcast %mul3A_944 : f32 to vector<16xf32>
        %mul3A_946 = arith.mulf %get3A_943, %mul3A_945 : vector<16xf32>
        %add3A_947 = arith.addf %mul3A_946, %get3A_912 : vector<16xf32>
        %swap3A_948 = arith.constant 0 : i32
        %swap3A_949 = arith.index_cast %swap3A_948 : i32 to index
        %swap3A_950 = arith.index_cast %scan3A_904 : i32 to index
        %swap3A_951 = arith.constant 16 : index
        %swap3A_952 = tpu.vector_load %arg8[%swap3A_949, %swap3A_950, %swap3A_951] {strides = array<i32>} : memref<4x200x64xf32, #tpu.memory_space<vmem>>, vector<1x1x16xf32>,
        %swap3A_953 = vector.shape_cast %swap3A_952 : vector<1x1x16xf32> to vector<16xf32>
        %swap3A_954 = vector.shape_cast %add3A_947 : vector<16xf32> to vector<1x1x16xf32>
        tpu.vector_store %arg8[%swap3A_949, %swap3A_950, %swap3A_951], %swap3A_954 {strides = array<i32>} : memref<4x200x64xf32, #tpu.memory_space<vmem>>, vector<1x1x16xf32>,
        %get3A_955 = arith.constant 0 : i32
        %get3A_956 = arith.index_cast %get3A_955 : i32 to index
        %get3A_957 = arith.index_cast %scan3A_904 : i32 to index
        %get3A_958 = arith.constant 32 : index
        %get3A_959 = tpu.vector_load %arg8[%get3A_956, %get3A_957, %get3A_958] {strides = array<i32>} : memref<4x200x64xf32, #tpu.memory_space<vmem>>, vector<1x1x16xf32>,
        %get3A_960 = vector.shape_cast %get3A_959 : vector<1x1x16xf32> to vector<16xf32>
        %mul3A_961 = arith.constant 8.000000e+00 : f32
        %mul3A_962 = vector.broadcast %mul3A_961 : f32 to vector<16xf32>
        %mul3A_963 = arith.mulf %get3A_960, %mul3A_962 : vector<16xf32>
        %add3A_964 = arith.addf %mul3A_963, %get3A_916 : vector<16xf32>
        %swap3A_965 = arith.constant 0 : i32
        %swap3A_966 = arith.index_cast %swap3A_965 : i32 to index
        %swap3A_967 = arith.index_cast %scan3A_904 : i32 to index
        %swap3A_968 = arith.constant 32 : index
        %swap3A_969 = tpu.vector_load %arg8[%swap3A_966, %swap3A_967, %swap3A_968] {strides = array<i32>} : memref<4x200x64xf32, #tpu.memory_space<vmem>>, vector<1x1x16xf32>,
        %swap3A_970 = vector.shape_cast %swap3A_969 : vector<1x1x16xf32> to vector<16xf32>
        %swap3A_971 = vector.shape_cast %add3A_964 : vector<16xf32> to vector<1x1x16xf32>
        tpu.vector_store %arg8[%swap3A_966, %swap3A_967, %swap3A_968], %swap3A_971 {strides = array<i32>} : memref<4x200x64xf32, #tpu.memory_space<vmem>>, vector<1x1x16xf32>,
        %get3A_972 = arith.constant 0 : i32
        %get3A_973 = arith.index_cast %get3A_972 : i32 to index
        %get3A_974 = arith.index_cast %scan3A_904 : i32 to index
        %get3A_975 = arith.constant 48 : index
        %get3A_976 = tpu.vector_load %arg8[%get3A_973, %get3A_974, %get3A_975] {strides = array<i32>} : memref<4x200x64xf32, #tpu.memory_space<vmem>>, vector<1x1x16xf32>,
        %get3A_977 = vector.shape_cast %get3A_976 : vector<1x1x16xf32> to vector<16xf32>
        %mul3A_978 = arith.constant 8.000000e+00 : f32
        %mul3A_979 = vector.broadcast %mul3A_978 : f32 to vector<16xf32>
        %mul3A_980 = arith.mulf %get3A_977, %mul3A_979 : vector<16xf32>
        %add3A_981 = arith.addf %mul3A_980, %get3A_920 : vector<16xf32>
        %swap3A_982 = arith.constant 0 : i32
        %swap3A_983 = arith.index_cast %swap3A_982 : i32 to index
        %swap3A_984 = arith.index_cast %scan3A_904 : i32 to index
        %swap3A_985 = arith.constant 48 : index
        %swap3A_986 = tpu.vector_load %arg8[%swap3A_983, %swap3A_984, %swap3A_985] {strides = array<i32>} : memref<4x200x64xf32, #tpu.memory_space<vmem>>, vector<1x1x16xf32>,
        %swap3A_987 = vector.shape_cast %swap3A_986 : vector<1x1x16xf32> to vector<16xf32>
        %swap3A_988 = vector.shape_cast %add3A_981 : vector<16xf32> to vector<1x1x16xf32>
        tpu.vector_store %arg8[%swap3A_983, %swap3A_984, %swap3A_985], %swap3A_988 {strides = array<i32>} : memref<4x200x64xf32, #tpu.memory_space<vmem>>, vector<1x1x16xf32>,
        %get3A_989 = arith.constant 1 : i32
        %get3A_990 = arith.index_cast %get3A_989 : i32 to index
        %get3A_991 = arith.index_cast %scan3A_904 : i32 to index
        %get3A_992 = arith.constant 0 : index
        %get3A_993 = tpu.vector_load %arg8[%get3A_990, %get3A_991, %get3A_992] {strides = array<i32>} : memref<4x200x64xf32, #tpu.memory_space<vmem>>, vector<1x1x16xf32>,
        %get3A_994 = vector.shape_cast %get3A_993 : vector<1x1x16xf32> to vector<16xf32>
        %mul3A_995 = arith.constant 8.000000e+00 : f32
        %mul3A_996 = vector.broadcast %mul3A_995 : f32 to vector<16xf32>
        %mul3A_997 = arith.mulf %get3A_994, %mul3A_996 : vector<16xf32>
        %add3A_998 = arith.addf %mul3A_997, %get3A_908 : vector<16xf32>
        %swap3A_999 = arith.constant 1 : i32
        %swap3A_1000 = arith.index_cast %swap3A_999 : i32 to index
        %swap3A_1001 = arith.index_cast %scan3A_904 : i32 to index
        %swap3A_1002 = arith.constant 0 : index
        %swap3A_1003 = tpu.vector_load %arg8[%swap3A_1000, %swap3A_1001, %swap3A_1002] {strides = array<i32>} : memref<4x200x64xf32, #tpu.memory_space<vmem>>, vector<1x1x16xf32>,
        %swap3A_1004 = vector.shape_cast %swap3A_1003 : vector<1x1x16xf32> to vector<16xf32>
        %swap3A_1005 = vector.shape_cast %add3A_998 : vector<16xf32> to vector<1x1x16xf32>
        tpu.vector_store %arg8[%swap3A_1000, %swap3A_1001, %swap3A_1002], %swap3A_1005 {strides = array<i32>} : memref<4x200x64xf32, #tpu.memory_space<vmem>>, vector<1x1x16xf32>,
        %get3A_1006 = arith.constant 1 : i32
        %get3A_1007 = arith.index_cast %get3A_1006 : i32 to index
        %get3A_1008 = arith.index_cast %scan3A_904 : i32 to index
        %get3A_1009 = arith.constant 16 : index
        %get3A_1010 = tpu.vector_load %arg8[%get3A_1007, %get3A_1008, %get3A_1009] {strides = array<i32>} : memref<4x200x64xf32, #tpu.memory_space<vmem>>, vector<1x1x16xf32>,
        %get3A_1011 = vector.shape_cast %get3A_1010 : vector<1x1x16xf32> to vector<16xf32>
        %mul3A_1012 = arith.constant 8.000000e+00 : f32
        %mul3A_1013 = vector.broadcast %mul3A_1012 : f32 to vector<16xf32>
        %mul3A_1014 = arith.mulf %get3A_1011, %mul3A_1013 : vector<16xf32>
        %add3A_1015 = arith.addf %mul3A_1014, %get3A_912 : vector<16xf32>
        %swap3A_1016 = arith.constant 1 : i32
        %swap3A_1017 = arith.index_cast %swap3A_1016 : i32 to index
        %swap3A_1018 = arith.index_cast %scan3A_904 : i32 to index
        %swap3A_1019 = arith.constant 16 : index
        %swap3A_1020 = tpu.vector_load %arg8[%swap3A_1017, %swap3A_1018, %swap3A_1019] {strides = array<i32>} : memref<4x200x64xf32, #tpu.memory_space<vmem>>, vector<1x1x16xf32>,
        %swap3A_1021 = vector.shape_cast %swap3A_1020 : vector<1x1x16xf32> to vector<16xf32>
        %swap3A_1022 = vector.shape_cast %add3A_1015 : vector<16xf32> to vector<1x1x16xf32>
        tpu.vector_store %arg8[%swap3A_1017, %swap3A_1018, %swap3A_1019], %swap3A_1022 {strides = array<i32>} : memref<4x200x64xf32, #tpu.memory_space<vmem>>, vector<1x1x16xf32>,
        %get3A_1023 = arith.constant 1 : i32
        %get3A_1024 = arith.index_cast %get3A_1023 : i32 to index
        %get3A_1025 = arith.index_cast %scan3A_904 : i32 to index
        %get3A_1026 = arith.constant 32 : index
        %get3A_1027 = tpu.vector_load %arg8[%get3A_1024, %get3A_1025, %get3A_1026] {strides = array<i32>} : memref<4x200x64xf32, #tpu.memory_space<vmem>>, vector<1x1x16xf32>,
        %get3A_1028 = vector.shape_cast %get3A_1027 : vector<1x1x16xf32> to vector<16xf32>
        %mul3A_1029 = arith.constant 8.000000e+00 : f32
        %mul3A_1030 = vector.broadcast %mul3A_1029 : f32 to vector<16xf32>
        %mul3A_1031 = arith.mulf %get3A_1028, %mul3A_1030 : vector<16xf32>
        %add3A_1032 = arith.addf %mul3A_1031, %get3A_916 : vector<16xf32>
        %swap3A_1033 = arith.constant 1 : i32
        %swap3A_1034 = arith.index_cast %swap3A_1033 : i32 to index
        %swap3A_1035 = arith.index_cast %scan3A_904 : i32 to index
        %swap3A_1036 = arith.constant 32 : index
        %swap3A_1037 = tpu.vector_load %arg8[%swap3A_1034, %swap3A_1035, %swap3A_1036] {strides = array<i32>} : memref<4x200x64xf32, #tpu.memory_space<vmem>>, vector<1x1x16xf32>,
        %swap3A_1038 = vector.shape_cast %swap3A_1037 : vector<1x1x16xf32> to vector<16xf32>
        %swap3A_1039 = vector.shape_cast %add3A_1032 : vector<16xf32> to vector<1x1x16xf32>
        tpu.vector_store %arg8[%swap3A_1034, %swap3A_1035, %swap3A_1036], %swap3A_1039 {strides = array<i32>} : memref<4x200x64xf32, #tpu.memory_space<vmem>>, vector<1x1x16xf32>,
        %get3A_1040 = arith.constant 1 : i32
        %get3A_1041 = arith.index_cast %get3A_1040 : i32 to index
        %get3A_1042 = arith.index_cast %scan3A_904 : i32 to index
        %get3A_1043 = arith.constant 48 : index
        %get3A_1044 = tpu.vector_load %arg8[%get3A_1041, %get3A_1042, %get3A_1043] {strides = array<i32>} : memref<4x200x64xf32, #tpu.memory_space<vmem>>, vector<1x1x16xf32>,
        %get3A_1045 = vector.shape_cast %get3A_1044 : vector<1x1x16xf32> to vector<16xf32>
        %mul3A_1046 = arith.constant 8.000000e+00 : f32
        %mul3A_1047 = vector.broadcast %mul3A_1046 : f32 to vector<16xf32>
        %mul3A_1048 = arith.mulf %get3A_1045, %mul3A_1047 : vector<16xf32>
        %add3A_1049 = arith.addf %mul3A_1048, %get3A_920 : vector<16xf32>
        %swap3A_1050 = arith.constant 1 : i32
        %swap3A_1051 = arith.index_cast %swap3A_1050 : i32 to index
        %swap3A_1052 = arith.index_cast %scan3A_904 : i32 to index
        %swap3A_1053 = arith.constant 48 : index
        %swap3A_1054 = tpu.vector_load %arg8[%swap3A_1051, %swap3A_1052, %swap3A_1053] {strides = array<i32>} : memref<4x200x64xf32, #tpu.memory_space<vmem>>, vector<1x1x16xf32>,
        %swap3A_1055 = vector.shape_cast %swap3A_1054 : vector<1x1x16xf32> to vector<16xf32>
        %swap3A_1056 = vector.shape_cast %add3A_1049 : vector<16xf32> to vector<1x1x16xf32>
        tpu.vector_store %arg8[%swap3A_1051, %swap3A_1052, %swap3A_1053], %swap3A_1056 {strides = array<i32>} : memref<4x200x64xf32, #tpu.memory_space<vmem>>, vector<1x1x16xf32>,
        %get3A_1057 = arith.constant 2 : i32
        %get3A_1058 = arith.index_cast %get3A_1057 : i32 to index
        %get3A_1059 = arith.index_cast %scan3A_904 : i32 to index
        %get3A_1060 = arith.constant 0 : index
        %get3A_1061 = tpu.vector_load %arg8[%get3A_1058, %get3A_1059, %get3A_1060] {strides = array<i32>} : memref<4x200x64xf32, #tpu.memory_space<vmem>>, vector<1x1x16xf32>,
        %get3A_1062 = vector.shape_cast %get3A_1061 : vector<1x1x16xf32> to vector<16xf32>
        %mul3A_1063 = arith.constant 8.000000e+00 : f32
        %mul3A_1064 = vector.broadcast %mul3A_1063 : f32 to vector<16xf32>
        %mul3A_1065 = arith.mulf %get3A_1062, %mul3A_1064 : vector<16xf32>
        %add3A_1066 = arith.addf %mul3A_1065, %get3A_908 : vector<16xf32>
        %swap3A_1067 = arith.constant 2 : i32
        %swap3A_1068 = arith.index_cast %swap3A_1067 : i32 to index
        %swap3A_1069 = arith.index_cast %scan3A_904 : i32 to index
        %swap3A_1070 = arith.constant 0 : index
        %swap3A_1071 = tpu.vector_load %arg8[%swap3A_1068, %swap3A_1069, %swap3A_1070] {strides = array<i32>} : memref<4x200x64xf32, #tpu.memory_space<vmem>>, vector<1x1x16xf32>,
        %swap3A_1072 = vector.shape_cast %swap3A_1071 : vector<1x1x16xf32> to vector<16xf32>
        %swap3A_1073 = vector.shape_cast %add3A_1066 : vector<16xf32> to vector<1x1x16xf32>
        tpu.vector_store %arg8[%swap3A_1068, %swap3A_1069, %swap3A_1070], %swap3A_1073 {strides = array<i32>} : memref<4x200x64xf32, #tpu.memory_space<vmem>>, vector<1x1x16xf32>,
        %get3A_1074 = arith.constant 2 : i32
        %get3A_1075 = arith.index_cast %get3A_1074 : i32 to index
        %get3A_1076 = arith.index_cast %scan3A_904 : i32 to index
        %get3A_1077 = arith.constant 16 : index
        %get3A_1078 = tpu.vector_load %arg8[%get3A_1075, %get3A_1076, %get3A_1077] {strides = array<i32>} : memref<4x200x64xf32, #tpu.memory_space<vmem>>, vector<1x1x16xf32>,
        %get3A_1079 = vector.shape_cast %get3A_1078 : vector<1x1x16xf32> to vector<16xf32>
        %mul3A_1080 = arith.constant 8.000000e+00 : f32
        %mul3A_1081 = vector.broadcast %mul3A_1080 : f32 to vector<16xf32>
        %mul3A_1082 = arith.mulf %get3A_1079, %mul3A_1081 : vector<16xf32>
        %add3A_1083 = arith.addf %mul3A_1082, %get3A_912 : vector<16xf32>
        %swap3A_1084 = arith.constant 2 : i32
        %swap3A_1085 = arith.index_cast %swap3A_1084 : i32 to index
        %swap3A_1086 = arith.index_cast %scan3A_904 : i32 to index
        %swap3A_1087 = arith.constant 16 : index
        %swap3A_1088 = tpu.vector_load %arg8[%swap3A_1085, %swap3A_1086, %swap3A_1087] {strides = array<i32>} : memref<4x200x64xf32, #tpu.memory_space<vmem>>, vector<1x1x16xf32>,
        %swap3A_1089 = vector.shape_cast %swap3A_1088 : vector<1x1x16xf32> to vector<16xf32>
        %swap3A_1090 = vector.shape_cast %add3A_1083 : vector<16xf32> to vector<1x1x16xf32>
        tpu.vector_store %arg8[%swap3A_1085, %swap3A_1086, %swap3A_1087], %swap3A_1090 {strides = array<i32>} : memref<4x200x64xf32, #tpu.memory_space<vmem>>, vector<1x1x16xf32>,
        %get3A_1091 = arith.constant 2 : i32
        %get3A_1092 = arith.index_cast %get3A_1091 : i32 to index
        %get3A_1093 = arith.index_cast %scan3A_904 : i32 to index
        %get3A_1094 = arith.constant 32 : index
        %get3A_1095 = tpu.vector_load %arg8[%get3A_1092, %get3A_1093, %get3A_1094] {strides = array<i32>} : memref<4x200x64xf32, #tpu.memory_space<vmem>>, vector<1x1x16xf32>,
        %get3A_1096 = vector.shape_cast %get3A_1095 : vector<1x1x16xf32> to vector<16xf32>
        %mul3A_1097 = arith.constant 8.000000e+00 : f32
        %mul3A_1098 = vector.broadcast %mul3A_1097 : f32 to vector<16xf32>
        %mul3A_1099 = arith.mulf %get3A_1096, %mul3A_1098 : vector<16xf32>
        %add3A_1100 = arith.addf %mul3A_1099, %get3A_916 : vector<16xf32>
        %swap3A_1101 = arith.constant 2 : i32
        %swap3A_1102 = arith.index_cast %swap3A_1101 : i32 to index
        %swap3A_1103 = arith.index_cast %scan3A_904 : i32 to index
        %swap3A_1104 = arith.constant 32 : index
        %swap3A_1105 = tpu.vector_load %arg8[%swap3A_1102, %swap3A_1103, %swap3A_1104] {strides = array<i32>} : memref<4x200x64xf32, #tpu.memory_space<vmem>>, vector<1x1x16xf32>,
        %swap3A_1106 = vector.shape_cast %swap3A_1105 : vector<1x1x16xf32> to vector<16xf32>
        %swap3A_1107 = vector.shape_cast %add3A_1100 : vector<16xf32> to vector<1x1x16xf32>
        tpu.vector_store %arg8[%swap3A_1102, %swap3A_1103, %swap3A_1104], %swap3A_1107 {strides = array<i32>} : memref<4x200x64xf32, #tpu.memory_space<vmem>>, vector<1x1x16xf32>,
        %get3A_1108 = arith.constant 2 : i32
        %get3A_1109 = arith.index_cast %get3A_1108 : i32 to index
        %get3A_1110 = arith.index_cast %scan3A_904 : i32 to index
        %get3A_1111 = arith.constant 48 : index
        %get3A_1112 = tpu.vector_load %arg8[%get3A_1109, %get3A_1110, %get3A_1111] {strides = array<i32>} : memref<4x200x64xf32, #tpu.memory_space<vmem>>, vector<1x1x16xf32>,
        %get3A_1113 = vector.shape_cast %get3A_1112 : vector<1x1x16xf32> to vector<16xf32>
        %mul3A_1114 = arith.constant 8.000000e+00 : f32
        %mul3A_1115 = vector.broadcast %mul3A_1114 : f32 to vector<16xf32>
        %mul3A_1116 = arith.mulf %get3A_1113, %mul3A_1115 : vector<16xf32>
        %add3A_1117 = arith.addf %mul3A_1116, %get3A_920 : vector<16xf32>
        %swap3A_1118 = arith.constant 2 : i32
        %swap3A_1119 = arith.index_cast %swap3A_1118 : i32 to index
        %swap3A_1120 = arith.index_cast %scan3A_904 : i32 to index
        %swap3A_1121 = arith.constant 48 : index
        %swap3A_1122 = tpu.vector_load %arg8[%swap3A_1119, %swap3A_1120, %swap3A_1121] {strides = array<i32>} : memref<4x200x64xf32, #tpu.memory_space<vmem>>, vector<1x1x16xf32>,
        %swap3A_1123 = vector.shape_cast %swap3A_1122 : vector<1x1x16xf32> to vector<16xf32>
        %swap3A_1124 = vector.shape_cast %add3A_1117 : vector<16xf32> to vector<1x1x16xf32>
        tpu.vector_store %arg8[%swap3A_1119, %swap3A_1120, %swap3A_1121], %swap3A_1124 {strides = array<i32>} : memref<4x200x64xf32, #tpu.memory_space<vmem>>, vector<1x1x16xf32>,
        %get3A_1125 = arith.constant 3 : i32
        %get3A_1126 = arith.index_cast %get3A_1125 : i32 to index
        %get3A_1127 = arith.index_cast %scan3A_904 : i32 to index
        %get3A_1128 = arith.constant 0 : index
        %get3A_1129 = tpu.vector_load %arg8[%get3A_1126, %get3A_1127, %get3A_1128] {strides = array<i32>} : memref<4x200x64xf32, #tpu.memory_space<vmem>>, vector<1x1x16xf32>,
        %get3A_1130 = vector.shape_cast %get3A_1129 : vector<1x1x16xf32> to vector<16xf32>
        %mul3A_1131 = arith.constant 8.000000e+00 : f32
        %mul3A_1132 = vector.broadcast %mul3A_1131 : f32 to vector<16xf32>
        %mul3A_1133 = arith.mulf %get3A_1130, %mul3A_1132 : vector<16xf32>
        %add3A_1134 = arith.addf %mul3A_1133, %get3A_908 : vector<16xf32>
        %swap3A_1135 = arith.constant 3 : i32
        %swap3A_1136 = arith.index_cast %swap3A_1135 : i32 to index
        %swap3A_1137 = arith.index_cast %scan3A_904 : i32 to index
        %swap3A_1138 = arith.constant 0 : index
        %swap3A_1139 = tpu.vector_load %arg8[%swap3A_1136, %swap3A_1137, %swap3A_1138] {strides = array<i32>} : memref<4x200x64xf32, #tpu.memory_space<vmem>>, vector<1x1x16xf32>,
        %swap3A_1140 = vector.shape_cast %swap3A_1139 : vector<1x1x16xf32> to vector<16xf32>
        %swap3A_1141 = vector.shape_cast %add3A_1134 : vector<16xf32> to vector<1x1x16xf32>
        tpu.vector_store %arg8[%swap3A_1136, %swap3A_1137, %swap3A_1138], %swap3A_1141 {strides = array<i32>} : memref<4x200x64xf32, #tpu.memory_space<vmem>>, vector<1x1x16xf32>,
        %get3A_1142 = arith.constant 3 : i32
        %get3A_1143 = arith.index_cast %get3A_1142 : i32 to index
        %get3A_1144 = arith.index_cast %scan3A_904 : i32 to index
        %get3A_1145 = arith.constant 16 : index
        %get3A_1146 = tpu.vector_load %arg8[%get3A_1143, %get3A_1144, %get3A_1145] {strides = array<i32>} : memref<4x200x64xf32, #tpu.memory_space<vmem>>, vector<1x1x16xf32>,
        %get3A_1147 = vector.shape_cast %get3A_1146 : vector<1x1x16xf32> to vector<16xf32>
        %mul3A_1148 = arith.constant 8.000000e+00 : f32
        %mul3A_1149 = vector.broadcast %mul3A_1148 : f32 to vector<16xf32>
        %mul3A_1150 = arith.mulf %get3A_1147, %mul3A_1149 : vector<16xf32>
        %add3A_1151 = arith.addf %mul3A_1150, %get3A_912 : vector<16xf32>
        %swap3A_1152 = arith.constant 3 : i32
        %swap3A_1153 = arith.index_cast %swap3A_1152 : i32 to index
        %swap3A_1154 = arith.index_cast %scan3A_904 : i32 to index
        %swap3A_1155 = arith.constant 16 : index
        %swap3A_1156 = tpu.vector_load %arg8[%swap3A_1153, %swap3A_1154, %swap3A_1155] {strides = array<i32>} : memref<4x200x64xf32, #tpu.memory_space<vmem>>, vector<1x1x16xf32>,
        %swap3A_1157 = vector.shape_cast %swap3A_1156 : vector<1x1x16xf32> to vector<16xf32>
        %swap3A_1158 = vector.shape_cast %add3A_1151 : vector<16xf32> to vector<1x1x16xf32>
        tpu.vector_store %arg8[%swap3A_1153, %swap3A_1154, %swap3A_1155], %swap3A_1158 {strides = array<i32>} : memref<4x200x64xf32, #tpu.memory_space<vmem>>, vector<1x1x16xf32>,
        %get3A_1159 = arith.constant 3 : i32
        %get3A_1160 = arith.index_cast %get3A_1159 : i32 to index
        %get3A_1161 = arith.index_cast %scan3A_904 : i32 to index
        %get3A_1162 = arith.constant 32 : index
        %get3A_1163 = tpu.vector_load %arg8[%get3A_1160, %get3A_1161, %get3A_1162] {strides = array<i32>} : memref<4x200x64xf32, #tpu.memory_space<vmem>>, vector<1x1x16xf32>,
        %get3A_1164 = vector.shape_cast %get3A_1163 : vector<1x1x16xf32> to vector<16xf32>
        %mul3A_1165 = arith.constant 8.000000e+00 : f32
        %mul3A_1166 = vector.broadcast %mul3A_1165 : f32 to vector<16xf32>
        %mul3A_1167 = arith.mulf %get3A_1164, %mul3A_1166 : vector<16xf32>
        %add3A_1168 = arith.addf %mul3A_1167, %get3A_916 : vector<16xf32>
        %swap3A_1169 = arith.constant 3 : i32
        %swap3A_1170 = arith.index_cast %swap3A_1169 : i32 to index
        %swap3A_1171 = arith.index_cast %scan3A_904 : i32 to index
        %swap3A_1172 = arith.constant 32 : index
        %swap3A_1173 = tpu.vector_load %arg8[%swap3A_1170, %swap3A_1171, %swap3A_1172] {strides = array<i32>} : memref<4x200x64xf32, #tpu.memory_space<vmem>>, vector<1x1x16xf32>,
        %swap3A_1174 = vector.shape_cast %swap3A_1173 : vector<1x1x16xf32> to vector<16xf32>
        %swap3A_1175 = vector.shape_cast %add3A_1168 : vector<16xf32> to vector<1x1x16xf32>
        tpu.vector_store %arg8[%swap3A_1170, %swap3A_1171, %swap3A_1172], %swap3A_1175 {strides = array<i32>} : memref<4x200x64xf32, #tpu.memory_space<vmem>>, vector<1x1x16xf32>,
        %get3A_1176 = arith.constant 3 : i32
        %get3A_1177 = arith.index_cast %get3A_1176 : i32 to index
        %get3A_1178 = arith.index_cast %scan3A_904 : i32 to index
        %get3A_1179 = arith.constant 48 : index
        %get3A_1180 = tpu.vector_load %arg8[%get3A_1177, %get3A_1178, %get3A_1179] {strides = array<i32>} : memref<4x200x64xf32, #tpu.memory_space<vmem>>, vector<1x1x16xf32>,
        %get3A_1181 = vector.shape_cast %get3A_1180 : vector<1x1x16xf32> to vector<16xf32>
        %mul3A_1182 = arith.constant 8.000000e+00 : f32
        %mul3A_1183 = vector.broadcast %mul3A_1182 : f32 to vector<16xf32>
        %mul3A_1184 = arith.mulf %get3A_1181, %mul3A_1183 : vector<16xf32>
        %add3A_1185 = arith.addf %mul3A_1184, %get3A_920 : vector<16xf32>
        %swap3A_1186 = arith.constant 3 : i32
        %swap3A_1187 = arith.index_cast %swap3A_1186 : i32 to index
        %swap3A_1188 = arith.index_cast %scan3A_904 : i32 to index
        %swap3A_1189 = arith.constant 48 : index
        %swap3A_1190 = tpu.vector_load %arg8[%swap3A_1187, %swap3A_1188, %swap3A_1189] {strides = array<i32>} : memref<4x200x64xf32, #tpu.memory_space<vmem>>, vector<1x1x16xf32>,
        %swap3A_1191 = vector.shape_cast %swap3A_1190 : vector<1x1x16xf32> to vector<16xf32>
        %swap3A_1192 = vector.shape_cast %add3A_1185 : vector<16xf32> to vector<1x1x16xf32>
        tpu.vector_store %arg8[%swap3A_1187, %swap3A_1188, %swap3A_1189], %swap3A_1192 {strides = array<i32>} : memref<4x200x64xf32, #tpu.memory_space<vmem>>, vector<1x1x16xf32>,
      }
      %scan3A_449 = arith.constant 200 : i32
      %mul3A_450 = arith.constant 4 : i32
      %mul3A_451 = arith.muli %add3A_307, %mul3A_450 : i32
      %add3A_452 = arith.addi %mul3A_2, %mul3A_451 : i32
      %dma_start3A_453 = arith.constant 0 : i32
      %dma_start3A_454 = arith.constant 0 : i32
      %dma_start3A_455 = tpu.memref_slice %arg5[%add3A_452, %dma_start3A_453, %dma_start3A_454] : memref<4096x200x128xf32, #tpu.memory_space<hbm>> -> memref<4x200x64xf32, #tpu.memory_space<hbm>>
      %dma_start3A_456 = arith.constant 0 : i32
      %dma_start3A_457 = arith.constant 0 : i32
      %dma_start3A_458 = tpu.memref_slice %arg5[%add3A_452, %dma_start3A_456, %dma_start3A_457] : memref<4096x200x128xf32, #tpu.memory_space<hbm>> -> memref<4x200x64xf32, #tpu.memory_space<hbm>>
      tpu.enqueue_dma source(%arg8 : memref<4x200x64xf32, #tpu.memory_space<vmem>>) target(%dma_start3A_458 : memref<4x200x64xf32, #tpu.memory_space<hbm>>) target_semaphore(%arg12 : memref<!tpu.dma_semaphore, #tpu.memory_space<semaphore_mem>>)
      %add3A_459 = arith.constant 1 : i32
      %add3A_460 = arith.addi %add3A_307, %add3A_459 : i32
      %dma_wait3A_461 = arith.constant 0 : i32
      %dma_wait3A_462 = arith.constant 0 : i32
      %dma_wait3A_463 = arith.constant 0 : i32
      %dma_wait3A_464 = arith.constant 0 : i32
      %dma_wait3A_465 = arith.constant 0 : i32
      %dma_wait3A_466 = tpu.memref_slice %arg7[%dma_wait3A_463, %dma_wait3A_464, %dma_wait3A_465] : memref<4x200x64xf32, #tpu.memory_space<vmem>> -> memref<1x200x64xf32, #tpu.memory_space<vmem>>
      %dma_wait3A_467 = tpu.memref_squeeze %dma_wait3A_466 : memref<1x200x64xf32, #tpu.memory_space<vmem>> -> memref<200x64xf32, #tpu.memory_space<vmem>>
      %dma_wait3A_468 = arith.constant 0 : i32
      %dma_wait3A_469 = tpu.memref_slice %arg6[%dma_wait3A_461, %dma_wait3A_462, %dma_wait3A_468] : memref<2x4x200xi32, #tpu.memory_space<vmem>> -> memref<1x1x200xi32, #tpu.memory_space<vmem>>
      %dma_wait3A_470 = tpu.memref_squeeze %dma_wait3A_469 : memref<1x1x200xi32, #tpu.memory_space<vmem>> -> memref<200xi32, #tpu.memory_space<vmem>>
      %dma_wait3A_471 = arith.constant 0 : i32
      %dma_wait3A_472 = arith.constant 0 : i32
      %dma_wait3A_473 = tpu.memref_slice %arg3[%dma_wait3A_471, %dma_wait3A_472] : memref<1000000x64xf32, #tpu.memory_space<hbm>> -> memref<1000000x64xf32, #tpu.memory_space<hbm>>
      tpu.wait_indirect_dma semaphore(%arg10 : memref<!tpu.dma_semaphore, #tpu.memory_space<semaphore_mem>>) src(%dma_wait3A_473 : memref<1000000x64xf32, #tpu.memory_space<hbm>>) dst(%dma_wait3A_467 : memref<200x64xf32, #tpu.memory_space<vmem>>)
      %dma_wait3A_474 = arith.constant 0 : i32
      %dma_wait3A_475 = arith.constant 1 : i32
      %dma_wait3A_476 = arith.constant 1 : i32
      %dma_wait3A_477 = arith.constant 0 : i32
      %dma_wait3A_478 = arith.constant 0 : i32
      %dma_wait3A_479 = tpu.memref_slice %arg7[%dma_wait3A_476, %dma_wait3A_477, %dma_wait3A_478] : memref<4x200x64xf32, #tpu.memory_space<vmem>> -> memref<1x200x64xf32, #tpu.memory_space<vmem>>
      %dma_wait3A_480 = tpu.memref_squeeze %dma_wait3A_479 : memref<1x200x64xf32, #tpu.memory_space<vmem>> -> memref<200x64xf32, #tpu.memory_space<vmem>>
      %dma_wait3A_481 = arith.constant 0 : i32
      %dma_wait3A_482 = tpu.memref_slice %arg6[%dma_wait3A_474, %dma_wait3A_475, %dma_wait3A_481] : memref<2x4x200xi32, #tpu.memory_space<vmem>> -> memref<1x1x200xi32, #tpu.memory_space<vmem>>
      %dma_wait3A_483 = tpu.memref_squeeze %dma_wait3A_482 : memref<1x1x200xi32, #tpu.memory_space<vmem>> -> memref<200xi32, #tpu.memory_space<vmem>>
      %dma_wait3A_484 = arith.constant 0 : i32
      %dma_wait3A_485 = arith.constant 0 : i32
      %dma_wait3A_486 = tpu.memref_slice %arg3[%dma_wait3A_484, %dma_wait3A_485] : memref<1000000x64xf32, #tpu.memory_space<hbm>> -> memref<1000000x64xf32, #tpu.memory_space<hbm>>
      tpu.wait_indirect_dma semaphore(%arg10 : memref<!tpu.dma_semaphore, #tpu.memory_space<semaphore_mem>>) src(%dma_wait3A_486 : memref<1000000x64xf32, #tpu.memory_space<hbm>>) dst(%dma_wait3A_480 : memref<200x64xf32, #tpu.memory_space<vmem>>)
      %dma_wait3A_487 = arith.constant 0 : i32
      %dma_wait3A_488 = arith.constant 2 : i32
      %dma_wait3A_489 = arith.constant 2 : i32
      %dma_wait3A_490 = arith.constant 0 : i32
      %dma_wait3A_491 = arith.constant 0 : i32
      %dma_wait3A_492 = tpu.memref_slice %arg7[%dma_wait3A_489, %dma_wait3A_490, %dma_wait3A_491] : memref<4x200x64xf32, #tpu.memory_space<vmem>> -> memref<1x200x64xf32, #tpu.memory_space<vmem>>
      %dma_wait3A_493 = tpu.memref_squeeze %dma_wait3A_492 : memref<1x200x64xf32, #tpu.memory_space<vmem>> -> memref<200x64xf32, #tpu.memory_space<vmem>>
      %dma_wait3A_494 = arith.constant 0 : i32
      %dma_wait3A_495 = tpu.memref_slice %arg6[%dma_wait3A_487, %dma_wait3A_488, %dma_wait3A_494] : memref<2x4x200xi32, #tpu.memory_space<vmem>> -> memref<1x1x200xi32, #tpu.memory_space<vmem>>
      %dma_wait3A_496 = tpu.memref_squeeze %dma_wait3A_495 : memref<1x1x200xi32, #tpu.memory_space<vmem>> -> memref<200xi32, #tpu.memory_space<vmem>>
      %dma_wait3A_497 = arith.constant 0 : i32
      %dma_wait3A_498 = arith.constant 0 : i32
      %dma_wait3A_499 = tpu.memref_slice %arg3[%dma_wait3A_497, %dma_wait3A_498] : memref<1000000x64xf32, #tpu.memory_space<hbm>> -> memref<1000000x64xf32, #tpu.memory_space<hbm>>
      tpu.wait_indirect_dma semaphore(%arg10 : memref<!tpu.dma_semaphore, #tpu.memory_space<semaphore_mem>>) src(%dma_wait3A_499 : memref<1000000x64xf32, #tpu.memory_space<hbm>>) dst(%dma_wait3A_493 : memref<200x64xf32, #tpu.memory_space<vmem>>)
      %dma_wait3A_500 = arith.constant 0 : i32
      %dma_wait3A_501 = arith.constant 3 : i32
      %dma_wait3A_502 = arith.constant 3 : i32
      %dma_wait3A_503 = arith.constant 0 : i32
      %dma_wait3A_504 = arith.constant 0 : i32
      %dma_wait3A_505 = tpu.memref_slice %arg7[%dma_wait3A_502, %dma_wait3A_503, %dma_wait3A_504] : memref<4x200x64xf32, #tpu.memory_space<vmem>> -> memref<1x200x64xf32, #tpu.memory_space<vmem>>
      %dma_wait3A_506 = tpu.memref_squeeze %dma_wait3A_505 : memref<1x200x64xf32, #tpu.memory_space<vmem>> -> memref<200x64xf32, #tpu.memory_space<vmem>>
      %dma_wait3A_507 = arith.constant 0 : i32
      %dma_wait3A_508 = tpu.memref_slice %arg6[%dma_wait3A_500, %dma_wait3A_501, %dma_wait3A_507] : memref<2x4x200xi32, #tpu.memory_space<vmem>> -> memref<1x1x200xi32, #tpu.memory_space<vmem>>
      %dma_wait3A_509 = tpu.memref_squeeze %dma_wait3A_508 : memref<1x1x200xi32, #tpu.memory_space<vmem>> -> memref<200xi32, #tpu.memory_space<vmem>>
      %dma_wait3A_510 = arith.constant 0 : i32
      %dma_wait3A_511 = arith.constant 0 : i32
      %dma_wait3A_512 = tpu.memref_slice %arg3[%dma_wait3A_510, %dma_wait3A_511] : memref<1000000x64xf32, #tpu.memory_space<hbm>> -> memref<1000000x64xf32, #tpu.memory_space<hbm>>
      tpu.wait_indirect_dma semaphore(%arg10 : memref<!tpu.dma_semaphore, #tpu.memory_space<semaphore_mem>>) src(%dma_wait3A_512 : memref<1000000x64xf32, #tpu.memory_space<hbm>>) dst(%dma_wait3A_506 : memref<200x64xf32, #tpu.memory_space<vmem>>)
      %add3A_513 = arith.constant 1 : i32
      %add3A_514 = arith.addi %add3A_460, %add3A_513 : i32
      %mul3A_515 = arith.constant 4 : i32
      %mul3A_516 = arith.muli %add3A_514, %mul3A_515 : i32
      %add3A_517 = arith.addi %mul3A_2, %mul3A_516 : i32
      %dma_wait3A_518 = arith.constant 1 : i32
      %dma_wait3A_519 = arith.constant 0 : i32
      %dma_wait3A_520 = arith.constant 0 : i32
      %dma_wait3A_521 = tpu.memref_slice %arg6[%dma_wait3A_518, %dma_wait3A_519, %dma_wait3A_520] : memref<2x4x200xi32, #tpu.memory_space<vmem>> -> memref<1x4x200xi32, #tpu.memory_space<vmem>>
      %dma_wait3A_522 = tpu.memref_squeeze %dma_wait3A_521 : memref<1x4x200xi32, #tpu.memory_space<vmem>> -> memref<4x200xi32, #tpu.memory_space<vmem>>
      %dma_wait3A_523 = arith.constant 0 : i32
      %dma_wait3A_524 = tpu.memref_slice %arg2[%add3A_517, %dma_wait3A_523] : memref<4096x200xi32, #tpu.memory_space<hbm>> -> memref<4x200xi32, #tpu.memory_space<hbm>>
      %dma_wait3A_525 = arith.constant 0 : i32
      %dma_wait3A_526 = arith.constant 0 : i32
      %dma_wait3A_527 = tpu.memref_slice %arg6[%dma_wait3A_518, %dma_wait3A_525, %dma_wait3A_526] : memref<2x4x200xi32, #tpu.memory_space<vmem>> -> memref<1x4x200xi32, #tpu.memory_space<vmem>>
      %dma_wait3A_528 = tpu.memref_squeeze %dma_wait3A_527 : memref<1x4x200xi32, #tpu.memory_space<vmem>> -> memref<4x200xi32, #tpu.memory_space<vmem>>
      %dma_wait3A_529 = arith.constant 0 : i32
      %dma_wait3A_530 = tpu.memref_slice %arg2[%add3A_517, %dma_wait3A_529] : memref<4096x200xi32, #tpu.memory_space<hbm>> -> memref<4x200xi32, #tpu.memory_space<hbm>>
      tpu.wait_dma2 semaphore(%arg11 : memref<!tpu.dma_semaphore, #tpu.memory_space<semaphore_mem>>) src(%dma_wait3A_530 : memref<4x200xi32, #tpu.memory_space<hbm>>) dst(%dma_wait3A_528 : memref<4x200xi32, #tpu.memory_space<vmem>>)
      %sub3A_531 = arith.constant 1 : i32
      %sub3A_532 = arith.subi %add3A_460, %sub3A_531 : i32
      %mul3A_533 = arith.constant 4 : i32
      %mul3A_534 = arith.muli %sub3A_532, %mul3A_533 : i32
      %add3A_535 = arith.addi %mul3A_2, %mul3A_534 : i32
      %dma_wait3A_536 = arith.constant 0 : i32
      %dma_wait3A_537 = arith.constant 0 : i32
      %dma_wait3A_538 = tpu.memref_slice %arg5[%add3A_535, %dma_wait3A_536, %dma_wait3A_537] : memref<4096x200x128xf32, #tpu.memory_space<hbm>> -> memref<4x200x64xf32, #tpu.memory_space<hbm>>
      %dma_wait3A_539 = arith.constant 0 : i32
      %dma_wait3A_540 = arith.constant 0 : i32
      %dma_wait3A_541 = tpu.memref_slice %arg5[%add3A_535, %dma_wait3A_539, %dma_wait3A_540] : memref<4096x200x128xf32, #tpu.memory_space<hbm>> -> memref<4x200x64xf32, #tpu.memory_space<hbm>>
      tpu.wait_dma2 semaphore(%arg12 : memref<!tpu.dma_semaphore, #tpu.memory_space<semaphore_mem>>) src(%arg8 : memref<4x200x64xf32, #tpu.memory_space<vmem>>) dst(%dma_wait3A_541 : memref<4x200x64xf32, #tpu.memory_space<hbm>>)
      %dma_start3A_542 = arith.constant 1 : i32
      %dma_start3A_543 = arith.constant 0 : i32
      %dma_start3A_544 = arith.constant 0 : i32
      %dma_start3A_545 = arith.constant 0 : i32
      %dma_start3A_546 = arith.constant 0 : i32
      %dma_start3A_547 = tpu.memref_slice %arg8[%dma_start3A_544, %dma_start3A_545, %dma_start3A_546] : memref<4x200x64xf32, #tpu.memory_space<vmem>> -> memref<1x200x64xf32, #tpu.memory_space<vmem>>
      %dma_start3A_548 = tpu.memref_squeeze %dma_start3A_547 : memref<1x200x64xf32, #tpu.memory_space<vmem>> -> memref<200x64xf32, #tpu.memory_space<vmem>>
      %dma_start3A_549 = arith.constant 0 : i32
      %dma_start3A_550 = tpu.memref_slice %arg6[%dma_start3A_542, %dma_start3A_543, %dma_start3A_549] : memref<2x4x200xi32, #tpu.memory_space<vmem>> -> memref<1x1x200xi32, #tpu.memory_space<vmem>>
      %dma_start3A_551 = tpu.memref_squeeze %dma_start3A_550 : memref<1x1x200xi32, #tpu.memory_space<vmem>> -> memref<200xi32, #tpu.memory_space<vmem>>
      %dma_start3A_552 = arith.constant 0 : i32
      %dma_start3A_553 = arith.constant 0 : i32
      %dma_start3A_554 = tpu.memref_slice %arg3[%dma_start3A_552, %dma_start3A_553] : memref<1000000x64xf32, #tpu.memory_space<hbm>> -> memref<1000000x64xf32, #tpu.memory_space<hbm>>
      tpu.enqueue_indirect_dma source(%dma_start3A_554 : memref<1000000x64xf32, #tpu.memory_space<hbm>>) target(%dma_start3A_548 : memref<200x64xf32, #tpu.memory_space<vmem>>) offsets(%dma_start3A_551 : memref<200xi32, #tpu.memory_space<vmem>>) semaphore(%arg10 : memref<!tpu.dma_semaphore, #tpu.memory_space<semaphore_mem>>)
      %dma_start3A_555 = arith.constant 1 : i32
      %dma_start3A_556 = arith.constant 1 : i32
      %dma_start3A_557 = arith.constant 1 : i32
      %dma_start3A_558 = arith.constant 0 : i32
      %dma_start3A_559 = arith.constant 0 : i32
      %dma_start3A_560 = tpu.memref_slice %arg8[%dma_start3A_557, %dma_start3A_558, %dma_start3A_559] : memref<4x200x64xf32, #tpu.memory_space<vmem>> -> memref<1x200x64xf32, #tpu.memory_space<vmem>>
      %dma_start3A_561 = tpu.memref_squeeze %dma_start3A_560 : memref<1x200x64xf32, #tpu.memory_space<vmem>> -> memref<200x64xf32, #tpu.memory_space<vmem>>
      %dma_start3A_562 = arith.constant 0 : i32
      %dma_start3A_563 = tpu.memref_slice %arg6[%dma_start3A_555, %dma_start3A_556, %dma_start3A_562] : memref<2x4x200xi32, #tpu.memory_space<vmem>> -> memref<1x1x200xi32, #tpu.memory_space<vmem>>
      %dma_start3A_564 = tpu.memref_squeeze %dma_start3A_563 : memref<1x1x200xi32, #tpu.memory_space<vmem>> -> memref<200xi32, #tpu.memory_space<vmem>>
      %dma_start3A_565 = arith.constant 0 : i32
      %dma_start3A_566 = arith.constant 0 : i32
      %dma_start3A_567 = tpu.memref_slice %arg3[%dma_start3A_565, %dma_start3A_566] : memref<1000000x64xf32, #tpu.memory_space<hbm>> -> memref<1000000x64xf32, #tpu.memory_space<hbm>>
      tpu.enqueue_indirect_dma source(%dma_start3A_567 : memref<1000000x64xf32, #tpu.memory_space<hbm>>) target(%dma_start3A_561 : memref<200x64xf32, #tpu.memory_space<vmem>>) offsets(%dma_start3A_564 : memref<200xi32, #tpu.memory_space<vmem>>) semaphore(%arg10 : memref<!tpu.dma_semaphore, #tpu.memory_space<semaphore_mem>>)
      %dma_start3A_568 = arith.constant 1 : i32
      %dma_start3A_569 = arith.constant 2 : i32
      %dma_start3A_570 = arith.constant 2 : i32
      %dma_start3A_571 = arith.constant 0 : i32
      %dma_start3A_572 = arith.constant 0 : i32
      %dma_start3A_573 = tpu.memref_slice %arg8[%dma_start3A_570, %dma_start3A_571, %dma_start3A_572] : memref<4x200x64xf32, #tpu.memory_space<vmem>> -> memref<1x200x64xf32, #tpu.memory_space<vmem>>
      %dma_start3A_574 = tpu.memref_squeeze %dma_start3A_573 : memref<1x200x64xf32, #tpu.memory_space<vmem>> -> memref<200x64xf32, #tpu.memory_space<vmem>>
      %dma_start3A_575 = arith.constant 0 : i32
      %dma_start3A_576 = tpu.memref_slice %arg6[%dma_start3A_568, %dma_start3A_569, %dma_start3A_575] : memref<2x4x200xi32, #tpu.memory_space<vmem>> -> memref<1x1x200xi32, #tpu.memory_space<vmem>>
      %dma_start3A_577 = tpu.memref_squeeze %dma_start3A_576 : memref<1x1x200xi32, #tpu.memory_space<vmem>> -> memref<200xi32, #tpu.memory_space<vmem>>
      %dma_start3A_578 = arith.constant 0 : i32
      %dma_start3A_579 = arith.constant 0 : i32
      %dma_start3A_580 = tpu.memref_slice %arg3[%dma_start3A_578, %dma_start3A_579] : memref<1000000x64xf32, #tpu.memory_space<hbm>> -> memref<1000000x64xf32, #tpu.memory_space<hbm>>
      tpu.enqueue_indirect_dma source(%dma_start3A_580 : memref<1000000x64xf32, #tpu.memory_space<hbm>>) target(%dma_start3A_574 : memref<200x64xf32, #tpu.memory_space<vmem>>) offsets(%dma_start3A_577 : memref<200xi32, #tpu.memory_space<vmem>>) semaphore(%arg10 : memref<!tpu.dma_semaphore, #tpu.memory_space<semaphore_mem>>)
      %dma_start3A_581 = arith.constant 1 : i32
      %dma_start3A_582 = arith.constant 3 : i32
      %dma_start3A_583 = arith.constant 3 : i32
      %dma_start3A_584 = arith.constant 0 : i32
      %dma_start3A_585 = arith.constant 0 : i32
      %dma_start3A_586 = tpu.memref_slice %arg8[%dma_start3A_583, %dma_start3A_584, %dma_start3A_585] : memref<4x200x64xf32, #tpu.memory_space<vmem>> -> memref<1x200x64xf32, #tpu.memory_space<vmem>>
      %dma_start3A_587 = tpu.memref_squeeze %dma_start3A_586 : memref<1x200x64xf32, #tpu.memory_space<vmem>> -> memref<200x64xf32, #tpu.memory_space<vmem>>
      %dma_start3A_588 = arith.constant 0 : i32
      %dma_start3A_589 = tpu.memref_slice %arg6[%dma_start3A_581, %dma_start3A_582, %dma_start3A_588] : memref<2x4x200xi32, #tpu.memory_space<vmem>> -> memref<1x1x200xi32, #tpu.memory_space<vmem>>
      %dma_start3A_590 = tpu.memref_squeeze %dma_start3A_589 : memref<1x1x200xi32, #tpu.memory_space<vmem>> -> memref<200xi32, #tpu.memory_space<vmem>>
      %dma_start3A_591 = arith.constant 0 : i32
      %dma_start3A_592 = arith.constant 0 : i32
      %dma_start3A_593 = tpu.memref_slice %arg3[%dma_start3A_591, %dma_start3A_592] : memref<1000000x64xf32, #tpu.memory_space<hbm>> -> memref<1000000x64xf32, #tpu.memory_space<hbm>>
      tpu.enqueue_indirect_dma source(%dma_start3A_593 : memref<1000000x64xf32, #tpu.memory_space<hbm>>) target(%dma_start3A_587 : memref<200x64xf32, #tpu.memory_space<vmem>>) offsets(%dma_start3A_590 : memref<200xi32, #tpu.memory_space<vmem>>) semaphore(%arg10 : memref<!tpu.dma_semaphore, #tpu.memory_space<semaphore_mem>>)
      %add3A_594 = arith.constant 2 : i32
      %add3A_595 = arith.addi %add3A_460, %add3A_594 : i32
      %lt3A_596 = arith.constant 32 : i32
      %lt3A_597 = arith.cmpi slt, %add3A_595, %lt3A_596 : i32
      %convert_element_type3A_598 = arith.extui %lt3A_597 : i1 to i32
      %cond3A_599 = arith.constant 0 : i32
      %cond3A_600 = arith.cmpi ne, %convert_element_type3A_598, %cond3A_599 : i32
      scf.if %cond3A_600 {
        %add3A_616 = arith.constant 2 : i32
        %add3A_617 = arith.addi %add3A_460, %add3A_616 : i32
        %mul3A_618 = arith.constant 4 : i32
        %mul3A_619 = arith.muli %add3A_617, %mul3A_618 : i32
        %add3A_620 = arith.addi %mul3A_2, %mul3A_619 : i32
        %dma_start3A_621 = arith.constant 0 : i32
        %dma_start3A_622 = arith.constant 0 : i32
        %dma_start3A_623 = arith.constant 0 : i32
        %dma_start3A_624 = tpu.memref_slice %arg6[%dma_start3A_621, %dma_start3A_622, %dma_start3A_623] : memref<2x4x200xi32, #tpu.memory_space<vmem>> -> memref<1x4x200xi32, #tpu.memory_space<vmem>>
        %dma_start3A_625 = tpu.memref_squeeze %dma_start3A_624 : memref<1x4x200xi32, #tpu.memory_space<vmem>> -> memref<4x200xi32, #tpu.memory_space<vmem>>
        %dma_start3A_626 = arith.constant 0 : i32
        %dma_start3A_627 = tpu.memref_slice %arg2[%add3A_620, %dma_start3A_626] : memref<4096x200xi32, #tpu.memory_space<hbm>> -> memref<4x200xi32, #tpu.memory_space<hbm>>
        %dma_start3A_628 = arith.constant 0 : i32
        %dma_start3A_629 = arith.constant 0 : i32
        %dma_start3A_630 = tpu.memref_slice %arg6[%dma_start3A_621, %dma_start3A_628, %dma_start3A_629] : memref<2x4x200xi32, #tpu.memory_space<vmem>> -> memref<1x4x200xi32, #tpu.memory_space<vmem>>
        %dma_start3A_631 = tpu.memref_squeeze %dma_start3A_630 : memref<1x4x200xi32, #tpu.memory_space<vmem>> -> memref<4x200xi32, #tpu.memory_space<vmem>>
        %dma_start3A_632 = arith.constant 0 : i32
        %dma_start3A_633 = tpu.memref_slice %arg2[%add3A_620, %dma_start3A_632] : memref<4096x200xi32, #tpu.memory_space<hbm>> -> memref<4x200xi32, #tpu.memory_space<hbm>>
        tpu.enqueue_dma source(%dma_start3A_633 : memref<4x200xi32, #tpu.memory_space<hbm>>) target(%dma_start3A_631 : memref<4x200xi32, #tpu.memory_space<vmem>>) target_semaphore(%arg11 : memref<!tpu.dma_semaphore, #tpu.memory_space<semaphore_mem>>)
      } else {
      }
      %scan3A_601 = arith.constant 0 : i32
      %scan3A_602 = arith.constant 0 : i32
      %scan3A_603 = arith.constant 200 : i32
      %scan3A_604 = arith.addi %scan3A_602, %scan3A_603 : i32
      %scan3A_605 = arith.constant 2 : i32
      scf.for %scan3A_616 = %scan3A_602 to %scan3A_604 step %scan3A_605  : i32 {
        %get3A = arith.index_cast %scan3A_616 : i32 to index
        %get3A_617 = arith.constant 0 : index
        %get3A_618 = tpu.vector_load %arg9[%get3A, %get3A_617] {strides = array<i32>} : memref<200x64xf32, #tpu.memory_space<vmem>>, vector<1x16xf32>,
        %get3A_619 = vector.shape_cast %get3A_618 : vector<1x16xf32> to vector<16xf32>
        %get3A_620 = arith.index_cast %scan3A_616 : i32 to index
        %get3A_621 = arith.constant 16 : index
        %get3A_622 = tpu.vector_load %arg9[%get3A_620, %get3A_621] {strides = array<i32>} : memref<200x64xf32, #tpu.memory_space<vmem>>, vector<1x16xf32>,
        %get3A_623 = vector.shape_cast %get3A_622 : vector<1x16xf32> to vector<16xf32>
        %get3A_624 = arith.index_cast %scan3A_616 : i32 to index
        %get3A_625 = arith.constant 32 : index
        %get3A_626 = tpu.vector_load %arg9[%get3A_624, %get3A_625] {strides = array<i32>} : memref<200x64xf32, #tpu.memory_space<vmem>>, vector<1x16xf32>,
        %get3A_627 = vector.shape_cast %get3A_626 : vector<1x16xf32> to vector<16xf32>
        %get3A_628 = arith.index_cast %scan3A_616 : i32 to index
        %get3A_629 = arith.constant 48 : index
        %get3A_630 = tpu.vector_load %arg9[%get3A_628, %get3A_629] {strides = array<i32>} : memref<200x64xf32, #tpu.memory_space<vmem>>, vector<1x16xf32>,
        %get3A_631 = vector.shape_cast %get3A_630 : vector<1x16xf32> to vector<16xf32>
        %get3A_632 = arith.constant 0 : i32
        %get3A_633 = arith.index_cast %get3A_632 : i32 to index
        %get3A_634 = arith.index_cast %scan3A_616 : i32 to index
        %get3A_635 = arith.constant 0 : index
        %get3A_636 = tpu.vector_load %arg7[%get3A_633, %get3A_634, %get3A_635] {strides = array<i32>} : memref<4x200x64xf32, #tpu.memory_space<vmem>>, vector<1x1x16xf32>,
        %get3A_637 = vector.shape_cast %get3A_636 : vector<1x1x16xf32> to vector<16xf32>
        %mul3A_638 = arith.constant 8.000000e+00 : f32
        %mul3A_639 = vector.broadcast %mul3A_638 : f32 to vector<16xf32>
        %mul3A_640 = arith.mulf %get3A_637, %mul3A_639 : vector<16xf32>
        %add3A_641 = arith.addf %mul3A_640, %get3A_619 : vector<16xf32>
        %swap3A = arith.constant 0 : i32
        %swap3A_642 = arith.index_cast %swap3A : i32 to index
        %swap3A_643 = arith.index_cast %scan3A_616 : i32 to index
        %swap3A_644 = arith.constant 0 : index
        %swap3A_645 = tpu.vector_load %arg7[%swap3A_642, %swap3A_643, %swap3A_644] {strides = array<i32>} : memref<4x200x64xf32, #tpu.memory_space<vmem>>, vector<1x1x16xf32>,
        %swap3A_646 = vector.shape_cast %swap3A_645 : vector<1x1x16xf32> to vector<16xf32>
        %swap3A_647 = vector.shape_cast %add3A_641 : vector<16xf32> to vector<1x1x16xf32>
        tpu.vector_store %arg7[%swap3A_642, %swap3A_643, %swap3A_644], %swap3A_647 {strides = array<i32>} : memref<4x200x64xf32, #tpu.memory_space<vmem>>, vector<1x1x16xf32>,
        %get3A_648 = arith.constant 0 : i32
        %get3A_649 = arith.index_cast %get3A_648 : i32 to index
        %get3A_650 = arith.index_cast %scan3A_616 : i32 to index
        %get3A_651 = arith.constant 16 : index
        %get3A_652 = tpu.vector_load %arg7[%get3A_649, %get3A_650, %get3A_651] {strides = array<i32>} : memref<4x200x64xf32, #tpu.memory_space<vmem>>, vector<1x1x16xf32>,
        %get3A_653 = vector.shape_cast %get3A_652 : vector<1x1x16xf32> to vector<16xf32>
        %mul3A_654 = arith.constant 8.000000e+00 : f32
        %mul3A_655 = vector.broadcast %mul3A_654 : f32 to vector<16xf32>
        %mul3A_656 = arith.mulf %get3A_653, %mul3A_655 : vector<16xf32>
        %add3A_657 = arith.addf %mul3A_656, %get3A_623 : vector<16xf32>
        %swap3A_658 = arith.constant 0 : i32
        %swap3A_659 = arith.index_cast %swap3A_658 : i32 to index
        %swap3A_660 = arith.index_cast %scan3A_616 : i32 to index
        %swap3A_661 = arith.constant 16 : index
        %swap3A_662 = tpu.vector_load %arg7[%swap3A_659, %swap3A_660, %swap3A_661] {strides = array<i32>} : memref<4x200x64xf32, #tpu.memory_space<vmem>>, vector<1x1x16xf32>,
        %swap3A_663 = vector.shape_cast %swap3A_662 : vector<1x1x16xf32> to vector<16xf32>
        %swap3A_664 = vector.shape_cast %add3A_657 : vector<16xf32> to vector<1x1x16xf32>
        tpu.vector_store %arg7[%swap3A_659, %swap3A_660, %swap3A_661], %swap3A_664 {strides = array<i32>} : memref<4x200x64xf32, #tpu.memory_space<vmem>>, vector<1x1x16xf32>,
        %get3A_665 = arith.constant 0 : i32
        %get3A_666 = arith.index_cast %get3A_665 : i32 to index
        %get3A_667 = arith.index_cast %scan3A_616 : i32 to index
        %get3A_668 = arith.constant 32 : index
        %get3A_669 = tpu.vector_load %arg7[%get3A_666, %get3A_667, %get3A_668] {strides = array<i32>} : memref<4x200x64xf32, #tpu.memory_space<vmem>>, vector<1x1x16xf32>,
        %get3A_670 = vector.shape_cast %get3A_669 : vector<1x1x16xf32> to vector<16xf32>
        %mul3A_671 = arith.constant 8.000000e+00 : f32
        %mul3A_672 = vector.broadcast %mul3A_671 : f32 to vector<16xf32>
        %mul3A_673 = arith.mulf %get3A_670, %mul3A_672 : vector<16xf32>
        %add3A_674 = arith.addf %mul3A_673, %get3A_627 : vector<16xf32>
        %swap3A_675 = arith.constant 0 : i32
        %swap3A_676 = arith.index_cast %swap3A_675 : i32 to index
        %swap3A_677 = arith.index_cast %scan3A_616 : i32 to index
        %swap3A_678 = arith.constant 32 : index
        %swap3A_679 = tpu.vector_load %arg7[%swap3A_676, %swap3A_677, %swap3A_678] {strides = array<i32>} : memref<4x200x64xf32, #tpu.memory_space<vmem>>, vector<1x1x16xf32>,
        %swap3A_680 = vector.shape_cast %swap3A_679 : vector<1x1x16xf32> to vector<16xf32>
        %swap3A_681 = vector.shape_cast %add3A_674 : vector<16xf32> to vector<1x1x16xf32>
        tpu.vector_store %arg7[%swap3A_676, %swap3A_677, %swap3A_678], %swap3A_681 {strides = array<i32>} : memref<4x200x64xf32, #tpu.memory_space<vmem>>, vector<1x1x16xf32>,
        %get3A_682 = arith.constant 0 : i32
        %get3A_683 = arith.index_cast %get3A_682 : i32 to index
        %get3A_684 = arith.index_cast %scan3A_616 : i32 to index
        %get3A_685 = arith.constant 48 : index
        %get3A_686 = tpu.vector_load %arg7[%get3A_683, %get3A_684, %get3A_685] {strides = array<i32>} : memref<4x200x64xf32, #tpu.memory_space<vmem>>, vector<1x1x16xf32>,
        %get3A_687 = vector.shape_cast %get3A_686 : vector<1x1x16xf32> to vector<16xf32>
        %mul3A_688 = arith.constant 8.000000e+00 : f32
        %mul3A_689 = vector.broadcast %mul3A_688 : f32 to vector<16xf32>
        %mul3A_690 = arith.mulf %get3A_687, %mul3A_689 : vector<16xf32>
        %add3A_691 = arith.addf %mul3A_690, %get3A_631 : vector<16xf32>
        %swap3A_692 = arith.constant 0 : i32
        %swap3A_693 = arith.index_cast %swap3A_692 : i32 to index
        %swap3A_694 = arith.index_cast %scan3A_616 : i32 to index
        %swap3A_695 = arith.constant 48 : index
        %swap3A_696 = tpu.vector_load %arg7[%swap3A_693, %swap3A_694, %swap3A_695] {strides = array<i32>} : memref<4x200x64xf32, #tpu.memory_space<vmem>>, vector<1x1x16xf32>,
        %swap3A_697 = vector.shape_cast %swap3A_696 : vector<1x1x16xf32> to vector<16xf32>
        %swap3A_698 = vector.shape_cast %add3A_691 : vector<16xf32> to vector<1x1x16xf32>
        tpu.vector_store %arg7[%swap3A_693, %swap3A_694, %swap3A_695], %swap3A_698 {strides = array<i32>} : memref<4x200x64xf32, #tpu.memory_space<vmem>>, vector<1x1x16xf32>,
        %get3A_699 = arith.constant 1 : i32
        %get3A_700 = arith.index_cast %get3A_699 : i32 to index
        %get3A_701 = arith.index_cast %scan3A_616 : i32 to index
        %get3A_702 = arith.constant 0 : index
        %get3A_703 = tpu.vector_load %arg7[%get3A_700, %get3A_701, %get3A_702] {strides = array<i32>} : memref<4x200x64xf32, #tpu.memory_space<vmem>>, vector<1x1x16xf32>,
        %get3A_704 = vector.shape_cast %get3A_703 : vector<1x1x16xf32> to vector<16xf32>
        %mul3A_705 = arith.constant 8.000000e+00 : f32
        %mul3A_706 = vector.broadcast %mul3A_705 : f32 to vector<16xf32>
        %mul3A_707 = arith.mulf %get3A_704, %mul3A_706 : vector<16xf32>
        %add3A_708 = arith.addf %mul3A_707, %get3A_619 : vector<16xf32>
        %swap3A_709 = arith.constant 1 : i32
        %swap3A_710 = arith.index_cast %swap3A_709 : i32 to index
        %swap3A_711 = arith.index_cast %scan3A_616 : i32 to index
        %swap3A_712 = arith.constant 0 : index
        %swap3A_713 = tpu.vector_load %arg7[%swap3A_710, %swap3A_711, %swap3A_712] {strides = array<i32>} : memref<4x200x64xf32, #tpu.memory_space<vmem>>, vector<1x1x16xf32>,
        %swap3A_714 = vector.shape_cast %swap3A_713 : vector<1x1x16xf32> to vector<16xf32>
        %swap3A_715 = vector.shape_cast %add3A_708 : vector<16xf32> to vector<1x1x16xf32>
        tpu.vector_store %arg7[%swap3A_710, %swap3A_711, %swap3A_712], %swap3A_715 {strides = array<i32>} : memref<4x200x64xf32, #tpu.memory_space<vmem>>, vector<1x1x16xf32>,
        %get3A_716 = arith.constant 1 : i32
        %get3A_717 = arith.index_cast %get3A_716 : i32 to index
        %get3A_718 = arith.index_cast %scan3A_616 : i32 to index
        %get3A_719 = arith.constant 16 : index
        %get3A_720 = tpu.vector_load %arg7[%get3A_717, %get3A_718, %get3A_719] {strides = array<i32>} : memref<4x200x64xf32, #tpu.memory_space<vmem>>, vector<1x1x16xf32>,
        %get3A_721 = vector.shape_cast %get3A_720 : vector<1x1x16xf32> to vector<16xf32>
        %mul3A_722 = arith.constant 8.000000e+00 : f32
        %mul3A_723 = vector.broadcast %mul3A_722 : f32 to vector<16xf32>
        %mul3A_724 = arith.mulf %get3A_721, %mul3A_723 : vector<16xf32>
        %add3A_725 = arith.addf %mul3A_724, %get3A_623 : vector<16xf32>
        %swap3A_726 = arith.constant 1 : i32
        %swap3A_727 = arith.index_cast %swap3A_726 : i32 to index
        %swap3A_728 = arith.index_cast %scan3A_616 : i32 to index
        %swap3A_729 = arith.constant 16 : index
        %swap3A_730 = tpu.vector_load %arg7[%swap3A_727, %swap3A_728, %swap3A_729] {strides = array<i32>} : memref<4x200x64xf32, #tpu.memory_space<vmem>>, vector<1x1x16xf32>,
        %swap3A_731 = vector.shape_cast %swap3A_730 : vector<1x1x16xf32> to vector<16xf32>
        %swap3A_732 = vector.shape_cast %add3A_725 : vector<16xf32> to vector<1x1x16xf32>
        tpu.vector_store %arg7[%swap3A_727, %swap3A_728, %swap3A_729], %swap3A_732 {strides = array<i32>} : memref<4x200x64xf32, #tpu.memory_space<vmem>>, vector<1x1x16xf32>,
        %get3A_733 = arith.constant 1 : i32
        %get3A_734 = arith.index_cast %get3A_733 : i32 to index
        %get3A_735 = arith.index_cast %scan3A_616 : i32 to index
        %get3A_736 = arith.constant 32 : index
        %get3A_737 = tpu.vector_load %arg7[%get3A_734, %get3A_735, %get3A_736] {strides = array<i32>} : memref<4x200x64xf32, #tpu.memory_space<vmem>>, vector<1x1x16xf32>,
        %get3A_738 = vector.shape_cast %get3A_737 : vector<1x1x16xf32> to vector<16xf32>
        %mul3A_739 = arith.constant 8.000000e+00 : f32
        %mul3A_740 = vector.broadcast %mul3A_739 : f32 to vector<16xf32>
        %mul3A_741 = arith.mulf %get3A_738, %mul3A_740 : vector<16xf32>
        %add3A_742 = arith.addf %mul3A_741, %get3A_627 : vector<16xf32>
        %swap3A_743 = arith.constant 1 : i32
        %swap3A_744 = arith.index_cast %swap3A_743 : i32 to index
        %swap3A_745 = arith.index_cast %scan3A_616 : i32 to index
        %swap3A_746 = arith.constant 32 : index
        %swap3A_747 = tpu.vector_load %arg7[%swap3A_744, %swap3A_745, %swap3A_746] {strides = array<i32>} : memref<4x200x64xf32, #tpu.memory_space<vmem>>, vector<1x1x16xf32>,
        %swap3A_748 = vector.shape_cast %swap3A_747 : vector<1x1x16xf32> to vector<16xf32>
        %swap3A_749 = vector.shape_cast %add3A_742 : vector<16xf32> to vector<1x1x16xf32>
        tpu.vector_store %arg7[%swap3A_744, %swap3A_745, %swap3A_746], %swap3A_749 {strides = array<i32>} : memref<4x200x64xf32, #tpu.memory_space<vmem>>, vector<1x1x16xf32>,
        %get3A_750 = arith.constant 1 : i32
        %get3A_751 = arith.index_cast %get3A_750 : i32 to index
        %get3A_752 = arith.index_cast %scan3A_616 : i32 to index
        %get3A_753 = arith.constant 48 : index
        %get3A_754 = tpu.vector_load %arg7[%get3A_751, %get3A_752, %get3A_753] {strides = array<i32>} : memref<4x200x64xf32, #tpu.memory_space<vmem>>, vector<1x1x16xf32>,
        %get3A_755 = vector.shape_cast %get3A_754 : vector<1x1x16xf32> to vector<16xf32>
        %mul3A_756 = arith.constant 8.000000e+00 : f32
        %mul3A_757 = vector.broadcast %mul3A_756 : f32 to vector<16xf32>
        %mul3A_758 = arith.mulf %get3A_755, %mul3A_757 : vector<16xf32>
        %add3A_759 = arith.addf %mul3A_758, %get3A_631 : vector<16xf32>
        %swap3A_760 = arith.constant 1 : i32
        %swap3A_761 = arith.index_cast %swap3A_760 : i32 to index
        %swap3A_762 = arith.index_cast %scan3A_616 : i32 to index
        %swap3A_763 = arith.constant 48 : index
        %swap3A_764 = tpu.vector_load %arg7[%swap3A_761, %swap3A_762, %swap3A_763] {strides = array<i32>} : memref<4x200x64xf32, #tpu.memory_space<vmem>>, vector<1x1x16xf32>,
        %swap3A_765 = vector.shape_cast %swap3A_764 : vector<1x1x16xf32> to vector<16xf32>
        %swap3A_766 = vector.shape_cast %add3A_759 : vector<16xf32> to vector<1x1x16xf32>
        tpu.vector_store %arg7[%swap3A_761, %swap3A_762, %swap3A_763], %swap3A_766 {strides = array<i32>} : memref<4x200x64xf32, #tpu.memory_space<vmem>>, vector<1x1x16xf32>,
        %get3A_767 = arith.constant 2 : i32
        %get3A_768 = arith.index_cast %get3A_767 : i32 to index
        %get3A_769 = arith.index_cast %scan3A_616 : i32 to index
        %get3A_770 = arith.constant 0 : index
        %get3A_771 = tpu.vector_load %arg7[%get3A_768, %get3A_769, %get3A_770] {strides = array<i32>} : memref<4x200x64xf32, #tpu.memory_space<vmem>>, vector<1x1x16xf32>,
        %get3A_772 = vector.shape_cast %get3A_771 : vector<1x1x16xf32> to vector<16xf32>
        %mul3A_773 = arith.constant 8.000000e+00 : f32
        %mul3A_774 = vector.broadcast %mul3A_773 : f32 to vector<16xf32>
        %mul3A_775 = arith.mulf %get3A_772, %mul3A_774 : vector<16xf32>
        %add3A_776 = arith.addf %mul3A_775, %get3A_619 : vector<16xf32>
        %swap3A_777 = arith.constant 2 : i32
        %swap3A_778 = arith.index_cast %swap3A_777 : i32 to index
        %swap3A_779 = arith.index_cast %scan3A_616 : i32 to index
        %swap3A_780 = arith.constant 0 : index
        %swap3A_781 = tpu.vector_load %arg7[%swap3A_778, %swap3A_779, %swap3A_780] {strides = array<i32>} : memref<4x200x64xf32, #tpu.memory_space<vmem>>, vector<1x1x16xf32>,
        %swap3A_782 = vector.shape_cast %swap3A_781 : vector<1x1x16xf32> to vector<16xf32>
        %swap3A_783 = vector.shape_cast %add3A_776 : vector<16xf32> to vector<1x1x16xf32>
        tpu.vector_store %arg7[%swap3A_778, %swap3A_779, %swap3A_780], %swap3A_783 {strides = array<i32>} : memref<4x200x64xf32, #tpu.memory_space<vmem>>, vector<1x1x16xf32>,
        %get3A_784 = arith.constant 2 : i32
        %get3A_785 = arith.index_cast %get3A_784 : i32 to index
        %get3A_786 = arith.index_cast %scan3A_616 : i32 to index
        %get3A_787 = arith.constant 16 : index
        %get3A_788 = tpu.vector_load %arg7[%get3A_785, %get3A_786, %get3A_787] {strides = array<i32>} : memref<4x200x64xf32, #tpu.memory_space<vmem>>, vector<1x1x16xf32>,
        %get3A_789 = vector.shape_cast %get3A_788 : vector<1x1x16xf32> to vector<16xf32>
        %mul3A_790 = arith.constant 8.000000e+00 : f32
        %mul3A_791 = vector.broadcast %mul3A_790 : f32 to vector<16xf32>
        %mul3A_792 = arith.mulf %get3A_789, %mul3A_791 : vector<16xf32>
        %add3A_793 = arith.addf %mul3A_792, %get3A_623 : vector<16xf32>
        %swap3A_794 = arith.constant 2 : i32
        %swap3A_795 = arith.index_cast %swap3A_794 : i32 to index
        %swap3A_796 = arith.index_cast %scan3A_616 : i32 to index
        %swap3A_797 = arith.constant 16 : index
        %swap3A_798 = tpu.vector_load %arg7[%swap3A_795, %swap3A_796, %swap3A_797] {strides = array<i32>} : memref<4x200x64xf32, #tpu.memory_space<vmem>>, vector<1x1x16xf32>,
        %swap3A_799 = vector.shape_cast %swap3A_798 : vector<1x1x16xf32> to vector<16xf32>
        %swap3A_800 = vector.shape_cast %add3A_793 : vector<16xf32> to vector<1x1x16xf32>
        tpu.vector_store %arg7[%swap3A_795, %swap3A_796, %swap3A_797], %swap3A_800 {strides = array<i32>} : memref<4x200x64xf32, #tpu.memory_space<vmem>>, vector<1x1x16xf32>,
        %get3A_801 = arith.constant 2 : i32
        %get3A_802 = arith.index_cast %get3A_801 : i32 to index
        %get3A_803 = arith.index_cast %scan3A_616 : i32 to index
        %get3A_804 = arith.constant 32 : index
        %get3A_805 = tpu.vector_load %arg7[%get3A_802, %get3A_803, %get3A_804] {strides = array<i32>} : memref<4x200x64xf32, #tpu.memory_space<vmem>>, vector<1x1x16xf32>,
        %get3A_806 = vector.shape_cast %get3A_805 : vector<1x1x16xf32> to vector<16xf32>
        %mul3A_807 = arith.constant 8.000000e+00 : f32
        %mul3A_808 = vector.broadcast %mul3A_807 : f32 to vector<16xf32>
        %mul3A_809 = arith.mulf %get3A_806, %mul3A_808 : vector<16xf32>
        %add3A_810 = arith.addf %mul3A_809, %get3A_627 : vector<16xf32>
        %swap3A_811 = arith.constant 2 : i32
        %swap3A_812 = arith.index_cast %swap3A_811 : i32 to index
        %swap3A_813 = arith.index_cast %scan3A_616 : i32 to index
        %swap3A_814 = arith.constant 32 : index
        %swap3A_815 = tpu.vector_load %arg7[%swap3A_812, %swap3A_813, %swap3A_814] {strides = array<i32>} : memref<4x200x64xf32, #tpu.memory_space<vmem>>, vector<1x1x16xf32>,
        %swap3A_816 = vector.shape_cast %swap3A_815 : vector<1x1x16xf32> to vector<16xf32>
        %swap3A_817 = vector.shape_cast %add3A_810 : vector<16xf32> to vector<1x1x16xf32>
        tpu.vector_store %arg7[%swap3A_812, %swap3A_813, %swap3A_814], %swap3A_817 {strides = array<i32>} : memref<4x200x64xf32, #tpu.memory_space<vmem>>, vector<1x1x16xf32>,
        %get3A_818 = arith.constant 2 : i32
        %get3A_819 = arith.index_cast %get3A_818 : i32 to index
        %get3A_820 = arith.index_cast %scan3A_616 : i32 to index
        %get3A_821 = arith.constant 48 : index
        %get3A_822 = tpu.vector_load %arg7[%get3A_819, %get3A_820, %get3A_821] {strides = array<i32>} : memref<4x200x64xf32, #tpu.memory_space<vmem>>, vector<1x1x16xf32>,
        %get3A_823 = vector.shape_cast %get3A_822 : vector<1x1x16xf32> to vector<16xf32>
        %mul3A_824 = arith.constant 8.000000e+00 : f32
        %mul3A_825 = vector.broadcast %mul3A_824 : f32 to vector<16xf32>
        %mul3A_826 = arith.mulf %get3A_823, %mul3A_825 : vector<16xf32>
        %add3A_827 = arith.addf %mul3A_826, %get3A_631 : vector<16xf32>
        %swap3A_828 = arith.constant 2 : i32
        %swap3A_829 = arith.index_cast %swap3A_828 : i32 to index
        %swap3A_830 = arith.index_cast %scan3A_616 : i32 to index
        %swap3A_831 = arith.constant 48 : index
        %swap3A_832 = tpu.vector_load %arg7[%swap3A_829, %swap3A_830, %swap3A_831] {strides = array<i32>} : memref<4x200x64xf32, #tpu.memory_space<vmem>>, vector<1x1x16xf32>,
        %swap3A_833 = vector.shape_cast %swap3A_832 : vector<1x1x16xf32> to vector<16xf32>
        %swap3A_834 = vector.shape_cast %add3A_827 : vector<16xf32> to vector<1x1x16xf32>
        tpu.vector_store %arg7[%swap3A_829, %swap3A_830, %swap3A_831], %swap3A_834 {strides = array<i32>} : memref<4x200x64xf32, #tpu.memory_space<vmem>>, vector<1x1x16xf32>,
        %get3A_835 = arith.constant 3 : i32
        %get3A_836 = arith.index_cast %get3A_835 : i32 to index
        %get3A_837 = arith.index_cast %scan3A_616 : i32 to index
        %get3A_838 = arith.constant 0 : index
        %get3A_839 = tpu.vector_load %arg7[%get3A_836, %get3A_837, %get3A_838] {strides = array<i32>} : memref<4x200x64xf32, #tpu.memory_space<vmem>>, vector<1x1x16xf32>,
        %get3A_840 = vector.shape_cast %get3A_839 : vector<1x1x16xf32> to vector<16xf32>
        %mul3A_841 = arith.constant 8.000000e+00 : f32
        %mul3A_842 = vector.broadcast %mul3A_841 : f32 to vector<16xf32>
        %mul3A_843 = arith.mulf %get3A_840, %mul3A_842 : vector<16xf32>
        %add3A_844 = arith.addf %mul3A_843, %get3A_619 : vector<16xf32>
        %swap3A_845 = arith.constant 3 : i32
        %swap3A_846 = arith.index_cast %swap3A_845 : i32 to index
        %swap3A_847 = arith.index_cast %scan3A_616 : i32 to index
        %swap3A_848 = arith.constant 0 : index
        %swap3A_849 = tpu.vector_load %arg7[%swap3A_846, %swap3A_847, %swap3A_848] {strides = array<i32>} : memref<4x200x64xf32, #tpu.memory_space<vmem>>, vector<1x1x16xf32>,
        %swap3A_850 = vector.shape_cast %swap3A_849 : vector<1x1x16xf32> to vector<16xf32>
        %swap3A_851 = vector.shape_cast %add3A_844 : vector<16xf32> to vector<1x1x16xf32>
        tpu.vector_store %arg7[%swap3A_846, %swap3A_847, %swap3A_848], %swap3A_851 {strides = array<i32>} : memref<4x200x64xf32, #tpu.memory_space<vmem>>, vector<1x1x16xf32>,
        %get3A_852 = arith.constant 3 : i32
        %get3A_853 = arith.index_cast %get3A_852 : i32 to index
        %get3A_854 = arith.index_cast %scan3A_616 : i32 to index
        %get3A_855 = arith.constant 16 : index
        %get3A_856 = tpu.vector_load %arg7[%get3A_853, %get3A_854, %get3A_855] {strides = array<i32>} : memref<4x200x64xf32, #tpu.memory_space<vmem>>, vector<1x1x16xf32>,
        %get3A_857 = vector.shape_cast %get3A_856 : vector<1x1x16xf32> to vector<16xf32>
        %mul3A_858 = arith.constant 8.000000e+00 : f32
        %mul3A_859 = vector.broadcast %mul3A_858 : f32 to vector<16xf32>
        %mul3A_860 = arith.mulf %get3A_857, %mul3A_859 : vector<16xf32>
        %add3A_861 = arith.addf %mul3A_860, %get3A_623 : vector<16xf32>
        %swap3A_862 = arith.constant 3 : i32
        %swap3A_863 = arith.index_cast %swap3A_862 : i32 to index
        %swap3A_864 = arith.index_cast %scan3A_616 : i32 to index
        %swap3A_865 = arith.constant 16 : index
        %swap3A_866 = tpu.vector_load %arg7[%swap3A_863, %swap3A_864, %swap3A_865] {strides = array<i32>} : memref<4x200x64xf32, #tpu.memory_space<vmem>>, vector<1x1x16xf32>,
        %swap3A_867 = vector.shape_cast %swap3A_866 : vector<1x1x16xf32> to vector<16xf32>
        %swap3A_868 = vector.shape_cast %add3A_861 : vector<16xf32> to vector<1x1x16xf32>
        tpu.vector_store %arg7[%swap3A_863, %swap3A_864, %swap3A_865], %swap3A_868 {strides = array<i32>} : memref<4x200x64xf32, #tpu.memory_space<vmem>>, vector<1x1x16xf32>,
        %get3A_869 = arith.constant 3 : i32
        %get3A_870 = arith.index_cast %get3A_869 : i32 to index
        %get3A_871 = arith.index_cast %scan3A_616 : i32 to index
        %get3A_872 = arith.constant 32 : index
        %get3A_873 = tpu.vector_load %arg7[%get3A_870, %get3A_871, %get3A_872] {strides = array<i32>} : memref<4x200x64xf32, #tpu.memory_space<vmem>>, vector<1x1x16xf32>,
        %get3A_874 = vector.shape_cast %get3A_873 : vector<1x1x16xf32> to vector<16xf32>
        %mul3A_875 = arith.constant 8.000000e+00 : f32
        %mul3A_876 = vector.broadcast %mul3A_875 : f32 to vector<16xf32>
        %mul3A_877 = arith.mulf %get3A_874, %mul3A_876 : vector<16xf32>
        %add3A_878 = arith.addf %mul3A_877, %get3A_627 : vector<16xf32>
        %swap3A_879 = arith.constant 3 : i32
        %swap3A_880 = arith.index_cast %swap3A_879 : i32 to index
        %swap3A_881 = arith.index_cast %scan3A_616 : i32 to index
        %swap3A_882 = arith.constant 32 : index
        %swap3A_883 = tpu.vector_load %arg7[%swap3A_880, %swap3A_881, %swap3A_882] {strides = array<i32>} : memref<4x200x64xf32, #tpu.memory_space<vmem>>, vector<1x1x16xf32>,
        %swap3A_884 = vector.shape_cast %swap3A_883 : vector<1x1x16xf32> to vector<16xf32>
        %swap3A_885 = vector.shape_cast %add3A_878 : vector<16xf32> to vector<1x1x16xf32>
        tpu.vector_store %arg7[%swap3A_880, %swap3A_881, %swap3A_882], %swap3A_885 {strides = array<i32>} : memref<4x200x64xf32, #tpu.memory_space<vmem>>, vector<1x1x16xf32>,
        %get3A_886 = arith.constant 3 : i32
        %get3A_887 = arith.index_cast %get3A_886 : i32 to index
        %get3A_888 = arith.index_cast %scan3A_616 : i32 to index
        %get3A_889 = arith.constant 48 : index
        %get3A_890 = tpu.vector_load %arg7[%get3A_887, %get3A_888, %get3A_889] {strides = array<i32>} : memref<4x200x64xf32, #tpu.memory_space<vmem>>, vector<1x1x16xf32>,
        %get3A_891 = vector.shape_cast %get3A_890 : vector<1x1x16xf32> to vector<16xf32>
        %mul3A_892 = arith.constant 8.000000e+00 : f32
        %mul3A_893 = vector.broadcast %mul3A_892 : f32 to vector<16xf32>
        %mul3A_894 = arith.mulf %get3A_891, %mul3A_893 : vector<16xf32>
        %add3A_895 = arith.addf %mul3A_894, %get3A_631 : vector<16xf32>
        %swap3A_896 = arith.constant 3 : i32
        %swap3A_897 = arith.index_cast %swap3A_896 : i32 to index
        %swap3A_898 = arith.index_cast %scan3A_616 : i32 to index
        %swap3A_899 = arith.constant 48 : index
        %swap3A_900 = tpu.vector_load %arg7[%swap3A_897, %swap3A_898, %swap3A_899] {strides = array<i32>} : memref<4x200x64xf32, #tpu.memory_space<vmem>>, vector<1x1x16xf32>,
        %swap3A_901 = vector.shape_cast %swap3A_900 : vector<1x1x16xf32> to vector<16xf32>
        %swap3A_902 = vector.shape_cast %add3A_895 : vector<16xf32> to vector<1x1x16xf32>
        tpu.vector_store %arg7[%swap3A_897, %swap3A_898, %swap3A_899], %swap3A_902 {strides = array<i32>} : memref<4x200x64xf32, #tpu.memory_space<vmem>>, vector<1x1x16xf32>,
        %scan3A_903 = arith.constant 1 : i32
        %scan3A_904 = arith.addi %scan3A_616, %scan3A_903 : i32
        %get3A_905 = arith.index_cast %scan3A_904 : i32 to index
        %get3A_906 = arith.constant 0 : index
        %get3A_907 = tpu.vector_load %arg9[%get3A_905, %get3A_906] {strides = array<i32>} : memref<200x64xf32, #tpu.memory_space<vmem>>, vector<1x16xf32>,
        %get3A_908 = vector.shape_cast %get3A_907 : vector<1x16xf32> to vector<16xf32>
        %get3A_909 = arith.index_cast %scan3A_904 : i32 to index
        %get3A_910 = arith.constant 16 : index
        %get3A_911 = tpu.vector_load %arg9[%get3A_909, %get3A_910] {strides = array<i32>} : memref<200x64xf32, #tpu.memory_space<vmem>>, vector<1x16xf32>,
        %get3A_912 = vector.shape_cast %get3A_911 : vector<1x16xf32> to vector<16xf32>
        %get3A_913 = arith.index_cast %scan3A_904 : i32 to index
        %get3A_914 = arith.constant 32 : index
        %get3A_915 = tpu.vector_load %arg9[%get3A_913, %get3A_914] {strides = array<i32>} : memref<200x64xf32, #tpu.memory_space<vmem>>, vector<1x16xf32>,
        %get3A_916 = vector.shape_cast %get3A_915 : vector<1x16xf32> to vector<16xf32>
        %get3A_917 = arith.index_cast %scan3A_904 : i32 to index
        %get3A_918 = arith.constant 48 : index
        %get3A_919 = tpu.vector_load %arg9[%get3A_917, %get3A_918] {strides = array<i32>} : memref<200x64xf32, #tpu.memory_space<vmem>>, vector<1x16xf32>,
        %get3A_920 = vector.shape_cast %get3A_919 : vector<1x16xf32> to vector<16xf32>
        %get3A_921 = arith.constant 0 : i32
        %get3A_922 = arith.index_cast %get3A_921 : i32 to index
        %get3A_923 = arith.index_cast %scan3A_904 : i32 to index
        %get3A_924 = arith.constant 0 : index
        %get3A_925 = tpu.vector_load %arg7[%get3A_922, %get3A_923, %get3A_924] {strides = array<i32>} : memref<4x200x64xf32, #tpu.memory_space<vmem>>, vector<1x1x16xf32>,
        %get3A_926 = vector.shape_cast %get3A_925 : vector<1x1x16xf32> to vector<16xf32>
        %mul3A_927 = arith.constant 8.000000e+00 : f32
        %mul3A_928 = vector.broadcast %mul3A_927 : f32 to vector<16xf32>
        %mul3A_929 = arith.mulf %get3A_926, %mul3A_928 : vector<16xf32>
        %add3A_930 = arith.addf %mul3A_929, %get3A_908 : vector<16xf32>
        %swap3A_931 = arith.constant 0 : i32
        %swap3A_932 = arith.index_cast %swap3A_931 : i32 to index
        %swap3A_933 = arith.index_cast %scan3A_904 : i32 to index
        %swap3A_934 = arith.constant 0 : index
        %swap3A_935 = tpu.vector_load %arg7[%swap3A_932, %swap3A_933, %swap3A_934] {strides = array<i32>} : memref<4x200x64xf32, #tpu.memory_space<vmem>>, vector<1x1x16xf32>,
        %swap3A_936 = vector.shape_cast %swap3A_935 : vector<1x1x16xf32> to vector<16xf32>
        %swap3A_937 = vector.shape_cast %add3A_930 : vector<16xf32> to vector<1x1x16xf32>
        tpu.vector_store %arg7[%swap3A_932, %swap3A_933, %swap3A_934], %swap3A_937 {strides = array<i32>} : memref<4x200x64xf32, #tpu.memory_space<vmem>>, vector<1x1x16xf32>,
        %get3A_938 = arith.constant 0 : i32
        %get3A_939 = arith.index_cast %get3A_938 : i32 to index
        %get3A_940 = arith.index_cast %scan3A_904 : i32 to index
        %get3A_941 = arith.constant 16 : index
        %get3A_942 = tpu.vector_load %arg7[%get3A_939, %get3A_940, %get3A_941] {strides = array<i32>} : memref<4x200x64xf32, #tpu.memory_space<vmem>>, vector<1x1x16xf32>,
        %get3A_943 = vector.shape_cast %get3A_942 : vector<1x1x16xf32> to vector<16xf32>
        %mul3A_944 = arith.constant 8.000000e+00 : f32
        %mul3A_945 = vector.broadcast %mul3A_944 : f32 to vector<16xf32>
        %mul3A_946 = arith.mulf %get3A_943, %mul3A_945 : vector<16xf32>
        %add3A_947 = arith.addf %mul3A_946, %get3A_912 : vector<16xf32>
        %swap3A_948 = arith.constant 0 : i32
        %swap3A_949 = arith.index_cast %swap3A_948 : i32 to index
        %swap3A_950 = arith.index_cast %scan3A_904 : i32 to index
        %swap3A_951 = arith.constant 16 : index
        %swap3A_952 = tpu.vector_load %arg7[%swap3A_949, %swap3A_950, %swap3A_951] {strides = array<i32>} : memref<4x200x64xf32, #tpu.memory_space<vmem>>, vector<1x1x16xf32>,
        %swap3A_953 = vector.shape_cast %swap3A_952 : vector<1x1x16xf32> to vector<16xf32>
        %swap3A_954 = vector.shape_cast %add3A_947 : vector<16xf32> to vector<1x1x16xf32>
        tpu.vector_store %arg7[%swap3A_949, %swap3A_950, %swap3A_951], %swap3A_954 {strides = array<i32>} : memref<4x200x64xf32, #tpu.memory_space<vmem>>, vector<1x1x16xf32>,
        %get3A_955 = arith.constant 0 : i32
        %get3A_956 = arith.index_cast %get3A_955 : i32 to index
        %get3A_957 = arith.index_cast %scan3A_904 : i32 to index
        %get3A_958 = arith.constant 32 : index
        %get3A_959 = tpu.vector_load %arg7[%get3A_956, %get3A_957, %get3A_958] {strides = array<i32>} : memref<4x200x64xf32, #tpu.memory_space<vmem>>, vector<1x1x16xf32>,
        %get3A_960 = vector.shape_cast %get3A_959 : vector<1x1x16xf32> to vector<16xf32>
        %mul3A_961 = arith.constant 8.000000e+00 : f32
        %mul3A_962 = vector.broadcast %mul3A_961 : f32 to vector<16xf32>
        %mul3A_963 = arith.mulf %get3A_960, %mul3A_962 : vector<16xf32>
        %add3A_964 = arith.addf %mul3A_963, %get3A_916 : vector<16xf32>
        %swap3A_965 = arith.constant 0 : i32
        %swap3A_966 = arith.index_cast %swap3A_965 : i32 to index
        %swap3A_967 = arith.index_cast %scan3A_904 : i32 to index
        %swap3A_968 = arith.constant 32 : index
        %swap3A_969 = tpu.vector_load %arg7[%swap3A_966, %swap3A_967, %swap3A_968] {strides = array<i32>} : memref<4x200x64xf32, #tpu.memory_space<vmem>>, vector<1x1x16xf32>,
        %swap3A_970 = vector.shape_cast %swap3A_969 : vector<1x1x16xf32> to vector<16xf32>
        %swap3A_971 = vector.shape_cast %add3A_964 : vector<16xf32> to vector<1x1x16xf32>
        tpu.vector_store %arg7[%swap3A_966, %swap3A_967, %swap3A_968], %swap3A_971 {strides = array<i32>} : memref<4x200x64xf32, #tpu.memory_space<vmem>>, vector<1x1x16xf32>,
        %get3A_972 = arith.constant 0 : i32
        %get3A_973 = arith.index_cast %get3A_972 : i32 to index
        %get3A_974 = arith.index_cast %scan3A_904 : i32 to index
        %get3A_975 = arith.constant 48 : index
        %get3A_976 = tpu.vector_load %arg7[%get3A_973, %get3A_974, %get3A_975] {strides = array<i32>} : memref<4x200x64xf32, #tpu.memory_space<vmem>>, vector<1x1x16xf32>,
        %get3A_977 = vector.shape_cast %get3A_976 : vector<1x1x16xf32> to vector<16xf32>
        %mul3A_978 = arith.constant 8.000000e+00 : f32
        %mul3A_979 = vector.broadcast %mul3A_978 : f32 to vector<16xf32>
        %mul3A_980 = arith.mulf %get3A_977, %mul3A_979 : vector<16xf32>
        %add3A_981 = arith.addf %mul3A_980, %get3A_920 : vector<16xf32>
        %swap3A_982 = arith.constant 0 : i32
        %swap3A_983 = arith.index_cast %swap3A_982 : i32 to index
        %swap3A_984 = arith.index_cast %scan3A_904 : i32 to index
        %swap3A_985 = arith.constant 48 : index
        %swap3A_986 = tpu.vector_load %arg7[%swap3A_983, %swap3A_984, %swap3A_985] {strides = array<i32>} : memref<4x200x64xf32, #tpu.memory_space<vmem>>, vector<1x1x16xf32>,
        %swap3A_987 = vector.shape_cast %swap3A_986 : vector<1x1x16xf32> to vector<16xf32>
        %swap3A_988 = vector.shape_cast %add3A_981 : vector<16xf32> to vector<1x1x16xf32>
        tpu.vector_store %arg7[%swap3A_983, %swap3A_984, %swap3A_985], %swap3A_988 {strides = array<i32>} : memref<4x200x64xf32, #tpu.memory_space<vmem>>, vector<1x1x16xf32>,
        %get3A_989 = arith.constant 1 : i32
        %get3A_990 = arith.index_cast %get3A_989 : i32 to index
        %get3A_991 = arith.index_cast %scan3A_904 : i32 to index
        %get3A_992 = arith.constant 0 : index
        %get3A_993 = tpu.vector_load %arg7[%get3A_990, %get3A_991, %get3A_992] {strides = array<i32>} : memref<4x200x64xf32, #tpu.memory_space<vmem>>, vector<1x1x16xf32>,
        %get3A_994 = vector.shape_cast %get3A_993 : vector<1x1x16xf32> to vector<16xf32>
        %mul3A_995 = arith.constant 8.000000e+00 : f32
        %mul3A_996 = vector.broadcast %mul3A_995 : f32 to vector<16xf32>
        %mul3A_997 = arith.mulf %get3A_994, %mul3A_996 : vector<16xf32>
        %add3A_998 = arith.addf %mul3A_997, %get3A_908 : vector<16xf32>
        %swap3A_999 = arith.constant 1 : i32
        %swap3A_1000 = arith.index_cast %swap3A_999 : i32 to index
        %swap3A_1001 = arith.index_cast %scan3A_904 : i32 to index
        %swap3A_1002 = arith.constant 0 : index
        %swap3A_1003 = tpu.vector_load %arg7[%swap3A_1000, %swap3A_1001, %swap3A_1002] {strides = array<i32>} : memref<4x200x64xf32, #tpu.memory_space<vmem>>, vector<1x1x16xf32>,
        %swap3A_1004 = vector.shape_cast %swap3A_1003 : vector<1x1x16xf32> to vector<16xf32>
        %swap3A_1005 = vector.shape_cast %add3A_998 : vector<16xf32> to vector<1x1x16xf32>
        tpu.vector_store %arg7[%swap3A_1000, %swap3A_1001, %swap3A_1002], %swap3A_1005 {strides = array<i32>} : memref<4x200x64xf32, #tpu.memory_space<vmem>>, vector<1x1x16xf32>,
        %get3A_1006 = arith.constant 1 : i32
        %get3A_1007 = arith.index_cast %get3A_1006 : i32 to index
        %get3A_1008 = arith.index_cast %scan3A_904 : i32 to index
        %get3A_1009 = arith.constant 16 : index
        %get3A_1010 = tpu.vector_load %arg7[%get3A_1007, %get3A_1008, %get3A_1009] {strides = array<i32>} : memref<4x200x64xf32, #tpu.memory_space<vmem>>, vector<1x1x16xf32>,
        %get3A_1011 = vector.shape_cast %get3A_1010 : vector<1x1x16xf32> to vector<16xf32>
        %mul3A_1012 = arith.constant 8.000000e+00 : f32
        %mul3A_1013 = vector.broadcast %mul3A_1012 : f32 to vector<16xf32>
        %mul3A_1014 = arith.mulf %get3A_1011, %mul3A_1013 : vector<16xf32>
        %add3A_1015 = arith.addf %mul3A_1014, %get3A_912 : vector<16xf32>
        %swap3A_1016 = arith.constant 1 : i32
        %swap3A_1017 = arith.index_cast %swap3A_1016 : i32 to index
        %swap3A_1018 = arith.index_cast %scan3A_904 : i32 to index
        %swap3A_1019 = arith.constant 16 : index
        %swap3A_1020 = tpu.vector_load %arg7[%swap3A_1017, %swap3A_1018, %swap3A_1019] {strides = array<i32>} : memref<4x200x64xf32, #tpu.memory_space<vmem>>, vector<1x1x16xf32>,
        %swap3A_1021 = vector.shape_cast %swap3A_1020 : vector<1x1x16xf32> to vector<16xf32>
        %swap3A_1022 = vector.shape_cast %add3A_1015 : vector<16xf32> to vector<1x1x16xf32>
        tpu.vector_store %arg7[%swap3A_1017, %swap3A_1018, %swap3A_1019], %swap3A_1022 {strides = array<i32>} : memref<4x200x64xf32, #tpu.memory_space<vmem>>, vector<1x1x16xf32>,
        %get3A_1023 = arith.constant 1 : i32
        %get3A_1024 = arith.index_cast %get3A_1023 : i32 to index
        %get3A_1025 = arith.index_cast %scan3A_904 : i32 to index
        %get3A_1026 = arith.constant 32 : index
        %get3A_1027 = tpu.vector_load %arg7[%get3A_1024, %get3A_1025, %get3A_1026] {strides = array<i32>} : memref<4x200x64xf32, #tpu.memory_space<vmem>>, vector<1x1x16xf32>,
        %get3A_1028 = vector.shape_cast %get3A_1027 : vector<1x1x16xf32> to vector<16xf32>
        %mul3A_1029 = arith.constant 8.000000e+00 : f32
        %mul3A_1030 = vector.broadcast %mul3A_1029 : f32 to vector<16xf32>
        %mul3A_1031 = arith.mulf %get3A_1028, %mul3A_1030 : vector<16xf32>
        %add3A_1032 = arith.addf %mul3A_1031, %get3A_916 : vector<16xf32>
        %swap3A_1033 = arith.constant 1 : i32
        %swap3A_1034 = arith.index_cast %swap3A_1033 : i32 to index
        %swap3A_1035 = arith.index_cast %scan3A_904 : i32 to index
        %swap3A_1036 = arith.constant 32 : index
        %swap3A_1037 = tpu.vector_load %arg7[%swap3A_1034, %swap3A_1035, %swap3A_1036] {strides = array<i32>} : memref<4x200x64xf32, #tpu.memory_space<vmem>>, vector<1x1x16xf32>,
        %swap3A_1038 = vector.shape_cast %swap3A_1037 : vector<1x1x16xf32> to vector<16xf32>
        %swap3A_1039 = vector.shape_cast %add3A_1032 : vector<16xf32> to vector<1x1x16xf32>
        tpu.vector_store %arg7[%swap3A_1034, %swap3A_1035, %swap3A_1036], %swap3A_1039 {strides = array<i32>} : memref<4x200x64xf32, #tpu.memory_space<vmem>>, vector<1x1x16xf32>,
        %get3A_1040 = arith.constant 1 : i32
        %get3A_1041 = arith.index_cast %get3A_1040 : i32 to index
        %get3A_1042 = arith.index_cast %scan3A_904 : i32 to index
        %get3A_1043 = arith.constant 48 : index
        %get3A_1044 = tpu.vector_load %arg7[%get3A_1041, %get3A_1042, %get3A_1043] {strides = array<i32>} : memref<4x200x64xf32, #tpu.memory_space<vmem>>, vector<1x1x16xf32>,
        %get3A_1045 = vector.shape_cast %get3A_1044 : vector<1x1x16xf32> to vector<16xf32>
        %mul3A_1046 = arith.constant 8.000000e+00 : f32
        %mul3A_1047 = vector.broadcast %mul3A_1046 : f32 to vector<16xf32>
        %mul3A_1048 = arith.mulf %get3A_1045, %mul3A_1047 : vector<16xf32>
        %add3A_1049 = arith.addf %mul3A_1048, %get3A_920 : vector<16xf32>
        %swap3A_1050 = arith.constant 1 : i32
        %swap3A_1051 = arith.index_cast %swap3A_1050 : i32 to index
        %swap3A_1052 = arith.index_cast %scan3A_904 : i32 to index
        %swap3A_1053 = arith.constant 48 : index
        %swap3A_1054 = tpu.vector_load %arg7[%swap3A_1051, %swap3A_1052, %swap3A_1053] {strides = array<i32>} : memref<4x200x64xf32, #tpu.memory_space<vmem>>, vector<1x1x16xf32>,
        %swap3A_1055 = vector.shape_cast %swap3A_1054 : vector<1x1x16xf32> to vector<16xf32>
        %swap3A_1056 = vector.shape_cast %add3A_1049 : vector<16xf32> to vector<1x1x16xf32>
        tpu.vector_store %arg7[%swap3A_1051, %swap3A_1052, %swap3A_1053], %swap3A_1056 {strides = array<i32>} : memref<4x200x64xf32, #tpu.memory_space<vmem>>, vector<1x1x16xf32>,
        %get3A_1057 = arith.constant 2 : i32
        %get3A_1058 = arith.index_cast %get3A_1057 : i32 to index
        %get3A_1059 = arith.index_cast %scan3A_904 : i32 to index
        %get3A_1060 = arith.constant 0 : index
        %get3A_1061 = tpu.vector_load %arg7[%get3A_1058, %get3A_1059, %get3A_1060] {strides = array<i32>} : memref<4x200x64xf32, #tpu.memory_space<vmem>>, vector<1x1x16xf32>,
        %get3A_1062 = vector.shape_cast %get3A_1061 : vector<1x1x16xf32> to vector<16xf32>
        %mul3A_1063 = arith.constant 8.000000e+00 : f32
        %mul3A_1064 = vector.broadcast %mul3A_1063 : f32 to vector<16xf32>
        %mul3A_1065 = arith.mulf %get3A_1062, %mul3A_1064 : vector<16xf32>
        %add3A_1066 = arith.addf %mul3A_1065, %get3A_908 : vector<16xf32>
        %swap3A_1067 = arith.constant 2 : i32
        %swap3A_1068 = arith.index_cast %swap3A_1067 : i32 to index
        %swap3A_1069 = arith.index_cast %scan3A_904 : i32 to index
        %swap3A_1070 = arith.constant 0 : index
        %swap3A_1071 = tpu.vector_load %arg7[%swap3A_1068, %swap3A_1069, %swap3A_1070] {strides = array<i32>} : memref<4x200x64xf32, #tpu.memory_space<vmem>>, vector<1x1x16xf32>,
        %swap3A_1072 = vector.shape_cast %swap3A_1071 : vector<1x1x16xf32> to vector<16xf32>
        %swap3A_1073 = vector.shape_cast %add3A_1066 : vector<16xf32> to vector<1x1x16xf32>
        tpu.vector_store %arg7[%swap3A_1068, %swap3A_1069, %swap3A_1070], %swap3A_1073 {strides = array<i32>} : memref<4x200x64xf32, #tpu.memory_space<vmem>>, vector<1x1x16xf32>,
        %get3A_1074 = arith.constant 2 : i32
        %get3A_1075 = arith.index_cast %get3A_1074 : i32 to index
        %get3A_1076 = arith.index_cast %scan3A_904 : i32 to index
        %get3A_1077 = arith.constant 16 : index
        %get3A_1078 = tpu.vector_load %arg7[%get3A_1075, %get3A_1076, %get3A_1077] {strides = array<i32>} : memref<4x200x64xf32, #tpu.memory_space<vmem>>, vector<1x1x16xf32>,
        %get3A_1079 = vector.shape_cast %get3A_1078 : vector<1x1x16xf32> to vector<16xf32>
        %mul3A_1080 = arith.constant 8.000000e+00 : f32
        %mul3A_1081 = vector.broadcast %mul3A_1080 : f32 to vector<16xf32>
        %mul3A_1082 = arith.mulf %get3A_1079, %mul3A_1081 : vector<16xf32>
        %add3A_1083 = arith.addf %mul3A_1082, %get3A_912 : vector<16xf32>
        %swap3A_1084 = arith.constant 2 : i32
        %swap3A_1085 = arith.index_cast %swap3A_1084 : i32 to index
        %swap3A_1086 = arith.index_cast %scan3A_904 : i32 to index
        %swap3A_1087 = arith.constant 16 : index
        %swap3A_1088 = tpu.vector_load %arg7[%swap3A_1085, %swap3A_1086, %swap3A_1087] {strides = array<i32>} : memref<4x200x64xf32, #tpu.memory_space<vmem>>, vector<1x1x16xf32>,
        %swap3A_1089 = vector.shape_cast %swap3A_1088 : vector<1x1x16xf32> to vector<16xf32>
        %swap3A_1090 = vector.shape_cast %add3A_1083 : vector<16xf32> to vector<1x1x16xf32>
        tpu.vector_store %arg7[%swap3A_1085, %swap3A_1086, %swap3A_1087], %swap3A_1090 {strides = array<i32>} : memref<4x200x64xf32, #tpu.memory_space<vmem>>, vector<1x1x16xf32>,
        %get3A_1091 = arith.constant 2 : i32
        %get3A_1092 = arith.index_cast %get3A_1091 : i32 to index
        %get3A_1093 = arith.index_cast %scan3A_904 : i32 to index
        %get3A_1094 = arith.constant 32 : index
        %get3A_1095 = tpu.vector_load %arg7[%get3A_1092, %get3A_1093, %get3A_1094] {strides = array<i32>} : memref<4x200x64xf32, #tpu.memory_space<vmem>>, vector<1x1x16xf32>,
        %get3A_1096 = vector.shape_cast %get3A_1095 : vector<1x1x16xf32> to vector<16xf32>
        %mul3A_1097 = arith.constant 8.000000e+00 : f32
        %mul3A_1098 = vector.broadcast %mul3A_1097 : f32 to vector<16xf32>
        %mul3A_1099 = arith.mulf %get3A_1096, %mul3A_1098 : vector<16xf32>
        %add3A_1100 = arith.addf %mul3A_1099, %get3A_916 : vector<16xf32>
        %swap3A_1101 = arith.constant 2 : i32
        %swap3A_1102 = arith.index_cast %swap3A_1101 : i32 to index
        %swap3A_1103 = arith.index_cast %scan3A_904 : i32 to index
        %swap3A_1104 = arith.constant 32 : index
        %swap3A_1105 = tpu.vector_load %arg7[%swap3A_1102, %swap3A_1103, %swap3A_1104] {strides = array<i32>} : memref<4x200x64xf32, #tpu.memory_space<vmem>>, vector<1x1x16xf32>,
        %swap3A_1106 = vector.shape_cast %swap3A_1105 : vector<1x1x16xf32> to vector<16xf32>
        %swap3A_1107 = vector.shape_cast %add3A_1100 : vector<16xf32> to vector<1x1x16xf32>
        tpu.vector_store %arg7[%swap3A_1102, %swap3A_1103, %swap3A_1104], %swap3A_1107 {strides = array<i32>} : memref<4x200x64xf32, #tpu.memory_space<vmem>>, vector<1x1x16xf32>,
        %get3A_1108 = arith.constant 2 : i32
        %get3A_1109 = arith.index_cast %get3A_1108 : i32 to index
        %get3A_1110 = arith.index_cast %scan3A_904 : i32 to index
        %get3A_1111 = arith.constant 48 : index
        %get3A_1112 = tpu.vector_load %arg7[%get3A_1109, %get3A_1110, %get3A_1111] {strides = array<i32>} : memref<4x200x64xf32, #tpu.memory_space<vmem>>, vector<1x1x16xf32>,
        %get3A_1113 = vector.shape_cast %get3A_1112 : vector<1x1x16xf32> to vector<16xf32>
        %mul3A_1114 = arith.constant 8.000000e+00 : f32
        %mul3A_1115 = vector.broadcast %mul3A_1114 : f32 to vector<16xf32>
        %mul3A_1116 = arith.mulf %get3A_1113, %mul3A_1115 : vector<16xf32>
        %add3A_1117 = arith.addf %mul3A_1116, %get3A_920 : vector<16xf32>
        %swap3A_1118 = arith.constant 2 : i32
        %swap3A_1119 = arith.index_cast %swap3A_1118 : i32 to index
        %swap3A_1120 = arith.index_cast %scan3A_904 : i32 to index
        %swap3A_1121 = arith.constant 48 : index
        %swap3A_1122 = tpu.vector_load %arg7[%swap3A_1119, %swap3A_1120, %swap3A_1121] {strides = array<i32>} : memref<4x200x64xf32, #tpu.memory_space<vmem>>, vector<1x1x16xf32>,
        %swap3A_1123 = vector.shape_cast %swap3A_1122 : vector<1x1x16xf32> to vector<16xf32>
        %swap3A_1124 = vector.shape_cast %add3A_1117 : vector<16xf32> to vector<1x1x16xf32>
        tpu.vector_store %arg7[%swap3A_1119, %swap3A_1120, %swap3A_1121], %swap3A_1124 {strides = array<i32>} : memref<4x200x64xf32, #tpu.memory_space<vmem>>, vector<1x1x16xf32>,
        %get3A_1125 = arith.constant 3 : i32
        %get3A_1126 = arith.index_cast %get3A_1125 : i32 to index
        %get3A_1127 = arith.index_cast %scan3A_904 : i32 to index
        %get3A_1128 = arith.constant 0 : index
        %get3A_1129 = tpu.vector_load %arg7[%get3A_1126, %get3A_1127, %get3A_1128] {strides = array<i32>} : memref<4x200x64xf32, #tpu.memory_space<vmem>>, vector<1x1x16xf32>,
        %get3A_1130 = vector.shape_cast %get3A_1129 : vector<1x1x16xf32> to vector<16xf32>
        %mul3A_1131 = arith.constant 8.000000e+00 : f32
        %mul3A_1132 = vector.broadcast %mul3A_1131 : f32 to vector<16xf32>
        %mul3A_1133 = arith.mulf %get3A_1130, %mul3A_1132 : vector<16xf32>
        %add3A_1134 = arith.addf %mul3A_1133, %get3A_908 : vector<16xf32>
        %swap3A_1135 = arith.constant 3 : i32
        %swap3A_1136 = arith.index_cast %swap3A_1135 : i32 to index
        %swap3A_1137 = arith.index_cast %scan3A_904 : i32 to index
        %swap3A_1138 = arith.constant 0 : index
        %swap3A_1139 = tpu.vector_load %arg7[%swap3A_1136, %swap3A_1137, %swap3A_1138] {strides = array<i32>} : memref<4x200x64xf32, #tpu.memory_space<vmem>>, vector<1x1x16xf32>,
        %swap3A_1140 = vector.shape_cast %swap3A_1139 : vector<1x1x16xf32> to vector<16xf32>
        %swap3A_1141 = vector.shape_cast %add3A_1134 : vector<16xf32> to vector<1x1x16xf32>
        tpu.vector_store %arg7[%swap3A_1136, %swap3A_1137, %swap3A_1138], %swap3A_1141 {strides = array<i32>} : memref<4x200x64xf32, #tpu.memory_space<vmem>>, vector<1x1x16xf32>,
        %get3A_1142 = arith.constant 3 : i32
        %get3A_1143 = arith.index_cast %get3A_1142 : i32 to index
        %get3A_1144 = arith.index_cast %scan3A_904 : i32 to index
        %get3A_1145 = arith.constant 16 : index
        %get3A_1146 = tpu.vector_load %arg7[%get3A_1143, %get3A_1144, %get3A_1145] {strides = array<i32>} : memref<4x200x64xf32, #tpu.memory_space<vmem>>, vector<1x1x16xf32>,
        %get3A_1147 = vector.shape_cast %get3A_1146 : vector<1x1x16xf32> to vector<16xf32>
        %mul3A_1148 = arith.constant 8.000000e+00 : f32
        %mul3A_1149 = vector.broadcast %mul3A_1148 : f32 to vector<16xf32>
        %mul3A_1150 = arith.mulf %get3A_1147, %mul3A_1149 : vector<16xf32>
        %add3A_1151 = arith.addf %mul3A_1150, %get3A_912 : vector<16xf32>
        %swap3A_1152 = arith.constant 3 : i32
        %swap3A_1153 = arith.index_cast %swap3A_1152 : i32 to index
        %swap3A_1154 = arith.index_cast %scan3A_904 : i32 to index
        %swap3A_1155 = arith.constant 16 : index
        %swap3A_1156 = tpu.vector_load %arg7[%swap3A_1153, %swap3A_1154, %swap3A_1155] {strides = array<i32>} : memref<4x200x64xf32, #tpu.memory_space<vmem>>, vector<1x1x16xf32>,
        %swap3A_1157 = vector.shape_cast %swap3A_1156 : vector<1x1x16xf32> to vector<16xf32>
        %swap3A_1158 = vector.shape_cast %add3A_1151 : vector<16xf32> to vector<1x1x16xf32>
        tpu.vector_store %arg7[%swap3A_1153, %swap3A_1154, %swap3A_1155], %swap3A_1158 {strides = array<i32>} : memref<4x200x64xf32, #tpu.memory_space<vmem>>, vector<1x1x16xf32>,
        %get3A_1159 = arith.constant 3 : i32
        %get3A_1160 = arith.index_cast %get3A_1159 : i32 to index
        %get3A_1161 = arith.index_cast %scan3A_904 : i32 to index
        %get3A_1162 = arith.constant 32 : index
        %get3A_1163 = tpu.vector_load %arg7[%get3A_1160, %get3A_1161, %get3A_1162] {strides = array<i32>} : memref<4x200x64xf32, #tpu.memory_space<vmem>>, vector<1x1x16xf32>,
        %get3A_1164 = vector.shape_cast %get3A_1163 : vector<1x1x16xf32> to vector<16xf32>
        %mul3A_1165 = arith.constant 8.000000e+00 : f32
        %mul3A_1166 = vector.broadcast %mul3A_1165 : f32 to vector<16xf32>
        %mul3A_1167 = arith.mulf %get3A_1164, %mul3A_1166 : vector<16xf32>
        %add3A_1168 = arith.addf %mul3A_1167, %get3A_916 : vector<16xf32>
        %swap3A_1169 = arith.constant 3 : i32
        %swap3A_1170 = arith.index_cast %swap3A_1169 : i32 to index
        %swap3A_1171 = arith.index_cast %scan3A_904 : i32 to index
        %swap3A_1172 = arith.constant 32 : index
        %swap3A_1173 = tpu.vector_load %arg7[%swap3A_1170, %swap3A_1171, %swap3A_1172] {strides = array<i32>} : memref<4x200x64xf32, #tpu.memory_space<vmem>>, vector<1x1x16xf32>,
        %swap3A_1174 = vector.shape_cast %swap3A_1173 : vector<1x1x16xf32> to vector<16xf32>
        %swap3A_1175 = vector.shape_cast %add3A_1168 : vector<16xf32> to vector<1x1x16xf32>
        tpu.vector_store %arg7[%swap3A_1170, %swap3A_1171, %swap3A_1172], %swap3A_1175 {strides = array<i32>} : memref<4x200x64xf32, #tpu.memory_space<vmem>>, vector<1x1x16xf32>,
        %get3A_1176 = arith.constant 3 : i32
        %get3A_1177 = arith.index_cast %get3A_1176 : i32 to index
        %get3A_1178 = arith.index_cast %scan3A_904 : i32 to index
        %get3A_1179 = arith.constant 48 : index
        %get3A_1180 = tpu.vector_load %arg7[%get3A_1177, %get3A_1178, %get3A_1179] {strides = array<i32>} : memref<4x200x64xf32, #tpu.memory_space<vmem>>, vector<1x1x16xf32>,
        %get3A_1181 = vector.shape_cast %get3A_1180 : vector<1x1x16xf32> to vector<16xf32>
        %mul3A_1182 = arith.constant 8.000000e+00 : f32
        %mul3A_1183 = vector.broadcast %mul3A_1182 : f32 to vector<16xf32>
        %mul3A_1184 = arith.mulf %get3A_1181, %mul3A_1183 : vector<16xf32>
        %add3A_1185 = arith.addf %mul3A_1184, %get3A_920 : vector<16xf32>
        %swap3A_1186 = arith.constant 3 : i32
        %swap3A_1187 = arith.index_cast %swap3A_1186 : i32 to index
        %swap3A_1188 = arith.index_cast %scan3A_904 : i32 to index
        %swap3A_1189 = arith.constant 48 : index
        %swap3A_1190 = tpu.vector_load %arg7[%swap3A_1187, %swap3A_1188, %swap3A_1189] {strides = array<i32>} : memref<4x200x64xf32, #tpu.memory_space<vmem>>, vector<1x1x16xf32>,
        %swap3A_1191 = vector.shape_cast %swap3A_1190 : vector<1x1x16xf32> to vector<16xf32>
        %swap3A_1192 = vector.shape_cast %add3A_1185 : vector<16xf32> to vector<1x1x16xf32>
        tpu.vector_store %arg7[%swap3A_1187, %swap3A_1188, %swap3A_1189], %swap3A_1192 {strides = array<i32>} : memref<4x200x64xf32, #tpu.memory_space<vmem>>, vector<1x1x16xf32>,
      }
      %scan3A_606 = arith.constant 200 : i32
      %mul3A_607 = arith.constant 4 : i32
      %mul3A_608 = arith.muli %add3A_460, %mul3A_607 : i32
      %add3A_609 = arith.addi %mul3A_2, %mul3A_608 : i32
      %dma_start3A_610 = arith.constant 0 : i32
      %dma_start3A_611 = arith.constant 0 : i32
      %dma_start3A_612 = tpu.memref_slice %arg5[%add3A_609, %dma_start3A_610, %dma_start3A_611] : memref<4096x200x128xf32, #tpu.memory_space<hbm>> -> memref<4x200x64xf32, #tpu.memory_space<hbm>>
      %dma_start3A_613 = arith.constant 0 : i32
      %dma_start3A_614 = arith.constant 0 : i32
      %dma_start3A_615 = tpu.memref_slice %arg5[%add3A_609, %dma_start3A_613, %dma_start3A_614] : memref<4096x200x128xf32, #tpu.memory_space<hbm>> -> memref<4x200x64xf32, #tpu.memory_space<hbm>>
      tpu.enqueue_dma source(%arg7 : memref<4x200x64xf32, #tpu.memory_space<vmem>>) target(%dma_start3A_615 : memref<4x200x64xf32, #tpu.memory_space<hbm>>) target_semaphore(%arg12 : memref<!tpu.dma_semaphore, #tpu.memory_space<semaphore_mem>>)
    }
    %scan3A_220 = arith.constant 15 : i32
    %dma_wait3A_221 = arith.constant 1 : i32
    %dma_wait3A_222 = arith.constant 0 : i32
    %dma_wait3A_223 = arith.constant 0 : i32
    %dma_wait3A_224 = arith.constant 0 : i32
    %dma_wait3A_225 = arith.constant 0 : i32
    %dma_wait3A_226 = tpu.memref_slice %arg8[%dma_wait3A_223, %dma_wait3A_224, %dma_wait3A_225] : memref<4x200x64xf32, #tpu.memory_space<vmem>> -> memref<1x200x64xf32, #tpu.memory_space<vmem>>
    %dma_wait3A_227 = tpu.memref_squeeze %dma_wait3A_226 : memref<1x200x64xf32, #tpu.memory_space<vmem>> -> memref<200x64xf32, #tpu.memory_space<vmem>>
    %dma_wait3A_228 = arith.constant 0 : i32
    %dma_wait3A_229 = tpu.memref_slice %arg6[%dma_wait3A_221, %dma_wait3A_222, %dma_wait3A_228] : memref<2x4x200xi32, #tpu.memory_space<vmem>> -> memref<1x1x200xi32, #tpu.memory_space<vmem>>
    %dma_wait3A_230 = tpu.memref_squeeze %dma_wait3A_229 : memref<1x1x200xi32, #tpu.memory_space<vmem>> -> memref<200xi32, #tpu.memory_space<vmem>>
    %dma_wait3A_231 = arith.constant 0 : i32
    %dma_wait3A_232 = arith.constant 0 : i32
    %dma_wait3A_233 = tpu.memref_slice %arg3[%dma_wait3A_231, %dma_wait3A_232] : memref<1000000x64xf32, #tpu.memory_space<hbm>> -> memref<1000000x64xf32, #tpu.memory_space<hbm>>
    tpu.wait_indirect_dma semaphore(%arg10 : memref<!tpu.dma_semaphore, #tpu.memory_space<semaphore_mem>>) src(%dma_wait3A_233 : memref<1000000x64xf32, #tpu.memory_space<hbm>>) dst(%dma_wait3A_227 : memref<200x64xf32, #tpu.memory_space<vmem>>)
    %dma_wait3A_234 = arith.constant 1 : i32
    %dma_wait3A_235 = arith.constant 1 : i32
    %dma_wait3A_236 = arith.constant 1 : i32
    %dma_wait3A_237 = arith.constant 0 : i32
    %dma_wait3A_238 = arith.constant 0 : i32
    %dma_wait3A_239 = tpu.memref_slice %arg8[%dma_wait3A_236, %dma_wait3A_237, %dma_wait3A_238] : memref<4x200x64xf32, #tpu.memory_space<vmem>> -> memref<1x200x64xf32, #tpu.memory_space<vmem>>
    %dma_wait3A_240 = tpu.memref_squeeze %dma_wait3A_239 : memref<1x200x64xf32, #tpu.memory_space<vmem>> -> memref<200x64xf32, #tpu.memory_space<vmem>>
    %dma_wait3A_241 = arith.constant 0 : i32
    %dma_wait3A_242 = tpu.memref_slice %arg6[%dma_wait3A_234, %dma_wait3A_235, %dma_wait3A_241] : memref<2x4x200xi32, #tpu.memory_space<vmem>> -> memref<1x1x200xi32, #tpu.memory_space<vmem>>
    %dma_wait3A_243 = tpu.memref_squeeze %dma_wait3A_242 : memref<1x1x200xi32, #tpu.memory_space<vmem>> -> memref<200xi32, #tpu.memory_space<vmem>>
    %dma_wait3A_244 = arith.constant 0 : i32
    %dma_wait3A_245 = arith.constant 0 : i32
    %dma_wait3A_246 = tpu.memref_slice %arg3[%dma_wait3A_244, %dma_wait3A_245] : memref<1000000x64xf32, #tpu.memory_space<hbm>> -> memref<1000000x64xf32, #tpu.memory_space<hbm>>
    tpu.wait_indirect_dma semaphore(%arg10 : memref<!tpu.dma_semaphore, #tpu.memory_space<semaphore_mem>>) src(%dma_wait3A_246 : memref<1000000x64xf32, #tpu.memory_space<hbm>>) dst(%dma_wait3A_240 : memref<200x64xf32, #tpu.memory_space<vmem>>)
    %dma_wait3A_247 = arith.constant 1 : i32
    %dma_wait3A_248 = arith.constant 2 : i32
    %dma_wait3A_249 = arith.constant 2 : i32
    %dma_wait3A_250 = arith.constant 0 : i32
    %dma_wait3A_251 = arith.constant 0 : i32
    %dma_wait3A_252 = tpu.memref_slice %arg8[%dma_wait3A_249, %dma_wait3A_250, %dma_wait3A_251] : memref<4x200x64xf32, #tpu.memory_space<vmem>> -> memref<1x200x64xf32, #tpu.memory_space<vmem>>
    %dma_wait3A_253 = tpu.memref_squeeze %dma_wait3A_252 : memref<1x200x64xf32, #tpu.memory_space<vmem>> -> memref<200x64xf32, #tpu.memory_space<vmem>>
    %dma_wait3A_254 = arith.constant 0 : i32
    %dma_wait3A_255 = tpu.memref_slice %arg6[%dma_wait3A_247, %dma_wait3A_248, %dma_wait3A_254] : memref<2x4x200xi32, #tpu.memory_space<vmem>> -> memref<1x1x200xi32, #tpu.memory_space<vmem>>
    %dma_wait3A_256 = tpu.memref_squeeze %dma_wait3A_255 : memref<1x1x200xi32, #tpu.memory_space<vmem>> -> memref<200xi32, #tpu.memory_space<vmem>>
    %dma_wait3A_257 = arith.constant 0 : i32
    %dma_wait3A_258 = arith.constant 0 : i32
    %dma_wait3A_259 = tpu.memref_slice %arg3[%dma_wait3A_257, %dma_wait3A_258] : memref<1000000x64xf32, #tpu.memory_space<hbm>> -> memref<1000000x64xf32, #tpu.memory_space<hbm>>
    tpu.wait_indirect_dma semaphore(%arg10 : memref<!tpu.dma_semaphore, #tpu.memory_space<semaphore_mem>>) src(%dma_wait3A_259 : memref<1000000x64xf32, #tpu.memory_space<hbm>>) dst(%dma_wait3A_253 : memref<200x64xf32, #tpu.memory_space<vmem>>)
    %dma_wait3A_260 = arith.constant 1 : i32
    %dma_wait3A_261 = arith.constant 3 : i32
    %dma_wait3A_262 = arith.constant 3 : i32
    %dma_wait3A_263 = arith.constant 0 : i32
    %dma_wait3A_264 = arith.constant 0 : i32
    %dma_wait3A_265 = tpu.memref_slice %arg8[%dma_wait3A_262, %dma_wait3A_263, %dma_wait3A_264] : memref<4x200x64xf32, #tpu.memory_space<vmem>> -> memref<1x200x64xf32, #tpu.memory_space<vmem>>
    %dma_wait3A_266 = tpu.memref_squeeze %dma_wait3A_265 : memref<1x200x64xf32, #tpu.memory_space<vmem>> -> memref<200x64xf32, #tpu.memory_space<vmem>>
    %dma_wait3A_267 = arith.constant 0 : i32
    %dma_wait3A_268 = tpu.memref_slice %arg6[%dma_wait3A_260, %dma_wait3A_261, %dma_wait3A_267] : memref<2x4x200xi32, #tpu.memory_space<vmem>> -> memref<1x1x200xi32, #tpu.memory_space<vmem>>
    %dma_wait3A_269 = tpu.memref_squeeze %dma_wait3A_268 : memref<1x1x200xi32, #tpu.memory_space<vmem>> -> memref<200xi32, #tpu.memory_space<vmem>>
    %dma_wait3A_270 = arith.constant 0 : i32
    %dma_wait3A_271 = arith.constant 0 : i32
    %dma_wait3A_272 = tpu.memref_slice %arg3[%dma_wait3A_270, %dma_wait3A_271] : memref<1000000x64xf32, #tpu.memory_space<hbm>> -> memref<1000000x64xf32, #tpu.memory_space<hbm>>
    tpu.wait_indirect_dma semaphore(%arg10 : memref<!tpu.dma_semaphore, #tpu.memory_space<semaphore_mem>>) src(%dma_wait3A_272 : memref<1000000x64xf32, #tpu.memory_space<hbm>>) dst(%dma_wait3A_266 : memref<200x64xf32, #tpu.memory_space<vmem>>)
    %add3A_273 = arith.constant 120 : i32
    %add3A_274 = arith.addi %mul3A_2, %add3A_273 : i32
    %dma_wait3A_275 = arith.constant 0 : i32
    %dma_wait3A_276 = arith.constant 0 : i32
    %dma_wait3A_277 = tpu.memref_slice %arg5[%add3A_274, %dma_wait3A_275, %dma_wait3A_276] : memref<4096x200x128xf32, #tpu.memory_space<hbm>> -> memref<4x200x64xf32, #tpu.memory_space<hbm>>
    %dma_wait3A_278 = arith.constant 0 : i32
    %dma_wait3A_279 = arith.constant 0 : i32
    %dma_wait3A_280 = tpu.memref_slice %arg5[%add3A_274, %dma_wait3A_278, %dma_wait3A_279] : memref<4096x200x128xf32, #tpu.memory_space<hbm>> -> memref<4x200x64xf32, #tpu.memory_space<hbm>>
    tpu.wait_dma2 semaphore(%arg12 : memref<!tpu.dma_semaphore, #tpu.memory_space<semaphore_mem>>) src(%arg7 : memref<4x200x64xf32, #tpu.memory_space<vmem>>) dst(%dma_wait3A_280 : memref<4x200x64xf32, #tpu.memory_space<hbm>>)
    %scan3A_281 = arith.constant 0 : i32
    %scan3A_282 = arith.constant 0 : i32
    %scan3A_283 = arith.constant 200 : i32
    %scan3A_284 = arith.addi %scan3A_282, %scan3A_283 : i32
    %scan3A_285 = arith.constant 2 : i32
    scf.for %scan3A_303 = %scan3A_282 to %scan3A_284 step %scan3A_285  : i32 {
      %get3A = arith.index_cast %scan3A_303 : i32 to index
      %get3A_304 = arith.constant 0 : index
      %get3A_305 = tpu.vector_load %arg9[%get3A, %get3A_304] {strides = array<i32>} : memref<200x64xf32, #tpu.memory_space<vmem>>, vector<1x16xf32>,
      %get3A_306 = vector.shape_cast %get3A_305 : vector<1x16xf32> to vector<16xf32>
      %get3A_307 = arith.index_cast %scan3A_303 : i32 to index
      %get3A_308 = arith.constant 16 : index
      %get3A_309 = tpu.vector_load %arg9[%get3A_307, %get3A_308] {strides = array<i32>} : memref<200x64xf32, #tpu.memory_space<vmem>>, vector<1x16xf32>,
      %get3A_310 = vector.shape_cast %get3A_309 : vector<1x16xf32> to vector<16xf32>
      %get3A_311 = arith.index_cast %scan3A_303 : i32 to index
      %get3A_312 = arith.constant 32 : index
      %get3A_313 = tpu.vector_load %arg9[%get3A_311, %get3A_312] {strides = array<i32>} : memref<200x64xf32, #tpu.memory_space<vmem>>, vector<1x16xf32>,
      %get3A_314 = vector.shape_cast %get3A_313 : vector<1x16xf32> to vector<16xf32>
      %get3A_315 = arith.index_cast %scan3A_303 : i32 to index
      %get3A_316 = arith.constant 48 : index
      %get3A_317 = tpu.vector_load %arg9[%get3A_315, %get3A_316] {strides = array<i32>} : memref<200x64xf32, #tpu.memory_space<vmem>>, vector<1x16xf32>,
      %get3A_318 = vector.shape_cast %get3A_317 : vector<1x16xf32> to vector<16xf32>
      %get3A_319 = arith.constant 0 : i32
      %get3A_320 = arith.index_cast %get3A_319 : i32 to index
      %get3A_321 = arith.index_cast %scan3A_303 : i32 to index
      %get3A_322 = arith.constant 0 : index
      %get3A_323 = tpu.vector_load %arg8[%get3A_320, %get3A_321, %get3A_322] {strides = array<i32>} : memref<4x200x64xf32, #tpu.memory_space<vmem>>, vector<1x1x16xf32>,
      %get3A_324 = vector.shape_cast %get3A_323 : vector<1x1x16xf32> to vector<16xf32>
      %mul3A_325 = arith.constant 8.000000e+00 : f32
      %mul3A_326 = vector.broadcast %mul3A_325 : f32 to vector<16xf32>
      %mul3A_327 = arith.mulf %get3A_324, %mul3A_326 : vector<16xf32>
      %add3A_328 = arith.addf %mul3A_327, %get3A_306 : vector<16xf32>
      %swap3A = arith.constant 0 : i32
      %swap3A_329 = arith.index_cast %swap3A : i32 to index
      %swap3A_330 = arith.index_cast %scan3A_303 : i32 to index
      %swap3A_331 = arith.constant 0 : index
      %swap3A_332 = tpu.vector_load %arg8[%swap3A_329, %swap3A_330, %swap3A_331] {strides = array<i32>} : memref<4x200x64xf32, #tpu.memory_space<vmem>>, vector<1x1x16xf32>,
      %swap3A_333 = vector.shape_cast %swap3A_332 : vector<1x1x16xf32> to vector<16xf32>
      %swap3A_334 = vector.shape_cast %add3A_328 : vector<16xf32> to vector<1x1x16xf32>
      tpu.vector_store %arg8[%swap3A_329, %swap3A_330, %swap3A_331], %swap3A_334 {strides = array<i32>} : memref<4x200x64xf32, #tpu.memory_space<vmem>>, vector<1x1x16xf32>,
      %get3A_335 = arith.constant 0 : i32
      %get3A_336 = arith.index_cast %get3A_335 : i32 to index
      %get3A_337 = arith.index_cast %scan3A_303 : i32 to index
      %get3A_338 = arith.constant 16 : index
      %get3A_339 = tpu.vector_load %arg8[%get3A_336, %get3A_337, %get3A_338] {strides = array<i32>} : memref<4x200x64xf32, #tpu.memory_space<vmem>>, vector<1x1x16xf32>,
      %get3A_340 = vector.shape_cast %get3A_339 : vector<1x1x16xf32> to vector<16xf32>
      %mul3A_341 = arith.constant 8.000000e+00 : f32
      %mul3A_342 = vector.broadcast %mul3A_341 : f32 to vector<16xf32>
      %mul3A_343 = arith.mulf %get3A_340, %mul3A_342 : vector<16xf32>
      %add3A_344 = arith.addf %mul3A_343, %get3A_310 : vector<16xf32>
      %swap3A_345 = arith.constant 0 : i32
      %swap3A_346 = arith.index_cast %swap3A_345 : i32 to index
      %swap3A_347 = arith.index_cast %scan3A_303 : i32 to index
      %swap3A_348 = arith.constant 16 : index
      %swap3A_349 = tpu.vector_load %arg8[%swap3A_346, %swap3A_347, %swap3A_348] {strides = array<i32>} : memref<4x200x64xf32, #tpu.memory_space<vmem>>, vector<1x1x16xf32>,
      %swap3A_350 = vector.shape_cast %swap3A_349 : vector<1x1x16xf32> to vector<16xf32>
      %swap3A_351 = vector.shape_cast %add3A_344 : vector<16xf32> to vector<1x1x16xf32>
      tpu.vector_store %arg8[%swap3A_346, %swap3A_347, %swap3A_348], %swap3A_351 {strides = array<i32>} : memref<4x200x64xf32, #tpu.memory_space<vmem>>, vector<1x1x16xf32>,
      %get3A_352 = arith.constant 0 : i32
      %get3A_353 = arith.index_cast %get3A_352 : i32 to index
      %get3A_354 = arith.index_cast %scan3A_303 : i32 to index
      %get3A_355 = arith.constant 32 : index
      %get3A_356 = tpu.vector_load %arg8[%get3A_353, %get3A_354, %get3A_355] {strides = array<i32>} : memref<4x200x64xf32, #tpu.memory_space<vmem>>, vector<1x1x16xf32>,
      %get3A_357 = vector.shape_cast %get3A_356 : vector<1x1x16xf32> to vector<16xf32>
      %mul3A_358 = arith.constant 8.000000e+00 : f32
      %mul3A_359 = vector.broadcast %mul3A_358 : f32 to vector<16xf32>
      %mul3A_360 = arith.mulf %get3A_357, %mul3A_359 : vector<16xf32>
      %add3A_361 = arith.addf %mul3A_360, %get3A_314 : vector<16xf32>
      %swap3A_362 = arith.constant 0 : i32
      %swap3A_363 = arith.index_cast %swap3A_362 : i32 to index
      %swap3A_364 = arith.index_cast %scan3A_303 : i32 to index
      %swap3A_365 = arith.constant 32 : index
      %swap3A_366 = tpu.vector_load %arg8[%swap3A_363, %swap3A_364, %swap3A_365] {strides = array<i32>} : memref<4x200x64xf32, #tpu.memory_space<vmem>>, vector<1x1x16xf32>,
      %swap3A_367 = vector.shape_cast %swap3A_366 : vector<1x1x16xf32> to vector<16xf32>
      %swap3A_368 = vector.shape_cast %add3A_361 : vector<16xf32> to vector<1x1x16xf32>
      tpu.vector_store %arg8[%swap3A_363, %swap3A_364, %swap3A_365], %swap3A_368 {strides = array<i32>} : memref<4x200x64xf32, #tpu.memory_space<vmem>>, vector<1x1x16xf32>,
      %get3A_369 = arith.constant 0 : i32
      %get3A_370 = arith.index_cast %get3A_369 : i32 to index
      %get3A_371 = arith.index_cast %scan3A_303 : i32 to index
      %get3A_372 = arith.constant 48 : index
      %get3A_373 = tpu.vector_load %arg8[%get3A_370, %get3A_371, %get3A_372] {strides = array<i32>} : memref<4x200x64xf32, #tpu.memory_space<vmem>>, vector<1x1x16xf32>,
      %get3A_374 = vector.shape_cast %get3A_373 : vector<1x1x16xf32> to vector<16xf32>
      %mul3A_375 = arith.constant 8.000000e+00 : f32
      %mul3A_376 = vector.broadcast %mul3A_375 : f32 to vector<16xf32>
      %mul3A_377 = arith.mulf %get3A_374, %mul3A_376 : vector<16xf32>
      %add3A_378 = arith.addf %mul3A_377, %get3A_318 : vector<16xf32>
      %swap3A_379 = arith.constant 0 : i32
      %swap3A_380 = arith.index_cast %swap3A_379 : i32 to index
      %swap3A_381 = arith.index_cast %scan3A_303 : i32 to index
      %swap3A_382 = arith.constant 48 : index
      %swap3A_383 = tpu.vector_load %arg8[%swap3A_380, %swap3A_381, %swap3A_382] {strides = array<i32>} : memref<4x200x64xf32, #tpu.memory_space<vmem>>, vector<1x1x16xf32>,
      %swap3A_384 = vector.shape_cast %swap3A_383 : vector<1x1x16xf32> to vector<16xf32>
      %swap3A_385 = vector.shape_cast %add3A_378 : vector<16xf32> to vector<1x1x16xf32>
      tpu.vector_store %arg8[%swap3A_380, %swap3A_381, %swap3A_382], %swap3A_385 {strides = array<i32>} : memref<4x200x64xf32, #tpu.memory_space<vmem>>, vector<1x1x16xf32>,
      %get3A_386 = arith.constant 1 : i32
      %get3A_387 = arith.index_cast %get3A_386 : i32 to index
      %get3A_388 = arith.index_cast %scan3A_303 : i32 to index
      %get3A_389 = arith.constant 0 : index
      %get3A_390 = tpu.vector_load %arg8[%get3A_387, %get3A_388, %get3A_389] {strides = array<i32>} : memref<4x200x64xf32, #tpu.memory_space<vmem>>, vector<1x1x16xf32>,
      %get3A_391 = vector.shape_cast %get3A_390 : vector<1x1x16xf32> to vector<16xf32>
      %mul3A_392 = arith.constant 8.000000e+00 : f32
      %mul3A_393 = vector.broadcast %mul3A_392 : f32 to vector<16xf32>
      %mul3A_394 = arith.mulf %get3A_391, %mul3A_393 : vector<16xf32>
      %add3A_395 = arith.addf %mul3A_394, %get3A_306 : vector<16xf32>
      %swap3A_396 = arith.constant 1 : i32
      %swap3A_397 = arith.index_cast %swap3A_396 : i32 to index
      %swap3A_398 = arith.index_cast %scan3A_303 : i32 to index
      %swap3A_399 = arith.constant 0 : index
      %swap3A_400 = tpu.vector_load %arg8[%swap3A_397, %swap3A_398, %swap3A_399] {strides = array<i32>} : memref<4x200x64xf32, #tpu.memory_space<vmem>>, vector<1x1x16xf32>,
      %swap3A_401 = vector.shape_cast %swap3A_400 : vector<1x1x16xf32> to vector<16xf32>
      %swap3A_402 = vector.shape_cast %add3A_395 : vector<16xf32> to vector<1x1x16xf32>
      tpu.vector_store %arg8[%swap3A_397, %swap3A_398, %swap3A_399], %swap3A_402 {strides = array<i32>} : memref<4x200x64xf32, #tpu.memory_space<vmem>>, vector<1x1x16xf32>,
      %get3A_403 = arith.constant 1 : i32
      %get3A_404 = arith.index_cast %get3A_403 : i32 to index
      %get3A_405 = arith.index_cast %scan3A_303 : i32 to index
      %get3A_406 = arith.constant 16 : index
      %get3A_407 = tpu.vector_load %arg8[%get3A_404, %get3A_405, %get3A_406] {strides = array<i32>} : memref<4x200x64xf32, #tpu.memory_space<vmem>>, vector<1x1x16xf32>,
      %get3A_408 = vector.shape_cast %get3A_407 : vector<1x1x16xf32> to vector<16xf32>
      %mul3A_409 = arith.constant 8.000000e+00 : f32
      %mul3A_410 = vector.broadcast %mul3A_409 : f32 to vector<16xf32>
      %mul3A_411 = arith.mulf %get3A_408, %mul3A_410 : vector<16xf32>
      %add3A_412 = arith.addf %mul3A_411, %get3A_310 : vector<16xf32>
      %swap3A_413 = arith.constant 1 : i32
      %swap3A_414 = arith.index_cast %swap3A_413 : i32 to index
      %swap3A_415 = arith.index_cast %scan3A_303 : i32 to index
      %swap3A_416 = arith.constant 16 : index
      %swap3A_417 = tpu.vector_load %arg8[%swap3A_414, %swap3A_415, %swap3A_416] {strides = array<i32>} : memref<4x200x64xf32, #tpu.memory_space<vmem>>, vector<1x1x16xf32>,
      %swap3A_418 = vector.shape_cast %swap3A_417 : vector<1x1x16xf32> to vector<16xf32>
      %swap3A_419 = vector.shape_cast %add3A_412 : vector<16xf32> to vector<1x1x16xf32>
      tpu.vector_store %arg8[%swap3A_414, %swap3A_415, %swap3A_416], %swap3A_419 {strides = array<i32>} : memref<4x200x64xf32, #tpu.memory_space<vmem>>, vector<1x1x16xf32>,
      %get3A_420 = arith.constant 1 : i32
      %get3A_421 = arith.index_cast %get3A_420 : i32 to index
      %get3A_422 = arith.index_cast %scan3A_303 : i32 to index
      %get3A_423 = arith.constant 32 : index
      %get3A_424 = tpu.vector_load %arg8[%get3A_421, %get3A_422, %get3A_423] {strides = array<i32>} : memref<4x200x64xf32, #tpu.memory_space<vmem>>, vector<1x1x16xf32>,
      %get3A_425 = vector.shape_cast %get3A_424 : vector<1x1x16xf32> to vector<16xf32>
      %mul3A_426 = arith.constant 8.000000e+00 : f32
      %mul3A_427 = vector.broadcast %mul3A_426 : f32 to vector<16xf32>
      %mul3A_428 = arith.mulf %get3A_425, %mul3A_427 : vector<16xf32>
      %add3A_429 = arith.addf %mul3A_428, %get3A_314 : vector<16xf32>
      %swap3A_430 = arith.constant 1 : i32
      %swap3A_431 = arith.index_cast %swap3A_430 : i32 to index
      %swap3A_432 = arith.index_cast %scan3A_303 : i32 to index
      %swap3A_433 = arith.constant 32 : index
      %swap3A_434 = tpu.vector_load %arg8[%swap3A_431, %swap3A_432, %swap3A_433] {strides = array<i32>} : memref<4x200x64xf32, #tpu.memory_space<vmem>>, vector<1x1x16xf32>,
      %swap3A_435 = vector.shape_cast %swap3A_434 : vector<1x1x16xf32> to vector<16xf32>
      %swap3A_436 = vector.shape_cast %add3A_429 : vector<16xf32> to vector<1x1x16xf32>
      tpu.vector_store %arg8[%swap3A_431, %swap3A_432, %swap3A_433], %swap3A_436 {strides = array<i32>} : memref<4x200x64xf32, #tpu.memory_space<vmem>>, vector<1x1x16xf32>,
      %get3A_437 = arith.constant 1 : i32
      %get3A_438 = arith.index_cast %get3A_437 : i32 to index
      %get3A_439 = arith.index_cast %scan3A_303 : i32 to index
      %get3A_440 = arith.constant 48 : index
      %get3A_441 = tpu.vector_load %arg8[%get3A_438, %get3A_439, %get3A_440] {strides = array<i32>} : memref<4x200x64xf32, #tpu.memory_space<vmem>>, vector<1x1x16xf32>,
      %get3A_442 = vector.shape_cast %get3A_441 : vector<1x1x16xf32> to vector<16xf32>
      %mul3A_443 = arith.constant 8.000000e+00 : f32
      %mul3A_444 = vector.broadcast %mul3A_443 : f32 to vector<16xf32>
      %mul3A_445 = arith.mulf %get3A_442, %mul3A_444 : vector<16xf32>
      %add3A_446 = arith.addf %mul3A_445, %get3A_318 : vector<16xf32>
      %swap3A_447 = arith.constant 1 : i32
      %swap3A_448 = arith.index_cast %swap3A_447 : i32 to index
      %swap3A_449 = arith.index_cast %scan3A_303 : i32 to index
      %swap3A_450 = arith.constant 48 : index
      %swap3A_451 = tpu.vector_load %arg8[%swap3A_448, %swap3A_449, %swap3A_450] {strides = array<i32>} : memref<4x200x64xf32, #tpu.memory_space<vmem>>, vector<1x1x16xf32>,
      %swap3A_452 = vector.shape_cast %swap3A_451 : vector<1x1x16xf32> to vector<16xf32>
      %swap3A_453 = vector.shape_cast %add3A_446 : vector<16xf32> to vector<1x1x16xf32>
      tpu.vector_store %arg8[%swap3A_448, %swap3A_449, %swap3A_450], %swap3A_453 {strides = array<i32>} : memref<4x200x64xf32, #tpu.memory_space<vmem>>, vector<1x1x16xf32>,
      %get3A_454 = arith.constant 2 : i32
      %get3A_455 = arith.index_cast %get3A_454 : i32 to index
      %get3A_456 = arith.index_cast %scan3A_303 : i32 to index
      %get3A_457 = arith.constant 0 : index
      %get3A_458 = tpu.vector_load %arg8[%get3A_455, %get3A_456, %get3A_457] {strides = array<i32>} : memref<4x200x64xf32, #tpu.memory_space<vmem>>, vector<1x1x16xf32>,
      %get3A_459 = vector.shape_cast %get3A_458 : vector<1x1x16xf32> to vector<16xf32>
      %mul3A_460 = arith.constant 8.000000e+00 : f32
      %mul3A_461 = vector.broadcast %mul3A_460 : f32 to vector<16xf32>
      %mul3A_462 = arith.mulf %get3A_459, %mul3A_461 : vector<16xf32>
      %add3A_463 = arith.addf %mul3A_462, %get3A_306 : vector<16xf32>
      %swap3A_464 = arith.constant 2 : i32
      %swap3A_465 = arith.index_cast %swap3A_464 : i32 to index
      %swap3A_466 = arith.index_cast %scan3A_303 : i32 to index
      %swap3A_467 = arith.constant 0 : index
      %swap3A_468 = tpu.vector_load %arg8[%swap3A_465, %swap3A_466, %swap3A_467] {strides = array<i32>} : memref<4x200x64xf32, #tpu.memory_space<vmem>>, vector<1x1x16xf32>,
      %swap3A_469 = vector.shape_cast %swap3A_468 : vector<1x1x16xf32> to vector<16xf32>
      %swap3A_470 = vector.shape_cast %add3A_463 : vector<16xf32> to vector<1x1x16xf32>
      tpu.vector_store %arg8[%swap3A_465, %swap3A_466, %swap3A_467], %swap3A_470 {strides = array<i32>} : memref<4x200x64xf32, #tpu.memory_space<vmem>>, vector<1x1x16xf32>,
      %get3A_471 = arith.constant 2 : i32
      %get3A_472 = arith.index_cast %get3A_471 : i32 to index
      %get3A_473 = arith.index_cast %scan3A_303 : i32 to index
      %get3A_474 = arith.constant 16 : index
      %get3A_475 = tpu.vector_load %arg8[%get3A_472, %get3A_473, %get3A_474] {strides = array<i32>} : memref<4x200x64xf32, #tpu.memory_space<vmem>>, vector<1x1x16xf32>,
      %get3A_476 = vector.shape_cast %get3A_475 : vector<1x1x16xf32> to vector<16xf32>
      %mul3A_477 = arith.constant 8.000000e+00 : f32
      %mul3A_478 = vector.broadcast %mul3A_477 : f32 to vector<16xf32>
      %mul3A_479 = arith.mulf %get3A_476, %mul3A_478 : vector<16xf32>
      %add3A_480 = arith.addf %mul3A_479, %get3A_310 : vector<16xf32>
      %swap3A_481 = arith.constant 2 : i32
      %swap3A_482 = arith.index_cast %swap3A_481 : i32 to index
      %swap3A_483 = arith.index_cast %scan3A_303 : i32 to index
      %swap3A_484 = arith.constant 16 : index
      %swap3A_485 = tpu.vector_load %arg8[%swap3A_482, %swap3A_483, %swap3A_484] {strides = array<i32>} : memref<4x200x64xf32, #tpu.memory_space<vmem>>, vector<1x1x16xf32>,
      %swap3A_486 = vector.shape_cast %swap3A_485 : vector<1x1x16xf32> to vector<16xf32>
      %swap3A_487 = vector.shape_cast %add3A_480 : vector<16xf32> to vector<1x1x16xf32>
      tpu.vector_store %arg8[%swap3A_482, %swap3A_483, %swap3A_484], %swap3A_487 {strides = array<i32>} : memref<4x200x64xf32, #tpu.memory_space<vmem>>, vector<1x1x16xf32>,
      %get3A_488 = arith.constant 2 : i32
      %get3A_489 = arith.index_cast %get3A_488 : i32 to index
      %get3A_490 = arith.index_cast %scan3A_303 : i32 to index
      %get3A_491 = arith.constant 32 : index
      %get3A_492 = tpu.vector_load %arg8[%get3A_489, %get3A_490, %get3A_491] {strides = array<i32>} : memref<4x200x64xf32, #tpu.memory_space<vmem>>, vector<1x1x16xf32>,
      %get3A_493 = vector.shape_cast %get3A_492 : vector<1x1x16xf32> to vector<16xf32>
      %mul3A_494 = arith.constant 8.000000e+00 : f32
      %mul3A_495 = vector.broadcast %mul3A_494 : f32 to vector<16xf32>
      %mul3A_496 = arith.mulf %get3A_493, %mul3A_495 : vector<16xf32>
      %add3A_497 = arith.addf %mul3A_496, %get3A_314 : vector<16xf32>
      %swap3A_498 = arith.constant 2 : i32
      %swap3A_499 = arith.index_cast %swap3A_498 : i32 to index
      %swap3A_500 = arith.index_cast %scan3A_303 : i32 to index
      %swap3A_501 = arith.constant 32 : index
      %swap3A_502 = tpu.vector_load %arg8[%swap3A_499, %swap3A_500, %swap3A_501] {strides = array<i32>} : memref<4x200x64xf32, #tpu.memory_space<vmem>>, vector<1x1x16xf32>,
      %swap3A_503 = vector.shape_cast %swap3A_502 : vector<1x1x16xf32> to vector<16xf32>
      %swap3A_504 = vector.shape_cast %add3A_497 : vector<16xf32> to vector<1x1x16xf32>
      tpu.vector_store %arg8[%swap3A_499, %swap3A_500, %swap3A_501], %swap3A_504 {strides = array<i32>} : memref<4x200x64xf32, #tpu.memory_space<vmem>>, vector<1x1x16xf32>,
      %get3A_505 = arith.constant 2 : i32
      %get3A_506 = arith.index_cast %get3A_505 : i32 to index
      %get3A_507 = arith.index_cast %scan3A_303 : i32 to index
      %get3A_508 = arith.constant 48 : index
      %get3A_509 = tpu.vector_load %arg8[%get3A_506, %get3A_507, %get3A_508] {strides = array<i32>} : memref<4x200x64xf32, #tpu.memory_space<vmem>>, vector<1x1x16xf32>,
      %get3A_510 = vector.shape_cast %get3A_509 : vector<1x1x16xf32> to vector<16xf32>
      %mul3A_511 = arith.constant 8.000000e+00 : f32
      %mul3A_512 = vector.broadcast %mul3A_511 : f32 to vector<16xf32>
      %mul3A_513 = arith.mulf %get3A_510, %mul3A_512 : vector<16xf32>
      %add3A_514 = arith.addf %mul3A_513, %get3A_318 : vector<16xf32>
      %swap3A_515 = arith.constant 2 : i32
      %swap3A_516 = arith.index_cast %swap3A_515 : i32 to index
      %swap3A_517 = arith.index_cast %scan3A_303 : i32 to index
      %swap3A_518 = arith.constant 48 : index
      %swap3A_519 = tpu.vector_load %arg8[%swap3A_516, %swap3A_517, %swap3A_518] {strides = array<i32>} : memref<4x200x64xf32, #tpu.memory_space<vmem>>, vector<1x1x16xf32>,
      %swap3A_520 = vector.shape_cast %swap3A_519 : vector<1x1x16xf32> to vector<16xf32>
      %swap3A_521 = vector.shape_cast %add3A_514 : vector<16xf32> to vector<1x1x16xf32>
      tpu.vector_store %arg8[%swap3A_516, %swap3A_517, %swap3A_518], %swap3A_521 {strides = array<i32>} : memref<4x200x64xf32, #tpu.memory_space<vmem>>, vector<1x1x16xf32>,
      %get3A_522 = arith.constant 3 : i32
      %get3A_523 = arith.index_cast %get3A_522 : i32 to index
      %get3A_524 = arith.index_cast %scan3A_303 : i32 to index
      %get3A_525 = arith.constant 0 : index
      %get3A_526 = tpu.vector_load %arg8[%get3A_523, %get3A_524, %get3A_525] {strides = array<i32>} : memref<4x200x64xf32, #tpu.memory_space<vmem>>, vector<1x1x16xf32>,
      %get3A_527 = vector.shape_cast %get3A_526 : vector<1x1x16xf32> to vector<16xf32>
      %mul3A_528 = arith.constant 8.000000e+00 : f32
      %mul3A_529 = vector.broadcast %mul3A_528 : f32 to vector<16xf32>
      %mul3A_530 = arith.mulf %get3A_527, %mul3A_529 : vector<16xf32>
      %add3A_531 = arith.addf %mul3A_530, %get3A_306 : vector<16xf32>
      %swap3A_532 = arith.constant 3 : i32
      %swap3A_533 = arith.index_cast %swap3A_532 : i32 to index
      %swap3A_534 = arith.index_cast %scan3A_303 : i32 to index
      %swap3A_535 = arith.constant 0 : index
      %swap3A_536 = tpu.vector_load %arg8[%swap3A_533, %swap3A_534, %swap3A_535] {strides = array<i32>} : memref<4x200x64xf32, #tpu.memory_space<vmem>>, vector<1x1x16xf32>,
      %swap3A_537 = vector.shape_cast %swap3A_536 : vector<1x1x16xf32> to vector<16xf32>
      %swap3A_538 = vector.shape_cast %add3A_531 : vector<16xf32> to vector<1x1x16xf32>
      tpu.vector_store %arg8[%swap3A_533, %swap3A_534, %swap3A_535], %swap3A_538 {strides = array<i32>} : memref<4x200x64xf32, #tpu.memory_space<vmem>>, vector<1x1x16xf32>,
      %get3A_539 = arith.constant 3 : i32
      %get3A_540 = arith.index_cast %get3A_539 : i32 to index
      %get3A_541 = arith.index_cast %scan3A_303 : i32 to index
      %get3A_542 = arith.constant 16 : index
      %get3A_543 = tpu.vector_load %arg8[%get3A_540, %get3A_541, %get3A_542] {strides = array<i32>} : memref<4x200x64xf32, #tpu.memory_space<vmem>>, vector<1x1x16xf32>,
      %get3A_544 = vector.shape_cast %get3A_543 : vector<1x1x16xf32> to vector<16xf32>
      %mul3A_545 = arith.constant 8.000000e+00 : f32
      %mul3A_546 = vector.broadcast %mul3A_545 : f32 to vector<16xf32>
      %mul3A_547 = arith.mulf %get3A_544, %mul3A_546 : vector<16xf32>
      %add3A_548 = arith.addf %mul3A_547, %get3A_310 : vector<16xf32>
      %swap3A_549 = arith.constant 3 : i32
      %swap3A_550 = arith.index_cast %swap3A_549 : i32 to index
      %swap3A_551 = arith.index_cast %scan3A_303 : i32 to index
      %swap3A_552 = arith.constant 16 : index
      %swap3A_553 = tpu.vector_load %arg8[%swap3A_550, %swap3A_551, %swap3A_552] {strides = array<i32>} : memref<4x200x64xf32, #tpu.memory_space<vmem>>, vector<1x1x16xf32>,
      %swap3A_554 = vector.shape_cast %swap3A_553 : vector<1x1x16xf32> to vector<16xf32>
      %swap3A_555 = vector.shape_cast %add3A_548 : vector<16xf32> to vector<1x1x16xf32>
      tpu.vector_store %arg8[%swap3A_550, %swap3A_551, %swap3A_552], %swap3A_555 {strides = array<i32>} : memref<4x200x64xf32, #tpu.memory_space<vmem>>, vector<1x1x16xf32>,
      %get3A_556 = arith.constant 3 : i32
      %get3A_557 = arith.index_cast %get3A_556 : i32 to index
      %get3A_558 = arith.index_cast %scan3A_303 : i32 to index
      %get3A_559 = arith.constant 32 : index
      %get3A_560 = tpu.vector_load %arg8[%get3A_557, %get3A_558, %get3A_559] {strides = array<i32>} : memref<4x200x64xf32, #tpu.memory_space<vmem>>, vector<1x1x16xf32>,
      %get3A_561 = vector.shape_cast %get3A_560 : vector<1x1x16xf32> to vector<16xf32>
      %mul3A_562 = arith.constant 8.000000e+00 : f32
      %mul3A_563 = vector.broadcast %mul3A_562 : f32 to vector<16xf32>
      %mul3A_564 = arith.mulf %get3A_561, %mul3A_563 : vector<16xf32>
      %add3A_565 = arith.addf %mul3A_564, %get3A_314 : vector<16xf32>
      %swap3A_566 = arith.constant 3 : i32
      %swap3A_567 = arith.index_cast %swap3A_566 : i32 to index
      %swap3A_568 = arith.index_cast %scan3A_303 : i32 to index
      %swap3A_569 = arith.constant 32 : index
      %swap3A_570 = tpu.vector_load %arg8[%swap3A_567, %swap3A_568, %swap3A_569] {strides = array<i32>} : memref<4x200x64xf32, #tpu.memory_space<vmem>>, vector<1x1x16xf32>,
      %swap3A_571 = vector.shape_cast %swap3A_570 : vector<1x1x16xf32> to vector<16xf32>
      %swap3A_572 = vector.shape_cast %add3A_565 : vector<16xf32> to vector<1x1x16xf32>
      tpu.vector_store %arg8[%swap3A_567, %swap3A_568, %swap3A_569], %swap3A_572 {strides = array<i32>} : memref<4x200x64xf32, #tpu.memory_space<vmem>>, vector<1x1x16xf32>,
      %get3A_573 = arith.constant 3 : i32
      %get3A_574 = arith.index_cast %get3A_573 : i32 to index
      %get3A_575 = arith.index_cast %scan3A_303 : i32 to index
      %get3A_576 = arith.constant 48 : index
      %get3A_577 = tpu.vector_load %arg8[%get3A_574, %get3A_575, %get3A_576] {strides = array<i32>} : memref<4x200x64xf32, #tpu.memory_space<vmem>>, vector<1x1x16xf32>,
      %get3A_578 = vector.shape_cast %get3A_577 : vector<1x1x16xf32> to vector<16xf32>
      %mul3A_579 = arith.constant 8.000000e+00 : f32
      %mul3A_580 = vector.broadcast %mul3A_579 : f32 to vector<16xf32>
      %mul3A_581 = arith.mulf %get3A_578, %mul3A_580 : vector<16xf32>
      %add3A_582 = arith.addf %mul3A_581, %get3A_318 : vector<16xf32>
      %swap3A_583 = arith.constant 3 : i32
      %swap3A_584 = arith.index_cast %swap3A_583 : i32 to index
      %swap3A_585 = arith.index_cast %scan3A_303 : i32 to index
      %swap3A_586 = arith.constant 48 : index
      %swap3A_587 = tpu.vector_load %arg8[%swap3A_584, %swap3A_585, %swap3A_586] {strides = array<i32>} : memref<4x200x64xf32, #tpu.memory_space<vmem>>, vector<1x1x16xf32>,
      %swap3A_588 = vector.shape_cast %swap3A_587 : vector<1x1x16xf32> to vector<16xf32>
      %swap3A_589 = vector.shape_cast %add3A_582 : vector<16xf32> to vector<1x1x16xf32>
      tpu.vector_store %arg8[%swap3A_584, %swap3A_585, %swap3A_586], %swap3A_589 {strides = array<i32>} : memref<4x200x64xf32, #tpu.memory_space<vmem>>, vector<1x1x16xf32>,
      %scan3A_590 = arith.constant 1 : i32
      %scan3A_591 = arith.addi %scan3A_303, %scan3A_590 : i32
      %get3A_592 = arith.index_cast %scan3A_591 : i32 to index
      %get3A_593 = arith.constant 0 : index
      %get3A_594 = tpu.vector_load %arg9[%get3A_592, %get3A_593] {strides = array<i32>} : memref<200x64xf32, #tpu.memory_space<vmem>>, vector<1x16xf32>,
      %get3A_595 = vector.shape_cast %get3A_594 : vector<1x16xf32> to vector<16xf32>
      %get3A_596 = arith.index_cast %scan3A_591 : i32 to index
      %get3A_597 = arith.constant 16 : index
      %get3A_598 = tpu.vector_load %arg9[%get3A_596, %get3A_597] {strides = array<i32>} : memref<200x64xf32, #tpu.memory_space<vmem>>, vector<1x16xf32>,
      %get3A_599 = vector.shape_cast %get3A_598 : vector<1x16xf32> to vector<16xf32>
      %get3A_600 = arith.index_cast %scan3A_591 : i32 to index
      %get3A_601 = arith.constant 32 : index
      %get3A_602 = tpu.vector_load %arg9[%get3A_600, %get3A_601] {strides = array<i32>} : memref<200x64xf32, #tpu.memory_space<vmem>>, vector<1x16xf32>,
      %get3A_603 = vector.shape_cast %get3A_602 : vector<1x16xf32> to vector<16xf32>
      %get3A_604 = arith.index_cast %scan3A_591 : i32 to index
      %get3A_605 = arith.constant 48 : index
      %get3A_606 = tpu.vector_load %arg9[%get3A_604, %get3A_605] {strides = array<i32>} : memref<200x64xf32, #tpu.memory_space<vmem>>, vector<1x16xf32>,
      %get3A_607 = vector.shape_cast %get3A_606 : vector<1x16xf32> to vector<16xf32>
      %get3A_608 = arith.constant 0 : i32
      %get3A_609 = arith.index_cast %get3A_608 : i32 to index
      %get3A_610 = arith.index_cast %scan3A_591 : i32 to index
      %get3A_611 = arith.constant 0 : index
      %get3A_612 = tpu.vector_load %arg8[%get3A_609, %get3A_610, %get3A_611] {strides = array<i32>} : memref<4x200x64xf32, #tpu.memory_space<vmem>>, vector<1x1x16xf32>,
      %get3A_613 = vector.shape_cast %get3A_612 : vector<1x1x16xf32> to vector<16xf32>
      %mul3A_614 = arith.constant 8.000000e+00 : f32
      %mul3A_615 = vector.broadcast %mul3A_614 : f32 to vector<16xf32>
      %mul3A_616 = arith.mulf %get3A_613, %mul3A_615 : vector<16xf32>
      %add3A_617 = arith.addf %mul3A_616, %get3A_595 : vector<16xf32>
      %swap3A_618 = arith.constant 0 : i32
      %swap3A_619 = arith.index_cast %swap3A_618 : i32 to index
      %swap3A_620 = arith.index_cast %scan3A_591 : i32 to index
      %swap3A_621 = arith.constant 0 : index
      %swap3A_622 = tpu.vector_load %arg8[%swap3A_619, %swap3A_620, %swap3A_621] {strides = array<i32>} : memref<4x200x64xf32, #tpu.memory_space<vmem>>, vector<1x1x16xf32>,
      %swap3A_623 = vector.shape_cast %swap3A_622 : vector<1x1x16xf32> to vector<16xf32>
      %swap3A_624 = vector.shape_cast %add3A_617 : vector<16xf32> to vector<1x1x16xf32>
      tpu.vector_store %arg8[%swap3A_619, %swap3A_620, %swap3A_621], %swap3A_624 {strides = array<i32>} : memref<4x200x64xf32, #tpu.memory_space<vmem>>, vector<1x1x16xf32>,
      %get3A_625 = arith.constant 0 : i32
      %get3A_626 = arith.index_cast %get3A_625 : i32 to index
      %get3A_627 = arith.index_cast %scan3A_591 : i32 to index
      %get3A_628 = arith.constant 16 : index
      %get3A_629 = tpu.vector_load %arg8[%get3A_626, %get3A_627, %get3A_628] {strides = array<i32>} : memref<4x200x64xf32, #tpu.memory_space<vmem>>, vector<1x1x16xf32>,
      %get3A_630 = vector.shape_cast %get3A_629 : vector<1x1x16xf32> to vector<16xf32>
      %mul3A_631 = arith.constant 8.000000e+00 : f32
      %mul3A_632 = vector.broadcast %mul3A_631 : f32 to vector<16xf32>
      %mul3A_633 = arith.mulf %get3A_630, %mul3A_632 : vector<16xf32>
      %add3A_634 = arith.addf %mul3A_633, %get3A_599 : vector<16xf32>
      %swap3A_635 = arith.constant 0 : i32
      %swap3A_636 = arith.index_cast %swap3A_635 : i32 to index
      %swap3A_637 = arith.index_cast %scan3A_591 : i32 to index
      %swap3A_638 = arith.constant 16 : index
      %swap3A_639 = tpu.vector_load %arg8[%swap3A_636, %swap3A_637, %swap3A_638] {strides = array<i32>} : memref<4x200x64xf32, #tpu.memory_space<vmem>>, vector<1x1x16xf32>,
      %swap3A_640 = vector.shape_cast %swap3A_639 : vector<1x1x16xf32> to vector<16xf32>
      %swap3A_641 = vector.shape_cast %add3A_634 : vector<16xf32> to vector<1x1x16xf32>
      tpu.vector_store %arg8[%swap3A_636, %swap3A_637, %swap3A_638], %swap3A_641 {strides = array<i32>} : memref<4x200x64xf32, #tpu.memory_space<vmem>>, vector<1x1x16xf32>,
      %get3A_642 = arith.constant 0 : i32
      %get3A_643 = arith.index_cast %get3A_642 : i32 to index
      %get3A_644 = arith.index_cast %scan3A_591 : i32 to index
      %get3A_645 = arith.constant 32 : index
      %get3A_646 = tpu.vector_load %arg8[%get3A_643, %get3A_644, %get3A_645] {strides = array<i32>} : memref<4x200x64xf32, #tpu.memory_space<vmem>>, vector<1x1x16xf32>,
      %get3A_647 = vector.shape_cast %get3A_646 : vector<1x1x16xf32> to vector<16xf32>
      %mul3A_648 = arith.constant 8.000000e+00 : f32
      %mul3A_649 = vector.broadcast %mul3A_648 : f32 to vector<16xf32>
      %mul3A_650 = arith.mulf %get3A_647, %mul3A_649 : vector<16xf32>
      %add3A_651 = arith.addf %mul3A_650, %get3A_603 : vector<16xf32>
      %swap3A_652 = arith.constant 0 : i32
      %swap3A_653 = arith.index_cast %swap3A_652 : i32 to index
      %swap3A_654 = arith.index_cast %scan3A_591 : i32 to index
      %swap3A_655 = arith.constant 32 : index
      %swap3A_656 = tpu.vector_load %arg8[%swap3A_653, %swap3A_654, %swap3A_655] {strides = array<i32>} : memref<4x200x64xf32, #tpu.memory_space<vmem>>, vector<1x1x16xf32>,
      %swap3A_657 = vector.shape_cast %swap3A_656 : vector<1x1x16xf32> to vector<16xf32>
      %swap3A_658 = vector.shape_cast %add3A_651 : vector<16xf32> to vector<1x1x16xf32>
      tpu.vector_store %arg8[%swap3A_653, %swap3A_654, %swap3A_655], %swap3A_658 {strides = array<i32>} : memref<4x200x64xf32, #tpu.memory_space<vmem>>, vector<1x1x16xf32>,
      %get3A_659 = arith.constant 0 : i32
      %get3A_660 = arith.index_cast %get3A_659 : i32 to index
      %get3A_661 = arith.index_cast %scan3A_591 : i32 to index
      %get3A_662 = arith.constant 48 : index
      %get3A_663 = tpu.vector_load %arg8[%get3A_660, %get3A_661, %get3A_662] {strides = array<i32>} : memref<4x200x64xf32, #tpu.memory_space<vmem>>, vector<1x1x16xf32>,
      %get3A_664 = vector.shape_cast %get3A_663 : vector<1x1x16xf32> to vector<16xf32>
      %mul3A_665 = arith.constant 8.000000e+00 : f32
      %mul3A_666 = vector.broadcast %mul3A_665 : f32 to vector<16xf32>
      %mul3A_667 = arith.mulf %get3A_664, %mul3A_666 : vector<16xf32>
      %add3A_668 = arith.addf %mul3A_667, %get3A_607 : vector<16xf32>
      %swap3A_669 = arith.constant 0 : i32
      %swap3A_670 = arith.index_cast %swap3A_669 : i32 to index
      %swap3A_671 = arith.index_cast %scan3A_591 : i32 to index
      %swap3A_672 = arith.constant 48 : index
      %swap3A_673 = tpu.vector_load %arg8[%swap3A_670, %swap3A_671, %swap3A_672] {strides = array<i32>} : memref<4x200x64xf32, #tpu.memory_space<vmem>>, vector<1x1x16xf32>,
      %swap3A_674 = vector.shape_cast %swap3A_673 : vector<1x1x16xf32> to vector<16xf32>
      %swap3A_675 = vector.shape_cast %add3A_668 : vector<16xf32> to vector<1x1x16xf32>
      tpu.vector_store %arg8[%swap3A_670, %swap3A_671, %swap3A_672], %swap3A_675 {strides = array<i32>} : memref<4x200x64xf32, #tpu.memory_space<vmem>>, vector<1x1x16xf32>,
      %get3A_676 = arith.constant 1 : i32
      %get3A_677 = arith.index_cast %get3A_676 : i32 to index
      %get3A_678 = arith.index_cast %scan3A_591 : i32 to index
      %get3A_679 = arith.constant 0 : index
      %get3A_680 = tpu.vector_load %arg8[%get3A_677, %get3A_678, %get3A_679] {strides = array<i32>} : memref<4x200x64xf32, #tpu.memory_space<vmem>>, vector<1x1x16xf32>,
      %get3A_681 = vector.shape_cast %get3A_680 : vector<1x1x16xf32> to vector<16xf32>
      %mul3A_682 = arith.constant 8.000000e+00 : f32
      %mul3A_683 = vector.broadcast %mul3A_682 : f32 to vector<16xf32>
      %mul3A_684 = arith.mulf %get3A_681, %mul3A_683 : vector<16xf32>
      %add3A_685 = arith.addf %mul3A_684, %get3A_595 : vector<16xf32>
      %swap3A_686 = arith.constant 1 : i32
      %swap3A_687 = arith.index_cast %swap3A_686 : i32 to index
      %swap3A_688 = arith.index_cast %scan3A_591 : i32 to index
      %swap3A_689 = arith.constant 0 : index
      %swap3A_690 = tpu.vector_load %arg8[%swap3A_687, %swap3A_688, %swap3A_689] {strides = array<i32>} : memref<4x200x64xf32, #tpu.memory_space<vmem>>, vector<1x1x16xf32>,
      %swap3A_691 = vector.shape_cast %swap3A_690 : vector<1x1x16xf32> to vector<16xf32>
      %swap3A_692 = vector.shape_cast %add3A_685 : vector<16xf32> to vector<1x1x16xf32>
      tpu.vector_store %arg8[%swap3A_687, %swap3A_688, %swap3A_689], %swap3A_692 {strides = array<i32>} : memref<4x200x64xf32, #tpu.memory_space<vmem>>, vector<1x1x16xf32>,
      %get3A_693 = arith.constant 1 : i32
      %get3A_694 = arith.index_cast %get3A_693 : i32 to index
      %get3A_695 = arith.index_cast %scan3A_591 : i32 to index
      %get3A_696 = arith.constant 16 : index
      %get3A_697 = tpu.vector_load %arg8[%get3A_694, %get3A_695, %get3A_696] {strides = array<i32>} : memref<4x200x64xf32, #tpu.memory_space<vmem>>, vector<1x1x16xf32>,
      %get3A_698 = vector.shape_cast %get3A_697 : vector<1x1x16xf32> to vector<16xf32>
      %mul3A_699 = arith.constant 8.000000e+00 : f32
      %mul3A_700 = vector.broadcast %mul3A_699 : f32 to vector<16xf32>
      %mul3A_701 = arith.mulf %get3A_698, %mul3A_700 : vector<16xf32>
      %add3A_702 = arith.addf %mul3A_701, %get3A_599 : vector<16xf32>
      %swap3A_703 = arith.constant 1 : i32
      %swap3A_704 = arith.index_cast %swap3A_703 : i32 to index
      %swap3A_705 = arith.index_cast %scan3A_591 : i32 to index
      %swap3A_706 = arith.constant 16 : index
      %swap3A_707 = tpu.vector_load %arg8[%swap3A_704, %swap3A_705, %swap3A_706] {strides = array<i32>} : memref<4x200x64xf32, #tpu.memory_space<vmem>>, vector<1x1x16xf32>,
      %swap3A_708 = vector.shape_cast %swap3A_707 : vector<1x1x16xf32> to vector<16xf32>
      %swap3A_709 = vector.shape_cast %add3A_702 : vector<16xf32> to vector<1x1x16xf32>
      tpu.vector_store %arg8[%swap3A_704, %swap3A_705, %swap3A_706], %swap3A_709 {strides = array<i32>} : memref<4x200x64xf32, #tpu.memory_space<vmem>>, vector<1x1x16xf32>,
      %get3A_710 = arith.constant 1 : i32
      %get3A_711 = arith.index_cast %get3A_710 : i32 to index
      %get3A_712 = arith.index_cast %scan3A_591 : i32 to index
      %get3A_713 = arith.constant 32 : index
      %get3A_714 = tpu.vector_load %arg8[%get3A_711, %get3A_712, %get3A_713] {strides = array<i32>} : memref<4x200x64xf32, #tpu.memory_space<vmem>>, vector<1x1x16xf32>,
      %get3A_715 = vector.shape_cast %get3A_714 : vector<1x1x16xf32> to vector<16xf32>
      %mul3A_716 = arith.constant 8.000000e+00 : f32
      %mul3A_717 = vector.broadcast %mul3A_716 : f32 to vector<16xf32>
      %mul3A_718 = arith.mulf %get3A_715, %mul3A_717 : vector<16xf32>
      %add3A_719 = arith.addf %mul3A_718, %get3A_603 : vector<16xf32>
      %swap3A_720 = arith.constant 1 : i32
      %swap3A_721 = arith.index_cast %swap3A_720 : i32 to index
      %swap3A_722 = arith.index_cast %scan3A_591 : i32 to index
      %swap3A_723 = arith.constant 32 : index
      %swap3A_724 = tpu.vector_load %arg8[%swap3A_721, %swap3A_722, %swap3A_723] {strides = array<i32>} : memref<4x200x64xf32, #tpu.memory_space<vmem>>, vector<1x1x16xf32>,
      %swap3A_725 = vector.shape_cast %swap3A_724 : vector<1x1x16xf32> to vector<16xf32>
      %swap3A_726 = vector.shape_cast %add3A_719 : vector<16xf32> to vector<1x1x16xf32>
      tpu.vector_store %arg8[%swap3A_721, %swap3A_722, %swap3A_723], %swap3A_726 {strides = array<i32>} : memref<4x200x64xf32, #tpu.memory_space<vmem>>, vector<1x1x16xf32>,
      %get3A_727 = arith.constant 1 : i32
      %get3A_728 = arith.index_cast %get3A_727 : i32 to index
      %get3A_729 = arith.index_cast %scan3A_591 : i32 to index
      %get3A_730 = arith.constant 48 : index
      %get3A_731 = tpu.vector_load %arg8[%get3A_728, %get3A_729, %get3A_730] {strides = array<i32>} : memref<4x200x64xf32, #tpu.memory_space<vmem>>, vector<1x1x16xf32>,
      %get3A_732 = vector.shape_cast %get3A_731 : vector<1x1x16xf32> to vector<16xf32>
      %mul3A_733 = arith.constant 8.000000e+00 : f32
      %mul3A_734 = vector.broadcast %mul3A_733 : f32 to vector<16xf32>
      %mul3A_735 = arith.mulf %get3A_732, %mul3A_734 : vector<16xf32>
      %add3A_736 = arith.addf %mul3A_735, %get3A_607 : vector<16xf32>
      %swap3A_737 = arith.constant 1 : i32
      %swap3A_738 = arith.index_cast %swap3A_737 : i32 to index
      %swap3A_739 = arith.index_cast %scan3A_591 : i32 to index
      %swap3A_740 = arith.constant 48 : index
      %swap3A_741 = tpu.vector_load %arg8[%swap3A_738, %swap3A_739, %swap3A_740] {strides = array<i32>} : memref<4x200x64xf32, #tpu.memory_space<vmem>>, vector<1x1x16xf32>,
      %swap3A_742 = vector.shape_cast %swap3A_741 : vector<1x1x16xf32> to vector<16xf32>
      %swap3A_743 = vector.shape_cast %add3A_736 : vector<16xf32> to vector<1x1x16xf32>
      tpu.vector_store %arg8[%swap3A_738, %swap3A_739, %swap3A_740], %swap3A_743 {strides = array<i32>} : memref<4x200x64xf32, #tpu.memory_space<vmem>>, vector<1x1x16xf32>,
      %get3A_744 = arith.constant 2 : i32
      %get3A_745 = arith.index_cast %get3A_744 : i32 to index
      %get3A_746 = arith.index_cast %scan3A_591 : i32 to index
      %get3A_747 = arith.constant 0 : index
      %get3A_748 = tpu.vector_load %arg8[%get3A_745, %get3A_746, %get3A_747] {strides = array<i32>} : memref<4x200x64xf32, #tpu.memory_space<vmem>>, vector<1x1x16xf32>,
      %get3A_749 = vector.shape_cast %get3A_748 : vector<1x1x16xf32> to vector<16xf32>
      %mul3A_750 = arith.constant 8.000000e+00 : f32
      %mul3A_751 = vector.broadcast %mul3A_750 : f32 to vector<16xf32>
      %mul3A_752 = arith.mulf %get3A_749, %mul3A_751 : vector<16xf32>
      %add3A_753 = arith.addf %mul3A_752, %get3A_595 : vector<16xf32>
      %swap3A_754 = arith.constant 2 : i32
      %swap3A_755 = arith.index_cast %swap3A_754 : i32 to index
      %swap3A_756 = arith.index_cast %scan3A_591 : i32 to index
      %swap3A_757 = arith.constant 0 : index
      %swap3A_758 = tpu.vector_load %arg8[%swap3A_755, %swap3A_756, %swap3A_757] {strides = array<i32>} : memref<4x200x64xf32, #tpu.memory_space<vmem>>, vector<1x1x16xf32>,
      %swap3A_759 = vector.shape_cast %swap3A_758 : vector<1x1x16xf32> to vector<16xf32>
      %swap3A_760 = vector.shape_cast %add3A_753 : vector<16xf32> to vector<1x1x16xf32>
      tpu.vector_store %arg8[%swap3A_755, %swap3A_756, %swap3A_757], %swap3A_760 {strides = array<i32>} : memref<4x200x64xf32, #tpu.memory_space<vmem>>, vector<1x1x16xf32>,
      %get3A_761 = arith.constant 2 : i32
      %get3A_762 = arith.index_cast %get3A_761 : i32 to index
      %get3A_763 = arith.index_cast %scan3A_591 : i32 to index
      %get3A_764 = arith.constant 16 : index
      %get3A_765 = tpu.vector_load %arg8[%get3A_762, %get3A_763, %get3A_764] {strides = array<i32>} : memref<4x200x64xf32, #tpu.memory_space<vmem>>, vector<1x1x16xf32>,
      %get3A_766 = vector.shape_cast %get3A_765 : vector<1x1x16xf32> to vector<16xf32>
      %mul3A_767 = arith.constant 8.000000e+00 : f32
      %mul3A_768 = vector.broadcast %mul3A_767 : f32 to vector<16xf32>
      %mul3A_769 = arith.mulf %get3A_766, %mul3A_768 : vector<16xf32>
      %add3A_770 = arith.addf %mul3A_769, %get3A_599 : vector<16xf32>
      %swap3A_771 = arith.constant 2 : i32
      %swap3A_772 = arith.index_cast %swap3A_771 : i32 to index
      %swap3A_773 = arith.index_cast %scan3A_591 : i32 to index
      %swap3A_774 = arith.constant 16 : index
      %swap3A_775 = tpu.vector_load %arg8[%swap3A_772, %swap3A_773, %swap3A_774] {strides = array<i32>} : memref<4x200x64xf32, #tpu.memory_space<vmem>>, vector<1x1x16xf32>,
      %swap3A_776 = vector.shape_cast %swap3A_775 : vector<1x1x16xf32> to vector<16xf32>
      %swap3A_777 = vector.shape_cast %add3A_770 : vector<16xf32> to vector<1x1x16xf32>
      tpu.vector_store %arg8[%swap3A_772, %swap3A_773, %swap3A_774], %swap3A_777 {strides = array<i32>} : memref<4x200x64xf32, #tpu.memory_space<vmem>>, vector<1x1x16xf32>,
      %get3A_778 = arith.constant 2 : i32
      %get3A_779 = arith.index_cast %get3A_778 : i32 to index
      %get3A_780 = arith.index_cast %scan3A_591 : i32 to index
      %get3A_781 = arith.constant 32 : index
      %get3A_782 = tpu.vector_load %arg8[%get3A_779, %get3A_780, %get3A_781] {strides = array<i32>} : memref<4x200x64xf32, #tpu.memory_space<vmem>>, vector<1x1x16xf32>,
      %get3A_783 = vector.shape_cast %get3A_782 : vector<1x1x16xf32> to vector<16xf32>
      %mul3A_784 = arith.constant 8.000000e+00 : f32
      %mul3A_785 = vector.broadcast %mul3A_784 : f32 to vector<16xf32>
      %mul3A_786 = arith.mulf %get3A_783, %mul3A_785 : vector<16xf32>
      %add3A_787 = arith.addf %mul3A_786, %get3A_603 : vector<16xf32>
      %swap3A_788 = arith.constant 2 : i32
      %swap3A_789 = arith.index_cast %swap3A_788 : i32 to index
      %swap3A_790 = arith.index_cast %scan3A_591 : i32 to index
      %swap3A_791 = arith.constant 32 : index
      %swap3A_792 = tpu.vector_load %arg8[%swap3A_789, %swap3A_790, %swap3A_791] {strides = array<i32>} : memref<4x200x64xf32, #tpu.memory_space<vmem>>, vector<1x1x16xf32>,
      %swap3A_793 = vector.shape_cast %swap3A_792 : vector<1x1x16xf32> to vector<16xf32>
      %swap3A_794 = vector.shape_cast %add3A_787 : vector<16xf32> to vector<1x1x16xf32>
      tpu.vector_store %arg8[%swap3A_789, %swap3A_790, %swap3A_791], %swap3A_794 {strides = array<i32>} : memref<4x200x64xf32, #tpu.memory_space<vmem>>, vector<1x1x16xf32>,
      %get3A_795 = arith.constant 2 : i32
      %get3A_796 = arith.index_cast %get3A_795 : i32 to index
      %get3A_797 = arith.index_cast %scan3A_591 : i32 to index
      %get3A_798 = arith.constant 48 : index
      %get3A_799 = tpu.vector_load %arg8[%get3A_796, %get3A_797, %get3A_798] {strides = array<i32>} : memref<4x200x64xf32, #tpu.memory_space<vmem>>, vector<1x1x16xf32>,
      %get3A_800 = vector.shape_cast %get3A_799 : vector<1x1x16xf32> to vector<16xf32>
      %mul3A_801 = arith.constant 8.000000e+00 : f32
      %mul3A_802 = vector.broadcast %mul3A_801 : f32 to vector<16xf32>
      %mul3A_803 = arith.mulf %get3A_800, %mul3A_802 : vector<16xf32>
      %add3A_804 = arith.addf %mul3A_803, %get3A_607 : vector<16xf32>
      %swap3A_805 = arith.constant 2 : i32
      %swap3A_806 = arith.index_cast %swap3A_805 : i32 to index
      %swap3A_807 = arith.index_cast %scan3A_591 : i32 to index
      %swap3A_808 = arith.constant 48 : index
      %swap3A_809 = tpu.vector_load %arg8[%swap3A_806, %swap3A_807, %swap3A_808] {strides = array<i32>} : memref<4x200x64xf32, #tpu.memory_space<vmem>>, vector<1x1x16xf32>,
      %swap3A_810 = vector.shape_cast %swap3A_809 : vector<1x1x16xf32> to vector<16xf32>
      %swap3A_811 = vector.shape_cast %add3A_804 : vector<16xf32> to vector<1x1x16xf32>
      tpu.vector_store %arg8[%swap3A_806, %swap3A_807, %swap3A_808], %swap3A_811 {strides = array<i32>} : memref<4x200x64xf32, #tpu.memory_space<vmem>>, vector<1x1x16xf32>,
      %get3A_812 = arith.constant 3 : i32
      %get3A_813 = arith.index_cast %get3A_812 : i32 to index
      %get3A_814 = arith.index_cast %scan3A_591 : i32 to index
      %get3A_815 = arith.constant 0 : index
      %get3A_816 = tpu.vector_load %arg8[%get3A_813, %get3A_814, %get3A_815] {strides = array<i32>} : memref<4x200x64xf32, #tpu.memory_space<vmem>>, vector<1x1x16xf32>,
      %get3A_817 = vector.shape_cast %get3A_816 : vector<1x1x16xf32> to vector<16xf32>
      %mul3A_818 = arith.constant 8.000000e+00 : f32
      %mul3A_819 = vector.broadcast %mul3A_818 : f32 to vector<16xf32>
      %mul3A_820 = arith.mulf %get3A_817, %mul3A_819 : vector<16xf32>
      %add3A_821 = arith.addf %mul3A_820, %get3A_595 : vector<16xf32>
      %swap3A_822 = arith.constant 3 : i32
      %swap3A_823 = arith.index_cast %swap3A_822 : i32 to index
      %swap3A_824 = arith.index_cast %scan3A_591 : i32 to index
      %swap3A_825 = arith.constant 0 : index
      %swap3A_826 = tpu.vector_load %arg8[%swap3A_823, %swap3A_824, %swap3A_825] {strides = array<i32>} : memref<4x200x64xf32, #tpu.memory_space<vmem>>, vector<1x1x16xf32>,
      %swap3A_827 = vector.shape_cast %swap3A_826 : vector<1x1x16xf32> to vector<16xf32>
      %swap3A_828 = vector.shape_cast %add3A_821 : vector<16xf32> to vector<1x1x16xf32>
      tpu.vector_store %arg8[%swap3A_823, %swap3A_824, %swap3A_825], %swap3A_828 {strides = array<i32>} : memref<4x200x64xf32, #tpu.memory_space<vmem>>, vector<1x1x16xf32>,
      %get3A_829 = arith.constant 3 : i32
      %get3A_830 = arith.index_cast %get3A_829 : i32 to index
      %get3A_831 = arith.index_cast %scan3A_591 : i32 to index
      %get3A_832 = arith.constant 16 : index
      %get3A_833 = tpu.vector_load %arg8[%get3A_830, %get3A_831, %get3A_832] {strides = array<i32>} : memref<4x200x64xf32, #tpu.memory_space<vmem>>, vector<1x1x16xf32>,
      %get3A_834 = vector.shape_cast %get3A_833 : vector<1x1x16xf32> to vector<16xf32>
      %mul3A_835 = arith.constant 8.000000e+00 : f32
      %mul3A_836 = vector.broadcast %mul3A_835 : f32 to vector<16xf32>
      %mul3A_837 = arith.mulf %get3A_834, %mul3A_836 : vector<16xf32>
      %add3A_838 = arith.addf %mul3A_837, %get3A_599 : vector<16xf32>
      %swap3A_839 = arith.constant 3 : i32
      %swap3A_840 = arith.index_cast %swap3A_839 : i32 to index
      %swap3A_841 = arith.index_cast %scan3A_591 : i32 to index
      %swap3A_842 = arith.constant 16 : index
      %swap3A_843 = tpu.vector_load %arg8[%swap3A_840, %swap3A_841, %swap3A_842] {strides = array<i32>} : memref<4x200x64xf32, #tpu.memory_space<vmem>>, vector<1x1x16xf32>,
      %swap3A_844 = vector.shape_cast %swap3A_843 : vector<1x1x16xf32> to vector<16xf32>
      %swap3A_845 = vector.shape_cast %add3A_838 : vector<16xf32> to vector<1x1x16xf32>
      tpu.vector_store %arg8[%swap3A_840, %swap3A_841, %swap3A_842], %swap3A_845 {strides = array<i32>} : memref<4x200x64xf32, #tpu.memory_space<vmem>>, vector<1x1x16xf32>,
      %get3A_846 = arith.constant 3 : i32
      %get3A_847 = arith.index_cast %get3A_846 : i32 to index
      %get3A_848 = arith.index_cast %scan3A_591 : i32 to index
      %get3A_849 = arith.constant 32 : index
      %get3A_850 = tpu.vector_load %arg8[%get3A_847, %get3A_848, %get3A_849] {strides = array<i32>} : memref<4x200x64xf32, #tpu.memory_space<vmem>>, vector<1x1x16xf32>,
      %get3A_851 = vector.shape_cast %get3A_850 : vector<1x1x16xf32> to vector<16xf32>
      %mul3A_852 = arith.constant 8.000000e+00 : f32
      %mul3A_853 = vector.broadcast %mul3A_852 : f32 to vector<16xf32>
      %mul3A_854 = arith.mulf %get3A_851, %mul3A_853 : vector<16xf32>
      %add3A_855 = arith.addf %mul3A_854, %get3A_603 : vector<16xf32>
      %swap3A_856 = arith.constant 3 : i32
      %swap3A_857 = arith.index_cast %swap3A_856 : i32 to index
      %swap3A_858 = arith.index_cast %scan3A_591 : i32 to index
      %swap3A_859 = arith.constant 32 : index
      %swap3A_860 = tpu.vector_load %arg8[%swap3A_857, %swap3A_858, %swap3A_859] {strides = array<i32>} : memref<4x200x64xf32, #tpu.memory_space<vmem>>, vector<1x1x16xf32>,
      %swap3A_861 = vector.shape_cast %swap3A_860 : vector<1x1x16xf32> to vector<16xf32>
      %swap3A_862 = vector.shape_cast %add3A_855 : vector<16xf32> to vector<1x1x16xf32>
      tpu.vector_store %arg8[%swap3A_857, %swap3A_858, %swap3A_859], %swap3A_862 {strides = array<i32>} : memref<4x200x64xf32, #tpu.memory_space<vmem>>, vector<1x1x16xf32>,
      %get3A_863 = arith.constant 3 : i32
      %get3A_864 = arith.index_cast %get3A_863 : i32 to index
      %get3A_865 = arith.index_cast %scan3A_591 : i32 to index
      %get3A_866 = arith.constant 48 : index
      %get3A_867 = tpu.vector_load %arg8[%get3A_864, %get3A_865, %get3A_866] {strides = array<i32>} : memref<4x200x64xf32, #tpu.memory_space<vmem>>, vector<1x1x16xf32>,
      %get3A_868 = vector.shape_cast %get3A_867 : vector<1x1x16xf32> to vector<16xf32>
      %mul3A_869 = arith.constant 8.000000e+00 : f32
      %mul3A_870 = vector.broadcast %mul3A_869 : f32 to vector<16xf32>
      %mul3A_871 = arith.mulf %get3A_868, %mul3A_870 : vector<16xf32>
      %add3A_872 = arith.addf %mul3A_871, %get3A_607 : vector<16xf32>
      %swap3A_873 = arith.constant 3 : i32
      %swap3A_874 = arith.index_cast %swap3A_873 : i32 to index
      %swap3A_875 = arith.index_cast %scan3A_591 : i32 to index
      %swap3A_876 = arith.constant 48 : index
      %swap3A_877 = tpu.vector_load %arg8[%swap3A_874, %swap3A_875, %swap3A_876] {strides = array<i32>} : memref<4x200x64xf32, #tpu.memory_space<vmem>>, vector<1x1x16xf32>,
      %swap3A_878 = vector.shape_cast %swap3A_877 : vector<1x1x16xf32> to vector<16xf32>
      %swap3A_879 = vector.shape_cast %add3A_872 : vector<16xf32> to vector<1x1x16xf32>
      tpu.vector_store %arg8[%swap3A_874, %swap3A_875, %swap3A_876], %swap3A_879 {strides = array<i32>} : memref<4x200x64xf32, #tpu.memory_space<vmem>>, vector<1x1x16xf32>,
    }
    %scan3A_286 = arith.constant 200 : i32
    %add3A_287 = arith.constant 124 : i32
    %add3A_288 = arith.addi %mul3A_2, %add3A_287 : i32
    %dma_start3A_289 = arith.constant 0 : i32
    %dma_start3A_290 = arith.constant 0 : i32
    %dma_start3A_291 = tpu.memref_slice %arg5[%add3A_288, %dma_start3A_289, %dma_start3A_290] : memref<4096x200x128xf32, #tpu.memory_space<hbm>> -> memref<4x200x64xf32, #tpu.memory_space<hbm>>
    %dma_start3A_292 = arith.constant 0 : i32
    %dma_start3A_293 = arith.constant 0 : i32
    %dma_start3A_294 = tpu.memref_slice %arg5[%add3A_288, %dma_start3A_292, %dma_start3A_293] : memref<4096x200x128xf32, #tpu.memory_space<hbm>> -> memref<4x200x64xf32, #tpu.memory_space<hbm>>
    tpu.enqueue_dma source(%arg8 : memref<4x200x64xf32, #tpu.memory_space<vmem>>) target(%dma_start3A_294 : memref<4x200x64xf32, #tpu.memory_space<hbm>>) target_semaphore(%arg12 : memref<!tpu.dma_semaphore, #tpu.memory_space<semaphore_mem>>)
    %add3A_295 = arith.constant 124 : i32
    %add3A_296 = arith.addi %mul3A_2, %add3A_295 : i32
    %dma_wait3A_297 = arith.constant 0 : i32
    %dma_wait3A_298 = arith.constant 0 : i32
    %dma_wait3A_299 = tpu.memref_slice %arg5[%add3A_296, %dma_wait3A_297, %dma_wait3A_298] : memref<4096x200x128xf32, #tpu.memory_space<hbm>> -> memref<4x200x64xf32, #tpu.memory_space<hbm>>
    %dma_wait3A_300 = arith.constant 0 : i32
    %dma_wait3A_301 = arith.constant 0 : i32
    %dma_wait3A_302 = tpu.memref_slice %arg5[%add3A_296, %dma_wait3A_300, %dma_wait3A_301] : memref<4096x200x128xf32, #tpu.memory_space<hbm>> -> memref<4x200x64xf32, #tpu.memory_space<hbm>>
    tpu.wait_dma2 semaphore(%arg12 : memref<!tpu.dma_semaphore, #tpu.memory_space<semaphore_mem>>) src(%arg8 : memref<4x200x64xf32, #tpu.memory_space<vmem>>) dst(%dma_wait3A_302 : memref<4x200x64xf32, #tpu.memory_space<hbm>>)
    return
  }
}

</mosaic_0001>

<sc_bundles>
// kernel: kernel.3.cloned.1.call-start
scs
__scs_entry_jumppad:
0x0: {  	(pc) =	sbr.rel $0x88, $3  }
0x1: {  	(tag) =	ssettag $0x0;
	lr =	simm.s32 $0x1  }
0x2: {  	[smem:$0x3F9E] =	sst lr;
	_ =	strace $0xD0000000  }
0x3: {  	_ = 	snop  }
0x4: {  	_ = 	snop  }
0x5: {  	_ = 	snop  }
0x6: {  	_ = 	snop  }
0x7: {  	_ = 	snop  }
__scs_overlays_trampoline_lowered:
0x8: {  	[smem:$0x3FAD] =	sst s0  }
0x9: {  	[smem:$0x3FAE] =	sst s1  }
0xa: {  	[smem:$0x3FAF] =	sst s2  }
0xb: {  	[smem:$0x3FB0] =	sst s3  }
0xc: {  	[smem:$0x3FB1] =	sst s4  }
0xd: {  	[smem:$0x3FB2] =	sst s5  }
0xe: {  	[smem:$0x3FB3] =	sst s6  }
0xf: {  	[smem:$0x3FB4] =	sst s7  }
0x10: {  	[smem:$0x3FB5] =	sst s8  }
0x11: {  	[smem:$0x3FB6] =	sst s9;
	s0 =	simm.s32 @!p0 $0x0  }
0x12: {  	s1 =	sld [smem:$0x3F9C];
	s0 =	simm.s32 @p0 $0x1  }
0x13: {  	[smem:$0x3FB7] =	sst s0;
	s0 =	simm.s32 @!p1 $0x0  }
0x14: {  	s2 =	sld [smem:$0x3F9B];
	s0 =	simm.s32 @p1 $0x1  }
0x15: {  	[smem:$0x3FB8] =	sst s0;
	s0 =	simm.s32 @!p2 $0x0  }
0x16: {  	s3 =	sld [smem:$0x3FDB];
	s0 =	simm.s32 @p2 $0x1  }
0x17: {  	s4 =	simm.s32 $0x1BF5;
	[smem:$0x3FBA] =	sst s0  }
0x18: {  	s0 =	sld [smem:$0x3F9D];
	_ =	swait.ge [sflag:s4], $0x0  }
0x19: {  	s7 =	sld [smem:$0x3F9E]  }
0x1a: {  	s8 =	sadd.s32 $0xFFFFE003, lr  }
0x1b: {  	s9 =	sadd.s32 $0xFFFFFEF7, lr;
	s5 =	simm.s32 $0xFFFFFFFF;
	p2 =	slt.u32 s8, $0xFFFFF086  }
0x1c: {  	p1 =	slt.u32 s9, $0xF7A;
	s5 =	simm.s32 @!p2 $0x0  }
0x1d: {  	s5 =	simm.s32 @p1 $0x1;
	p0 =	seq.s32 s7, s2  }
0x1e: {  	s7 =	smul.u32 @!p0 $0xF7A, s2;
	p2 =	seq.s32 @!p0 s5, $0x0  }
0x1f: {  	s9 =	smul.u32 $0xF7A, s1;
	s8 =	simm.s32 @!p0 $0x1BF5;
	p2 =	por !p2, p0  }
0x20: {  	[sflag:s8] =	ssyncset.s32 @!p0 $0xFFFFF086;
	s6 =	sadd.s32 @!p0 s3, s7;
	s7 =	simm.s32 @!p0 $0x108  }
0x21: {  	s3 =	sadd.s32 s3, s9;
	s6 =	sadd.s32 @!p0 $0x88, s6;
	s7 =	simm.s32 @p2 $0x1082  }
0x22: {  	[simem:s7], [sflag:s8] =	dma.local @!p0 [hbm:s6], $0xF7A  }
0x23: {  	s9 =	sor.u32 $0xD0000000, s2;
	s6 =	simm.s32 $0x108;
	_ =	swait.ge @!p0 [sflag:s8], $0x0  }
0x24: {  	s3 =	sadd.s32 $0x88, s3;
	s6 =	simm.s32 @!p1 $0x1082;
	[sflag:s4] =	ssyncset.s32 $0xFFFFF086  }
0x25: {  	[simem:s6], [sflag:s4] =	dma.local [hbm:s3], $0xF7A  }
0x26: {  	[smem:$0x3F9E] =	sst s1;
	(tag) =	ssettag s2;
	_ =	strace s9  }
0x27: {  	s1 =	sld [smem:$0x3FAE]  }
0x28: {  	s2 =	sld [smem:$0x3FAF]  }
0x29: {  	s4 =	sld [smem:$0x3FB1]  }
0x2a: {  	p0 =	seq.s32 s5, $0x0;
	s5 =	sld [smem:$0x3FB2]  }
0x2b: {  	s6 =	sld [smem:$0x3FB3]  }
0x2c: {  	s7 =	sld [smem:$0x3FB4]  }
0x2d: {  	s3 =	simm.s32 $0x108;
	s8 =	sld [smem:$0x3FB5]  }
0x2e: {  	s3 =	simm.s32 @!p0 $0x1082;
	s9 =	sld [smem:$0x3FB6]  }
0x2f: {  	lr =	sadd.s32 s0, s3;
	s0 =	sld [smem:$0x3FAD]  }
0x30: {  	s3 =	sld [smem:$0x3FB0]  }
0x31: {  	[smem:$0x3FB9] =	sst s10  }
0x32: {  	s10 =	sld [smem:$0x3FB7];
	_ =	sdelay $0x3  }
0x33: {  	p0 =	seq.s32 s10, $0x1;
	s10 =	sld [smem:$0x3FB9];
	_ =	sdelay $0x3  }
0x34: {  	[smem:$0x3FB9] =	sst s10  }
0x35: {  	s10 =	sld [smem:$0x3FB8];
	_ =	sdelay $0x3  }
0x36: {  	p1 =	seq.s32 s10, $0x1;
	s10 =	sld [smem:$0x3FB9];
	_ =	sdelay $0x3  }
0x37: {  	[smem:$0x3FB9] =	sst s10  }
0x38: {  	s10 =	sld [smem:$0x3FBA]  }
0x39: {  	_ = 	snop;
	(pc) =	sbr.ind lr, $3  }
0x3a: {  	_ = 	snop  }
0x3b: {  	_ = 	snop  }
0x3c: {  	p2 =	seq.s32 s10, $0x1;
	s10 =	sld [smem:$0x3FB9]  }
0x3d: {  	_ =	shalt  }
0x3e: {  	_ =	shalt  }
0x3f: {  	_ =	shalt  }
0x40: {  	_ =	shalt  }
0x41: {  	_ =	shalt  }
0x42: {  	_ =	shalt  }
0x43: {  	_ =	shalt  }
0x44: {  	_ =	shalt  }
0x45: {  	_ =	shalt  }
0x46: {  	_ =	shalt  }
0x47: {  	_ =	shalt  }
0x48: {  	_ =	shalt  }
0x49: {  	_ =	shalt  }
0x4a: {  	_ =	shalt  }
0x4b: {  	_ =	shalt  }
0x4c: {  	_ =	shalt  }
0x4d: {  	_ =	shalt  }
0x4e: {  	_ =	shalt  }
0x4f: {  	_ =	shalt  }
0x50: {  	_ =	shalt  }
0x51: {  	_ =	shalt  }
0x52: {  	_ =	shalt  }
0x53: {  	_ =	shalt  }
0x54: {  	_ =	shalt  }
0x55: {  	_ =	shalt  }
0x56: {  	_ =	shalt  }
0x57: {  	_ =	shalt  }
0x58: {  	_ =	shalt  }
0x59: {  	_ =	shalt  }
0x5a: {  	_ =	shalt  }
0x5b: {  	_ =	shalt  }
0x5c: {  	_ =	shalt  }
0x5d: {  	_ =	shalt  }
0x5e: {  	_ =	shalt  }
0x5f: {  	_ =	shalt  }
0x60: {  	_ =	shalt  }
0x61: {  	_ =	shalt  }
0x62: {  	_ =	shalt  }
0x63: {  	_ =	shalt  }
0x64: {  	_ =	shalt  }
0x65: {  	_ =	shalt  }
0x66: {  	_ =	shalt  }
0x67: {  	_ =	shalt  }
0x68: {  	_ =	shalt  }
0x69: {  	_ =	shalt  }
0x6a: {  	_ =	shalt  }
0x6b: {  	_ =	shalt  }
0x6c: {  	_ =	shalt  }
0x6d: {  	_ =	shalt  }
0x6e: {  	_ =	shalt  }
0x6f: {  	_ =	shalt  }
0x70: {  	_ =	shalt  }
0x71: {  	_ =	shalt  }
0x72: {  	_ =	shalt  }
0x73: {  	_ =	shalt  }
0x74: {  	_ =	shalt  }
0x75: {  	_ =	shalt  }
0x76: {  	_ =	shalt  }
0x77: {  	_ =	shalt  }
0x78: {  	_ =	shalt  }
0x79: {  	_ =	shalt  }
0x7a: {  	_ =	shalt  }
0x7b: {  	_ =	shalt  }
0x7c: {  	_ =	shalt  }
0x7d: {  	_ =	shalt  }
0x7e: {  	_ =	shalt  }
0x7f: {  	_ =	shalt  }
0x80: {  	_ =	shalt  }
0x81: {  	_ =	shalt  }
0x82: {  	_ =	shalt  }
0x83: {  	_ =	shalt  }
0x84: {  	_ =	shalt  }
0x85: {  	_ =	shalt  }
0x86: {  	_ =	shalt  }
0x87: {  	_ =	shalt  }
.Lfunc_end0:
.L_simem_size_0:
called_computation.1_lowered:
.L_overlay_start_0:
0x88: {  	s2 =	sld [smem:$0x3FD9]  }
0x89: {  	s3 =	sld [smem:$0x3FFE];
	_ =	sdelay $0x1  }
0x8a: {  	s1 =	srdreg.scid  }
0x8b: {  	s0 =	sand.u32 $0x1, s1  }
0x8c: {  	s17 =	sshll.u32 s0, $0xA;
	s2 =	sadd.s32 s3, s2  }
0x8d: {  	s2 =	sadd.s32 s2, s17  }
0x8e: {  	[smem:$0x3FC5] =	sst s2  }
0x8f: {  	_ = 	snop  }
0x90: {  	s2 =	sld [smem:$0x3FD0];
	(tm) =	ssettm $0x1  }
0x91: {  	s18 =	sld [smem:$0x3FFB];
	_ =	sdelay $0x3  }
0x92: {  	_ =	strace s18  }
0x93: {  	s3 =	sld [smem:$0x3FFC];
	_ =	sdelay $0x3  }
0x94: {  	_ =	strace s3  }
0x95: {  	s3 =	sld [smem:$0x3FFD];
	_ =	sdelay $0x3  }
0x96: {  	_ =	strace s3  }
0x97: {  	_ =	strace $0x8FFFFFFF  }
0x98: {  	s19 =	sld [smem:$0x3FDB];
	_ =	sdelay $0x1  }
0x99: {  	s4 =	simm.s32 $_scs_section_size  }
0x9a: {  	s5 =	simm.s32 $_size__tile_overlayer_lowered;
	s6 =	simm.s32 $_tile_overlayer_lowered  }
0x9b: {  	s22 =	simm.s32 $0x1BFF;
	s21 =	sshll.u32 s6, $0x1;
	s3 =	sadd.s32 s4, s19  }
0x9c: {  	s7 =	simm.s32 $0x0;
	s20 =	sshll.u32 s5, $0x1;
	s5 =	sadd.s32 s21, s3  }
0x9d: {  	[timem:s7], [sflag:s22] =	dma.local [hbm:s5], s20  }
0x9e: {  	_ =	swait.ge [sflag:s22], s20  }
0x9f: {  	s4 =	ssub.s32 $0x0, s20;
	[sflag:s22] =	ssyncset.done $0x0  }
0xa0: {  	[sflag:s22] =	ssyncadd.s32 s4;
	_ =	sdelay $0x1  }
0xa1: {  	s23 =	simm.s32 $0x1B8B  }
0xa2: {  	_ =	swait.ge [sflag:s23], $0x1  }
0xa3: {  	[sflag:s23] =	ssyncset.done $0x0  }
0xa4: {  	s25 =	simm.s32 $0x1B8E;
	s24 =	sld [smem:$0x3FFE];
	[sflag:s23] =	ssyncadd.s32 $0xFFFFFFFF  }
0xa5: {  	s26 =	simm.s32 $execute0_lowered;
	[smem:$0x3FD2] =	sst s25  }
0xa6: {  	s5 =	sshll.u32 s26, $0x1;
	_ =	strace $0x80000046;
	[dreg:$0x1] =	wrdreg $0xFFFFFFFF  }
0xa7: {  	s28 =	simm.s32 $_size_execute0_lowered;
	s3 =	sadd.s32 s3, s5;
	[dreg:$0x0] =	wrdreg $0x0  }
0xa8: {  	s5 =	sshll.u32 s28, $0x1;
	[dreg:$0x2] =	wrdreg s3  }
0xa9: {  	[dreg:$0x3] =	wrdreg s5  }
0xaa: {  	[dreg:$0x4] =	wrdreg $0xC0  }
0xab: {  	_ =	task [dreg:s7], $0x5FFFF  }
0xac: {  	[dreg:$0x1] =	wrdreg $0xFFFFFFFF  }
0xad: {  	[dreg:$0x0] =	wrdreg $0x60  }
0xae: {  	[dreg:$0x2] =	wrdreg s2  }
0xaf: {  	[dreg:$0x3] =	wrdreg s24  }
0xb0: {  	[dreg:$0x4] =	wrdreg $0x9  }
0xb1: {  	_ =	task.clear_ibuf [dreg:s7], $0x5FFFF;
	_ =	strace $0x90000046  }
0xb2: {  	s29 =	simm.s32 $0x9;
	_ =	strace $0x80000048  }
0xb3: {  	_ =	swait.ge [sflag:s29], $0x1  }
0xb4: {  	[sflag:s29] =	ssyncadd.s32 $0xFFFFFFFF  }
0xb5: {  	_ =	strace $0x90000048  }
0xb6: {  	_ =	sfence  }
0xb7: {  	s30 =	sld [smem:$0x0];
	_ =	sdelay $0x2  }
0xb8: {  	s31 =	sshll.u32 s1, $0xD;
	s1 =	sshrl.u32 s1, $0x2  }
0xb9: {  	s3 =	sand.u32 $0x4000, s31;
	s1 =	sadd.s32 s1, s30  }
0xba: {  	s0 =	sor.u32 s3, s0;
	s1 =	sshll.u32 s1, $0x11  }
0xbb: {  	s0 =	sor.u32 s1, s0  }
0xbc: {  	s0 =	sadd.s32 $0x8F2B, s0  }
0xbd: {  	[sflag:s0] =	ssyncadd.remote.s32 $0x1  }
0xbe: {  	_ =	sfence.sel $0xFFFF  }
0xbf: {  	[dreg:$0x0] =	wrdreg $0xFFFFFFFF;
	(pc) =	sbr.abs _section_cstart, $3  }
0xc0: {  	[dreg:$0x1] =	wrdreg $0xFFFFFFFF  }
0xc1: {  	_ =	task.clear_ibuf [dreg:s7], $0x2FFFF;
	_ =	strace $0x9FFFFFFF  }
0xc2: {  	(tm) =	ssettm $0x7FFFFFFF  }
0xc3: {  	_ =	shalt  }
tec
execute0_lowered:
.L_overlay_start_1:
0x0: {  	(tag) =	ssettag $0x1  }
0x1: {  	s1 =	rddreg [dreg:$0x0]  }
0x2: {  	s0 =	rddreg [dreg:$0x1]  }
0x3: {  	s2 =	srdreg.scid;
	s4 =	simm.s32 $0x0;
	s3 =	stileid.u32  }
0x4: {  	s28 =	simm.s32 $0x1;
	s29 =	simm.s32 $0x2;
	s30 =	simm.s32 $0xCE40  }
0x5: {  	s31 =	simm.s32 $0x3E8;
	s17 =	simm.s32 $0x13240;
	s9 =	simm.s32 $0x16440  }
0x6: {  	s10 =	simm.s32 $0x40;
	s11 =	simm.s32 $0x80;
	s2 =	sand.u32 $0x1, s2  }
0x7: {  	s15 =	simm.s32 $0x3;
	s3 =	sshll.u32 s3, $0x8;
	s5 =	sshll.u32 s2, $0x7  }
0x8: {  	[smem:$0x7FF] =	sst s4;
	s4 =	sadd.s32 $0xF43000, s0;
	s5 =	sor.u32 s5, s3  }
0x9: {  	s19 =	sadd.s32 $0xC00, s0;
	s7 =	sadd.s32 $0x1400, s0;
	s20 =	smul.u32 $0xC8, s5  }
0xa: {  	_ =	strace $0x80000047;
	s2 =	ssub.s32 $0x2, s2;
	s6 =	smul.u32 $0x19, s5  }
0xb: {  	[dreg:$0x3] =	wrdreg s19;
	s21 =	sshrl.u32 s2, $0x1;
	s23 =	smul.u32 $0x6400, s5  }
0xc: {  	s19 =	simm.s32 $0xC8;
	s0 =	ssub.s32 s2, s21;
	s24 =	smul.u32 $0xC80, s5  }
0xd: {  	s12 =	sor.u32 $0x8, s5;
	s13 =	sor.u32 $0xC, s5;
	s14 =	sor.u32 $0x10, s5  }
0xe: {  	s0 =	smax.u32 s0, $0x1;
	s22 =	sshrl.u32 s20, $0x3;
	s8 =	sadd.s32 s1, s6  }
0xf: {  	s25 =	sshrl.u32 s23, $0x3;
	s26 =	sadd.s32 s7, s24;
	[dreg:$0x9] =	wrdreg s0  }
0x10: {  	s20 =	simm.s32 $0x640;
	s24 =	simm.s32 $0x258;
	s0 =	simm.s32 $0x10040  }
0x11: {  	s6 =	simm.s32 $0x578;
	s2 =	sadd.s32 s1, s22;
	[dreg:$0x4] =	wrdreg s8  }
0x12: {  	s8 =	sadd.s32 $0x64, s8;
	[dreg:$0x7] =	wrdreg s26;
	s2 =	sadd.s32 $0xC8, s2  }
0x13: {  	s26 =	simm.s32 $0x320;
	[dreg:$0x6] =	wrdreg s2;
	s2 =	sadd.s32 s7, s25  }
0x14: {  	[dreg:$0x5] =	wrdreg s8;
	s8 =	simm.s32 $0x0;
	s2 =	sadd.s32 $0x60E00, s2  }
0x15: {  	s25 =	simm.s32 $0x9C40;
	[dreg:$0x8] =	wrdreg s2;
	s2 =	simm.s32 $0x4B0  }
.LBB2_1:
0x16: {  	[dreg:$0xa] =	wrdreg s8;
	s3 =	simm.s32 $0x0  }
0x17: {  	s21 =	rddreg [dreg:$0x3];
	s16 =	simm.s32 $0x19640;
	s22 =	simm.s32 $0x4  }
0x18: {  	[tilespmem:s16], [sflag:$0x4] =	stream.linear.gather [hbm4b:s21+s3], $0x3200, $0x38;
	[tilespmem:$0x1C840] =	vst v63  }
0x19: {  	_ =	swait.ge [sflag:s22], $0x3200  }
0x1a: {  	[sflag:s22] =	ssyncset.done $0x0  }
0x1b: {  	s23 =	rddreg [dreg:$0x4];
	[sflag:s22] =	ssyncadd.s32 $0xFFFFCE00  }
0x1c: {  	[tilespmem:s3], [sflag:$0x4] =	stream.linear.gather [hbm4b:s23+s3], $0x320, $0x38;
	[tilespmem:$0x1C840] =	vst v63  }
0x1d: {  	_ =	swait.ge [sflag:s22], $0x320  }
0x1e: {  	[sflag:s22] =	ssyncset.done $0x0  }
0x1f: {  	[sflag:s22] =	ssyncadd.s32 $0xFFFFFCE0  }
0x20: {  	[tilespmem:s20], [sflag:$0x1] =	stream.indirect.gather [hbm4b:s4+s19], $0x40, s3, s19, $0xb8;
	[tilespmem:$0x1C840] =	vst v63  }
0x21: {  	s16 =	simm.s32 $0x3840  }
0x22: {  	[tilespmem:s16], [sflag:$0x1] =	stream.indirect.gather [hbm4b:s4+s19], $0x40, s19, s19, $0xb8;
	[tilespmem:$0x1C840] =	vst v63  }
0x23: {  	s18 =	simm.s32 $0x190;
	s21 =	simm.s32 $0x6A40  }
0x24: {  	[tilespmem:s21], [sflag:$0x1] =	stream.indirect.gather [hbm4b:s4+s19], $0x40, s18, s19, $0xb8;
	[tilespmem:$0x1C840] =	vst v63  }
0x25: {  	_ = 	snop  }
0x26: {  	[tilespmem:s25], [sflag:$0x1] =	stream.indirect.gather [hbm4b:s4+s19], $0x40, s24, s19, $0xb8;
	[tilespmem:$0x1C840] =	vst v63  }
0x27: {  	s22 =	rddreg [dreg:$0x5]  }
0x28: {  	[tilespmem:s26], [sflag:$0x2] =	stream.linear.gather [hbm4b:s22+s3], $0x320, $0x38;
	[tilespmem:$0x1C840] =	vst v63  }
0x29: {  	_ =	swait.ge [sflag:s28], $0x3200  }
0x2a: {  	[sflag:s28] =	ssyncset.done $0x0  }
0x2b: {  	[sflag:s28] =	ssyncadd.s32 $0xFFFFCE00  }
0x2c: {  	_ =	swait.ge [sflag:s28], $0x3200  }
0x2d: {  	[sflag:s28] =	ssyncset.done $0x0  }
0x2e: {  	[sflag:s28] =	ssyncadd.s32 $0xFFFFCE00  }
0x2f: {  	_ =	swait.ge [sflag:s28], $0x3200  }
0x30: {  	[sflag:s28] =	ssyncset.done $0x0  }
0x31: {  	[sflag:s28] =	ssyncadd.s32 $0xFFFFCE00  }
0x32: {  	_ =	swait.ge [sflag:s28], $0x3200  }
0x33: {  	[sflag:s28] =	ssyncset.done $0x0  }
0x34: {  	[sflag:s28] =	ssyncadd.s32 $0xFFFFCE00  }
0x35: {  	_ =	swait.ge [sflag:s29], $0x320  }
0x36: {  	[sflag:s29] =	ssyncset.done $0x0  }
0x37: {  	[sflag:s29] =	ssyncadd.s32 $0xFFFFFCE0  }
0x38: {  	[tilespmem:s30], [sflag:$0x1] =	stream.indirect.gather [hbm4b:s4+s19], $0x40, s26, s19, $0xb8;
	[tilespmem:$0x1C840] =	vst v63  }
0x39: {  	_ = 	snop  }
0x3a: {  	[tilespmem:s0], [sflag:$0x1] =	stream.indirect.gather [hbm4b:s4+s19], $0x40, s31, s19, $0xb8;
	[tilespmem:$0x1C840] =	vst v63  }
0x3b: {  	_ = 	snop  }
0x3c: {  	[tilespmem:s17], [sflag:$0x1] =	stream.indirect.gather [hbm4b:s4+s19], $0x40, s2, s19, $0xb8;
	[tilespmem:$0x1C840] =	vst v63  }
0x3d: {  	_ = 	snop  }
0x3e: {  	[tilespmem:s9], [sflag:$0x1] =	stream.indirect.gather [hbm4b:s4+s19], $0x40, s6, s19, $0xb8;
	[tilespmem:$0x1C840] =	vst v63  }
0x3f: {  	s23 =	rddreg [dreg:$0x6]  }
0x40: {  	[tilespmem:s3], [sflag:$0x2] =	stream.linear.gather [hbm4b:s23+s3], $0x320, $0x38;
	[tilespmem:$0x1C840] =	vst v63  }
0x41: {  	s3 =	simm.s32 $0x0  }
0x42: {  	v2 =	vld [tilespmem:s3+$0x3880]  }
0x43: {  	v0 =	vld [tilespmem:s3+$0x19670]  }
0x44: {  	v6 =	vld [tilespmem:s3+$0x9C60]  }
0x45: {  	v1 =	vld [tilespmem:s3+$0x19640]  }
0x46: {  	v4 =	vld [tilespmem:s3+$0x9C50]  }
0x47: {  	v3 =	vld [tilespmem:s3+$0x9CB0]  }
0x48: {  	v5 =	vld [tilespmem:s3+$0x6B0]  }
0x49: {  	v7 =	vld [tilespmem:s3+$0x9C40]  }
0x4a: {  	v8 =	vld [tilespmem:s3+$0x6A0]  }
0x4b: {  	v9 =	vld [tilespmem:s3+$0x690]  }
0x4c: {  	v10 =	vld [tilespmem:s3+$0x680]  }
0x4d: {  	v11 =	vld [tilespmem:s3+$0x3860]  }
0x4e: {  	v13 =	vld [tilespmem:s3+$0x670]  }
0x4f: {  	v12 =	vld [tilespmem:s3+$0x3850];
	v7 =	vmul.f32 $8.000000000e+00, v7  }
0x50: {  	v16 =	vld [tilespmem:s3+$0x640]  }
0x51: {  	v14 =	vld [tilespmem:s3+$0x650];
	v7 =	vadd.f32 v7, v1  }
0x52: {  	v18 =	vld [tilespmem:s3+$0x196A0]  }
0x53: {  	[tilespmem:s3+$0x9C40] =	vst v7;
	v7 =	vmul.f32 $8.000000000e+00, v13;
	v13 =	vld [tilespmem:s3+$0x196B0]  }
0x54: {  	v17 =	vld [tilespmem:s3+$0x19690]  }
0x55: {  	v19 =	vld [tilespmem:s3+$0x19680];
	v16 =	vmul.f32 $8.000000000e+00, v16;
	v7 =	vadd.f32 v7, v0  }
0x56: {  	v20 =	vld [tilespmem:s3+$0x3890];
	v3 =	vmul.f32 $8.000000000e+00, v3  }
0x57: {  	v16 =	vadd.f32 v16, v1;
	[tilespmem:s3+$0x670] =	vst v7;
	v7 =	vld [tilespmem:s3+$0x38A0]  }
0x58: {  	v21 =	vld [tilespmem:s3+$0x38B0];
	v2 =	vmul.f32 $8.000000000e+00, v2;
	v3 =	vadd.f32 v3, v13  }
0x59: {  	v22 =	vld [tilespmem:s3+$0x6A80];
	[tilespmem:s3+$0x640] =	vst v16  }
0x5a: {  	v2 =	vadd.f32 v2, v19;
	v16 =	vld [tilespmem:s3+$0x6AB0];
	[tilespmem:s3+$0x9CB0] =	vst v3;
	v3 =	vmul.f32 $8.000000000e+00, v8  }
0x5b: {  	v23 =	vld [tilespmem:s3+$0x6A90];
	v5 =	vmul.f32 $8.000000000e+00, v5  }
0x5c: {  	v24 =	vld [tilespmem:s3+$0x9C80];
	v9 =	vmul.f32 $8.000000000e+00, v9;
	[tilespmem:s3+$0x3880] =	vst v2;
	v3 =	vadd.f32 v3, v18;
	v2 =	vmul.f32 $8.000000000e+00, v7  }
0x5d: {  	v26 =	vld [tilespmem:s3+$0x6A60];
	v10 =	vmul.f32 $8.000000000e+00, v10;
	v5 =	vadd.f32 v5, v13  }
0x5e: {  	v8 =	vadd.f32 v9, v17;
	v9 =	vld [tilespmem:s3+$0x6AA0];
	[tilespmem:s3+$0x6A0] =	vst v3;
	v3 =	vmul.f32 $8.000000000e+00, v20;
	v2 =	vadd.f32 v2, v18  }
0x5f: {  	v25 =	vld [tilespmem:s3+$0x9CA0];
	v16 =	vmul.f32 $8.000000000e+00, v16;
	[tilespmem:s3+$0x6B0] =	vst v5;
	v5 =	vmul.f32 $8.000000000e+00, v21  }
0x60: {  	v62 =	vmul.f32 $8.000000000e+00, v6;
	v20 =	vld [tilespmem:s3+$0x9C90];
	v3 =	vadd.f32 v3, v17;
	[tilespmem:s3+$0x38A0] =	vst v2;
	v2 =	vmul.f32 $8.000000000e+00, v23  }
0x61: {  	v14 =	vmul.f32 $8.000000000e+00, v14;
	v6 =	vadd.f32 v16, v13;
	[tilespmem:s3+$0x690] =	vst v8;
	v8 =	vadd.f32 v5, v13;
	v5 =	vld [tilespmem:s3+$0x19660]  }
0x62: {  	v11 =	vmul.f32 $8.000000000e+00, v11;
	v7 =	vmul.f32 $8.000000000e+00, v22;
	[tilespmem:s3+$0x3890] =	vst v3;
	v3 =	vld [tilespmem:s3+$0x19650];
	v2 =	vadd.f32 v2, v17  }
0x63: {  	v15 =	vld [tilespmem:s3+$0x660];
	v63 =	vmul.f32 $8.000000000e+00, v26;
	[tilespmem:s3+$0x6AB0] =	vst v6;
	v9 =	vmul.f32 $8.000000000e+00, v9  }
0x64: {  	v60 =	vadd.f32 v7, v19;
	v7 =	vld [tilespmem:s3+$0x6A50];
	[tilespmem:s3+$0x6A90] =	vst v2;
	v2 =	vadd.f32 v10, v19;
	v10 =	vmul.f32 $8.000000000e+00, v24  }
0x65: {  	[tilespmem:s3+$0x38B0] =	vst v8;
	v8 =	vld [tilespmem:s3+$0x3870];
	v61 =	vadd.f32 v9, v18;
	v9 =	vmul.f32 $8.000000000e+00, v4;
	v13 =	vmul.f32 $8.000000000e+00, v20  }
0x66: {  	[tilespmem:s3+$0x6A80] =	vst v60;
	v4 =	vld [tilespmem:s3+$0x6A40];
	v6 =	vadd.f32 v63, v5;
	v20 =	vmul.f32 $8.000000000e+00, v25;
	v19 =	vadd.f32 v10, v19  }
0x67: {  	[tilespmem:s3+$0x6AA0] =	vst v61;
	v17 =	vadd.f32 v13, v17;
	v10 =	vld [tilespmem:s3+$0x3840];
	v16 =	vadd.f32 v14, v3;
	v14 =	vmul.f32 $8.000000000e+00, v12  }
0x68: {  	s8 =	simm.s32 $0x0;
	s16 =	simm.s32 $0x200;
	v15 =	vmul.f32 $8.000000000e+00, v15;
	v13 =	vadd.f32 v20, v18;
	v18 =	vadd.f32 v62, v5;
	v12 =	vld [tilespmem:s3+$0x6A70];
	[tilespmem:s3+$0x9C80] =	vst v19  }
.LBB2_2:
0x69: {  	s18 =	sshra.s32 s16, $0x2;
	s8 =	sadd.s32 $0x2, s8;
	v14 =	vadd.f32 v14, v3;
	v7 =	vmul.f32 $8.000000000e+00, v7;
	v9 =	vadd.f32 v9, v3;
	v19 =	vld [tilespmem:s3+$0x9C70];
	[tilespmem:s3+$0x9C90] =	vst v17  }
0x6a: {  	v17 =	vld [tilespmem:s18+$0x3880];
	p0 =	slt.u32 s8, $0xC6;
	[tilespmem:s3+$0x650] =	vst v16;
	v15 =	vadd.f32 v15, v5;
	v5 =	vadd.f32 v11, v5;
	v8 =	vmul.f32 $8.000000000e+00, v8  }
0x6b: {  	v11 =	vld [tilespmem:s18+$0x19670];
	v16 =	vmul.f32 $8.000000000e+00, v4;
	v3 =	vadd.f32 v7, v3;
	[tilespmem:s3+$0x9C60] =	vst v18  }
0x6c: {  	v4 =	vld [tilespmem:s18+$0x9C60];
	v7 =	vmul.f32 $8.000000000e+00, v10;
	v8 =	vadd.f32 v8, v0;
	[tilespmem:s3+$0x9CA0] =	vst v13  }
0x6d: {  	v10 =	vld [tilespmem:s18+$0x19640];
	v13 =	vadd.f32 v16, v1;
	v12 =	vmul.f32 $8.000000000e+00, v12;
	[tilespmem:s3+$0x9C50] =	vst v9  }
0x6e: {  	v9 =	vld [tilespmem:s18+$0x9C50];
	v1 =	vadd.f32 v7, v1;
	v7 =	vmul.f32 $8.000000000e+00, v19;
	[tilespmem:s3+$0x680] =	vst v2  }
0x6f: {  	v2 =	vld [tilespmem:s18+$0x9CB0];
	[tilespmem:s3+$0x3860] =	vst v5;
	v5 =	vadd.f32 v12, v0  }
0x70: {  	v12 =	vld [tilespmem:s18+$0x6B0];
	[tilespmem:s3+$0x3870] =	vst v8;
	v7 =	vadd.f32 v7, v0;
	v0 =	vmov v11  }
0x71: {  	v8 =	vld [tilespmem:s18+$0x9C40];
	[tilespmem:s3+$0x3840] =	vst v1  }
0x72: {  	v11 =	vld [tilespmem:s18+$0x6A0];
	[tilespmem:s3+$0x660] =	vst v15;
	v1 =	vmov v10  }
0x73: {  	v10 =	vld [tilespmem:s18+$0x690];
	[tilespmem:s3+$0x6A70] =	vst v5  }
0x74: {  	v5 =	vld [tilespmem:s18+$0x680];
	[tilespmem:s3+$0x3850] =	vst v14  }
0x75: {  	v14 =	vld [tilespmem:s18+$0x3860];
	[tilespmem:s3+$0x6A60] =	vst v6  }
0x76: {  	v6 =	vld [tilespmem:s18+$0x3850];
	v8 =	vmul.f32 $8.000000000e+00, v8;
	[tilespmem:s3+$0x6A40] =	vst v13  }
0x77: {  	v13 =	vld [tilespmem:s18+$0x670];
	[tilespmem:s3+$0x9C70] =	vst v7  }
0x78: {  	v15 =	vld [tilespmem:s18+$0x660];
	v7 =	vadd.f32 v8, v1;
	[tilespmem:s3+$0x6A50] =	vst v3;
	s3 =	smov.u32 s18  }
0x79: {  	v8 =	vld [tilespmem:s3+$0x650]  }
0x7a: {  	v3 =	vld [tilespmem:s3+$0x640];
	[tilespmem:s3+$0x9C40] =	vst v7  }
0x7b: {  	v18 =	vld [tilespmem:s3+$0x196A0]  }
0x7c: {  	v7 =	vmul.f32 $8.000000000e+00, v13;
	v13 =	vld [tilespmem:s3+$0x196B0]  }
0x7d: {  	v16 =	vld [tilespmem:s3+$0x19690]  }
0x7e: {  	v2 =	vmul.f32 $8.000000000e+00, v2;
	v7 =	vadd.f32 v7, v0;
	v19 =	vld [tilespmem:s3+$0x19680]  }
0x7f: {  	v5 =	vmul.f32 $8.000000000e+00, v5;
	v3 =	vmul.f32 $8.000000000e+00, v3;
	v20 =	vld [tilespmem:s3+$0x3890]  }
0x80: {  	[tilespmem:s3+$0x670] =	vst v7;
	v7 =	vmul.f32 $8.000000000e+00, v10;
	v10 =	vld [tilespmem:s3+$0x38A0]  }
0x81: {  	v11 =	vmul.f32 $8.000000000e+00, v11;
	v3 =	vadd.f32 v3, v1;
	v21 =	vld [tilespmem:s3+$0x38B0];
	v22 =	vadd.f32 v2, v13  }
0x82: {  	v12 =	vmul.f32 $8.000000000e+00, v12;
	v7 =	vadd.f32 v7, v16;
	v23 =	vld [tilespmem:s3+$0x6A80]  }
0x83: {  	v2 =	vadd.f32 v5, v19;
	v5 =	vadd.f32 v11, v18;
	v11 =	vmul.f32 $8.000000000e+00, v17;
	v17 =	vld [tilespmem:s3+$0x6A90];
	[tilespmem:s3+$0x9CB0] =	vst v22  }
0x84: {  	[tilespmem:s3+$0x640] =	vst v3;
	v3 =	vadd.f32 v12, v13;
	v12 =	vmul.f32 $8.000000000e+00, v20;
	v20 =	vld [tilespmem:s3+$0x6AA0]  }
0x85: {  	[tilespmem:s3+$0x690] =	vst v7;
	v7 =	vadd.f32 v11, v19;
	v10 =	vmul.f32 $8.000000000e+00, v10;
	v11 =	vld [tilespmem:s3+$0x6AB0]  }
0x86: {  	[tilespmem:s3+$0x6A0] =	vst v5;
	v5 =	vadd.f32 v12, v16;
	v12 =	vmul.f32 $8.000000000e+00, v21;
	v21 =	vld [tilespmem:s3+$0x9C80]  }
0x87: {  	[tilespmem:s3+$0x6B0] =	vst v3;
	v10 =	vadd.f32 v10, v18;
	v3 =	vmul.f32 $8.000000000e+00, v23;
	v22 =	vld [tilespmem:s3+$0x9C90]  }
0x88: {  	[tilespmem:s3+$0x3880] =	vst v7;
	v7 =	vadd.f32 v12, v13;
	v12 =	vmul.f32 $8.000000000e+00, v17;
	v17 =	vld [tilespmem:s3+$0x9CA0]  }
0x89: {  	v23 =	vld [tilespmem:s3+$0x6A60];
	[tilespmem:s3+$0x3890] =	vst v5;
	v24 =	vadd.f32 v3, v19;
	v20 =	vmul.f32 $8.000000000e+00, v20  }
0x8a: {  	v3 =	vld [tilespmem:s3+$0x19650];
	[tilespmem:s3+$0x38A0] =	vst v10;
	v10 =	vadd.f32 v12, v16;
	v11 =	vmul.f32 $8.000000000e+00, v11  }
0x8b: {  	v9 =	vmul.f32 $8.000000000e+00, v9;
	v5 =	vld [tilespmem:s3+$0x19660];
	[tilespmem:s3+$0x38B0] =	vst v7;
	v12 =	vadd.f32 v20, v18;
	v20 =	vmul.f32 $8.000000000e+00, v21  }
.Ltmp0:
0x8c: {  	v21 =	vmul.f32 $8.000000000e+00, v4;
	v7 =	vld [tilespmem:s3+$0x6A50];
	[tilespmem:s3+$0x6A80] =	vst v24;
	v13 =	vadd.f32 v11, v13;
	v22 =	vmul.f32 $8.000000000e+00, v22;
	(pc) =	sbr.rel @p0 .LBB2_2-.Ltmp0, $4  }
0x8d: {  	v24 =	vmul.f32 $8.000000000e+00, v8;
	v8 =	vld [tilespmem:s3+$0x3870];
	[tilespmem:s3+$0x6A90] =	vst v10;
	v19 =	vadd.f32 v20, v19;
	v20 =	vmul.f32 $8.000000000e+00, v17  }
0x8e: {  	v11 =	vmul.f32 $8.000000000e+00, v14;
	v4 =	vld [tilespmem:s3+$0x6A40];
	v23 =	vmul.f32 $8.000000000e+00, v23;
	[tilespmem:s3+$0x6AA0] =	vst v12;
	v17 =	vadd.f32 v22, v16  }
0x8f: {  	v14 =	vmul.f32 $8.000000000e+00, v6;
	v16 =	vadd.f32 v24, v3;
	v10 =	vld [tilespmem:s3+$0x3840];
	[tilespmem:s3+$0x6AB0] =	vst v13;
	v13 =	vadd.f32 v20, v18  }
0x90: {  	s16 =	sadd.s32 $0x200, s16;
	v15 =	vmul.f32 $8.000000000e+00, v15;
	v6 =	vadd.f32 v23, v5;
	v12 =	vld [tilespmem:s3+$0x6A70];
	v18 =	vadd.f32 v21, v5;
	[tilespmem:s3+$0x9C80] =	vst v19  }
0x91: {  	[tilespmem:s3+$0x9C90] =	vst v17  }
0x92: {  	[tilespmem:s3+$0x650] =	vst v16  }
0x93: {  	[tilespmem:s3+$0x9CA0] =	vst v13  }
0x94: {  	[tilespmem:s3+$0x680] =	vst v2  }
0x95: {  	v9 =	vadd.f32 v9, v3;
	[tilespmem:s3+$0x9C60] =	vst v18  }
0x96: {  	v19 =	vld [tilespmem:s3+$0x9C70];
	v11 =	vadd.f32 v11, v5;
	[tilespmem:s3+$0x6A60] =	vst v6  }
0x97: {  	v59 =	vadd.f32 v14, v3;
	v8 =	vmul.f32 $8.000000000e+00, v8;
	[tilespmem:s3+$0x9C50] =	vst v9  }
0x98: {  	v58 =	vadd.f32 v15, v5;
	[tilespmem:s3+$0x3860] =	vst v11;
	v4 =	vmul.f32 $8.000000000e+00, v4  }
0x99: {  	[tilespmem:s3+$0x3850] =	vst v59;
	v10 =	vmul.f32 $8.000000000e+00, v10;
	v8 =	vadd.f32 v8, v0  }
0x9a: {  	[tilespmem:s3+$0x660] =	vst v58;
	v56 =	vmul.f32 $8.000000000e+00, v12;
	v62 =	vadd.f32 v4, v1  }
0x9b: {  	v57 =	vadd.f32 v10, v1;
	[tilespmem:s3+$0x3870] =	vst v8;
	v60 =	vmul.f32 $8.000000000e+00, v19  }
0x9c: {  	v61 =	vmul.f32 $8.000000000e+00, v7;
	v2 =	vadd.f32 v56, v0;
	[tilespmem:s3+$0x6A40] =	vst v62  }
0x9d: {  	[tilespmem:s3+$0x3840] =	vst v57;
	v63 =	vadd.f32 v60, v0  }
0x9e: {  	[tilespmem:s3+$0x6A70] =	vst v2;
	v2 =	vadd.f32 v61, v3  }
0x9f: {  	[tilespmem:s3+$0x9C70] =	vst v63  }
0xa0: {  	s23 =	rddreg [dreg:$0x7];
	s8 =	simm.s32 $0x0;
	[tilespmem:s3+$0x6A50] =	vst v2;
	s3 =	simm.s32 $0x0  }
0xa1: {  	[hbm4b:s23+s10] =	stream.strided.scatter [tilespmem:s20], [sflag:$0x3], $0xC800, s11, s10, $0x38;
	[tilespmem:$0x1C840] =	vst v63  }
.LBB2_4:
0xa2: {  	_ =	swait.ge [sflag:s28], $0x3200  }
0xa3: {  	[sflag:s28] =	ssyncset.done $0x0  }
0xa4: {  	[sflag:s28] =	ssyncadd.s32 $0xFFFFCE00  }
0xa5: {  	_ =	swait.ge [sflag:s28], $0x3200  }
0xa6: {  	[sflag:s28] =	ssyncset.done $0x0  }
0xa7: {  	[sflag:s28] =	ssyncadd.s32 $0xFFFFCE00  }
0xa8: {  	_ =	swait.ge [sflag:s28], $0x3200  }
0xa9: {  	[sflag:s28] =	ssyncset.done $0x0  }
0xaa: {  	[sflag:s28] =	ssyncadd.s32 $0xFFFFCE00  }
0xab: {  	_ =	swait.ge [sflag:s28], $0x3200  }
0xac: {  	[sflag:s28] =	ssyncset.done $0x0  }
0xad: {  	[sflag:s28] =	ssyncadd.s32 $0xFFFFCE00  }
0xae: {  	_ =	swait.ge [sflag:s29], $0x320  }
0xaf: {  	[sflag:s29] =	ssyncset.done $0x0  }
0xb0: {  	[sflag:s29] =	ssyncadd.s32 $0xFFFFFCE0  }
0xb1: {  	_ =	swait.ge [sflag:s15], $0xC800  }
0xb2: {  	[sflag:s15] =	ssyncset.done $0x0  }
0xb3: {  	[sflag:s15] =	ssyncadd.s32 $0xFFFF3800  }
0xb4: {  	[tilespmem:s20], [sflag:$0x1] =	stream.indirect.gather [hbm4b:s4+s19], $0x40, s8, s19, $0xb8;
	[tilespmem:$0x1C840] =	vst v63  }
0xb5: {  	s16 =	simm.s32 $0x3840;
	s18 =	sshll.u32 s3, $0x3  }
0xb6: {  	[tilespmem:s16], [sflag:$0x1] =	stream.indirect.gather [hbm4b:s4+s19], $0x40, s19, s19, $0xb8;
	[tilespmem:$0x1C840] =	vst v63  }
0xb7: {  	s22 =	simm.s32 $0x190;
	s21 =	simm.s32 $0x6A40;
	s23 =	sadd.s32 s18, s13  }
0xb8: {  	[tilespmem:s21], [sflag:$0x1] =	stream.indirect.gather [hbm4b:s4+s19], $0x40, s22, s19, $0xb8;
	[tilespmem:$0x1C840] =	vst v63  }
0xb9: {  	s16 =	smul.u32 $0x19, s23  }
0xba: {  	[tilespmem:s25], [sflag:$0x1] =	stream.indirect.gather [hbm4b:s4+s19], $0x40, s24, s19, $0xb8;
	[tilespmem:$0x1C840] =	vst v63  }
0xbb: {  	s16 =	sadd.s32 s1, s16  }
0xbc: {  	[tilespmem:s26], [sflag:$0x2] =	stream.linear.gather [hbm4b:s16+s8], $0x320, $0x38;
	[tilespmem:$0x1C840] =	vst v63  }
0xbd: {  	s16 =	simm.s32 $0x0  }
0xbe: {  	v2 =	vld [tilespmem:s16+$0x10080]  }
0xbf: {  	v0 =	vld [tilespmem:s16+$0x19670]  }
0xc0: {  	v6 =	vld [tilespmem:s16+$0x16460]  }
0xc1: {  	v1 =	vld [tilespmem:s16+$0x19640]  }
0xc2: {  	v4 =	vld [tilespmem:s16+$0x16450]  }
0xc3: {  	v3 =	vld [tilespmem:s16+$0x164B0]  }
0xc4: {  	v5 =	vld [tilespmem:s16+$0xCEB0]  }
0xc5: {  	v7 =	vld [tilespmem:s16+$0x16440]  }
0xc6: {  	v8 =	vld [tilespmem:s16+$0xCEA0]  }
0xc7: {  	v9 =	vld [tilespmem:s16+$0xCE90]  }
0xc8: {  	v10 =	vld [tilespmem:s16+$0xCE80]  }
0xc9: {  	v11 =	vld [tilespmem:s16+$0x10060]  }
0xca: {  	v13 =	vld [tilespmem:s16+$0xCE70]  }
0xcb: {  	v12 =	vld [tilespmem:s16+$0x10050];
	v7 =	vmul.f32 $8.000000000e+00, v7  }
0xcc: {  	v16 =	vld [tilespmem:s16+$0xCE40]  }
0xcd: {  	v14 =	vld [tilespmem:s16+$0xCE50];
	v7 =	vadd.f32 v7, v1  }
0xce: {  	v18 =	vld [tilespmem:s16+$0x196A0]  }
0xcf: {  	[tilespmem:s16+$0x16440] =	vst v7;
	v7 =	vmul.f32 $8.000000000e+00, v13;
	v13 =	vld [tilespmem:s16+$0x196B0]  }
0xd0: {  	v17 =	vld [tilespmem:s16+$0x19690]  }
0xd1: {  	v19 =	vld [tilespmem:s16+$0x19680];
	v16 =	vmul.f32 $8.000000000e+00, v16;
	v7 =	vadd.f32 v7, v0  }
0xd2: {  	v20 =	vld [tilespmem:s16+$0x10090];
	v3 =	vmul.f32 $8.000000000e+00, v3  }
0xd3: {  	v16 =	vadd.f32 v16, v1;
	[tilespmem:s16+$0xCE70] =	vst v7;
	v7 =	vld [tilespmem:s16+$0x100A0]  }
0xd4: {  	v21 =	vld [tilespmem:s16+$0x100B0];
	v2 =	vmul.f32 $8.000000000e+00, v2;
	v3 =	vadd.f32 v3, v13  }
0xd5: {  	v22 =	vld [tilespmem:s16+$0x13280];
	[tilespmem:s16+$0xCE40] =	vst v16  }
0xd6: {  	v2 =	vadd.f32 v2, v19;
	v16 =	vld [tilespmem:s16+$0x132B0];
	[tilespmem:s16+$0x164B0] =	vst v3;
	v3 =	vmul.f32 $8.000000000e+00, v8  }
0xd7: {  	v23 =	vld [tilespmem:s16+$0x13290];
	v5 =	vmul.f32 $8.000000000e+00, v5  }
0xd8: {  	v24 =	vld [tilespmem:s16+$0x16480];
	v9 =	vmul.f32 $8.000000000e+00, v9;
	[tilespmem:s16+$0x10080] =	vst v2;
	v3 =	vadd.f32 v3, v18;
	v2 =	vmul.f32 $8.000000000e+00, v7  }
0xd9: {  	v26 =	vld [tilespmem:s16+$0x13260];
	v10 =	vmul.f32 $8.000000000e+00, v10;
	v5 =	vadd.f32 v5, v13  }
0xda: {  	v8 =	vadd.f32 v9, v17;
	v9 =	vld [tilespmem:s16+$0x132A0];
	[tilespmem:s16+$0xCEA0] =	vst v3;
	v3 =	vmul.f32 $8.000000000e+00, v20;
	v2 =	vadd.f32 v2, v18  }
0xdb: {  	v25 =	vld [tilespmem:s16+$0x164A0];
	v16 =	vmul.f32 $8.000000000e+00, v16;
	[tilespmem:s16+$0xCEB0] =	vst v5;
	v5 =	vmul.f32 $8.000000000e+00, v21  }
0xdc: {  	v62 =	vmul.f32 $8.000000000e+00, v6;
	v20 =	vld [tilespmem:s16+$0x16490];
	v3 =	vadd.f32 v3, v17;
	[tilespmem:s16+$0x100A0] =	vst v2;
	v2 =	vmul.f32 $8.000000000e+00, v23  }
0xdd: {  	v14 =	vmul.f32 $8.000000000e+00, v14;
	v6 =	vadd.f32 v16, v13;
	[tilespmem:s16+$0xCE90] =	vst v8;
	v8 =	vadd.f32 v5, v13;
	v5 =	vld [tilespmem:s16+$0x19660]  }
0xde: {  	v11 =	vmul.f32 $8.000000000e+00, v11;
	v7 =	vmul.f32 $8.000000000e+00, v22;
	[tilespmem:s16+$0x10090] =	vst v3;
	v3 =	vld [tilespmem:s16+$0x19650];
	v2 =	vadd.f32 v2, v17  }
0xdf: {  	v15 =	vld [tilespmem:s16+$0xCE60];
	v63 =	vmul.f32 $8.000000000e+00, v26;
	[tilespmem:s16+$0x132B0] =	vst v6;
	v9 =	vmul.f32 $8.000000000e+00, v9  }
0xe0: {  	v60 =	vadd.f32 v7, v19;
	v7 =	vld [tilespmem:s16+$0x13250];
	[tilespmem:s16+$0x13290] =	vst v2;
	v2 =	vadd.f32 v10, v19;
	v10 =	vmul.f32 $8.000000000e+00, v24  }
0xe1: {  	[tilespmem:s16+$0x100B0] =	vst v8;
	v8 =	vld [tilespmem:s16+$0x10070];
	v61 =	vadd.f32 v9, v18;
	v9 =	vmul.f32 $8.000000000e+00, v4;
	v13 =	vmul.f32 $8.000000000e+00, v20  }
0xe2: {  	[tilespmem:s16+$0x13280] =	vst v60;
	v4 =	vld [tilespmem:s16+$0x13240];
	v6 =	vadd.f32 v63, v5;
	v20 =	vmul.f32 $8.000000000e+00, v25;
	v19 =	vadd.f32 v10, v19  }
0xe3: {  	[tilespmem:s16+$0x132A0] =	vst v61;
	v17 =	vadd.f32 v13, v17;
	v10 =	vld [tilespmem:s16+$0x10040];
	v16 =	vadd.f32 v14, v3;
	v14 =	vmul.f32 $8.000000000e+00, v12  }
0xe4: {  	s21 =	simm.s32 $0x0;
	s22 =	simm.s32 $0x200;
	v15 =	vmul.f32 $8.000000000e+00, v15;
	v13 =	vadd.f32 v20, v18;
	v18 =	vadd.f32 v62, v5;
	v12 =	vld [tilespmem:s16+$0x13270];
	[tilespmem:s16+$0x16480] =	vst v19  }
.LBB2_5:
0xe5: {  	s23 =	sshra.s32 s22, $0x2;
	s21 =	sadd.s32 $0x2, s21;
	v14 =	vadd.f32 v14, v3;
	v7 =	vmul.f32 $8.000000000e+00, v7;
	v9 =	vadd.f32 v9, v3;
	v19 =	vld [tilespmem:s16+$0x16470];
	[tilespmem:s16+$0x16490] =	vst v17  }
0xe6: {  	v17 =	vld [tilespmem:s23+$0x10080];
	p0 =	slt.u32 s21, $0xC6;
	[tilespmem:s16+$0xCE50] =	vst v16;
	v15 =	vadd.f32 v15, v5;
	v5 =	vadd.f32 v11, v5;
	v8 =	vmul.f32 $8.000000000e+00, v8  }
0xe7: {  	v11 =	vld [tilespmem:s23+$0x19670];
	v16 =	vmul.f32 $8.000000000e+00, v4;
	v3 =	vadd.f32 v7, v3;
	[tilespmem:s16+$0x16460] =	vst v18  }
0xe8: {  	v4 =	vld [tilespmem:s23+$0x16460];
	v7 =	vmul.f32 $8.000000000e+00, v10;
	v8 =	vadd.f32 v8, v0;
	[tilespmem:s16+$0x164A0] =	vst v13  }
0xe9: {  	v10 =	vld [tilespmem:s23+$0x19640];
	v13 =	vadd.f32 v16, v1;
	v12 =	vmul.f32 $8.000000000e+00, v12;
	[tilespmem:s16+$0x16450] =	vst v9  }
0xea: {  	v9 =	vld [tilespmem:s23+$0x16450];
	v1 =	vadd.f32 v7, v1;
	v7 =	vmul.f32 $8.000000000e+00, v19;
	[tilespmem:s16+$0xCE80] =	vst v2  }
0xeb: {  	v2 =	vld [tilespmem:s23+$0x164B0];
	[tilespmem:s16+$0x10060] =	vst v5;
	v5 =	vadd.f32 v12, v0  }
0xec: {  	v12 =	vld [tilespmem:s23+$0xCEB0];
	[tilespmem:s16+$0x10070] =	vst v8;
	v7 =	vadd.f32 v7, v0;
	v0 =	vmov v11  }
0xed: {  	v8 =	vld [tilespmem:s23+$0x16440];
	[tilespmem:s16+$0x10040] =	vst v1  }
0xee: {  	v11 =	vld [tilespmem:s23+$0xCEA0];
	[tilespmem:s16+$0xCE60] =	vst v15;
	v1 =	vmov v10  }
0xef: {  	v10 =	vld [tilespmem:s23+$0xCE90];
	[tilespmem:s16+$0x13270] =	vst v5  }
0xf0: {  	v5 =	vld [tilespmem:s23+$0xCE80];
	[tilespmem:s16+$0x10050] =	vst v14  }
0xf1: {  	v14 =	vld [tilespmem:s23+$0x10060];
	[tilespmem:s16+$0x13260] =	vst v6  }
0xf2: {  	v6 =	vld [tilespmem:s23+$0x10050];
	v8 =	vmul.f32 $8.000000000e+00, v8;
	[tilespmem:s16+$0x13240] =	vst v13  }
0xf3: {  	v13 =	vld [tilespmem:s23+$0xCE70];
	[tilespmem:s16+$0x16470] =	vst v7  }
0xf4: {  	v15 =	vld [tilespmem:s23+$0xCE60];
	v7 =	vadd.f32 v8, v1;
	[tilespmem:s16+$0x13250] =	vst v3;
	s16 =	smov.u32 s23  }
0xf5: {  	v8 =	vld [tilespmem:s16+$0xCE50]  }
0xf6: {  	v3 =	vld [tilespmem:s16+$0xCE40];
	[tilespmem:s16+$0x16440] =	vst v7  }
0xf7: {  	v18 =	vld [tilespmem:s16+$0x196A0]  }
0xf8: {  	v7 =	vmul.f32 $8.000000000e+00, v13;
	v13 =	vld [tilespmem:s16+$0x196B0]  }
0xf9: {  	v16 =	vld [tilespmem:s16+$0x19690]  }
0xfa: {  	v2 =	vmul.f32 $8.000000000e+00, v2;
	v7 =	vadd.f32 v7, v0;
	v19 =	vld [tilespmem:s16+$0x19680]  }
0xfb: {  	v5 =	vmul.f32 $8.000000000e+00, v5;
	v3 =	vmul.f32 $8.000000000e+00, v3;
	v20 =	vld [tilespmem:s16+$0x10090]  }
0xfc: {  	[tilespmem:s16+$0xCE70] =	vst v7;
	v7 =	vmul.f32 $8.000000000e+00, v10;
	v10 =	vld [tilespmem:s16+$0x100A0]  }
0xfd: {  	v11 =	vmul.f32 $8.000000000e+00, v11;
	v3 =	vadd.f32 v3, v1;
	v21 =	vld [tilespmem:s16+$0x100B0];
	v22 =	vadd.f32 v2, v13  }
0xfe: {  	v12 =	vmul.f32 $8.000000000e+00, v12;
	v7 =	vadd.f32 v7, v16;
	v23 =	vld [tilespmem:s16+$0x13280]  }
0xff: {  	v2 =	vadd.f32 v5, v19;
	v5 =	vadd.f32 v11, v18;
	v11 =	vmul.f32 $8.000000000e+00, v17;
	v17 =	vld [tilespmem:s16+$0x13290];
	[tilespmem:s16+$0x164B0] =	vst v22  }
0x100: {  	[tilespmem:s16+$0xCE40] =	vst v3;
	v3 =	vadd.f32 v12, v13;
	v12 =	vmul.f32 $8.000000000e+00, v20;
	v20 =	vld [tilespmem:s16+$0x132A0]  }
0x101: {  	[tilespmem:s16+$0xCE90] =	vst v7;
	v7 =	vadd.f32 v11, v19;
	v10 =	vmul.f32 $8.000000000e+00, v10;
	v11 =	vld [tilespmem:s16+$0x132B0]  }
0x102: {  	[tilespmem:s16+$0xCEA0] =	vst v5;
	v5 =	vadd.f32 v12, v16;
	v12 =	vmul.f32 $8.000000000e+00, v21;
	v21 =	vld [tilespmem:s16+$0x16480]  }
0x103: {  	[tilespmem:s16+$0xCEB0] =	vst v3;
	v10 =	vadd.f32 v10, v18;
	v3 =	vmul.f32 $8.000000000e+00, v23;
	v22 =	vld [tilespmem:s16+$0x16490]  }
0x104: {  	[tilespmem:s16+$0x10080] =	vst v7;
	v7 =	vadd.f32 v12, v13;
	v12 =	vmul.f32 $8.000000000e+00, v17;
	v17 =	vld [tilespmem:s16+$0x164A0]  }
0x105: {  	v23 =	vld [tilespmem:s16+$0x13260];
	[tilespmem:s16+$0x10090] =	vst v5;
	v24 =	vadd.f32 v3, v19;
	v20 =	vmul.f32 $8.000000000e+00, v20  }
0x106: {  	v3 =	vld [tilespmem:s16+$0x19650];
	[tilespmem:s16+$0x100A0] =	vst v10;
	v10 =	vadd.f32 v12, v16;
	v11 =	vmul.f32 $8.000000000e+00, v11  }
0x107: {  	v9 =	vmul.f32 $8.000000000e+00, v9;
	v5 =	vld [tilespmem:s16+$0x19660];
	[tilespmem:s16+$0x100B0] =	vst v7;
	v12 =	vadd.f32 v20, v18;
	v20 =	vmul.f32 $8.000000000e+00, v21  }
.Ltmp1:
0x108: {  	v21 =	vmul.f32 $8.000000000e+00, v4;
	v7 =	vld [tilespmem:s16+$0x13250];
	[tilespmem:s16+$0x13280] =	vst v24;
	v13 =	vadd.f32 v11, v13;
	v22 =	vmul.f32 $8.000000000e+00, v22;
	(pc) =	sbr.rel @p0 .LBB2_5-.Ltmp1, $4  }
0x109: {  	v24 =	vmul.f32 $8.000000000e+00, v8;
	v8 =	vld [tilespmem:s16+$0x10070];
	[tilespmem:s16+$0x13290] =	vst v10;
	v19 =	vadd.f32 v20, v19;
	v20 =	vmul.f32 $8.000000000e+00, v17  }
0x10a: {  	v11 =	vmul.f32 $8.000000000e+00, v14;
	v4 =	vld [tilespmem:s16+$0x13240];
	v23 =	vmul.f32 $8.000000000e+00, v23;
	[tilespmem:s16+$0x132A0] =	vst v12;
	v17 =	vadd.f32 v22, v16  }
0x10b: {  	v14 =	vmul.f32 $8.000000000e+00, v6;
	v16 =	vadd.f32 v24, v3;
	v10 =	vld [tilespmem:s16+$0x10040];
	[tilespmem:s16+$0x132B0] =	vst v13;
	v13 =	vadd.f32 v20, v18  }
0x10c: {  	s22 =	sadd.s32 $0x200, s22;
	v15 =	vmul.f32 $8.000000000e+00, v15;
	v6 =	vadd.f32 v23, v5;
	v12 =	vld [tilespmem:s16+$0x13270];
	v18 =	vadd.f32 v21, v5;
	[tilespmem:s16+$0x16480] =	vst v19  }
0x10d: {  	[tilespmem:s16+$0x16490] =	vst v17  }
0x10e: {  	[tilespmem:s16+$0xCE50] =	vst v16  }
0x10f: {  	[tilespmem:s16+$0x164A0] =	vst v13  }
0x110: {  	[tilespmem:s16+$0xCE80] =	vst v2  }
0x111: {  	v9 =	vadd.f32 v9, v3;
	[tilespmem:s16+$0x16460] =	vst v18  }
0x112: {  	v19 =	vld [tilespmem:s16+$0x16470];
	v11 =	vadd.f32 v11, v5;
	v8 =	vmul.f32 $8.000000000e+00, v8;
	[tilespmem:s16+$0x13260] =	vst v6  }
0x113: {  	v5 =	vadd.f32 v15, v5;
	[tilespmem:s16+$0x16450] =	vst v9;
	v10 =	vmul.f32 $8.000000000e+00, v10  }
0x114: {  	[tilespmem:s16+$0x10060] =	vst v11;
	v8 =	vadd.f32 v8, v0;
	v2 =	vmul.f32 $8.000000000e+00, v12  }
0x115: {  	[tilespmem:s16+$0xCE60] =	vst v5;
	v9 =	vadd.f32 v10, v1  }
0x116: {  	v4 =	vmul.f32 $8.000000000e+00, v4;
	[tilespmem:s16+$0x10070] =	vst v8;
	v2 =	vadd.f32 v2, v0  }
0x117: {  	v8 =	vadd.f32 v14, v3;
	v5 =	vmul.f32 $8.000000000e+00, v19;
	[tilespmem:s16+$0x10040] =	vst v9  }
0x118: {  	s21 =	sadd.s32 s18, s5;
	v1 =	vadd.f32 v4, v1;
	[tilespmem:s16+$0x13270] =	vst v2;
	v2 =	vmul.f32 $8.000000000e+00, v7  }
0x119: {  	s21 =	smul.u32 $0xC80, s21;
	[tilespmem:s16+$0x10050] =	vst v8;
	v0 =	vadd.f32 v5, v0  }
0x11a: {  	[tilespmem:s16+$0x13240] =	vst v1;
	v2 =	vadd.f32 v2, v3  }
0x11b: {  	s21 =	sadd.s32 s7, s21;
	[tilespmem:s16+$0x16470] =	vst v0  }
0x11c: {  	s23 =	sadd.s32 $0x3200, s21;
	[tilespmem:s16+$0x13250] =	vst v2  }
0x11d: {  	[hbm4b:s23+s10] =	stream.strided.scatter [tilespmem:s30], [sflag:$0x3], $0xC800, s11, s10, $0x38;
	[tilespmem:$0x1C840] =	vst v63  }
0x11e: {  	_ =	swait.ge [sflag:s28], $0x3200  }
0x11f: {  	[sflag:s28] =	ssyncset.done $0x0  }
0x120: {  	[sflag:s28] =	ssyncadd.s32 $0xFFFFCE00  }
0x121: {  	_ =	swait.ge [sflag:s28], $0x3200  }
0x122: {  	[sflag:s28] =	ssyncset.done $0x0  }
0x123: {  	[sflag:s28] =	ssyncadd.s32 $0xFFFFCE00  }
0x124: {  	_ =	swait.ge [sflag:s28], $0x3200  }
0x125: {  	[sflag:s28] =	ssyncset.done $0x0  }
0x126: {  	[sflag:s28] =	ssyncadd.s32 $0xFFFFCE00  }
0x127: {  	_ =	swait.ge [sflag:s28], $0x3200  }
0x128: {  	[sflag:s28] =	ssyncset.done $0x0  }
0x129: {  	[sflag:s28] =	ssyncadd.s32 $0xFFFFCE00  }
0x12a: {  	_ =	swait.ge [sflag:s29], $0x320  }
0x12b: {  	[sflag:s29] =	ssyncset.done $0x0  }
0x12c: {  	[sflag:s29] =	ssyncadd.s32 $0xFFFFFCE0  }
0x12d: {  	_ =	swait.ge [sflag:s15], $0xC800  }
0x12e: {  	[sflag:s15] =	ssyncset.done $0x0  }
0x12f: {  	[sflag:s15] =	ssyncadd.s32 $0xFFFF3800  }
0x130: {  	[tilespmem:s30], [sflag:$0x1] =	stream.indirect.gather [hbm4b:s4+s19], $0x40, s26, s19, $0xb8;
	[tilespmem:$0x1C840] =	vst v63  }
0x131: {  	p0 =	seq.s32 s3, $0xE  }
0x132: {  	[tilespmem:s0], [sflag:$0x1] =	stream.indirect.gather [hbm4b:s4+s19], $0x40, s31, s19, $0xb8;
	[tilespmem:$0x1C840] =	vst v63  }
0x133: {  	s16 =	sadd.s32 @!p0 s18, s14  }
0x134: {  	[tilespmem:s17], [sflag:$0x1] =	stream.indirect.gather [hbm4b:s4+s19], $0x40, s2, s19, $0xb8;
	[tilespmem:$0x1C840] =	vst v63  }
0x135: {  	s16 =	smul.u32 @!p0 $0x19, s16  }
0x136: {  	[tilespmem:s9], [sflag:$0x1] =	stream.indirect.gather [hbm4b:s4+s19], $0x40, s6, s19, $0xb8;
	[tilespmem:$0x1C840] =	vst v63  }
0x137: {  	s21 =	simm.s32 @!p0 $0x0;
	s16 =	sadd.s32 @!p0 s1, s16  }
0x138: {  	[tilespmem:s21], [sflag:$0x2] =	stream.linear.gather @!p0 [hbm4b:s16+s21], $0x320, $0x38;
	[tilespmem:$0x1C840] =	vst v63  }
0x139: {  	s16 =	simm.s32 $0x0  }
0x13a: {  	v2 =	vld [tilespmem:s16+$0x3880]  }
0x13b: {  	v0 =	vld [tilespmem:s16+$0x19670]  }
0x13c: {  	v6 =	vld [tilespmem:s16+$0x9C60]  }
0x13d: {  	v1 =	vld [tilespmem:s16+$0x19640]  }
0x13e: {  	v4 =	vld [tilespmem:s16+$0x9C50]  }
0x13f: {  	v3 =	vld [tilespmem:s16+$0x9CB0]  }
0x140: {  	v5 =	vld [tilespmem:s16+$0x6B0]  }
0x141: {  	v7 =	vld [tilespmem:s16+$0x9C40]  }
0x142: {  	v8 =	vld [tilespmem:s16+$0x6A0]  }
0x143: {  	v9 =	vld [tilespmem:s16+$0x690]  }
0x144: {  	v10 =	vld [tilespmem:s16+$0x680]  }
0x145: {  	v11 =	vld [tilespmem:s16+$0x3860]  }
0x146: {  	v13 =	vld [tilespmem:s16+$0x670]  }
0x147: {  	v12 =	vld [tilespmem:s16+$0x3850];
	v7 =	vmul.f32 $8.000000000e+00, v7  }
0x148: {  	v16 =	vld [tilespmem:s16+$0x640]  }
0x149: {  	v14 =	vld [tilespmem:s16+$0x650];
	v7 =	vadd.f32 v7, v1  }
0x14a: {  	v18 =	vld [tilespmem:s16+$0x196A0]  }
0x14b: {  	[tilespmem:s16+$0x9C40] =	vst v7;
	v7 =	vmul.f32 $8.000000000e+00, v13;
	v13 =	vld [tilespmem:s16+$0x196B0]  }
0x14c: {  	v17 =	vld [tilespmem:s16+$0x19690]  }
0x14d: {  	v19 =	vld [tilespmem:s16+$0x19680];
	v16 =	vmul.f32 $8.000000000e+00, v16;
	v7 =	vadd.f32 v7, v0  }
0x14e: {  	v20 =	vld [tilespmem:s16+$0x3890];
	v3 =	vmul.f32 $8.000000000e+00, v3  }
0x14f: {  	v16 =	vadd.f32 v16, v1;
	[tilespmem:s16+$0x670] =	vst v7;
	v7 =	vld [tilespmem:s16+$0x38A0]  }
0x150: {  	v21 =	vld [tilespmem:s16+$0x38B0];
	v2 =	vmul.f32 $8.000000000e+00, v2;
	v3 =	vadd.f32 v3, v13  }
0x151: {  	v22 =	vld [tilespmem:s16+$0x6A80];
	[tilespmem:s16+$0x640] =	vst v16  }
0x152: {  	v2 =	vadd.f32 v2, v19;
	v16 =	vld [tilespmem:s16+$0x6AB0];
	[tilespmem:s16+$0x9CB0] =	vst v3;
	v3 =	vmul.f32 $8.000000000e+00, v8  }
0x153: {  	v23 =	vld [tilespmem:s16+$0x6A90];
	v5 =	vmul.f32 $8.000000000e+00, v5  }
0x154: {  	v24 =	vld [tilespmem:s16+$0x9C80];
	v9 =	vmul.f32 $8.000000000e+00, v9;
	[tilespmem:s16+$0x3880] =	vst v2;
	v3 =	vadd.f32 v3, v18;
	v2 =	vmul.f32 $8.000000000e+00, v7  }
0x155: {  	v26 =	vld [tilespmem:s16+$0x6A60];
	v10 =	vmul.f32 $8.000000000e+00, v10;
	v5 =	vadd.f32 v5, v13  }
0x156: {  	v8 =	vadd.f32 v9, v17;
	v9 =	vld [tilespmem:s16+$0x6AA0];
	[tilespmem:s16+$0x6A0] =	vst v3;
	v3 =	vmul.f32 $8.000000000e+00, v20;
	v2 =	vadd.f32 v2, v18  }
0x157: {  	v25 =	vld [tilespmem:s16+$0x9CA0];
	v16 =	vmul.f32 $8.000000000e+00, v16;
	[tilespmem:s16+$0x6B0] =	vst v5;
	v5 =	vmul.f32 $8.000000000e+00, v21  }
0x158: {  	v62 =	vmul.f32 $8.000000000e+00, v6;
	v20 =	vld [tilespmem:s16+$0x9C90];
	v3 =	vadd.f32 v3, v17;
	[tilespmem:s16+$0x38A0] =	vst v2;
	v2 =	vmul.f32 $8.000000000e+00, v23  }
0x159: {  	v14 =	vmul.f32 $8.000000000e+00, v14;
	v6 =	vadd.f32 v16, v13;
	[tilespmem:s16+$0x690] =	vst v8;
	v8 =	vadd.f32 v5, v13;
	v5 =	vld [tilespmem:s16+$0x19660]  }
0x15a: {  	v11 =	vmul.f32 $8.000000000e+00, v11;
	v7 =	vmul.f32 $8.000000000e+00, v22;
	[tilespmem:s16+$0x3890] =	vst v3;
	v3 =	vld [tilespmem:s16+$0x19650];
	v2 =	vadd.f32 v2, v17  }
0x15b: {  	v15 =	vld [tilespmem:s16+$0x660];
	v63 =	vmul.f32 $8.000000000e+00, v26;
	[tilespmem:s16+$0x6AB0] =	vst v6;
	v9 =	vmul.f32 $8.000000000e+00, v9  }
0x15c: {  	v60 =	vadd.f32 v7, v19;
	v7 =	vld [tilespmem:s16+$0x6A50];
	[tilespmem:s16+$0x6A90] =	vst v2;
	v2 =	vadd.f32 v10, v19;
	v10 =	vmul.f32 $8.000000000e+00, v24  }
0x15d: {  	[tilespmem:s16+$0x38B0] =	vst v8;
	v8 =	vld [tilespmem:s16+$0x3870];
	v61 =	vadd.f32 v9, v18;
	v9 =	vmul.f32 $8.000000000e+00, v4;
	v13 =	vmul.f32 $8.000000000e+00, v20  }
0x15e: {  	[tilespmem:s16+$0x6A80] =	vst v60;
	v4 =	vld [tilespmem:s16+$0x6A40];
	v6 =	vadd.f32 v63, v5;
	v20 =	vmul.f32 $8.000000000e+00, v25;
	v19 =	vadd.f32 v10, v19  }
0x15f: {  	[tilespmem:s16+$0x6AA0] =	vst v61;
	v17 =	vadd.f32 v13, v17;
	v10 =	vld [tilespmem:s16+$0x3840];
	v16 =	vadd.f32 v14, v3;
	v14 =	vmul.f32 $8.000000000e+00, v12  }
0x160: {  	s22 =	simm.s32 $0x200;
	s18 =	sadd.s32 s18, s12;
	s21 =	simm.s32 $0x0;
	v15 =	vmul.f32 $8.000000000e+00, v15;
	v13 =	vadd.f32 v20, v18;
	v18 =	vadd.f32 v62, v5;
	v12 =	vld [tilespmem:s16+$0x6A70];
	[tilespmem:s16+$0x9C80] =	vst v19  }
.LBB2_7:
0x161: {  	s23 =	sshra.s32 s22, $0x2;
	s21 =	sadd.s32 $0x2, s21;
	v14 =	vadd.f32 v14, v3;
	v7 =	vmul.f32 $8.000000000e+00, v7;
	v9 =	vadd.f32 v9, v3;
	v19 =	vld [tilespmem:s16+$0x9C70];
	[tilespmem:s16+$0x9C90] =	vst v17  }
0x162: {  	v17 =	vld [tilespmem:s23+$0x3880];
	p0 =	slt.u32 s21, $0xC6;
	[tilespmem:s16+$0x650] =	vst v16;
	v15 =	vadd.f32 v15, v5;
	v5 =	vadd.f32 v11, v5;
	v8 =	vmul.f32 $8.000000000e+00, v8  }
0x163: {  	v11 =	vld [tilespmem:s23+$0x19670];
	v16 =	vmul.f32 $8.000000000e+00, v4;
	v3 =	vadd.f32 v7, v3;
	[tilespmem:s16+$0x9C60] =	vst v18  }
0x164: {  	v4 =	vld [tilespmem:s23+$0x9C60];
	v7 =	vmul.f32 $8.000000000e+00, v10;
	v8 =	vadd.f32 v8, v0;
	[tilespmem:s16+$0x9CA0] =	vst v13  }
0x165: {  	v10 =	vld [tilespmem:s23+$0x19640];
	v13 =	vadd.f32 v16, v1;
	v12 =	vmul.f32 $8.000000000e+00, v12;
	[tilespmem:s16+$0x9C50] =	vst v9  }
0x166: {  	v9 =	vld [tilespmem:s23+$0x9C50];
	v1 =	vadd.f32 v7, v1;
	v7 =	vmul.f32 $8.000000000e+00, v19;
	[tilespmem:s16+$0x680] =	vst v2  }
0x167: {  	v2 =	vld [tilespmem:s23+$0x9CB0];
	[tilespmem:s16+$0x3860] =	vst v5;
	v5 =	vadd.f32 v12, v0  }
0x168: {  	v12 =	vld [tilespmem:s23+$0x6B0];
	[tilespmem:s16+$0x3870] =	vst v8;
	v7 =	vadd.f32 v7, v0;
	v0 =	vmov v11  }
0x169: {  	v8 =	vld [tilespmem:s23+$0x9C40];
	[tilespmem:s16+$0x3840] =	vst v1  }
0x16a: {  	v11 =	vld [tilespmem:s23+$0x6A0];
	[tilespmem:s16+$0x660] =	vst v15;
	v1 =	vmov v10  }
0x16b: {  	v10 =	vld [tilespmem:s23+$0x690];
	[tilespmem:s16+$0x6A70] =	vst v5  }
0x16c: {  	v5 =	vld [tilespmem:s23+$0x680];
	[tilespmem:s16+$0x3850] =	vst v14  }
0x16d: {  	v14 =	vld [tilespmem:s23+$0x3860];
	[tilespmem:s16+$0x6A60] =	vst v6  }
0x16e: {  	v6 =	vld [tilespmem:s23+$0x3850];
	v8 =	vmul.f32 $8.000000000e+00, v8;
	[tilespmem:s16+$0x6A40] =	vst v13  }
0x16f: {  	v13 =	vld [tilespmem:s23+$0x670];
	[tilespmem:s16+$0x9C70] =	vst v7  }
0x170: {  	v15 =	vld [tilespmem:s23+$0x660];
	v7 =	vadd.f32 v8, v1;
	[tilespmem:s16+$0x6A50] =	vst v3;
	s16 =	smov.u32 s23  }
0x171: {  	v8 =	vld [tilespmem:s16+$0x650]  }
0x172: {  	v3 =	vld [tilespmem:s16+$0x640];
	[tilespmem:s16+$0x9C40] =	vst v7  }
0x173: {  	v18 =	vld [tilespmem:s16+$0x196A0]  }
0x174: {  	v7 =	vmul.f32 $8.000000000e+00, v13;
	v13 =	vld [tilespmem:s16+$0x196B0]  }
0x175: {  	v16 =	vld [tilespmem:s16+$0x19690]  }
0x176: {  	v2 =	vmul.f32 $8.000000000e+00, v2;
	v7 =	vadd.f32 v7, v0;
	v19 =	vld [tilespmem:s16+$0x19680]  }
0x177: {  	v5 =	vmul.f32 $8.000000000e+00, v5;
	v3 =	vmul.f32 $8.000000000e+00, v3;
	v20 =	vld [tilespmem:s16+$0x3890]  }
0x178: {  	[tilespmem:s16+$0x670] =	vst v7;
	v7 =	vmul.f32 $8.000000000e+00, v10;
	v10 =	vld [tilespmem:s16+$0x38A0]  }
0x179: {  	v11 =	vmul.f32 $8.000000000e+00, v11;
	v3 =	vadd.f32 v3, v1;
	v21 =	vld [tilespmem:s16+$0x38B0];
	v22 =	vadd.f32 v2, v13  }
0x17a: {  	v12 =	vmul.f32 $8.000000000e+00, v12;
	v7 =	vadd.f32 v7, v16;
	v23 =	vld [tilespmem:s16+$0x6A80]  }
0x17b: {  	v2 =	vadd.f32 v5, v19;
	v5 =	vadd.f32 v11, v18;
	v11 =	vmul.f32 $8.000000000e+00, v17;
	v17 =	vld [tilespmem:s16+$0x6A90];
	[tilespmem:s16+$0x9CB0] =	vst v22  }
0x17c: {  	[tilespmem:s16+$0x640] =	vst v3;
	v3 =	vadd.f32 v12, v13;
	v12 =	vmul.f32 $8.000000000e+00, v20;
	v20 =	vld [tilespmem:s16+$0x6AA0]  }
0x17d: {  	[tilespmem:s16+$0x690] =	vst v7;
	v7 =	vadd.f32 v11, v19;
	v10 =	vmul.f32 $8.000000000e+00, v10;
	v11 =	vld [tilespmem:s16+$0x6AB0]  }
0x17e: {  	[tilespmem:s16+$0x6A0] =	vst v5;
	v5 =	vadd.f32 v12, v16;
	v12 =	vmul.f32 $8.000000000e+00, v21;
	v21 =	vld [tilespmem:s16+$0x9C80]  }
0x17f: {  	[tilespmem:s16+$0x6B0] =	vst v3;
	v10 =	vadd.f32 v10, v18;
	v3 =	vmul.f32 $8.000000000e+00, v23;
	v22 =	vld [tilespmem:s16+$0x9C90]  }
0x180: {  	[tilespmem:s16+$0x3880] =	vst v7;
	v7 =	vadd.f32 v12, v13;
	v12 =	vmul.f32 $8.000000000e+00, v17;
	v17 =	vld [tilespmem:s16+$0x9CA0]  }
0x181: {  	v23 =	vld [tilespmem:s16+$0x6A60];
	[tilespmem:s16+$0x3890] =	vst v5;
	v24 =	vadd.f32 v3, v19;
	v20 =	vmul.f32 $8.000000000e+00, v20  }
0x182: {  	v3 =	vld [tilespmem:s16+$0x19650];
	[tilespmem:s16+$0x38A0] =	vst v10;
	v10 =	vadd.f32 v12, v16;
	v11 =	vmul.f32 $8.000000000e+00, v11  }
0x183: {  	v9 =	vmul.f32 $8.000000000e+00, v9;
	v5 =	vld [tilespmem:s16+$0x19660];
	[tilespmem:s16+$0x38B0] =	vst v7;
	v12 =	vadd.f32 v20, v18;
	v20 =	vmul.f32 $8.000000000e+00, v21  }
.Ltmp2:
0x184: {  	v21 =	vmul.f32 $8.000000000e+00, v4;
	v7 =	vld [tilespmem:s16+$0x6A50];
	[tilespmem:s16+$0x6A80] =	vst v24;
	v13 =	vadd.f32 v11, v13;
	v22 =	vmul.f32 $8.000000000e+00, v22;
	(pc) =	sbr.rel @p0 .LBB2_7-.Ltmp2, $4  }
0x185: {  	v24 =	vmul.f32 $8.000000000e+00, v8;
	v8 =	vld [tilespmem:s16+$0x3870];
	[tilespmem:s16+$0x6A90] =	vst v10;
	v19 =	vadd.f32 v20, v19;
	v20 =	vmul.f32 $8.000000000e+00, v17  }
0x186: {  	v11 =	vmul.f32 $8.000000000e+00, v14;
	v4 =	vld [tilespmem:s16+$0x6A40];
	v23 =	vmul.f32 $8.000000000e+00, v23;
	[tilespmem:s16+$0x6AA0] =	vst v12;
	v17 =	vadd.f32 v22, v16  }
0x187: {  	v14 =	vmul.f32 $8.000000000e+00, v6;
	v16 =	vadd.f32 v24, v3;
	v10 =	vld [tilespmem:s16+$0x3840];
	[tilespmem:s16+$0x6AB0] =	vst v13;
	v13 =	vadd.f32 v20, v18  }
0x188: {  	s22 =	sadd.s32 $0x200, s22;
	v15 =	vmul.f32 $8.000000000e+00, v15;
	v6 =	vadd.f32 v23, v5;
	v12 =	vld [tilespmem:s16+$0x6A70];
	v18 =	vadd.f32 v21, v5;
	[tilespmem:s16+$0x9C80] =	vst v19  }
0x189: {  	[tilespmem:s16+$0x9C90] =	vst v17  }
0x18a: {  	[tilespmem:s16+$0x650] =	vst v16  }
0x18b: {  	[tilespmem:s16+$0x9CA0] =	vst v13  }
0x18c: {  	[tilespmem:s16+$0x680] =	vst v2  }
0x18d: {  	v9 =	vadd.f32 v9, v3;
	[tilespmem:s16+$0x9C60] =	vst v18  }
0x18e: {  	v19 =	vld [tilespmem:s16+$0x9C70];
	v11 =	vadd.f32 v11, v5;
	[tilespmem:s16+$0x6A60] =	vst v6  }
0x18f: {  	v59 =	vadd.f32 v14, v3;
	v8 =	vmul.f32 $8.000000000e+00, v8;
	[tilespmem:s16+$0x9C50] =	vst v9  }
0x190: {  	v58 =	vadd.f32 v15, v5;
	[tilespmem:s16+$0x3860] =	vst v11;
	v4 =	vmul.f32 $8.000000000e+00, v4  }
0x191: {  	[tilespmem:s16+$0x3850] =	vst v59;
	v10 =	vmul.f32 $8.000000000e+00, v10;
	v8 =	vadd.f32 v8, v0  }
0x192: {  	[tilespmem:s16+$0x660] =	vst v58;
	v56 =	vmul.f32 $8.000000000e+00, v12;
	v62 =	vadd.f32 v4, v1  }
0x193: {  	s3 =	sadd.s32 $0x1, s3;
	v57 =	vadd.f32 v10, v1;
	[tilespmem:s16+$0x3870] =	vst v8;
	v60 =	vmul.f32 $8.000000000e+00, v19  }
0x194: {  	v61 =	vmul.f32 $8.000000000e+00, v7;
	p0 =	sne.s32 s3, $0xF;
	v2 =	vadd.f32 v56, v0;
	[tilespmem:s16+$0x6A40] =	vst v62  }
.Ltmp3:
0x195: {  	[tilespmem:s16+$0x3840] =	vst v57;
	v63 =	vadd.f32 v60, v0;
	(pc) =	sbr.rel @p0 .LBB2_4-.Ltmp3, $4  }
0x196: {  	s18 =	smul.u32 $0xC80, s18;
	[tilespmem:s16+$0x6A70] =	vst v2;
	v2 =	vadd.f32 v61, v3  }
0x197: {  	[tilespmem:s16+$0x9C70] =	vst v63  }
0x198: {  	s23 =	sadd.s32 s7, s18;
	[tilespmem:s16+$0x6A50] =	vst v2  }
0x199: {  	[hbm4b:s23+s10] =	stream.strided.scatter [tilespmem:s20], [sflag:$0x3], $0xC800, s11, s10, $0x38;
	[tilespmem:$0x1C840] =	vst v63  }
0x19a: {  	_ =	swait.ge [sflag:s28], $0x3200  }
0x19b: {  	[sflag:s28] =	ssyncset.done $0x0  }
0x19c: {  	[sflag:s28] =	ssyncadd.s32 $0xFFFFCE00  }
0x19d: {  	_ =	swait.ge [sflag:s28], $0x3200  }
0x19e: {  	[sflag:s28] =	ssyncset.done $0x0  }
0x19f: {  	[sflag:s28] =	ssyncadd.s32 $0xFFFFCE00  }
0x1a0: {  	_ =	swait.ge [sflag:s28], $0x3200  }
0x1a1: {  	[sflag:s28] =	ssyncset.done $0x0  }
0x1a2: {  	[sflag:s28] =	ssyncadd.s32 $0xFFFFCE00  }
0x1a3: {  	_ =	swait.ge [sflag:s28], $0x3200  }
0x1a4: {  	[sflag:s28] =	ssyncset.done $0x0  }
0x1a5: {  	[sflag:s28] =	ssyncadd.s32 $0xFFFFCE00  }
0x1a6: {  	_ =	swait.ge [sflag:s15], $0xC800  }
0x1a7: {  	[sflag:s15] =	ssyncset.done $0x0  }
0x1a8: {  	s3 =	simm.s32 $0x0;
	[sflag:s15] =	ssyncadd.s32 $0xFFFF3800  }
0x1a9: {  	v2 =	vld [tilespmem:s3+$0x10080]  }
0x1aa: {  	v0 =	vld [tilespmem:s3+$0x19670]  }
0x1ab: {  	v6 =	vld [tilespmem:s3+$0x16460]  }
0x1ac: {  	v1 =	vld [tilespmem:s3+$0x19640]  }
0x1ad: {  	v4 =	vld [tilespmem:s3+$0x16450]  }
0x1ae: {  	v3 =	vld [tilespmem:s3+$0x164B0]  }
0x1af: {  	v5 =	vld [tilespmem:s3+$0xCEB0]  }
0x1b0: {  	v7 =	vld [tilespmem:s3+$0x16440]  }
0x1b1: {  	v8 =	vld [tilespmem:s3+$0xCEA0]  }
0x1b2: {  	v9 =	vld [tilespmem:s3+$0xCE90]  }
0x1b3: {  	v10 =	vld [tilespmem:s3+$0xCE80]  }
0x1b4: {  	v11 =	vld [tilespmem:s3+$0x10060]  }
0x1b5: {  	v13 =	vld [tilespmem:s3+$0xCE70]  }
0x1b6: {  	v12 =	vld [tilespmem:s3+$0x10050];
	v7 =	vmul.f32 $8.000000000e+00, v7  }
0x1b7: {  	v16 =	vld [tilespmem:s3+$0xCE40]  }
0x1b8: {  	v14 =	vld [tilespmem:s3+$0xCE50];
	v7 =	vadd.f32 v7, v1  }
0x1b9: {  	v18 =	vld [tilespmem:s3+$0x196A0]  }
0x1ba: {  	[tilespmem:s3+$0x16440] =	vst v7;
	v7 =	vmul.f32 $8.000000000e+00, v13;
	v13 =	vld [tilespmem:s3+$0x196B0]  }
0x1bb: {  	v17 =	vld [tilespmem:s3+$0x19690]  }
0x1bc: {  	v19 =	vld [tilespmem:s3+$0x19680];
	v16 =	vmul.f32 $8.000000000e+00, v16;
	v7 =	vadd.f32 v7, v0  }
0x1bd: {  	v20 =	vld [tilespmem:s3+$0x10090];
	v3 =	vmul.f32 $8.000000000e+00, v3  }
0x1be: {  	v16 =	vadd.f32 v16, v1;
	[tilespmem:s3+$0xCE70] =	vst v7;
	v7 =	vld [tilespmem:s3+$0x100A0]  }
0x1bf: {  	v21 =	vld [tilespmem:s3+$0x100B0];
	v2 =	vmul.f32 $8.000000000e+00, v2;
	v3 =	vadd.f32 v3, v13  }
0x1c0: {  	v22 =	vld [tilespmem:s3+$0x13280];
	[tilespmem:s3+$0xCE40] =	vst v16  }
0x1c1: {  	v2 =	vadd.f32 v2, v19;
	v16 =	vld [tilespmem:s3+$0x132B0];
	[tilespmem:s3+$0x164B0] =	vst v3;
	v3 =	vmul.f32 $8.000000000e+00, v8  }
0x1c2: {  	v23 =	vld [tilespmem:s3+$0x13290];
	v5 =	vmul.f32 $8.000000000e+00, v5  }
0x1c3: {  	v24 =	vld [tilespmem:s3+$0x16480];
	v9 =	vmul.f32 $8.000000000e+00, v9;
	[tilespmem:s3+$0x10080] =	vst v2;
	v3 =	vadd.f32 v3, v18;
	v2 =	vmul.f32 $8.000000000e+00, v7  }
0x1c4: {  	v26 =	vld [tilespmem:s3+$0x13260];
	v10 =	vmul.f32 $8.000000000e+00, v10;
	v5 =	vadd.f32 v5, v13  }
0x1c5: {  	v8 =	vadd.f32 v9, v17;
	v9 =	vld [tilespmem:s3+$0x132A0];
	[tilespmem:s3+$0xCEA0] =	vst v3;
	v3 =	vmul.f32 $8.000000000e+00, v20;
	v2 =	vadd.f32 v2, v18  }
0x1c6: {  	v25 =	vld [tilespmem:s3+$0x164A0];
	v16 =	vmul.f32 $8.000000000e+00, v16;
	[tilespmem:s3+$0xCEB0] =	vst v5;
	v5 =	vmul.f32 $8.000000000e+00, v21  }
0x1c7: {  	v62 =	vmul.f32 $8.000000000e+00, v6;
	v20 =	vld [tilespmem:s3+$0x16490];
	v3 =	vadd.f32 v3, v17;
	[tilespmem:s3+$0x100A0] =	vst v2;
	v2 =	vmul.f32 $8.000000000e+00, v23  }
0x1c8: {  	v14 =	vmul.f32 $8.000000000e+00, v14;
	v6 =	vadd.f32 v16, v13;
	[tilespmem:s3+$0xCE90] =	vst v8;
	v8 =	vadd.f32 v5, v13;
	v5 =	vld [tilespmem:s3+$0x19660]  }
0x1c9: {  	v11 =	vmul.f32 $8.000000000e+00, v11;
	v7 =	vmul.f32 $8.000000000e+00, v22;
	[tilespmem:s3+$0x10090] =	vst v3;
	v3 =	vld [tilespmem:s3+$0x19650];
	v2 =	vadd.f32 v2, v17  }
0x1ca: {  	v15 =	vld [tilespmem:s3+$0xCE60];
	v63 =	vmul.f32 $8.000000000e+00, v26;
	[tilespmem:s3+$0x132B0] =	vst v6;
	v9 =	vmul.f32 $8.000000000e+00, v9  }
0x1cb: {  	v60 =	vadd.f32 v7, v19;
	v7 =	vld [tilespmem:s3+$0x13250];
	[tilespmem:s3+$0x13290] =	vst v2;
	v2 =	vadd.f32 v10, v19;
	v10 =	vmul.f32 $8.000000000e+00, v24  }
0x1cc: {  	[tilespmem:s3+$0x100B0] =	vst v8;
	v8 =	vld [tilespmem:s3+$0x10070];
	v61 =	vadd.f32 v9, v18;
	v9 =	vmul.f32 $8.000000000e+00, v4;
	v13 =	vmul.f32 $8.000000000e+00, v20  }
0x1cd: {  	[tilespmem:s3+$0x13280] =	vst v60;
	v4 =	vld [tilespmem:s3+$0x13240];
	v6 =	vadd.f32 v63, v5;
	v20 =	vmul.f32 $8.000000000e+00, v25;
	v19 =	vadd.f32 v10, v19  }
0x1ce: {  	[tilespmem:s3+$0x132A0] =	vst v61;
	v17 =	vadd.f32 v13, v17;
	v10 =	vld [tilespmem:s3+$0x10040];
	v16 =	vadd.f32 v14, v3;
	v14 =	vmul.f32 $8.000000000e+00, v12  }
0x1cf: {  	s8 =	simm.s32 $0x0;
	s16 =	simm.s32 $0x200;
	v15 =	vmul.f32 $8.000000000e+00, v15;
	v13 =	vadd.f32 v20, v18;
	v18 =	vadd.f32 v62, v5;
	v12 =	vld [tilespmem:s3+$0x13270];
	[tilespmem:s3+$0x16480] =	vst v19  }
.LBB2_10:
0x1d0: {  	s18 =	sshra.s32 s16, $0x2;
	s8 =	sadd.s32 $0x2, s8;
	v14 =	vadd.f32 v14, v3;
	v7 =	vmul.f32 $8.000000000e+00, v7;
	v9 =	vadd.f32 v9, v3;
	v19 =	vld [tilespmem:s3+$0x16470];
	[tilespmem:s3+$0x16490] =	vst v17  }
0x1d1: {  	v17 =	vld [tilespmem:s18+$0x10080];
	p0 =	slt.u32 s8, $0xC6;
	[tilespmem:s3+$0xCE50] =	vst v16;
	v15 =	vadd.f32 v15, v5;
	v5 =	vadd.f32 v11, v5;
	v8 =	vmul.f32 $8.000000000e+00, v8  }
0x1d2: {  	v11 =	vld [tilespmem:s18+$0x19670];
	v16 =	vmul.f32 $8.000000000e+00, v4;
	v3 =	vadd.f32 v7, v3;
	[tilespmem:s3+$0x16460] =	vst v18  }
0x1d3: {  	v4 =	vld [tilespmem:s18+$0x16460];
	v7 =	vmul.f32 $8.000000000e+00, v10;
	v8 =	vadd.f32 v8, v0;
	[tilespmem:s3+$0x164A0] =	vst v13  }
0x1d4: {  	v10 =	vld [tilespmem:s18+$0x19640];
	v13 =	vadd.f32 v16, v1;
	v12 =	vmul.f32 $8.000000000e+00, v12;
	[tilespmem:s3+$0x16450] =	vst v9  }
0x1d5: {  	v9 =	vld [tilespmem:s18+$0x16450];
	v1 =	vadd.f32 v7, v1;
	v7 =	vmul.f32 $8.000000000e+00, v19;
	[tilespmem:s3+$0xCE80] =	vst v2  }
0x1d6: {  	v2 =	vld [tilespmem:s18+$0x164B0];
	[tilespmem:s3+$0x10060] =	vst v5;
	v5 =	vadd.f32 v12, v0  }
0x1d7: {  	v12 =	vld [tilespmem:s18+$0xCEB0];
	[tilespmem:s3+$0x10070] =	vst v8;
	v7 =	vadd.f32 v7, v0;
	v0 =	vmov v11  }
0x1d8: {  	v8 =	vld [tilespmem:s18+$0x16440];
	[tilespmem:s3+$0x10040] =	vst v1  }
0x1d9: {  	v11 =	vld [tilespmem:s18+$0xCEA0];
	[tilespmem:s3+$0xCE60] =	vst v15;
	v1 =	vmov v10  }
0x1da: {  	v10 =	vld [tilespmem:s18+$0xCE90];
	[tilespmem:s3+$0x13270] =	vst v5  }
0x1db: {  	v5 =	vld [tilespmem:s18+$0xCE80];
	[tilespmem:s3+$0x10050] =	vst v14  }
0x1dc: {  	v14 =	vld [tilespmem:s18+$0x10060];
	[tilespmem:s3+$0x13260] =	vst v6  }
0x1dd: {  	v6 =	vld [tilespmem:s18+$0x10050];
	v8 =	vmul.f32 $8.000000000e+00, v8;
	[tilespmem:s3+$0x13240] =	vst v13  }
0x1de: {  	v13 =	vld [tilespmem:s18+$0xCE70];
	[tilespmem:s3+$0x16470] =	vst v7  }
0x1df: {  	v15 =	vld [tilespmem:s18+$0xCE60];
	v7 =	vadd.f32 v8, v1;
	[tilespmem:s3+$0x13250] =	vst v3;
	s3 =	smov.u32 s18  }
0x1e0: {  	v8 =	vld [tilespmem:s3+$0xCE50]  }
0x1e1: {  	v3 =	vld [tilespmem:s3+$0xCE40];
	[tilespmem:s3+$0x16440] =	vst v7  }
0x1e2: {  	v18 =	vld [tilespmem:s3+$0x196A0]  }
0x1e3: {  	v7 =	vmul.f32 $8.000000000e+00, v13;
	v13 =	vld [tilespmem:s3+$0x196B0]  }
0x1e4: {  	v16 =	vld [tilespmem:s3+$0x19690]  }
0x1e5: {  	v2 =	vmul.f32 $8.000000000e+00, v2;
	v7 =	vadd.f32 v7, v0;
	v19 =	vld [tilespmem:s3+$0x19680]  }
0x1e6: {  	v5 =	vmul.f32 $8.000000000e+00, v5;
	v3 =	vmul.f32 $8.000000000e+00, v3;
	v20 =	vld [tilespmem:s3+$0x10090]  }
0x1e7: {  	[tilespmem:s3+$0xCE70] =	vst v7;
	v7 =	vmul.f32 $8.000000000e+00, v10;
	v10 =	vld [tilespmem:s3+$0x100A0]  }
0x1e8: {  	v11 =	vmul.f32 $8.000000000e+00, v11;
	v3 =	vadd.f32 v3, v1;
	v21 =	vld [tilespmem:s3+$0x100B0];
	v22 =	vadd.f32 v2, v13  }
0x1e9: {  	v12 =	vmul.f32 $8.000000000e+00, v12;
	v7 =	vadd.f32 v7, v16;
	v23 =	vld [tilespmem:s3+$0x13280]  }
0x1ea: {  	v2 =	vadd.f32 v5, v19;
	v5 =	vadd.f32 v11, v18;
	v11 =	vmul.f32 $8.000000000e+00, v17;
	v17 =	vld [tilespmem:s3+$0x13290];
	[tilespmem:s3+$0x164B0] =	vst v22  }
0x1eb: {  	[tilespmem:s3+$0xCE40] =	vst v3;
	v3 =	vadd.f32 v12, v13;
	v12 =	vmul.f32 $8.000000000e+00, v20;
	v20 =	vld [tilespmem:s3+$0x132A0]  }
0x1ec: {  	[tilespmem:s3+$0xCE90] =	vst v7;
	v7 =	vadd.f32 v11, v19;
	v10 =	vmul.f32 $8.000000000e+00, v10;
	v11 =	vld [tilespmem:s3+$0x132B0]  }
0x1ed: {  	[tilespmem:s3+$0xCEA0] =	vst v5;
	v5 =	vadd.f32 v12, v16;
	v12 =	vmul.f32 $8.000000000e+00, v21;
	v21 =	vld [tilespmem:s3+$0x16480]  }
0x1ee: {  	[tilespmem:s3+$0xCEB0] =	vst v3;
	v10 =	vadd.f32 v10, v18;
	v3 =	vmul.f32 $8.000000000e+00, v23;
	v22 =	vld [tilespmem:s3+$0x16490]  }
0x1ef: {  	[tilespmem:s3+$0x10080] =	vst v7;
	v7 =	vadd.f32 v12, v13;
	v12 =	vmul.f32 $8.000000000e+00, v17;
	v17 =	vld [tilespmem:s3+$0x164A0]  }
0x1f0: {  	v23 =	vld [tilespmem:s3+$0x13260];
	[tilespmem:s3+$0x10090] =	vst v5;
	v24 =	vadd.f32 v3, v19;
	v20 =	vmul.f32 $8.000000000e+00, v20  }
0x1f1: {  	v3 =	vld [tilespmem:s3+$0x19650];
	[tilespmem:s3+$0x100A0] =	vst v10;
	v10 =	vadd.f32 v12, v16;
	v11 =	vmul.f32 $8.000000000e+00, v11  }
0x1f2: {  	v9 =	vmul.f32 $8.000000000e+00, v9;
	v5 =	vld [tilespmem:s3+$0x19660];
	[tilespmem:s3+$0x100B0] =	vst v7;
	v12 =	vadd.f32 v20, v18;
	v20 =	vmul.f32 $8.000000000e+00, v21  }
.Ltmp4:
0x1f3: {  	v21 =	vmul.f32 $8.000000000e+00, v4;
	v7 =	vld [tilespmem:s3+$0x13250];
	[tilespmem:s3+$0x13280] =	vst v24;
	v13 =	vadd.f32 v11, v13;
	v22 =	vmul.f32 $8.000000000e+00, v22;
	(pc) =	sbr.rel @p0 .LBB2_10-.Ltmp4, $4  }
0x1f4: {  	v24 =	vmul.f32 $8.000000000e+00, v8;
	v8 =	vld [tilespmem:s3+$0x10070];
	[tilespmem:s3+$0x13290] =	vst v10;
	v19 =	vadd.f32 v20, v19;
	v20 =	vmul.f32 $8.000000000e+00, v17  }
0x1f5: {  	v11 =	vmul.f32 $8.000000000e+00, v14;
	v4 =	vld [tilespmem:s3+$0x13240];
	v23 =	vmul.f32 $8.000000000e+00, v23;
	[tilespmem:s3+$0x132A0] =	vst v12;
	v17 =	vadd.f32 v22, v16  }
0x1f6: {  	v14 =	vmul.f32 $8.000000000e+00, v6;
	v16 =	vadd.f32 v24, v3;
	v10 =	vld [tilespmem:s3+$0x10040];
	[tilespmem:s3+$0x132B0] =	vst v13;
	v13 =	vadd.f32 v20, v18  }
0x1f7: {  	s16 =	sadd.s32 $0x200, s16;
	v15 =	vmul.f32 $8.000000000e+00, v15;
	v6 =	vadd.f32 v23, v5;
	v12 =	vld [tilespmem:s3+$0x13270];
	v18 =	vadd.f32 v21, v5;
	[tilespmem:s3+$0x16480] =	vst v19  }
0x1f8: {  	[tilespmem:s3+$0x16490] =	vst v17  }
0x1f9: {  	[tilespmem:s3+$0xCE50] =	vst v16  }
0x1fa: {  	[tilespmem:s3+$0x164A0] =	vst v13  }
0x1fb: {  	[tilespmem:s3+$0xCE80] =	vst v2  }
0x1fc: {  	v9 =	vadd.f32 v9, v3;
	[tilespmem:s3+$0x16460] =	vst v18  }
0x1fd: {  	v19 =	vld [tilespmem:s3+$0x16470];
	v11 =	vadd.f32 v11, v5;
	[tilespmem:s3+$0x13260] =	vst v6  }
0x1fe: {  	v59 =	vadd.f32 v14, v3;
	v8 =	vmul.f32 $8.000000000e+00, v8;
	[tilespmem:s3+$0x16450] =	vst v9  }
0x1ff: {  	v58 =	vadd.f32 v15, v5;
	[tilespmem:s3+$0x10060] =	vst v11;
	v4 =	vmul.f32 $8.000000000e+00, v4  }
0x200: {  	[tilespmem:s3+$0x10050] =	vst v59;
	v10 =	vmul.f32 $8.000000000e+00, v10;
	v8 =	vadd.f32 v8, v0  }
0x201: {  	[tilespmem:s3+$0xCE60] =	vst v58;
	v56 =	vmul.f32 $8.000000000e+00, v12;
	v62 =	vadd.f32 v4, v1  }
0x202: {  	v57 =	vadd.f32 v10, v1;
	[tilespmem:s3+$0x10070] =	vst v8;
	v60 =	vmul.f32 $8.000000000e+00, v19  }
0x203: {  	v61 =	vmul.f32 $8.000000000e+00, v7;
	v2 =	vadd.f32 v56, v0;
	[tilespmem:s3+$0x13240] =	vst v62  }
0x204: {  	[tilespmem:s3+$0x10040] =	vst v57;
	v63 =	vadd.f32 v60, v0  }
0x205: {  	[tilespmem:s3+$0x13270] =	vst v2;
	v2 =	vadd.f32 v61, v3  }
0x206: {  	[tilespmem:s3+$0x16470] =	vst v63  }
0x207: {  	s22 =	rddreg [dreg:$0x8];
	[tilespmem:s3+$0x13250] =	vst v2  }
0x208: {  	[hbm4b:s22+s10] =	stream.strided.scatter [tilespmem:s30], [sflag:$0x3], $0xC800, s11, s10, $0x38;
	[tilespmem:$0x1C840] =	vst v63  }
0x209: {  	_ =	swait.ge [sflag:s15], $0xC800  }
0x20a: {  	s8 =	rddreg [dreg:$0xa]  }
0x20b: {  	s23 =	rddreg [dreg:$0x9];
	s8 =	sadd.s32 $0x1, s8  }
0x20c: {  	p0 =	sne.s32 s8, s23  }
.Ltmp5:
0x20d: {  	_ = 	snop;
	(pc) =	sbr.rel @p0 .LBB2_1-.Ltmp5, $3  }
0x20e: {  	_ =	sdelay $0x1  }
0x20f: {  	[sflag:s15] =	ssyncset.done $0x0  }
0x210: {  	[sflag:s15] =	ssyncadd.s32 $0xFFFF3800  }
0x211: {  	_ =	sfence.sel $0x180000  }
0x212: {  	[bflag:$0x0] =	sbarrier.arrive $0xFFFF  }
0x213: {  	_ =	strace $0x90000047  }
0x214: {  	s0 =	stileid.u32;
	[bflag:$0x2] =	sbarrier.arrive $0xFFFF  }
0x215: {  	p0 =	sne.s32 s0, $0x0;
	s0 =	rddreg [dreg:$0x2]  }
0x216: {  	s0 =	sadd.s32 @!p0 $0x100000, s0  }
0x217: {  	[sflag:s0] =	ssyncadd.tile.s32 @!p0 $0x1;
	_ =	shalt  }
.Lfunc_end2:
_tile_overlayer_lowered:
.L_overlay_start_2:
0x218: {  	(tag) =	ssettag $0x2  }
0x219: {  	s0 =	rddreg [dreg:$0x0];
	s2 =	stileid.u32  }
0x21a: {  	s1 =	rddreg [dreg:$0x1];
	p0 =	sne.s32 s2, $0x0  }
0x21b: {  	s3 =	rddreg [dreg:$0x2];
	[bflag:$0x3] =	sbarrier.arrive $0xFFFF;
	s2 =	simm.s32 @!p0 $0x1C04  }
0x21c: {  	[timem:s3], [sflag:s2] =	dma.local @!p0 [hbm:s0], s1  }
0x21d: {  	s0 =	simm.s32 @!p0 $0x4  }
0x21e: {  	_ =	swait.ge @!p0 [sflag:s0], s1  }
0x21f: {  	s1 =	ssub.s32 @!p0 $0x0, s1;
	[sflag:s0] =	ssyncset.done @!p0 $0x0  }
0x220: {  	[sflag:s0] =	ssyncadd.s32 @!p0 s1  }
0x221: {  	[bflag:$0x3] =	sbarrier.arrive $0xFFFF  }
0x222: {  	_ =	shalt  }

// kernel: sparse-core-data-format-call.cloned.1.call-start
scs
called_computation_lowered:
.L_overlay_start_0:
0x0: {  	s2 =	sld [smem:$0x3FD9]  }
0x1: {  	s3 =	sld [smem:$0x3FFE];
	_ =	sdelay $0x1  }
0x2: {  	s1 =	srdreg.scid  }
0x3: {  	s0 =	sand.u32 $0x1, s1  }
0x4: {  	s18 =	sshll.u32 s0, $0xA;
	s2 =	sadd.s32 s3, s2  }
0x5: {  	s2 =	sadd.s32 s2, s18  }
0x6: {  	[smem:$0x3FC5] =	sst s2  }
0x7: {  	_ = 	snop  }
0x8: {  	s2 =	sld [smem:$0x3FD0];
	(tm) =	ssettm $0x1  }
0x9: {  	s19 =	sld [smem:$0x3FFB];
	_ =	sdelay $0x3  }
0xa: {  	_ =	strace s19  }
0xb: {  	s3 =	sld [smem:$0x3FFC];
	_ =	sdelay $0x3  }
0xc: {  	_ =	strace s3  }
0xd: {  	s3 =	sld [smem:$0x3FFD];
	_ =	sdelay $0x3  }
0xe: {  	_ =	strace s3  }
0xf: {  	_ =	strace $0x8FFFFFFF  }
0x10: {  	s20 =	sld [smem:$0x3FDB];
	_ =	sdelay $0x1  }
0x11: {  	s4 =	simm.s32 $_scs_section_size  }
0x12: {  	s5 =	simm.s32 $_size__tile_overlayer_lowered;
	s6 =	simm.s32 $_tile_overlayer_lowered  }
0x13: {  	s23 =	simm.s32 $0x1BFF;
	s22 =	sshll.u32 s6, $0x1;
	s3 =	sadd.s32 s4, s20  }
0x14: {  	s7 =	simm.s32 $0x0;
	s21 =	sshll.u32 s5, $0x1;
	s5 =	sadd.s32 s22, s3  }
0x15: {  	[timem:s7], [sflag:s23] =	dma.local [hbm:s5], s21  }
0x16: {  	_ =	swait.ge [sflag:s23], s21  }
0x17: {  	s4 =	ssub.s32 $0x0, s21;
	[sflag:s23] =	ssyncset.done $0x0  }
0x18: {  	[sflag:s23] =	ssyncadd.s32 s4;
	_ =	sdelay $0x1  }
0x19: {  	s24 =	simm.s32 $0x1B8B  }
0x1a: {  	_ =	swait.ge [sflag:s24], $0x1  }
0x1b: {  	[sflag:s24] =	ssyncset.done $0x0  }
0x1c: {  	s26 =	simm.s32 $0x1B8E;
	s25 =	sld [smem:$0x3FFE];
	[sflag:s24] =	ssyncadd.s32 $0xFFFFFFFF  }
0x1d: {  	s27 =	simm.s32 $execute0_lowered;
	[smem:$0x3FD2] =	sst s26  }
0x1e: {  	s5 =	sshll.u32 s27, $0x1;
	_ =	strace $0x80000049;
	[dreg:$0x1] =	wrdreg $0xFFFFFFFF  }
0x1f: {  	s28 =	simm.s32 $_size_execute0_lowered;
	s3 =	sadd.s32 s3, s5;
	[dreg:$0x0] =	wrdreg $0x0  }
0x20: {  	s5 =	sshll.u32 s28, $0x1;
	[dreg:$0x2] =	wrdreg s3  }
0x21: {  	[dreg:$0x3] =	wrdreg s5  }
0x22: {  	[dreg:$0x4] =	wrdreg $0xC0  }
0x23: {  	_ =	task [dreg:s7], $0x5FFFF  }
0x24: {  	[dreg:$0x1] =	wrdreg $0xFFFFFFFF  }
0x25: {  	[dreg:$0x0] =	wrdreg $0x60  }
0x26: {  	[dreg:$0x2] =	wrdreg s25  }
0x27: {  	[dreg:$0x3] =	wrdreg s2  }
0x28: {  	[dreg:$0x4] =	wrdreg $0x9  }
0x29: {  	_ =	task.clear_ibuf [dreg:s7], $0x5FFFF;
	_ =	strace $0x90000049  }
0x2a: {  	s29 =	simm.s32 $0x9;
	_ =	strace $0x8000004B  }
0x2b: {  	_ =	swait.ge [sflag:s29], $0x1  }
0x2c: {  	[sflag:s29] =	ssyncadd.s32 $0xFFFFFFFF  }
0x2d: {  	_ =	strace $0x9000004B  }
0x2e: {  	_ =	sfence  }
0x2f: {  	s30 =	sld [smem:$0x0];
	_ =	sdelay $0x2  }
0x30: {  	s31 =	sshll.u32 s1, $0xD;
	s1 =	sshrl.u32 s1, $0x2  }
0x31: {  	s3 =	sand.u32 $0x4000, s31;
	s1 =	sadd.s32 s1, s30  }
0x32: {  	s0 =	sor.u32 s3, s0;
	s1 =	sshll.u32 s1, $0x11  }
0x33: {  	s0 =	sor.u32 s1, s0  }
0x34: {  	s0 =	sadd.s32 $0x8F2B, s0  }
0x35: {  	[sflag:s0] =	ssyncadd.remote.s32 $0x1  }
0x36: {  	_ =	sfence.sel $0xFFFF  }
0x37: {  	[dreg:$0x0] =	wrdreg $0xFFFFFFFF;
	(pc) =	sbr.abs _section_cstart, $3  }
0x38: {  	[dreg:$0x1] =	wrdreg $0xFFFFFFFF  }
0x39: {  	_ =	task.clear_ibuf [dreg:s7], $0x2FFFF;
	_ =	strace $0x9FFFFFFF  }
0x3a: {  	(tm) =	ssettm $0x7FFFFFFF  }
0x3b: {  	_ =	shalt  }
tec
execute0_lowered:
.L_overlay_start_1:
0x0: {  	(tag) =	ssettag $0x1  }
0x1: {  	s0 =	srdreg.scid  }
0x2: {  	s1 =	sshll.u32 s0, $0x4  }
0x3: {  	s0 =	stileid.u32;
	s1 =	sand.u32 $0x10, s1  }
0x4: {  	s1 =	sor.u32 s0, s1  }
0x5: {  	s6 =	rddreg [dreg:$0x0];
	s4 =	simm.s32 $0x1;
	s2 =	sshll.u32 s1, $0x7  }
0x6: {  	s7 =	simm.s32 $0x2;
	s12 =	simm.s32 $0x0;
	s1 =	ssub.s32 $0x1000, s2  }
0x7: {  	s8 =	simm.s32 $0x8000;
	s13 =	simm.s32 $0x0;
	s3 =	sand.u32 $0xF80, s1  }
0x8: {  	s9 =	simm.s32 $0x0;
	s5 =	sshrl.u32 s1, $0xC;
	p0 =	sne.s32 s3, $0x0  }
.Ltmp0:
0x9: {  	s1 =	rddreg [dreg:$0x2];
	s4 =	simm.s32 @!p0 $0x0;
	(pc) =	sbr.rel .LBB1_1-.Ltmp0, $4  }
0xa: {  	s11 =	simm.s32 $0x0;
	s3 =	rddreg [dreg:$0x1];
	s5 =	sadd.s32 s4, s5  }
0xb: {  	_ =	strace $0x8000004A;
	s4 =	simm.s32 $0x1;
	s5 =	smul.u32 $0xC8, s5  }
0xc: {  	s6 =	sadd.s32 $0x1400, s6;
	s10 =	smov.u32 s2;
	[sflag:s4] =	ssyncpa.u1 $0x0  }
0xd: {  	p0 =	por $0x0, $0x0;
	[sflag:s7] =	ssyncpa.u1 $0x0;
	s7 =	sor.u32 $0x1, s5  }
.LBB1_4:
0xe: {  	s16 =	sshll.u32 s13, $0x3;
	s17 =	sand.u32 $0x78, s13  }
0xf: {  	s30 =	sand.u32 $0x7E00, s13;
	s12 =	sshll.u32 s12, $0xF;
	s16 =	sand.u32 $0xC00, s16  }
0x10: {  	[tilespmem:s15+$0x810 ss:$0x81] =	vst.msk $0xffff, v2;
	s31 =	sand.u32 $0x7, s13;
	s16 =	sor.u32 s17, s16;
	s17 =	sadd.s32 s3, s30  }
0x11: {  	[tilespmem:s15+$0x1020 ss:$0x81] =	vst.msk $0xffff, v0;
	s13 =	sshll.u32 s31, $0x12;
	s12 =	sadd.s32 s12, s17;
	s16 =	sshrl.u32 s16, $0x3  }
0x12: {  	[tilespmem:s15+$0x0 ss:$0x81] =	vst.msk $0xffff, v1;
	s13 =	sor.u32 $0x400, s13;
	s12 =	sadd.s32 s16, s12  }
0x13: {  	[hbm4b:s12+s13] =	stream.strided.scatter [tilespmem:s14], [sflag:$0x2], $0x2000, s8, s13, $0x20;
	[tilespmem:$0x8080] =	vst v63  }
.LBB1_5:
0x14: {  	s14 =	sadd.s32 $0x1, s9  }
0x15: {  	s12 =	sadd.s32 $0x1000, s10;
	s16 =	smov.u32 s10;
	p2 =	sgt.s32 s14, $0xC7  }
0x16: {  	s16 =	smov.u32 @p2 s12  }
0x17: {  	s14 =	simm.s32 @p2 $0x0;
	p2 =	sgt.s32 s16, $0xFFF  }
0x18: {  	s16 =	smov.u32 @p2 s2;
	p2 =	sne.s32 s11, s7  }
.Ltmp1:
0x19: {  	p1 =	slt.u32 s11, $0x2;
	(pc) =	sbr.rel @!p2 .LBB1_6-.Ltmp1, $4  }
0x1a: {  	s15 =	simm.s32 @!p1 $0x2  }
0x1b: {  	s13 =	smov.u32 s10;
	p0 =	por !p0, !p0;
	_ =	swait.ge @!p1 [sflag:s15], $0x2000  }
0x1c: {  	s12 =	smov.u32 s9;
	[sflag:s15] =	ssyncset.done @!p1 $0x0;
	s9 =	smov.u32 s14  }
0x1d: {  	s11 =	sadd.s32 $0x1, s11;
	[sflag:s15] =	ssyncadd.s32 @!p1 $0xFFFFE000;
	s10 =	smov.u32 s16  }
.LBB1_1:
0x1e: {  	p1 =	sge.u32 s11, s5  }
0x1f: {  	s14 =	sand.u32 @!p1 $0x1FFFFFF, s9  }
0x20: {  	s15 =	smulhi.u32 @!p1 $0x147AE15, s14;
	_ =	sdelay $0x1  }
0x21: {  	s15 =	smul.u32 @!p1 $0xC8, s15  }
0x22: {  	s16 =	sxor.u32 @!p1 $0xFFFFFFFF, s11;
	s17 =	smul.u32 @!p1 $0xC80, s10  }
0x23: {  	s31 =	sadd.s32 $0xFFFFFFFF, s11;
	s16 =	sshll.u32 @!p1 s16, $0xD;
	s14 =	ssub.s32 @!p1 s14, s15  }
0x24: {  	s15 =	sand.u32 @!p1 $0x2000, s16;
	s16 =	sadd.s32 @!p1 s6, s17;
	s14 =	sshll.u32 @!p1 s14, $0x4  }
0x25: {  	s17 =	simm.s32 @!p1 $0x6400;
	s14 =	sadd.s32 @!p1 s14, s16;
	s16 =	simm.s32 @!p1 $0x40  }
0x26: {  	[tilespmem:s15], [sflag:$0x1] =	stream.strided.gather @!p1 [hbm4b:s14+s16], $0x2000, s17, s16, $0x38;
	[tilespmem:$0x8080] =	vst v63  }
0x27: {  	p1 =	sge.u32 s31, s5  }
.Ltmp2:
0x28: {  	_ = 	snop;
	(pc) =	sbr.rel @p1 .LBB1_5-.Ltmp2, $1  }
0x29: {  	_ =	sdelay $0x3  }
0x2a: {  	s14 =	simm.s32 $0x1  }
0x2b: {  	_ =	swait.ge [sflag:s4], $0x2000;
	s14 =	simm.s32 @!p0 $0x0  }
0x2c: {  	[sflag:s4] =	ssyncset.done $0x0;
	s15 =	sshll.u32 s14, $0xD  }
0x2d: {  	[sflag:s4] =	ssyncadd.s32 $0xFFFFE000;
	s18 =	sor.u32 $0x20, s15  }
0x2e: {  	s14 =	smul.u32 $0x8100, s14;
	v3 =	vld [tilespmem:s18+$0x10]  }
0x2f: {  	s30 =	sand.u32 $0x1, s11;
	v2 =	vld [tilespmem:s18+$0xFFFFFFF0]  }
0x30: {  	s15 =	smul.u32 $0x8100, s30;
	s14 =	sshrl.u32 s14, $0x2;
	v0 =	vld [tilespmem:s18+$0x0]  }
0x31: {  	v1 =	vld [tilespmem:s18+$0xFFFFFFE0];
	s16 =	sor.u32 $0x4000, s14  }
0x32: {  	s31 =	sshrl.u32 s15, $0x2;
	s15 =	sadd.s32 $0x0, s16  }
0x33: {  	s17 =	simm.s32 $0x4;
	s18 =	sadd.s32 $0x40, s18;
	s14 =	sor.u32 $0x4000, s31;
	[tilespmem:s15+$0x1830 ss:$0x81] =	vst.msk $0xffff, v3  }
.LBB1_3:
0x34: {  	v3 =	vld [tilespmem:s18+$0x10];
	p1 =	sne.s32 s17, $0x1FC;
	[tilespmem:s15+$0x810 ss:$0x81] =	vst.msk $0xffff, v2;
	s19 =	smov.u32 s17;
	s17 =	sadd.s32 $0x4, s17  }
.Ltmp3:
0x35: {  	v2 =	vld [tilespmem:s18+$0xFFFFFFF0];
	[tilespmem:s15+$0x1020 ss:$0x81] =	vst.msk $0xffff, v0;
	(pc) =	sbr.rel @p1 .LBB1_3-.Ltmp3, $4  }
0x36: {  	v0 =	vld [tilespmem:s18+$0x0];
	[tilespmem:s15+$0x0 ss:$0x81] =	vst.msk $0xffff, v1  }
0x37: {  	s15 =	sshra.s32 s19, $0x2;
	v1 =	vld [tilespmem:s18+$0xFFFFFFE0]  }
0x38: {  	s15 =	sadd.s32 s15, s16  }
0x39: {  	s18 =	sadd.s32 $0x40, s18;
	[tilespmem:s15+$0x1830 ss:$0x81] =	vst.msk $0xffff, v3  }
.Ltmp4:
0x3a: {  	_ = 	snop;
	(pc) =	sbr.rel .LBB1_4-.Ltmp4, $1  }
0x3b: {  	_ =	sdelay $0x3  }
.LBB1_6:
0x3c: {  	_ =	sfence.sel $0x180000  }
0x3d: {  	s2 =	simm.s32 $0x1;
	[bflag:$0x0] =	sbarrier.arrive $0xFFFF  }
0x3e: {  	s31 =	simm.s32 $0x2;
	[sflag:s2] =	ssyncpa.u1 $0x1  }
0x3f: {  	[sflag:s31] =	ssyncpa.u1 $0x1  }
0x40: {  	p0 =	sne.s32 s0, $0x0;
	_ =	strace $0x9000004A  }
0x41: {  	s0 =	sadd.s32 @!p0 $0x100000, s1;
	[bflag:$0x2] =	sbarrier.arrive $0xFFFF  }
0x42: {  	[sflag:s0] =	ssyncadd.tile.s32 @!p0 $0x1;
	_ =	shalt  }
.Lfunc_end1:
_tile_overlayer_lowered:
.L_overlay_start_2:
0x43: {  	(tag) =	ssettag $0x2  }
0x44: {  	s0 =	rddreg [dreg:$0x0];
	s2 =	stileid.u32  }
0x45: {  	s1 =	rddreg [dreg:$0x1];
	p0 =	sne.s32 s2, $0x0  }
0x46: {  	s3 =	rddreg [dreg:$0x2];
	[bflag:$0x3] =	sbarrier.arrive $0xFFFF;
	s2 =	simm.s32 @!p0 $0x1C01  }
0x47: {  	[timem:s3], [sflag:s2] =	dma.local @!p0 [hbm:s0], s1  }
0x48: {  	s0 =	simm.s32 @!p0 $0x1  }
0x49: {  	_ =	swait.ge @!p0 [sflag:s0], s1  }
0x4a: {  	s1 =	ssub.s32 @!p0 $0x0, s1;
	[sflag:s0] =	ssyncset.done @!p0 $0x0  }
0x4b: {  	[sflag:s0] =	ssyncadd.s32 @!p0 s1  }
0x4c: {  	[bflag:$0x3] =	sbarrier.arrive $0xFFFF  }
0x4d: {  	_ =	shalt  }

</sc_bundles>
